<compile_context>
chip_gen: v7x
topology: tpu7x:2x2x1
jax: 0.10.2.dev20260603
libtpu: 0.0.44.dev20260713+nightly
codegen_flags: <defaults>
</compile_context>

<pallas_src>
import functools

import jax
import jax.numpy as jnp
from jax import lax
from jax.experimental import pallas as pl
from jax.experimental.pallas import tpu as pltpu
from jax.experimental.pallas import tpu_sc as plsc

N = 10000
E = 320000
H = 128
L = 4

NC = 2
NS = 16
NTILE = NC * NS
EPT = E // NTILE
CH = 80
NCHUNK = EPT // CH
NP = 10112
RPT = NP // NS

BE = 3200
BN = 2000

_f32 = jnp.float32



def _filt_body(bases_ref, ea_ref, w1_ref, c1_ref, w2_ref, c2_ref,
               expb_ref, comb_ref):
    b = jnp.dot(bases_ref[...], w1_ref[...], preferred_element_type=_f32)
    b = jax.nn.gelu(b + c1_ref[...], approximate=True)
    b = jnp.dot(b, w2_ref[...], preferred_element_type=_f32)
    b = jax.nn.gelu(b + c2_ref[...], approximate=True)
    expb_ref[...] = jnp.exp(b)
    ea = ea_ref[...]
    comb_ref[...] = ea[:, 0:1] * 25 + ea[:, 1:2] * 5 + ea[:, 2:3]


def _filt_call(bases, edge_attr, w1e, c1e, w2e, c2e):
    return pl.pallas_call(
        _filt_body,
        grid=(E // BE,),
        in_specs=[
            pl.BlockSpec((BE, 16), lambda i: (i, 0)),
            pl.BlockSpec((BE, 3), lambda i: (i, 0)),
            pl.BlockSpec((16, H), lambda i: (0, 0)),
            pl.BlockSpec((1, H), lambda i: (0, 0)),
            pl.BlockSpec((H, H), lambda i: (0, 0)),
            pl.BlockSpec((1, H), lambda i: (0, 0)),
        ],
        out_specs=[
            pl.BlockSpec((BE, H), lambda i: (i, 0)),
            pl.BlockSpec((BE, 1), lambda i: (i, 0)),
        ],
        out_shape=[
            jax.ShapeDtypeStruct((E, H), _f32),
            jax.ShapeDtypeStruct((E, 1), jnp.int32),
        ],
    )(bases, edge_attr, w1e, c1e, w2e, c2e)


def _pre_body(x_ref, tbl_ref, d_ref, pw_ref, pb_ref, h0_ref, hp_ref, den_ref):
    xb = x_ref[...]
    iota = lax.broadcasted_iota(jnp.int32, (1, H), 1)
    h = jnp.zeros((BN, H), _f32)
    for i in range(9):
        oh = (xb[:, i:i + 1] == iota).astype(_f32)
        h = h + jnp.dot(oh, tbl_ref[i], preferred_element_type=_f32)
    h0_ref[...] = h
    hp_ref[...] = jnp.dot(h, pw_ref[...], preferred_element_type=_f32) + pb_ref[...]
    den_ref[...] = d_ref[0] + d_ref[1]


def _pre_call(x, atbl, dpart, pw0, pb0):
    return pl.pallas_call(
        _pre_body,
        grid=(N // BN,),
        in_specs=[
            pl.BlockSpec((BN, 9), lambda i: (i, 0)),
            pl.BlockSpec((9, H, H), lambda i: (0, 0, 0)),
            pl.BlockSpec((2, BN, H), lambda i: (0, i, 0)),
            pl.BlockSpec((H, H), lambda i: (0, 0)),
            pl.BlockSpec((1, H), lambda i: (0, 0)),
        ],
        out_specs=[
            pl.BlockSpec((BN, H), lambda i: (i, 0)),
            pl.BlockSpec((BN, H), lambda i: (i, 0)),
            pl.BlockSpec((BN, H), lambda i: (i, 0)),
        ],
        out_shape=[
            jax.ShapeDtypeStruct((N, H), _f32),
            jax.ShapeDtypeStruct((N, H), _f32),
            jax.ShapeDtypeStruct((N, H), _f32),
        ],
    )(x, atbl, dpart, pw0, pb0)


def _tcomb_body(ec_ref, pw_ref, out_ref):
    out_ref[...] = jnp.dot(ec_ref[...], pw_ref[0],
                           preferred_element_type=_f32)[None]


def _tcomb_call(ecomb, pW):
    return pl.pallas_call(
        _tcomb_body,
        grid=(L,),
        in_specs=[
            pl.BlockSpec((H, H), lambda i: (0, 0)),
            pl.BlockSpec((1, H, H), lambda i: (i, 0, 0)),
        ],
        out_specs=pl.BlockSpec((1, H, H), lambda i: (i, 0, 0)),
        out_shape=jax.ShapeDtypeStruct((L, H, H), _f32),
    )(ecomb, pW)


def _node_mid_body(h_ref, p_ref, den_ref, w1_ref, c1_ref, w2_ref, c2_ref,
                   pwn_ref, pbn_ref, hn_ref, hpn_ref):
    den = den_ref[...]
    psum = p_ref[0] + p_ref[1]
    aggr = jnp.where(den > 0.0, psum / den, 0.0)
    h2 = h_ref[...] + aggr
    y = jnp.dot(h2, w1_ref[...], preferred_element_type=_f32) + c1_ref[...]
    y = jnp.maximum(y, 0.0)
    y = jnp.dot(y, w2_ref[...], preferred_element_type=_f32) + c2_ref[...]
    y = jnp.maximum(y, 0.0)
    hn = h2 + y
    hn_ref[...] = hn
    hpn_ref[...] = jnp.dot(hn, pwn_ref[...], preferred_element_type=_f32) + pbn_ref[...]


def _node_mid_call(h, ppart, denom, w1, c1, w2, c2, pwn, pbn):
    return pl.pallas_call(
        _node_mid_body,
        grid=(N // BN,),
        in_specs=[
            pl.BlockSpec((BN, H), lambda i: (i, 0)),
            pl.BlockSpec((2, BN, H), lambda i: (0, i, 0)),
            pl.BlockSpec((BN, H), lambda i: (i, 0)),
            pl.BlockSpec((H, H), lambda i: (0, 0)),
            pl.BlockSpec((1, H), lambda i: (0, 0)),
            pl.BlockSpec((H, H), lambda i: (0, 0)),
            pl.BlockSpec((1, H), lambda i: (0, 0)),
            pl.BlockSpec((H, H), lambda i: (0, 0)),
            pl.BlockSpec((1, H), lambda i: (0, 0)),
        ],
        out_specs=[
            pl.BlockSpec((BN, H), lambda i: (i, 0)),
            pl.BlockSpec((BN, H), lambda i: (i, 0)),
        ],
        out_shape=[
            jax.ShapeDtypeStruct((N, H), _f32),
            jax.ShapeDtypeStruct((N, H), _f32),
        ],
    )(h, ppart, denom, w1, c1, w2, c2, pwn, pbn)


def _node_last_body(h_ref, p_ref, den_ref, w1_ref, c1_ref, w2_ref, c2_ref,
                    wp_ref, bp_ref, head_ref):
    den = den_ref[...]
    psum = p_ref[0] + p_ref[1]
    aggr = jnp.where(den > 0.0, psum / den, 0.0)
    h2 = h_ref[...] + aggr
    y = jnp.dot(h2, w1_ref[...], preferred_element_type=_f32) + c1_ref[...]
    y = jnp.maximum(y, 0.0)
    y = jnp.dot(y, w2_ref[...], preferred_element_type=_f32) + c2_ref[...]
    y = jnp.maximum(y, 0.0)
    hn = h2 + y
    part = jnp.dot(jnp.sum(hn, axis=0, keepdims=True), wp_ref[...],
                   preferred_element_type=_f32)

    @pl.when(pl.program_id(0) == 0)
    def _():
        head_ref[...] = bp_ref[...]

    head_ref[...] += part


def _node_last_call(h, ppart, denom, w1, c1, w2, c2, wp, bpr):
    return pl.pallas_call(
        _node_last_body,
        grid=(N // BN,),
        in_specs=[
            pl.BlockSpec((BN, H), lambda i: (i, 0)),
            pl.BlockSpec((2, BN, H), lambda i: (0, i, 0)),
            pl.BlockSpec((BN, H), lambda i: (i, 0)),
            pl.BlockSpec((H, H), lambda i: (0, 0)),
            pl.BlockSpec((1, H), lambda i: (0, 0)),
            pl.BlockSpec((H, H), lambda i: (0, 0)),
            pl.BlockSpec((1, H), lambda i: (0, 0)),
            pl.BlockSpec((H, 1), lambda i: (0, 0)),
            pl.BlockSpec((1, 1), lambda i: (0, 0)),
        ],
        out_specs=pl.BlockSpec((1, 1), lambda i: (0, 0)),
        out_shape=jax.ShapeDtypeStruct((1, 1), _f32),
    )(h, ppart, denom, w1, c1, w2, c2, wp, bpr)



_SC_MESH = plsc.VectorSubcoreMesh(core_axis_name="c", subcore_axis_name="s")


def _sc_denom_body(expb_hbm, dst_hbm, zeros_hbm, out_hbm, acc, dst_v, expb_v):
    cid = lax.axis_index("c")
    sid = lax.axis_index("s")
    pltpu.sync_copy(zeros_hbm.at[pl.ds(sid * RPT, RPT)],
                    acc.at[pl.ds(sid * RPT, RPT)])
    plsc.subcore_barrier()
    tbase = (cid * NS + sid) * EPT

    def chunk(c, carry):
        base = tbase + c * CH
        pltpu.sync_copy(dst_hbm.at[pl.ds(base, CH)], dst_v)
        pltpu.sync_copy(expb_hbm.at[pl.ds(base, CH)], expb_v)
        pltpu.sync_copy(expb_v, acc.at[dst_v], add=True)
        return carry

    lax.fori_loop(0, NCHUNK, chunk, 0)
    plsc.subcore_barrier()
    pltpu.sync_copy(acc.at[pl.ds(sid * RPT, RPT)],
                    out_hbm.at[pl.ds(cid * NP + sid * RPT, RPT)])


def _sc_denom_call(expb, dst, zeros_n):
    return pl.kernel(
        _sc_denom_body,
        out_type=jax.ShapeDtypeStruct((NC * NP, H), _f32),
        mesh=_SC_MESH,
        scratch_types=[
            pltpu.VMEM_SHARED((NP, H), _f32),
            pltpu.VMEM((CH,), jnp.int32),
            pltpu.VMEM((CH, H), _f32),
        ],
    )(expb, dst, zeros_n)


def _gelu_mul(xv, bv):
    x3 = xv * xv * xv
    u2 = 1.5957691216057308 * (xv + 0.044715 * x3)
    ev = jnp.exp(u2)
    t = 1.0 - 2.0 / (ev + 1.0)
    return 0.5 * xv * (1.0 + t) * bv


def _sc_edge_body(hp_hbm, tc_hbm, expb_hbm, src_hbm, comb_hbm, dst_hbm,
                  zeros_hbm, out_hbm, acc, src_v, comb_v, dst_v,
                  expb_v, hp_v, ec_v, z_v, sem0, sem1):
    cid = lax.axis_index("c")
    sid = lax.axis_index("s")
    pltpu.sync_copy(zeros_hbm.at[pl.ds(sid * RPT, RPT)],
                    acc.at[pl.ds(sid * RPT, RPT)])
    plsc.subcore_barrier()
    tbase = (cid * NS + sid) * EPT

    def chunk(c, carry):
        base = tbase + c * CH
        pltpu.sync_copy(src_hbm.at[pl.ds(base, CH)], src_v)
        pltpu.sync_copy(comb_hbm.at[pl.ds(base, CH)], comb_v)
        pltpu.sync_copy(dst_hbm.at[pl.ds(base, CH)], dst_v)
        pltpu.sync_copy(expb_hbm.at[pl.ds(base, CH)], expb_v)
        g1 = pltpu.async_copy(hp_hbm.at[src_v], hp_v, sem0)
        g2 = pltpu.async_copy(tc_hbm.at[comb_v], ec_v, sem1)
        g1.wait()
        g2.wait()

        def row(r, carry2):
            for j in range(8):
                sl = pl.ds(j * 16, 16)
                z_v[r, sl] = _gelu_mul(hp_v[r, sl] + ec_v[r, sl],
                                       expb_v[r, sl])
            return carry2

        lax.fori_loop(0, CH, row, 0)
        pltpu.sync_copy(z_v, acc.at[dst_v], add=True)
        return carry

    lax.fori_loop(0, NCHUNK, chunk, 0)
    plsc.subcore_barrier()
    pltpu.sync_copy(acc.at[pl.ds(sid * RPT, RPT)],
                    out_hbm.at[pl.ds(cid * NP + sid * RPT, RPT)])


def _sc_edge_call(hp, tc, expb, src, comb, dst, zeros_n):
    return pl.kernel(
        _sc_edge_body,
        out_type=jax.ShapeDtypeStruct((NC * NP, H), _f32),
        mesh=_SC_MESH,
        scratch_types=[
            pltpu.VMEM_SHARED((NP, H), _f32),
            pltpu.VMEM((CH,), jnp.int32),
            pltpu.VMEM((CH,), jnp.int32),
            pltpu.VMEM((CH,), jnp.int32),
            pltpu.VMEM((CH, H), _f32),
            pltpu.VMEM((CH, H), _f32),
            pltpu.VMEM((CH, H), _f32),
            pltpu.VMEM((CH, H), _f32),
            pltpu.SemaphoreType.DMA,
            pltpu.SemaphoreType.DMA,
        ],
    )(hp, tc, expb, src, comb, dst, zeros_n)



def kernel(x, edge_attr, edge_index, bases, atom_emb, bond_emb, fW1, fb1,
           fs1, ft1, fW2, fb2, fs2, ft2, pW, pb, W1, b1, s1, t1, W2, b2,
           s2, t2, Wp, bp):
    src = edge_index[0]
    dst = edge_index[1]

    w1e = fW1 * fs1[None, :]
    c1e = (fb1 * fs1 + ft1)[None, :]
    w2e = fW2 * fs2[None, :]
    c2e = (fb2 * fs2 + ft2)[None, :]
    W1e = W1 * s1[:, None, :]
    C1e = (b1 * s1 + t1)[:, None, :]
    W2e = W2 * s2[:, None, :]
    C2e = (b2 * s2 + t2)[:, None, :]

    ecomb = (bond_emb[0][:, None, None, :] + bond_emb[1][None, :, None, :]
             + bond_emb[2][None, None, :, :]).reshape(125, H)
    ecomb = jnp.pad(ecomb, ((0, 3), (0, 0)))
    atbl = jnp.pad(atom_emb, ((0, 0), (0, H - 119), (0, 0)))

    zeros_n = jnp.zeros((NP, H), _f32)

    expb, comb2 = _filt_call(bases, edge_attr, w1e, c1e, w2e, c2e)
    comb = comb2.reshape(E)
    tcomb = _tcomb_call(ecomb, pW)
    dpart = _sc_denom_call(expb, dst, zeros_n).reshape(NC, NP, H)
    h, hp, denom = _pre_call(x, atbl, dpart, pW[0], pb[0][None, :])

    out = None
    for l in range(L):
        ppart = _sc_edge_call(hp, tcomb[l], expb, src, comb, dst,
                              zeros_n).reshape(NC, NP, H)
        if l < L - 1:
            h, hp = _node_mid_call(h, ppart, denom, W1e[l], C1e[l], W2e[l],
                                   C2e[l], pW[l + 1], pb[l + 1][None, :])
        else:
            out = _node_last_call(h, ppart, denom, W1e[l], C1e[l], W2e[l],
                                  C2e[l], Wp, bp[None, :])
    return out

# --- scband reference (transcript-rebuilt; emitter-appended) ---
"""Pipeline reference for scband-net-82506321756835 (READ-ONLY COPY).

The authoritative reference and input builder live on the scoring server;
editing this copy changes nothing except your own understanding.
"""

import jax, jax.numpy as jnp
import numpy as np

N = 10000
E = 320000
H = 128
L = 4
NB = 16
NT = 1

def setup_inputs(seed: int = 0):
    key = jax.random.key(seed)
    ks = jax.random.split(key, 16)
    d = {}
    d['x'] = jax.random.randint(ks[0], (N, 9), 0, 119, dtype=jnp.int32)
    d['edge_attr'] = jax.random.randint(ks[1], (E, 3), 0, 5, dtype=jnp.int32)
    d['edge_index'] = jax.random.randint(ks[2], (2, E), 0, N, dtype=jnp.int32)
    d['bases'] = jax.random.normal(ks[3], (E, NB), dtype=jnp.float32)
    d['atom_emb'] = jax.random.normal(ks[4], (9, 119, H), dtype=jnp.float32) * 0.02
    d['bond_emb'] = jax.random.normal(ks[5], (3, 5, H), dtype=jnp.float32) * 0.02
    d['fW1'] = jax.random.normal(ks[6], (NB, H), dtype=jnp.float32) * (1.0 / np.sqrt(NB))
    d['fb1'] = jnp.zeros((H,), dtype=jnp.float32)
    d['fs1'] = jnp.ones((H,), dtype=jnp.float32)
    d['ft1'] = jnp.zeros((H,), dtype=jnp.float32)
    d['fW2'] = jax.random.normal(ks[7], (H, H), dtype=jnp.float32) * (1.0 / np.sqrt(H))
    d['fb2'] = jnp.zeros((H,), dtype=jnp.float32)
    d['fs2'] = jnp.ones((H,), dtype=jnp.float32)
    d['ft2'] = jnp.zeros((H,), dtype=jnp.float32)
    d['pW'] = jax.random.normal(ks[8], (L, H, H), dtype=jnp.float32) * (1.0 / np.sqrt(H))
    d['pb'] = jnp.zeros((L, H), dtype=jnp.float32)
    d['W1'] = jax.random.normal(ks[9], (L, H, H), dtype=jnp.float32) * (1.0 / np.sqrt(H))
    d['b1'] = jnp.zeros((L, H), dtype=jnp.float32)
    d['s1'] = jnp.ones((L, H), dtype=jnp.float32)
    d['t1'] = jnp.zeros((L, H), dtype=jnp.float32)
    d['W2'] = jax.random.normal(ks[10], (L, H, H), dtype=jnp.float32) * (1.0 / np.sqrt(H))
    d['b2'] = jnp.zeros((L, H), dtype=jnp.float32)
    d['s2'] = jnp.ones((L, H), dtype=jnp.float32)
    d['t2'] = jnp.zeros((L, H), dtype=jnp.float32)
    d['Wp'] = jax.random.normal(ks[11], (H, NT), dtype=jnp.float32) * (1.0 / np.sqrt(H))
    d['bp'] = jnp.zeros((NT,), dtype=jnp.float32)
    return d

def reference(x, edge_attr, edge_index, bases, atom_emb, bond_emb, fW1, fb1, fs1, ft1, fW2, fb2, fs2, ft2, pW, pb, W1, b1, s1, t1, W2, b2, s2, t2, Wp, bp):
    src = edge_index[0]
    dst = edge_index[1]
    # AtomEncoder: sum of per-column embeddings
    h = jnp.zeros((N, H), dtype=jnp.float32)
    for i in range(9):
        h = h + atom_emb[i][x[:, i]]
    # BondEncoder
    e = jnp.zeros((E, H), dtype=jnp.float32)
    for i in range(3):
        e = e + bond_emb[i][edge_attr[:, i]]
    # filter_encoder: Linear -> BN(eval, as affine scale/shift) -> GELU -> Linear -> BN -> GELU
    b = bases @ fW1 + fb1
    b = jax.nn.gelu(b * fs1 + ft1)
    b = b @ fW2 + fb2
    b = jax.nn.gelu(b * fs2 + ft2)
    # edge_softmax over incoming edges of each dst node
    m = jax.ops.segment_max(b, dst, num_segments=N)
    b = jnp.exp(b - m[dst])
    denom = jax.ops.segment_sum(b, dst, num_segments=N)
    b = b / denom[dst]
    # Conv layers
    for l in range(L):
        xe = h[src]
        z = jax.nn.gelu((xe + e) @ pW[l] + pb[l]) * b
        aggr = jax.ops.segment_sum(z, dst, num_segments=N)
        h2 = h + aggr
        y = h2 @ W1[l] + b1[l]
        y = jax.nn.relu(y * s1[l] + t1[l])
        y = y @ W2[l] + b2[l]
        y = jax.nn.relu(y * s2[l] + t2[l])
        h = h2 + y
    # SumPooling over the single graph + prediction head
    pooled = jnp.sum(h, axis=0)
    out = pooled @ Wp + bp
    return out[None, :]

if __name__ == "__main__":
    import jax
    _d = setup_inputs()
    print(jax.jit(kernel)(*tuple(_d.values())))

</pallas_src>

<mosaic_0001>
#map = affine_map<(d0, d1) -> (0, 0)>
#map1 = affine_map<(d0, d1) -> (0)>
module attributes {stable_mosaic.version = 14 : i64} {
  func.func @_sc_denom_body(%arg0: i32, %arg1: i32, %arg2: memref<320000x128xf32, #tpu.memory_space<hbm>>, %arg3: memref<320000xi32, #tpu.memory_space<hbm>>, %arg4: memref<10112x128xf32, #tpu.memory_space<hbm>>, %arg5: memref<20224x128xf32, #tpu.memory_space<hbm>>, %arg6: memref<10112x128xf32, #tpu.memory_space<vmem_shared>>, %arg7: memref<80xi32, #tpu.memory_space<vmem>>, %arg8: memref<80x128xf32, #tpu.memory_space<vmem>>) attributes {dimension_semantics = [#tpu.dimension_semantics<core_parallel>, #tpu.dimension_semantics<subcore_parallel>], iteration_bounds = array<i64: 2, 16>, scalar_prefetch = 0 : i64, scratch_operands = 3 : i64, tpu.core_type = #tpu.core_type<sc_vector_subcore>, window_params = [{transform_indices = #map}, {transform_indices = #map1}, {transform_indices = #map}, {transform_indices = #map}]} {
    %mul3A = arith.constant 632 : i32
    %mul3A_0 = arith.muli %arg1, %mul3A : i32
    %mul3A_1 = arith.constant 632 : i32
    %mul3A_2 = arith.muli %arg1, %mul3A_1 : i32
    "tpu.region"() ({
      %run_scoped3A = tpu.sem_alloc : memref<!tpu.dma_semaphore, #tpu.memory_space<semaphore_mem>>
      %dma_start3A = arith.constant 0 : i32
      %dma_start3A_20 = tpu.memref_slice %arg6[%mul3A_2, %dma_start3A] : memref<10112x128xf32, #tpu.memory_space<vmem_shared>> -> memref<632x128xf32, #tpu.memory_space<vmem_shared>>
      %dma_start3A_21 = arith.constant 0 : i32
      %dma_start3A_22 = tpu.memref_slice %arg4[%mul3A_0, %dma_start3A_21] : memref<10112x128xf32, #tpu.memory_space<hbm>> -> memref<632x128xf32, #tpu.memory_space<hbm>>
      tpu.enqueue_dma source(%dma_start3A_22 : memref<632x128xf32, #tpu.memory_space<hbm>>) target(%dma_start3A_20 : memref<632x128xf32, #tpu.memory_space<vmem_shared>>) target_semaphore(%run_scoped3A : memref<!tpu.dma_semaphore, #tpu.memory_space<semaphore_mem>>)
      %dma_wait3A = arith.constant 0 : i32
      %dma_wait3A_23 = tpu.memref_slice %arg6[%mul3A_2, %dma_wait3A] : memref<10112x128xf32, #tpu.memory_space<vmem_shared>> -> memref<632x128xf32, #tpu.memory_space<vmem_shared>>
      %dma_wait3A_24 = arith.constant 0 : i32
      %dma_wait3A_25 = tpu.memref_slice %arg4[%mul3A_0, %dma_wait3A_24] : memref<10112x128xf32, #tpu.memory_space<hbm>> -> memref<632x128xf32, #tpu.memory_space<hbm>>
      tpu.wait_dma2 semaphore(%run_scoped3A : memref<!tpu.dma_semaphore, #tpu.memory_space<semaphore_mem>>) src(%dma_wait3A_25 : memref<632x128xf32, #tpu.memory_space<hbm>>) dst(%dma_wait3A_23 : memref<632x128xf32, #tpu.memory_space<vmem_shared>>)
      tpu.yield
    }) : () -> ()
    %barrier3A = arith.constant 0 : index
    tpu.barrier barrier_id(%barrier3A)
    %mul3A_3 = arith.constant 16 : i32
    %mul3A_4 = arith.muli %arg0, %mul3A_3 : i32
    %add3A = arith.addi %mul3A_4, %arg1 : i32
    %mul3A_5 = arith.constant 10000 : i32
    %mul3A_6 = arith.muli %add3A, %mul3A_5 : i32
    %scan3A = arith.constant 0 : i32
    %scan3A_7 = arith.constant 0 : i32
    %scan3A_8 = arith.constant 125 : i32
    %scan3A_9 = arith.addi %scan3A_7, %scan3A_8 : i32
    %scan3A_10 = arith.constant 1 : i32
    scf.for %scan3A_20 = %scan3A_7 to %scan3A_9 step %scan3A_10  : i32 {
      %mul3A_21 = arith.constant 80 : i32
      %mul3A_22 = arith.muli %scan3A_20, %mul3A_21 : i32
      %add3A_23 = arith.addi %mul3A_6, %mul3A_22 : i32
      "tpu.region"() ({
        %run_scoped3A = tpu.sem_alloc : memref<!tpu.dma_semaphore, #tpu.memory_space<semaphore_mem>>
        %dma_start3A = tpu.memref_slice %arg3[%add3A_23] : memref<320000xi32, #tpu.memory_space<hbm>> -> memref<80xi32, #tpu.memory_space<hbm>>
        %dma_start3A_24 = tpu.memref_slice %arg3[%add3A_23] : memref<320000xi32, #tpu.memory_space<hbm>> -> memref<80xi32, #tpu.memory_space<hbm>>
        tpu.enqueue_dma source(%dma_start3A_24 : memref<80xi32, #tpu.memory_space<hbm>>) target(%arg7 : memref<80xi32, #tpu.memory_space<vmem>>) target_semaphore(%run_scoped3A : memref<!tpu.dma_semaphore, #tpu.memory_space<semaphore_mem>>)
        %dma_wait3A = tpu.memref_slice %arg3[%add3A_23] : memref<320000xi32, #tpu.memory_space<hbm>> -> memref<80xi32, #tpu.memory_space<hbm>>
        %dma_wait3A_25 = tpu.memref_slice %arg3[%add3A_23] : memref<320000xi32, #tpu.memory_space<hbm>> -> memref<80xi32, #tpu.memory_space<hbm>>
        tpu.wait_dma2 semaphore(%run_scoped3A : memref<!tpu.dma_semaphore, #tpu.memory_space<semaphore_mem>>) src(%dma_wait3A_25 : memref<80xi32, #tpu.memory_space<hbm>>) dst(%arg7 : memref<80xi32, #tpu.memory_space<vmem>>)
        tpu.yield
      }) : () -> ()
      "tpu.region"() ({
        %run_scoped3A = tpu.sem_alloc : memref<!tpu.dma_semaphore, #tpu.memory_space<semaphore_mem>>
        %dma_start3A = arith.constant 0 : i32
        %dma_start3A_24 = tpu.memref_slice %arg2[%add3A_23, %dma_start3A] : memref<320000x128xf32, #tpu.memory_space<hbm>> -> memref<80x128xf32, #tpu.memory_space<hbm>>
        %dma_start3A_25 = arith.constant 0 : i32
        %dma_start3A_26 = tpu.memref_slice %arg2[%add3A_23, %dma_start3A_25] : memref<320000x128xf32, #tpu.memory_space<hbm>> -> memref<80x128xf32, #tpu.memory_space<hbm>>
        tpu.enqueue_dma source(%dma_start3A_26 : memref<80x128xf32, #tpu.memory_space<hbm>>) target(%arg8 : memref<80x128xf32, #tpu.memory_space<vmem>>) target_semaphore(%run_scoped3A : memref<!tpu.dma_semaphore, #tpu.memory_space<semaphore_mem>>)
        %dma_wait3A = arith.constant 0 : i32
        %dma_wait3A_27 = tpu.memref_slice %arg2[%add3A_23, %dma_wait3A] : memref<320000x128xf32, #tpu.memory_space<hbm>> -> memref<80x128xf32, #tpu.memory_space<hbm>>
        %dma_wait3A_28 = arith.constant 0 : i32
        %dma_wait3A_29 = tpu.memref_slice %arg2[%add3A_23, %dma_wait3A_28] : memref<320000x128xf32, #tpu.memory_space<hbm>> -> memref<80x128xf32, #tpu.memory_space<hbm>>
        tpu.wait_dma2 semaphore(%run_scoped3A : memref<!tpu.dma_semaphore, #tpu.memory_space<semaphore_mem>>) src(%dma_wait3A_29 : memref<80x128xf32, #tpu.memory_space<hbm>>) dst(%arg8 : memref<80x128xf32, #tpu.memory_space<vmem>>)
        tpu.yield
      }) : () -> ()
      "tpu.region"() ({
        %run_scoped3A = tpu.sem_alloc : memref<!tpu.dma_semaphore, #tpu.memory_space<semaphore_mem>>
        %dma_start3A = arith.constant 0 : i32
        %dma_start3A_24 = arith.constant 0 : i32
        %dma_start3A_25 = tpu.memref_slice %arg6[%dma_start3A, %dma_start3A_24] : memref<10112x128xf32, #tpu.memory_space<vmem_shared>> -> memref<10112x128xf32, #tpu.memory_space<vmem_shared>>
        tpu.enqueue_indirect_dma source(%arg8 : memref<80x128xf32, #tpu.memory_space<vmem>>) target(%dma_start3A_25 : memref<10112x128xf32, #tpu.memory_space<vmem_shared>>) offsets(%arg7 : memref<80xi32, #tpu.memory_space<vmem>>) semaphore(%run_scoped3A : memref<!tpu.dma_semaphore, #tpu.memory_space<semaphore_mem>>) {add = true}
        %dma_wait3A = arith.constant 0 : i32
        %dma_wait3A_26 = arith.constant 0 : i32
        %dma_wait3A_27 = tpu.memref_slice %arg6[%dma_wait3A, %dma_wait3A_26] : memref<10112x128xf32, #tpu.memory_space<vmem_shared>> -> memref<10112x128xf32, #tpu.memory_space<vmem_shared>>
        tpu.wait_indirect_dma semaphore(%run_scoped3A : memref<!tpu.dma_semaphore, #tpu.memory_space<semaphore_mem>>) src(%arg8 : memref<80x128xf32, #tpu.memory_space<vmem>>) dst(%dma_wait3A_27 : memref<10112x128xf32, #tpu.memory_space<vmem_shared>>)
        tpu.yield
      }) : () -> ()
    }
    %scan3A_11 = arith.constant 125 : i32
    %barrier3A_12 = arith.constant 0 : index
    tpu.barrier barrier_id(%barrier3A_12)
    %mul3A_13 = arith.constant 632 : i32
    %mul3A_14 = arith.muli %arg1, %mul3A_13 : i32
    %mul3A_15 = arith.constant 10112 : i32
    %mul3A_16 = arith.muli %arg0, %mul3A_15 : i32
    %mul3A_17 = arith.constant 632 : i32
    %mul3A_18 = arith.muli %arg1, %mul3A_17 : i32
    %add3A_19 = arith.addi %mul3A_16, %mul3A_18 : i32
    "tpu.region"() ({
      %run_scoped3A = tpu.sem_alloc : memref<!tpu.dma_semaphore, #tpu.memory_space<semaphore_mem>>
      %dma_start3A = arith.constant 0 : i32
      %dma_start3A_20 = tpu.memref_slice %arg5[%add3A_19, %dma_start3A] : memref<20224x128xf32, #tpu.memory_space<hbm>> -> memref<632x128xf32, #tpu.memory_space<hbm>>
      %dma_start3A_21 = arith.constant 0 : i32
      %dma_start3A_22 = tpu.memref_slice %arg6[%mul3A_14, %dma_start3A_21] : memref<10112x128xf32, #tpu.memory_space<vmem_shared>> -> memref<632x128xf32, #tpu.memory_space<vmem_shared>>
      tpu.enqueue_dma source(%dma_start3A_22 : memref<632x128xf32, #tpu.memory_space<vmem_shared>>) target(%dma_start3A_20 : memref<632x128xf32, #tpu.memory_space<hbm>>) target_semaphore(%run_scoped3A : memref<!tpu.dma_semaphore, #tpu.memory_space<semaphore_mem>>)
      %dma_wait3A = arith.constant 0 : i32
      %dma_wait3A_23 = tpu.memref_slice %arg5[%add3A_19, %dma_wait3A] : memref<20224x128xf32, #tpu.memory_space<hbm>> -> memref<632x128xf32, #tpu.memory_space<hbm>>
      %dma_wait3A_24 = arith.constant 0 : i32
      %dma_wait3A_25 = tpu.memref_slice %arg6[%mul3A_14, %dma_wait3A_24] : memref<10112x128xf32, #tpu.memory_space<vmem_shared>> -> memref<632x128xf32, #tpu.memory_space<vmem_shared>>
      tpu.wait_dma2 semaphore(%run_scoped3A : memref<!tpu.dma_semaphore, #tpu.memory_space<semaphore_mem>>) src(%dma_wait3A_25 : memref<632x128xf32, #tpu.memory_space<vmem_shared>>) dst(%dma_wait3A_23 : memref<632x128xf32, #tpu.memory_space<hbm>>)
      tpu.yield
    }) : () -> ()
    return
  }
}

#map = affine_map<(d0, d1) -> (0, 0)>
#map1 = affine_map<(d0, d1) -> (0)>
module attributes {stable_mosaic.version = 14 : i64} {
  func.func @_sc_edge_body(%arg0: i32, %arg1: i32, %arg2: memref<10000x128xf32, #tpu.memory_space<hbm>>, %arg3: memref<128x128xf32, #tpu.memory_space<hbm>>, %arg4: memref<320000x128xf32, #tpu.memory_space<hbm>>, %arg5: memref<320000xi32, #tpu.memory_space<hbm>>, %arg6: memref<320000xi32, #tpu.memory_space<hbm>>, %arg7: memref<320000xi32, #tpu.memory_space<hbm>>, %arg8: memref<10112x128xf32, #tpu.memory_space<hbm>>, %arg9: memref<20224x128xf32, #tpu.memory_space<hbm>>, %arg10: memref<10112x128xf32, #tpu.memory_space<vmem_shared>>, %arg11: memref<80xi32, #tpu.memory_space<vmem>>, %arg12: memref<80xi32, #tpu.memory_space<vmem>>, %arg13: memref<80xi32, #tpu.memory_space<vmem>>, %arg14: memref<80x128xf32, #tpu.memory_space<vmem>>, %arg15: memref<80x128xf32, #tpu.memory_space<vmem>>, %arg16: memref<80x128xf32, #tpu.memory_space<vmem>>, %arg17: memref<80x128xf32, #tpu.memory_space<vmem>>, %arg18: memref<!tpu.dma_semaphore, #tpu.memory_space<semaphore_mem>>, %arg19: memref<!tpu.dma_semaphore, #tpu.memory_space<semaphore_mem>>) attributes {dimension_semantics = [#tpu.dimension_semantics<core_parallel>, #tpu.dimension_semantics<subcore_parallel>], iteration_bounds = array<i64: 2, 16>, scalar_prefetch = 0 : i64, scratch_operands = 10 : i64, tpu.core_type = #tpu.core_type<sc_vector_subcore>, window_params = [{transform_indices = #map}, {transform_indices = #map}, {transform_indices = #map}, {transform_indices = #map1}, {transform_indices = #map1}, {transform_indices = #map1}, {transform_indices = #map}, {transform_indices = #map}]} {
    %mul3A = arith.constant 632 : i32
    %mul3A_0 = arith.muli %arg1, %mul3A : i32
    %mul3A_1 = arith.constant 632 : i32
    %mul3A_2 = arith.muli %arg1, %mul3A_1 : i32
    "tpu.region"() ({
      %run_scoped3A = tpu.sem_alloc : memref<!tpu.dma_semaphore, #tpu.memory_space<semaphore_mem>>
      %dma_start3A = arith.constant 0 : i32
      %dma_start3A_20 = tpu.memref_slice %arg10[%mul3A_2, %dma_start3A] : memref<10112x128xf32, #tpu.memory_space<vmem_shared>> -> memref<632x128xf32, #tpu.memory_space<vmem_shared>>
      %dma_start3A_21 = arith.constant 0 : i32
      %dma_start3A_22 = tpu.memref_slice %arg8[%mul3A_0, %dma_start3A_21] : memref<10112x128xf32, #tpu.memory_space<hbm>> -> memref<632x128xf32, #tpu.memory_space<hbm>>
      tpu.enqueue_dma source(%dma_start3A_22 : memref<632x128xf32, #tpu.memory_space<hbm>>) target(%dma_start3A_20 : memref<632x128xf32, #tpu.memory_space<vmem_shared>>) target_semaphore(%run_scoped3A : memref<!tpu.dma_semaphore, #tpu.memory_space<semaphore_mem>>)
      %dma_wait3A = arith.constant 0 : i32
      %dma_wait3A_23 = tpu.memref_slice %arg10[%mul3A_2, %dma_wait3A] : memref<10112x128xf32, #tpu.memory_space<vmem_shared>> -> memref<632x128xf32, #tpu.memory_space<vmem_shared>>
      %dma_wait3A_24 = arith.constant 0 : i32
      %dma_wait3A_25 = tpu.memref_slice %arg8[%mul3A_0, %dma_wait3A_24] : memref<10112x128xf32, #tpu.memory_space<hbm>> -> memref<632x128xf32, #tpu.memory_space<hbm>>
      tpu.wait_dma2 semaphore(%run_scoped3A : memref<!tpu.dma_semaphore, #tpu.memory_space<semaphore_mem>>) src(%dma_wait3A_25 : memref<632x128xf32, #tpu.memory_space<hbm>>) dst(%dma_wait3A_23 : memref<632x128xf32, #tpu.memory_space<vmem_shared>>)
      tpu.yield
    }) : () -> ()
    %barrier3A = arith.constant 0 : index
    tpu.barrier barrier_id(%barrier3A)
    %mul3A_3 = arith.constant 16 : i32
    %mul3A_4 = arith.muli %arg0, %mul3A_3 : i32
    %add3A = arith.addi %mul3A_4, %arg1 : i32
    %mul3A_5 = arith.constant 10000 : i32
    %mul3A_6 = arith.muli %add3A, %mul3A_5 : i32
    %scan3A = arith.constant 0 : i32
    %scan3A_7 = arith.constant 0 : i32
    %scan3A_8 = arith.constant 125 : i32
    %scan3A_9 = arith.addi %scan3A_7, %scan3A_8 : i32
    %scan3A_10 = arith.constant 1 : i32
    scf.for %scan3A_20 = %scan3A_7 to %scan3A_9 step %scan3A_10  : i32 {
      %mul3A_21 = arith.constant 80 : i32
      %mul3A_22 = arith.muli %scan3A_20, %mul3A_21 : i32
      %add3A_23 = arith.addi %mul3A_6, %mul3A_22 : i32
      "tpu.region"() ({
        %run_scoped3A = tpu.sem_alloc : memref<!tpu.dma_semaphore, #tpu.memory_space<semaphore_mem>>
        %dma_start3A_40 = tpu.memref_slice %arg5[%add3A_23] : memref<320000xi32, #tpu.memory_space<hbm>> -> memref<80xi32, #tpu.memory_space<hbm>>
        %dma_start3A_41 = tpu.memref_slice %arg5[%add3A_23] : memref<320000xi32, #tpu.memory_space<hbm>> -> memref<80xi32, #tpu.memory_space<hbm>>
        tpu.enqueue_dma source(%dma_start3A_41 : memref<80xi32, #tpu.memory_space<hbm>>) target(%arg11 : memref<80xi32, #tpu.memory_space<vmem>>) target_semaphore(%run_scoped3A : memref<!tpu.dma_semaphore, #tpu.memory_space<semaphore_mem>>)
        %dma_wait3A_42 = tpu.memref_slice %arg5[%add3A_23] : memref<320000xi32, #tpu.memory_space<hbm>> -> memref<80xi32, #tpu.memory_space<hbm>>
        %dma_wait3A_43 = tpu.memref_slice %arg5[%add3A_23] : memref<320000xi32, #tpu.memory_space<hbm>> -> memref<80xi32, #tpu.memory_space<hbm>>
        tpu.wait_dma2 semaphore(%run_scoped3A : memref<!tpu.dma_semaphore, #tpu.memory_space<semaphore_mem>>) src(%dma_wait3A_43 : memref<80xi32, #tpu.memory_space<hbm>>) dst(%arg11 : memref<80xi32, #tpu.memory_space<vmem>>)
        tpu.yield
      }) : () -> ()
      "tpu.region"() ({
        %run_scoped3A = tpu.sem_alloc : memref<!tpu.dma_semaphore, #tpu.memory_space<semaphore_mem>>
        %dma_start3A_40 = tpu.memref_slice %arg6[%add3A_23] : memref<320000xi32, #tpu.memory_space<hbm>> -> memref<80xi32, #tpu.memory_space<hbm>>
        %dma_start3A_41 = tpu.memref_slice %arg6[%add3A_23] : memref<320000xi32, #tpu.memory_space<hbm>> -> memref<80xi32, #tpu.memory_space<hbm>>
        tpu.enqueue_dma source(%dma_start3A_41 : memref<80xi32, #tpu.memory_space<hbm>>) target(%arg12 : memref<80xi32, #tpu.memory_space<vmem>>) target_semaphore(%run_scoped3A : memref<!tpu.dma_semaphore, #tpu.memory_space<semaphore_mem>>)
        %dma_wait3A_42 = tpu.memref_slice %arg6[%add3A_23] : memref<320000xi32, #tpu.memory_space<hbm>> -> memref<80xi32, #tpu.memory_space<hbm>>
        %dma_wait3A_43 = tpu.memref_slice %arg6[%add3A_23] : memref<320000xi32, #tpu.memory_space<hbm>> -> memref<80xi32, #tpu.memory_space<hbm>>
        tpu.wait_dma2 semaphore(%run_scoped3A : memref<!tpu.dma_semaphore, #tpu.memory_space<semaphore_mem>>) src(%dma_wait3A_43 : memref<80xi32, #tpu.memory_space<hbm>>) dst(%arg12 : memref<80xi32, #tpu.memory_space<vmem>>)
        tpu.yield
      }) : () -> ()
      "tpu.region"() ({
        %run_scoped3A = tpu.sem_alloc : memref<!tpu.dma_semaphore, #tpu.memory_space<semaphore_mem>>
        %dma_start3A_40 = tpu.memref_slice %arg7[%add3A_23] : memref<320000xi32, #tpu.memory_space<hbm>> -> memref<80xi32, #tpu.memory_space<hbm>>
        %dma_start3A_41 = tpu.memref_slice %arg7[%add3A_23] : memref<320000xi32, #tpu.memory_space<hbm>> -> memref<80xi32, #tpu.memory_space<hbm>>
        tpu.enqueue_dma source(%dma_start3A_41 : memref<80xi32, #tpu.memory_space<hbm>>) target(%arg13 : memref<80xi32, #tpu.memory_space<vmem>>) target_semaphore(%run_scoped3A : memref<!tpu.dma_semaphore, #tpu.memory_space<semaphore_mem>>)
        %dma_wait3A_42 = tpu.memref_slice %arg7[%add3A_23] : memref<320000xi32, #tpu.memory_space<hbm>> -> memref<80xi32, #tpu.memory_space<hbm>>
        %dma_wait3A_43 = tpu.memref_slice %arg7[%add3A_23] : memref<320000xi32, #tpu.memory_space<hbm>> -> memref<80xi32, #tpu.memory_space<hbm>>
        tpu.wait_dma2 semaphore(%run_scoped3A : memref<!tpu.dma_semaphore, #tpu.memory_space<semaphore_mem>>) src(%dma_wait3A_43 : memref<80xi32, #tpu.memory_space<hbm>>) dst(%arg13 : memref<80xi32, #tpu.memory_space<vmem>>)
        tpu.yield
      }) : () -> ()
      "tpu.region"() ({
        %run_scoped3A = tpu.sem_alloc : memref<!tpu.dma_semaphore, #tpu.memory_space<semaphore_mem>>
        %dma_start3A_40 = arith.constant 0 : i32
        %dma_start3A_41 = tpu.memref_slice %arg4[%add3A_23, %dma_start3A_40] : memref<320000x128xf32, #tpu.memory_space<hbm>> -> memref<80x128xf32, #tpu.memory_space<hbm>>
        %dma_start3A_42 = arith.constant 0 : i32
        %dma_start3A_43 = tpu.memref_slice %arg4[%add3A_23, %dma_start3A_42] : memref<320000x128xf32, #tpu.memory_space<hbm>> -> memref<80x128xf32, #tpu.memory_space<hbm>>
        tpu.enqueue_dma source(%dma_start3A_43 : memref<80x128xf32, #tpu.memory_space<hbm>>) target(%arg14 : memref<80x128xf32, #tpu.memory_space<vmem>>) target_semaphore(%run_scoped3A : memref<!tpu.dma_semaphore, #tpu.memory_space<semaphore_mem>>)
        %dma_wait3A_44 = arith.constant 0 : i32
        %dma_wait3A_45 = tpu.memref_slice %arg4[%add3A_23, %dma_wait3A_44] : memref<320000x128xf32, #tpu.memory_space<hbm>> -> memref<80x128xf32, #tpu.memory_space<hbm>>
        %dma_wait3A_46 = arith.constant 0 : i32
        %dma_wait3A_47 = tpu.memref_slice %arg4[%add3A_23, %dma_wait3A_46] : memref<320000x128xf32, #tpu.memory_space<hbm>> -> memref<80x128xf32, #tpu.memory_space<hbm>>
        tpu.wait_dma2 semaphore(%run_scoped3A : memref<!tpu.dma_semaphore, #tpu.memory_space<semaphore_mem>>) src(%dma_wait3A_47 : memref<80x128xf32, #tpu.memory_space<hbm>>) dst(%arg14 : memref<80x128xf32, #tpu.memory_space<vmem>>)
        tpu.yield
      }) : () -> ()
      %dma_start3A = arith.constant 0 : i32
      %dma_start3A_24 = arith.constant 0 : i32
      %dma_start3A_25 = tpu.memref_slice %arg2[%dma_start3A, %dma_start3A_24] : memref<10000x128xf32, #tpu.memory_space<hbm>> -> memref<10000x128xf32, #tpu.memory_space<hbm>>
      tpu.enqueue_indirect_dma source(%dma_start3A_25 : memref<10000x128xf32, #tpu.memory_space<hbm>>) target(%arg15 : memref<80x128xf32, #tpu.memory_space<vmem>>) offsets(%arg11 : memref<80xi32, #tpu.memory_space<vmem>>) semaphore(%arg18 : memref<!tpu.dma_semaphore, #tpu.memory_space<semaphore_mem>>)
      %dma_start3A_26 = arith.constant 0 : i32
      %dma_start3A_27 = arith.constant 0 : i32
      %dma_start3A_28 = tpu.memref_slice %arg3[%dma_start3A_26, %dma_start3A_27] : memref<128x128xf32, #tpu.memory_space<hbm>> -> memref<128x128xf32, #tpu.memory_space<hbm>>
      tpu.enqueue_indirect_dma source(%dma_start3A_28 : memref<128x128xf32, #tpu.memory_space<hbm>>) target(%arg16 : memref<80x128xf32, #tpu.memory_space<vmem>>) offsets(%arg12 : memref<80xi32, #tpu.memory_space<vmem>>) semaphore(%arg19 : memref<!tpu.dma_semaphore, #tpu.memory_space<semaphore_mem>>)
      %dma_wait3A = arith.constant 0 : i32
      %dma_wait3A_29 = arith.constant 0 : i32
      %dma_wait3A_30 = tpu.memref_slice %arg2[%dma_wait3A, %dma_wait3A_29] : memref<10000x128xf32, #tpu.memory_space<hbm>> -> memref<10000x128xf32, #tpu.memory_space<hbm>>
      tpu.wait_indirect_dma semaphore(%arg18 : memref<!tpu.dma_semaphore, #tpu.memory_space<semaphore_mem>>) src(%dma_wait3A_30 : memref<10000x128xf32, #tpu.memory_space<hbm>>) dst(%arg15 : memref<80x128xf32, #tpu.memory_space<vmem>>)
      %dma_wait3A_31 = arith.constant 0 : i32
      %dma_wait3A_32 = arith.constant 0 : i32
      %dma_wait3A_33 = tpu.memref_slice %arg3[%dma_wait3A_31, %dma_wait3A_32] : memref<128x128xf32, #tpu.memory_space<hbm>> -> memref<128x128xf32, #tpu.memory_space<hbm>>
      tpu.wait_indirect_dma semaphore(%arg19 : memref<!tpu.dma_semaphore, #tpu.memory_space<semaphore_mem>>) src(%dma_wait3A_33 : memref<128x128xf32, #tpu.memory_space<hbm>>) dst(%arg16 : memref<80x128xf32, #tpu.memory_space<vmem>>)
      %scan3A_34 = arith.constant 0 : i32
      %scan3A_35 = arith.constant 0 : i32
      %scan3A_36 = arith.constant 80 : i32
      %scan3A_37 = arith.addi %scan3A_35, %scan3A_36 : i32
      %scan3A_38 = arith.constant 1 : i32
      scf.for %scan3A_40 = %scan3A_35 to %scan3A_37 step %scan3A_38  : i32 {
        %get3A = arith.index_cast %scan3A_40 : i32 to index
        %get3A_41 = arith.constant 0 : index
        %get3A_42 = tpu.vector_load %arg15[%get3A, %get3A_41] {strides = array<i32>} : memref<80x128xf32, #tpu.memory_space<vmem>>, vector<1x16xf32>,
        %get3A_43 = vector.shape_cast %get3A_42 : vector<1x16xf32> to vector<16xf32>
        %get3A_44 = arith.index_cast %scan3A_40 : i32 to index
        %get3A_45 = arith.constant 0 : index
        %get3A_46 = tpu.vector_load %arg16[%get3A_44, %get3A_45] {strides = array<i32>} : memref<80x128xf32, #tpu.memory_space<vmem>>, vector<1x16xf32>,
        %get3A_47 = vector.shape_cast %get3A_46 : vector<1x16xf32> to vector<16xf32>
        %add3A_48 = arith.addf %get3A_43, %get3A_47 : vector<16xf32>
        %get3A_49 = arith.index_cast %scan3A_40 : i32 to index
        %get3A_50 = arith.constant 0 : index
        %get3A_51 = tpu.vector_load %arg14[%get3A_49, %get3A_50] {strides = array<i32>} : memref<80x128xf32, #tpu.memory_space<vmem>>, vector<1x16xf32>,
        %get3A_52 = vector.shape_cast %get3A_51 : vector<1x16xf32> to vector<16xf32>
        %mul3A_53 = arith.mulf %add3A_48, %add3A_48 : vector<16xf32>
        %mul3A_54 = arith.mulf %mul3A_53, %add3A_48 : vector<16xf32>
        %mul3A_55 = arith.constant 4.471500e-02 : f32
        %mul3A_56 = vector.broadcast %mul3A_55 : f32 to vector<16xf32>
        %mul3A_57 = arith.mulf %mul3A_56, %mul3A_54 : vector<16xf32>
        %add3A_58 = arith.addf %add3A_48, %mul3A_57 : vector<16xf32>
        %mul3A_59 = arith.constant 1.59576917 : f32
        %mul3A_60 = vector.broadcast %mul3A_59 : f32 to vector<16xf32>
        %mul3A_61 = arith.mulf %mul3A_60, %add3A_58 : vector<16xf32>
        %exp3A = math.exp %mul3A_61 : vector<16xf32>
        %add3A_62 = arith.constant 1.000000e+00 : f32
        %add3A_63 = vector.broadcast %add3A_62 : f32 to vector<16xf32>
        %add3A_64 = arith.addf %exp3A, %add3A_63 : vector<16xf32>
        %div3A = arith.constant 2.000000e+00 : f32
        %div3A_65 = vector.broadcast %div3A : f32 to vector<16xf32>
        %div3A_66 = arith.divf %div3A_65, %add3A_64 : vector<16xf32>
        %sub3A = arith.constant 1.000000e+00 : f32
        %sub3A_67 = vector.broadcast %sub3A : f32 to vector<16xf32>
        %sub3A_68 = arith.subf %sub3A_67, %div3A_66 : vector<16xf32>
        %mul3A_69 = arith.constant 5.000000e-01 : f32
        %mul3A_70 = vector.broadcast %mul3A_69 : f32 to vector<16xf32>
        %mul3A_71 = arith.mulf %mul3A_70, %add3A_48 : vector<16xf32>
        %add3A_72 = arith.constant 1.000000e+00 : f32
        %add3A_73 = vector.broadcast %add3A_72 : f32 to vector<16xf32>
        %add3A_74 = arith.addf %add3A_73, %sub3A_68 : vector<16xf32>
        %mul3A_75 = arith.mulf %mul3A_71, %add3A_74 : vector<16xf32>
        %mul3A_76 = arith.mulf %mul3A_75, %get3A_52 : vector<16xf32>
        %swap3A = arith.index_cast %scan3A_40 : i32 to index
        %swap3A_77 = arith.constant 0 : index
        %swap3A_78 = tpu.vector_load %arg17[%swap3A, %swap3A_77] {strides = array<i32>} : memref<80x128xf32, #tpu.memory_space<vmem>>, vector<1x16xf32>,
        %swap3A_79 = vector.shape_cast %swap3A_78 : vector<1x16xf32> to vector<16xf32>
        %swap3A_80 = vector.shape_cast %mul3A_76 : vector<16xf32> to vector<1x16xf32>
        tpu.vector_store %arg17[%swap3A, %swap3A_77], %swap3A_80 {strides = array<i32>} : memref<80x128xf32, #tpu.memory_space<vmem>>, vector<1x16xf32>,
        %get3A_81 = arith.index_cast %scan3A_40 : i32 to index
        %get3A_82 = arith.constant 16 : index
        %get3A_83 = tpu.vector_load %arg15[%get3A_81, %get3A_82] {strides = array<i32>} : memref<80x128xf32, #tpu.memory_space<vmem>>, vector<1x16xf32>,
        %get3A_84 = vector.shape_cast %get3A_83 : vector<1x16xf32> to vector<16xf32>
        %get3A_85 = arith.index_cast %scan3A_40 : i32 to index
        %get3A_86 = arith.constant 16 : index
        %get3A_87 = tpu.vector_load %arg16[%get3A_85, %get3A_86] {strides = array<i32>} : memref<80x128xf32, #tpu.memory_space<vmem>>, vector<1x16xf32>,
        %get3A_88 = vector.shape_cast %get3A_87 : vector<1x16xf32> to vector<16xf32>
        %add3A_89 = arith.addf %get3A_84, %get3A_88 : vector<16xf32>
        %get3A_90 = arith.index_cast %scan3A_40 : i32 to index
        %get3A_91 = arith.constant 16 : index
        %get3A_92 = tpu.vector_load %arg14[%get3A_90, %get3A_91] {strides = array<i32>} : memref<80x128xf32, #tpu.memory_space<vmem>>, vector<1x16xf32>,
        %get3A_93 = vector.shape_cast %get3A_92 : vector<1x16xf32> to vector<16xf32>
        %mul3A_94 = arith.mulf %add3A_89, %add3A_89 : vector<16xf32>
        %mul3A_95 = arith.mulf %mul3A_94, %add3A_89 : vector<16xf32>
        %mul3A_96 = arith.constant 4.471500e-02 : f32
        %mul3A_97 = vector.broadcast %mul3A_96 : f32 to vector<16xf32>
        %mul3A_98 = arith.mulf %mul3A_97, %mul3A_95 : vector<16xf32>
        %add3A_99 = arith.addf %add3A_89, %mul3A_98 : vector<16xf32>
        %mul3A_100 = arith.constant 1.59576917 : f32
        %mul3A_101 = vector.broadcast %mul3A_100 : f32 to vector<16xf32>
        %mul3A_102 = arith.mulf %mul3A_101, %add3A_99 : vector<16xf32>
        %exp3A_103 = math.exp %mul3A_102 : vector<16xf32>
        %add3A_104 = arith.constant 1.000000e+00 : f32
        %add3A_105 = vector.broadcast %add3A_104 : f32 to vector<16xf32>
        %add3A_106 = arith.addf %exp3A_103, %add3A_105 : vector<16xf32>
        %div3A_107 = arith.constant 2.000000e+00 : f32
        %div3A_108 = vector.broadcast %div3A_107 : f32 to vector<16xf32>
        %div3A_109 = arith.divf %div3A_108, %add3A_106 : vector<16xf32>
        %sub3A_110 = arith.constant 1.000000e+00 : f32
        %sub3A_111 = vector.broadcast %sub3A_110 : f32 to vector<16xf32>
        %sub3A_112 = arith.subf %sub3A_111, %div3A_109 : vector<16xf32>
        %mul3A_113 = arith.constant 5.000000e-01 : f32
        %mul3A_114 = vector.broadcast %mul3A_113 : f32 to vector<16xf32>
        %mul3A_115 = arith.mulf %mul3A_114, %add3A_89 : vector<16xf32>
        %add3A_116 = arith.constant 1.000000e+00 : f32
        %add3A_117 = vector.broadcast %add3A_116 : f32 to vector<16xf32>
        %add3A_118 = arith.addf %add3A_117, %sub3A_112 : vector<16xf32>
        %mul3A_119 = arith.mulf %mul3A_115, %add3A_118 : vector<16xf32>
        %mul3A_120 = arith.mulf %mul3A_119, %get3A_93 : vector<16xf32>
        %swap3A_121 = arith.index_cast %scan3A_40 : i32 to index
        %swap3A_122 = arith.constant 16 : index
        %swap3A_123 = tpu.vector_load %arg17[%swap3A_121, %swap3A_122] {strides = array<i32>} : memref<80x128xf32, #tpu.memory_space<vmem>>, vector<1x16xf32>,
        %swap3A_124 = vector.shape_cast %swap3A_123 : vector<1x16xf32> to vector<16xf32>
        %swap3A_125 = vector.shape_cast %mul3A_120 : vector<16xf32> to vector<1x16xf32>
        tpu.vector_store %arg17[%swap3A_121, %swap3A_122], %swap3A_125 {strides = array<i32>} : memref<80x128xf32, #tpu.memory_space<vmem>>, vector<1x16xf32>,
        %get3A_126 = arith.index_cast %scan3A_40 : i32 to index
        %get3A_127 = arith.constant 32 : index
        %get3A_128 = tpu.vector_load %arg15[%get3A_126, %get3A_127] {strides = array<i32>} : memref<80x128xf32, #tpu.memory_space<vmem>>, vector<1x16xf32>,
        %get3A_129 = vector.shape_cast %get3A_128 : vector<1x16xf32> to vector<16xf32>
        %get3A_130 = arith.index_cast %scan3A_40 : i32 to index
        %get3A_131 = arith.constant 32 : index
        %get3A_132 = tpu.vector_load %arg16[%get3A_130, %get3A_131] {strides = array<i32>} : memref<80x128xf32, #tpu.memory_space<vmem>>, vector<1x16xf32>,
        %get3A_133 = vector.shape_cast %get3A_132 : vector<1x16xf32> to vector<16xf32>
        %add3A_134 = arith.addf %get3A_129, %get3A_133 : vector<16xf32>
        %get3A_135 = arith.index_cast %scan3A_40 : i32 to index
        %get3A_136 = arith.constant 32 : index
        %get3A_137 = tpu.vector_load %arg14[%get3A_135, %get3A_136] {strides = array<i32>} : memref<80x128xf32, #tpu.memory_space<vmem>>, vector<1x16xf32>,
        %get3A_138 = vector.shape_cast %get3A_137 : vector<1x16xf32> to vector<16xf32>
        %mul3A_139 = arith.mulf %add3A_134, %add3A_134 : vector<16xf32>
        %mul3A_140 = arith.mulf %mul3A_139, %add3A_134 : vector<16xf32>
        %mul3A_141 = arith.constant 4.471500e-02 : f32
        %mul3A_142 = vector.broadcast %mul3A_141 : f32 to vector<16xf32>
        %mul3A_143 = arith.mulf %mul3A_142, %mul3A_140 : vector<16xf32>
        %add3A_144 = arith.addf %add3A_134, %mul3A_143 : vector<16xf32>
        %mul3A_145 = arith.constant 1.59576917 : f32
        %mul3A_146 = vector.broadcast %mul3A_145 : f32 to vector<16xf32>
        %mul3A_147 = arith.mulf %mul3A_146, %add3A_144 : vector<16xf32>
        %exp3A_148 = math.exp %mul3A_147 : vector<16xf32>
        %add3A_149 = arith.constant 1.000000e+00 : f32
        %add3A_150 = vector.broadcast %add3A_149 : f32 to vector<16xf32>
        %add3A_151 = arith.addf %exp3A_148, %add3A_150 : vector<16xf32>
        %div3A_152 = arith.constant 2.000000e+00 : f32
        %div3A_153 = vector.broadcast %div3A_152 : f32 to vector<16xf32>
        %div3A_154 = arith.divf %div3A_153, %add3A_151 : vector<16xf32>
        %sub3A_155 = arith.constant 1.000000e+00 : f32
        %sub3A_156 = vector.broadcast %sub3A_155 : f32 to vector<16xf32>
        %sub3A_157 = arith.subf %sub3A_156, %div3A_154 : vector<16xf32>
        %mul3A_158 = arith.constant 5.000000e-01 : f32
        %mul3A_159 = vector.broadcast %mul3A_158 : f32 to vector<16xf32>
        %mul3A_160 = arith.mulf %mul3A_159, %add3A_134 : vector<16xf32>
        %add3A_161 = arith.constant 1.000000e+00 : f32
        %add3A_162 = vector.broadcast %add3A_161 : f32 to vector<16xf32>
        %add3A_163 = arith.addf %add3A_162, %sub3A_157 : vector<16xf32>
        %mul3A_164 = arith.mulf %mul3A_160, %add3A_163 : vector<16xf32>
        %mul3A_165 = arith.mulf %mul3A_164, %get3A_138 : vector<16xf32>
        %swap3A_166 = arith.index_cast %scan3A_40 : i32 to index
        %swap3A_167 = arith.constant 32 : index
        %swap3A_168 = tpu.vector_load %arg17[%swap3A_166, %swap3A_167] {strides = array<i32>} : memref<80x128xf32, #tpu.memory_space<vmem>>, vector<1x16xf32>,
        %swap3A_169 = vector.shape_cast %swap3A_168 : vector<1x16xf32> to vector<16xf32>
        %swap3A_170 = vector.shape_cast %mul3A_165 : vector<16xf32> to vector<1x16xf32>
        tpu.vector_store %arg17[%swap3A_166, %swap3A_167], %swap3A_170 {strides = array<i32>} : memref<80x128xf32, #tpu.memory_space<vmem>>, vector<1x16xf32>,
        %get3A_171 = arith.index_cast %scan3A_40 : i32 to index
        %get3A_172 = arith.constant 48 : index
        %get3A_173 = tpu.vector_load %arg15[%get3A_171, %get3A_172] {strides = array<i32>} : memref<80x128xf32, #tpu.memory_space<vmem>>, vector<1x16xf32>,
        %get3A_174 = vector.shape_cast %get3A_173 : vector<1x16xf32> to vector<16xf32>
        %get3A_175 = arith.index_cast %scan3A_40 : i32 to index
        %get3A_176 = arith.constant 48 : index
        %get3A_177 = tpu.vector_load %arg16[%get3A_175, %get3A_176] {strides = array<i32>} : memref<80x128xf32, #tpu.memory_space<vmem>>, vector<1x16xf32>,
        %get3A_178 = vector.shape_cast %get3A_177 : vector<1x16xf32> to vector<16xf32>
        %add3A_179 = arith.addf %get3A_174, %get3A_178 : vector<16xf32>
        %get3A_180 = arith.index_cast %scan3A_40 : i32 to index
        %get3A_181 = arith.constant 48 : index
        %get3A_182 = tpu.vector_load %arg14[%get3A_180, %get3A_181] {strides = array<i32>} : memref<80x128xf32, #tpu.memory_space<vmem>>, vector<1x16xf32>,
        %get3A_183 = vector.shape_cast %get3A_182 : vector<1x16xf32> to vector<16xf32>
        %mul3A_184 = arith.mulf %add3A_179, %add3A_179 : vector<16xf32>
        %mul3A_185 = arith.mulf %mul3A_184, %add3A_179 : vector<16xf32>
        %mul3A_186 = arith.constant 4.471500e-02 : f32
        %mul3A_187 = vector.broadcast %mul3A_186 : f32 to vector<16xf32>
        %mul3A_188 = arith.mulf %mul3A_187, %mul3A_185 : vector<16xf32>
        %add3A_189 = arith.addf %add3A_179, %mul3A_188 : vector<16xf32>
        %mul3A_190 = arith.constant 1.59576917 : f32
        %mul3A_191 = vector.broadcast %mul3A_190 : f32 to vector<16xf32>
        %mul3A_192 = arith.mulf %mul3A_191, %add3A_189 : vector<16xf32>
        %exp3A_193 = math.exp %mul3A_192 : vector<16xf32>
        %add3A_194 = arith.constant 1.000000e+00 : f32
        %add3A_195 = vector.broadcast %add3A_194 : f32 to vector<16xf32>
        %add3A_196 = arith.addf %exp3A_193, %add3A_195 : vector<16xf32>
        %div3A_197 = arith.constant 2.000000e+00 : f32
        %div3A_198 = vector.broadcast %div3A_197 : f32 to vector<16xf32>
        %div3A_199 = arith.divf %div3A_198, %add3A_196 : vector<16xf32>
        %sub3A_200 = arith.constant 1.000000e+00 : f32
        %sub3A_201 = vector.broadcast %sub3A_200 : f32 to vector<16xf32>
        %sub3A_202 = arith.subf %sub3A_201, %div3A_199 : vector<16xf32>
        %mul3A_203 = arith.constant 5.000000e-01 : f32
        %mul3A_204 = vector.broadcast %mul3A_203 : f32 to vector<16xf32>
        %mul3A_205 = arith.mulf %mul3A_204, %add3A_179 : vector<16xf32>
        %add3A_206 = arith.constant 1.000000e+00 : f32
        %add3A_207 = vector.broadcast %add3A_206 : f32 to vector<16xf32>
        %add3A_208 = arith.addf %add3A_207, %sub3A_202 : vector<16xf32>
        %mul3A_209 = arith.mulf %mul3A_205, %add3A_208 : vector<16xf32>
        %mul3A_210 = arith.mulf %mul3A_209, %get3A_183 : vector<16xf32>
        %swap3A_211 = arith.index_cast %scan3A_40 : i32 to index
        %swap3A_212 = arith.constant 48 : index
        %swap3A_213 = tpu.vector_load %arg17[%swap3A_211, %swap3A_212] {strides = array<i32>} : memref<80x128xf32, #tpu.memory_space<vmem>>, vector<1x16xf32>,
        %swap3A_214 = vector.shape_cast %swap3A_213 : vector<1x16xf32> to vector<16xf32>
        %swap3A_215 = vector.shape_cast %mul3A_210 : vector<16xf32> to vector<1x16xf32>
        tpu.vector_store %arg17[%swap3A_211, %swap3A_212], %swap3A_215 {strides = array<i32>} : memref<80x128xf32, #tpu.memory_space<vmem>>, vector<1x16xf32>,
        %get3A_216 = arith.index_cast %scan3A_40 : i32 to index
        %get3A_217 = arith.constant 64 : index
        %get3A_218 = tpu.vector_load %arg15[%get3A_216, %get3A_217] {strides = array<i32>} : memref<80x128xf32, #tpu.memory_space<vmem>>, vector<1x16xf32>,
        %get3A_219 = vector.shape_cast %get3A_218 : vector<1x16xf32> to vector<16xf32>
        %get3A_220 = arith.index_cast %scan3A_40 : i32 to index
        %get3A_221 = arith.constant 64 : index
        %get3A_222 = tpu.vector_load %arg16[%get3A_220, %get3A_221] {strides = array<i32>} : memref<80x128xf32, #tpu.memory_space<vmem>>, vector<1x16xf32>,
        %get3A_223 = vector.shape_cast %get3A_222 : vector<1x16xf32> to vector<16xf32>
        %add3A_224 = arith.addf %get3A_219, %get3A_223 : vector<16xf32>
        %get3A_225 = arith.index_cast %scan3A_40 : i32 to index
        %get3A_226 = arith.constant 64 : index
        %get3A_227 = tpu.vector_load %arg14[%get3A_225, %get3A_226] {strides = array<i32>} : memref<80x128xf32, #tpu.memory_space<vmem>>, vector<1x16xf32>,
        %get3A_228 = vector.shape_cast %get3A_227 : vector<1x16xf32> to vector<16xf32>
        %mul3A_229 = arith.mulf %add3A_224, %add3A_224 : vector<16xf32>
        %mul3A_230 = arith.mulf %mul3A_229, %add3A_224 : vector<16xf32>
        %mul3A_231 = arith.constant 4.471500e-02 : f32
        %mul3A_232 = vector.broadcast %mul3A_231 : f32 to vector<16xf32>
        %mul3A_233 = arith.mulf %mul3A_232, %mul3A_230 : vector<16xf32>
        %add3A_234 = arith.addf %add3A_224, %mul3A_233 : vector<16xf32>
        %mul3A_235 = arith.constant 1.59576917 : f32
        %mul3A_236 = vector.broadcast %mul3A_235 : f32 to vector<16xf32>
        %mul3A_237 = arith.mulf %mul3A_236, %add3A_234 : vector<16xf32>
        %exp3A_238 = math.exp %mul3A_237 : vector<16xf32>
        %add3A_239 = arith.constant 1.000000e+00 : f32
        %add3A_240 = vector.broadcast %add3A_239 : f32 to vector<16xf32>
        %add3A_241 = arith.addf %exp3A_238, %add3A_240 : vector<16xf32>
        %div3A_242 = arith.constant 2.000000e+00 : f32
        %div3A_243 = vector.broadcast %div3A_242 : f32 to vector<16xf32>
        %div3A_244 = arith.divf %div3A_243, %add3A_241 : vector<16xf32>
        %sub3A_245 = arith.constant 1.000000e+00 : f32
        %sub3A_246 = vector.broadcast %sub3A_245 : f32 to vector<16xf32>
        %sub3A_247 = arith.subf %sub3A_246, %div3A_244 : vector<16xf32>
        %mul3A_248 = arith.constant 5.000000e-01 : f32
        %mul3A_249 = vector.broadcast %mul3A_248 : f32 to vector<16xf32>
        %mul3A_250 = arith.mulf %mul3A_249, %add3A_224 : vector<16xf32>
        %add3A_251 = arith.constant 1.000000e+00 : f32
        %add3A_252 = vector.broadcast %add3A_251 : f32 to vector<16xf32>
        %add3A_253 = arith.addf %add3A_252, %sub3A_247 : vector<16xf32>
        %mul3A_254 = arith.mulf %mul3A_250, %add3A_253 : vector<16xf32>
        %mul3A_255 = arith.mulf %mul3A_254, %get3A_228 : vector<16xf32>
        %swap3A_256 = arith.index_cast %scan3A_40 : i32 to index
        %swap3A_257 = arith.constant 64 : index
        %swap3A_258 = tpu.vector_load %arg17[%swap3A_256, %swap3A_257] {strides = array<i32>} : memref<80x128xf32, #tpu.memory_space<vmem>>, vector<1x16xf32>,
        %swap3A_259 = vector.shape_cast %swap3A_258 : vector<1x16xf32> to vector<16xf32>
        %swap3A_260 = vector.shape_cast %mul3A_255 : vector<16xf32> to vector<1x16xf32>
        tpu.vector_store %arg17[%swap3A_256, %swap3A_257], %swap3A_260 {strides = array<i32>} : memref<80x128xf32, #tpu.memory_space<vmem>>, vector<1x16xf32>,
        %get3A_261 = arith.index_cast %scan3A_40 : i32 to index
        %get3A_262 = arith.constant 80 : index
        %get3A_263 = tpu.vector_load %arg15[%get3A_261, %get3A_262] {strides = array<i32>} : memref<80x128xf32, #tpu.memory_space<vmem>>, vector<1x16xf32>,
        %get3A_264 = vector.shape_cast %get3A_263 : vector<1x16xf32> to vector<16xf32>
        %get3A_265 = arith.index_cast %scan3A_40 : i32 to index
        %get3A_266 = arith.constant 80 : index
        %get3A_267 = tpu.vector_load %arg16[%get3A_265, %get3A_266] {strides = array<i32>} : memref<80x128xf32, #tpu.memory_space<vmem>>, vector<1x16xf32>,
        %get3A_268 = vector.shape_cast %get3A_267 : vector<1x16xf32> to vector<16xf32>
        %add3A_269 = arith.addf %get3A_264, %get3A_268 : vector<16xf32>
        %get3A_270 = arith.index_cast %scan3A_40 : i32 to index
        %get3A_271 = arith.constant 80 : index
        %get3A_272 = tpu.vector_load %arg14[%get3A_270, %get3A_271] {strides = array<i32>} : memref<80x128xf32, #tpu.memory_space<vmem>>, vector<1x16xf32>,
        %get3A_273 = vector.shape_cast %get3A_272 : vector<1x16xf32> to vector<16xf32>
        %mul3A_274 = arith.mulf %add3A_269, %add3A_269 : vector<16xf32>
        %mul3A_275 = arith.mulf %mul3A_274, %add3A_269 : vector<16xf32>
        %mul3A_276 = arith.constant 4.471500e-02 : f32
        %mul3A_277 = vector.broadcast %mul3A_276 : f32 to vector<16xf32>
        %mul3A_278 = arith.mulf %mul3A_277, %mul3A_275 : vector<16xf32>
        %add3A_279 = arith.addf %add3A_269, %mul3A_278 : vector<16xf32>
        %mul3A_280 = arith.constant 1.59576917 : f32
        %mul3A_281 = vector.broadcast %mul3A_280 : f32 to vector<16xf32>
        %mul3A_282 = arith.mulf %mul3A_281, %add3A_279 : vector<16xf32>
        %exp3A_283 = math.exp %mul3A_282 : vector<16xf32>
        %add3A_284 = arith.constant 1.000000e+00 : f32
        %add3A_285 = vector.broadcast %add3A_284 : f32 to vector<16xf32>
        %add3A_286 = arith.addf %exp3A_283, %add3A_285 : vector<16xf32>
        %div3A_287 = arith.constant 2.000000e+00 : f32
        %div3A_288 = vector.broadcast %div3A_287 : f32 to vector<16xf32>
        %div3A_289 = arith.divf %div3A_288, %add3A_286 : vector<16xf32>
        %sub3A_290 = arith.constant 1.000000e+00 : f32
        %sub3A_291 = vector.broadcast %sub3A_290 : f32 to vector<16xf32>
        %sub3A_292 = arith.subf %sub3A_291, %div3A_289 : vector<16xf32>
        %mul3A_293 = arith.constant 5.000000e-01 : f32
        %mul3A_294 = vector.broadcast %mul3A_293 : f32 to vector<16xf32>
        %mul3A_295 = arith.mulf %mul3A_294, %add3A_269 : vector<16xf32>
        %add3A_296 = arith.constant 1.000000e+00 : f32
        %add3A_297 = vector.broadcast %add3A_296 : f32 to vector<16xf32>
        %add3A_298 = arith.addf %add3A_297, %sub3A_292 : vector<16xf32>
        %mul3A_299 = arith.mulf %mul3A_295, %add3A_298 : vector<16xf32>
        %mul3A_300 = arith.mulf %mul3A_299, %get3A_273 : vector<16xf32>
        %swap3A_301 = arith.index_cast %scan3A_40 : i32 to index
        %swap3A_302 = arith.constant 80 : index
        %swap3A_303 = tpu.vector_load %arg17[%swap3A_301, %swap3A_302] {strides = array<i32>} : memref<80x128xf32, #tpu.memory_space<vmem>>, vector<1x16xf32>,
        %swap3A_304 = vector.shape_cast %swap3A_303 : vector<1x16xf32> to vector<16xf32>
        %swap3A_305 = vector.shape_cast %mul3A_300 : vector<16xf32> to vector<1x16xf32>
        tpu.vector_store %arg17[%swap3A_301, %swap3A_302], %swap3A_305 {strides = array<i32>} : memref<80x128xf32, #tpu.memory_space<vmem>>, vector<1x16xf32>,
        %get3A_306 = arith.index_cast %scan3A_40 : i32 to index
        %get3A_307 = arith.constant 96 : index
        %get3A_308 = tpu.vector_load %arg15[%get3A_306, %get3A_307] {strides = array<i32>} : memref<80x128xf32, #tpu.memory_space<vmem>>, vector<1x16xf32>,
        %get3A_309 = vector.shape_cast %get3A_308 : vector<1x16xf32> to vector<16xf32>
        %get3A_310 = arith.index_cast %scan3A_40 : i32 to index
        %get3A_311 = arith.constant 96 : index
        %get3A_312 = tpu.vector_load %arg16[%get3A_310, %get3A_311] {strides = array<i32>} : memref<80x128xf32, #tpu.memory_space<vmem>>, vector<1x16xf32>,
        %get3A_313 = vector.shape_cast %get3A_312 : vector<1x16xf32> to vector<16xf32>
        %add3A_314 = arith.addf %get3A_309, %get3A_313 : vector<16xf32>
        %get3A_315 = arith.index_cast %scan3A_40 : i32 to index
        %get3A_316 = arith.constant 96 : index
        %get3A_317 = tpu.vector_load %arg14[%get3A_315, %get3A_316] {strides = array<i32>} : memref<80x128xf32, #tpu.memory_space<vmem>>, vector<1x16xf32>,
        %get3A_318 = vector.shape_cast %get3A_317 : vector<1x16xf32> to vector<16xf32>
        %mul3A_319 = arith.mulf %add3A_314, %add3A_314 : vector<16xf32>
        %mul3A_320 = arith.mulf %mul3A_319, %add3A_314 : vector<16xf32>
        %mul3A_321 = arith.constant 4.471500e-02 : f32
        %mul3A_322 = vector.broadcast %mul3A_321 : f32 to vector<16xf32>
        %mul3A_323 = arith.mulf %mul3A_322, %mul3A_320 : vector<16xf32>
        %add3A_324 = arith.addf %add3A_314, %mul3A_323 : vector<16xf32>
        %mul3A_325 = arith.constant 1.59576917 : f32
        %mul3A_326 = vector.broadcast %mul3A_325 : f32 to vector<16xf32>
        %mul3A_327 = arith.mulf %mul3A_326, %add3A_324 : vector<16xf32>
        %exp3A_328 = math.exp %mul3A_327 : vector<16xf32>
        %add3A_329 = arith.constant 1.000000e+00 : f32
        %add3A_330 = vector.broadcast %add3A_329 : f32 to vector<16xf32>
        %add3A_331 = arith.addf %exp3A_328, %add3A_330 : vector<16xf32>
        %div3A_332 = arith.constant 2.000000e+00 : f32
        %div3A_333 = vector.broadcast %div3A_332 : f32 to vector<16xf32>
        %div3A_334 = arith.divf %div3A_333, %add3A_331 : vector<16xf32>
        %sub3A_335 = arith.constant 1.000000e+00 : f32
        %sub3A_336 = vector.broadcast %sub3A_335 : f32 to vector<16xf32>
        %sub3A_337 = arith.subf %sub3A_336, %div3A_334 : vector<16xf32>
        %mul3A_338 = arith.constant 5.000000e-01 : f32
        %mul3A_339 = vector.broadcast %mul3A_338 : f32 to vector<16xf32>
        %mul3A_340 = arith.mulf %mul3A_339, %add3A_314 : vector<16xf32>
        %add3A_341 = arith.constant 1.000000e+00 : f32
        %add3A_342 = vector.broadcast %add3A_341 : f32 to vector<16xf32>
        %add3A_343 = arith.addf %add3A_342, %sub3A_337 : vector<16xf32>
        %mul3A_344 = arith.mulf %mul3A_340, %add3A_343 : vector<16xf32>
        %mul3A_345 = arith.mulf %mul3A_344, %get3A_318 : vector<16xf32>
        %swap3A_346 = arith.index_cast %scan3A_40 : i32 to index
        %swap3A_347 = arith.constant 96 : index
        %swap3A_348 = tpu.vector_load %arg17[%swap3A_346, %swap3A_347] {strides = array<i32>} : memref<80x128xf32, #tpu.memory_space<vmem>>, vector<1x16xf32>,
        %swap3A_349 = vector.shape_cast %swap3A_348 : vector<1x16xf32> to vector<16xf32>
        %swap3A_350 = vector.shape_cast %mul3A_345 : vector<16xf32> to vector<1x16xf32>
        tpu.vector_store %arg17[%swap3A_346, %swap3A_347], %swap3A_350 {strides = array<i32>} : memref<80x128xf32, #tpu.memory_space<vmem>>, vector<1x16xf32>,
        %get3A_351 = arith.index_cast %scan3A_40 : i32 to index
        %get3A_352 = arith.constant 112 : index
        %get3A_353 = tpu.vector_load %arg15[%get3A_351, %get3A_352] {strides = array<i32>} : memref<80x128xf32, #tpu.memory_space<vmem>>, vector<1x16xf32>,
        %get3A_354 = vector.shape_cast %get3A_353 : vector<1x16xf32> to vector<16xf32>
        %get3A_355 = arith.index_cast %scan3A_40 : i32 to index
        %get3A_356 = arith.constant 112 : index
        %get3A_357 = tpu.vector_load %arg16[%get3A_355, %get3A_356] {strides = array<i32>} : memref<80x128xf32, #tpu.memory_space<vmem>>, vector<1x16xf32>,
        %get3A_358 = vector.shape_cast %get3A_357 : vector<1x16xf32> to vector<16xf32>
        %add3A_359 = arith.addf %get3A_354, %get3A_358 : vector<16xf32>
        %get3A_360 = arith.index_cast %scan3A_40 : i32 to index
        %get3A_361 = arith.constant 112 : index
        %get3A_362 = tpu.vector_load %arg14[%get3A_360, %get3A_361] {strides = array<i32>} : memref<80x128xf32, #tpu.memory_space<vmem>>, vector<1x16xf32>,
        %get3A_363 = vector.shape_cast %get3A_362 : vector<1x16xf32> to vector<16xf32>
        %mul3A_364 = arith.mulf %add3A_359, %add3A_359 : vector<16xf32>
        %mul3A_365 = arith.mulf %mul3A_364, %add3A_359 : vector<16xf32>
        %mul3A_366 = arith.constant 4.471500e-02 : f32
        %mul3A_367 = vector.broadcast %mul3A_366 : f32 to vector<16xf32>
        %mul3A_368 = arith.mulf %mul3A_367, %mul3A_365 : vector<16xf32>
        %add3A_369 = arith.addf %add3A_359, %mul3A_368 : vector<16xf32>
        %mul3A_370 = arith.constant 1.59576917 : f32
        %mul3A_371 = vector.broadcast %mul3A_370 : f32 to vector<16xf32>
        %mul3A_372 = arith.mulf %mul3A_371, %add3A_369 : vector<16xf32>
        %exp3A_373 = math.exp %mul3A_372 : vector<16xf32>
        %add3A_374 = arith.constant 1.000000e+00 : f32
        %add3A_375 = vector.broadcast %add3A_374 : f32 to vector<16xf32>
        %add3A_376 = arith.addf %exp3A_373, %add3A_375 : vector<16xf32>
        %div3A_377 = arith.constant 2.000000e+00 : f32
        %div3A_378 = vector.broadcast %div3A_377 : f32 to vector<16xf32>
        %div3A_379 = arith.divf %div3A_378, %add3A_376 : vector<16xf32>
        %sub3A_380 = arith.constant 1.000000e+00 : f32
        %sub3A_381 = vector.broadcast %sub3A_380 : f32 to vector<16xf32>
        %sub3A_382 = arith.subf %sub3A_381, %div3A_379 : vector<16xf32>
        %mul3A_383 = arith.constant 5.000000e-01 : f32
        %mul3A_384 = vector.broadcast %mul3A_383 : f32 to vector<16xf32>
        %mul3A_385 = arith.mulf %mul3A_384, %add3A_359 : vector<16xf32>
        %add3A_386 = arith.constant 1.000000e+00 : f32
        %add3A_387 = vector.broadcast %add3A_386 : f32 to vector<16xf32>
        %add3A_388 = arith.addf %add3A_387, %sub3A_382 : vector<16xf32>
        %mul3A_389 = arith.mulf %mul3A_385, %add3A_388 : vector<16xf32>
        %mul3A_390 = arith.mulf %mul3A_389, %get3A_363 : vector<16xf32>
        %swap3A_391 = arith.index_cast %scan3A_40 : i32 to index
        %swap3A_392 = arith.constant 112 : index
        %swap3A_393 = tpu.vector_load %arg17[%swap3A_391, %swap3A_392] {strides = array<i32>} : memref<80x128xf32, #tpu.memory_space<vmem>>, vector<1x16xf32>,
        %swap3A_394 = vector.shape_cast %swap3A_393 : vector<1x16xf32> to vector<16xf32>
        %swap3A_395 = vector.shape_cast %mul3A_390 : vector<16xf32> to vector<1x16xf32>
        tpu.vector_store %arg17[%swap3A_391, %swap3A_392], %swap3A_395 {strides = array<i32>} : memref<80x128xf32, #tpu.memory_space<vmem>>, vector<1x16xf32>,
      }
      %scan3A_39 = arith.constant 80 : i32
      "tpu.region"() ({
        %run_scoped3A = tpu.sem_alloc : memref<!tpu.dma_semaphore, #tpu.memory_space<semaphore_mem>>
        %dma_start3A_40 = arith.constant 0 : i32
        %dma_start3A_41 = arith.constant 0 : i32
        %dma_start3A_42 = tpu.memref_slice %arg10[%dma_start3A_40, %dma_start3A_41] : memref<10112x128xf32, #tpu.memory_space<vmem_shared>> -> memref<10112x128xf32, #tpu.memory_space<vmem_shared>>
        tpu.enqueue_indirect_dma source(%arg17 : memref<80x128xf32, #tpu.memory_space<vmem>>) target(%dma_start3A_42 : memref<10112x128xf32, #tpu.memory_space<vmem_shared>>) offsets(%arg13 : memref<80xi32, #tpu.memory_space<vmem>>) semaphore(%run_scoped3A : memref<!tpu.dma_semaphore, #tpu.memory_space<semaphore_mem>>) {add = true}
        %dma_wait3A_43 = arith.constant 0 : i32
        %dma_wait3A_44 = arith.constant 0 : i32
        %dma_wait3A_45 = tpu.memref_slice %arg10[%dma_wait3A_43, %dma_wait3A_44] : memref<10112x128xf32, #tpu.memory_space<vmem_shared>> -> memref<10112x128xf32, #tpu.memory_space<vmem_shared>>
        tpu.wait_indirect_dma semaphore(%run_scoped3A : memref<!tpu.dma_semaphore, #tpu.memory_space<semaphore_mem>>) src(%arg17 : memref<80x128xf32, #tpu.memory_space<vmem>>) dst(%dma_wait3A_45 : memref<10112x128xf32, #tpu.memory_space<vmem_shared>>)
        tpu.yield
      }) : () -> ()
    }
    %scan3A_11 = arith.constant 125 : i32
    %barrier3A_12 = arith.constant 0 : index
    tpu.barrier barrier_id(%barrier3A_12)
    %mul3A_13 = arith.constant 632 : i32
    %mul3A_14 = arith.muli %arg1, %mul3A_13 : i32
    %mul3A_15 = arith.constant 10112 : i32
    %mul3A_16 = arith.muli %arg0, %mul3A_15 : i32
    %mul3A_17 = arith.constant 632 : i32
    %mul3A_18 = arith.muli %arg1, %mul3A_17 : i32
    %add3A_19 = arith.addi %mul3A_16, %mul3A_18 : i32
    "tpu.region"() ({
      %run_scoped3A = tpu.sem_alloc : memref<!tpu.dma_semaphore, #tpu.memory_space<semaphore_mem>>
      %dma_start3A = arith.constant 0 : i32
      %dma_start3A_20 = tpu.memref_slice %arg9[%add3A_19, %dma_start3A] : memref<20224x128xf32, #tpu.memory_space<hbm>> -> memref<632x128xf32, #tpu.memory_space<hbm>>
      %dma_start3A_21 = arith.constant 0 : i32
      %dma_start3A_22 = tpu.memref_slice %arg10[%mul3A_14, %dma_start3A_21] : memref<10112x128xf32, #tpu.memory_space<vmem_shared>> -> memref<632x128xf32, #tpu.memory_space<vmem_shared>>
      tpu.enqueue_dma source(%dma_start3A_22 : memref<632x128xf32, #tpu.memory_space<vmem_shared>>) target(%dma_start3A_20 : memref<632x128xf32, #tpu.memory_space<hbm>>) target_semaphore(%run_scoped3A : memref<!tpu.dma_semaphore, #tpu.memory_space<semaphore_mem>>)
      %dma_wait3A = arith.constant 0 : i32
      %dma_wait3A_23 = tpu.memref_slice %arg9[%add3A_19, %dma_wait3A] : memref<20224x128xf32, #tpu.memory_space<hbm>> -> memref<632x128xf32, #tpu.memory_space<hbm>>
      %dma_wait3A_24 = arith.constant 0 : i32
      %dma_wait3A_25 = tpu.memref_slice %arg10[%mul3A_14, %dma_wait3A_24] : memref<10112x128xf32, #tpu.memory_space<vmem_shared>> -> memref<632x128xf32, #tpu.memory_space<vmem_shared>>
      tpu.wait_dma2 semaphore(%run_scoped3A : memref<!tpu.dma_semaphore, #tpu.memory_space<semaphore_mem>>) src(%dma_wait3A_25 : memref<632x128xf32, #tpu.memory_space<vmem_shared>>) dst(%dma_wait3A_23 : memref<632x128xf32, #tpu.memory_space<hbm>>)
      tpu.yield
    }) : () -> ()
    return
  }
}

#map = affine_map<(d0, d1) -> (0, 0)>
#map1 = affine_map<(d0, d1) -> (0)>
module attributes {stable_mosaic.version = 14 : i64} {
  func.func @_sc_edge_body(%arg0: i32, %arg1: i32, %arg2: memref<10000x128xf32, #tpu.memory_space<hbm>>, %arg3: memref<128x128xf32, #tpu.memory_space<hbm>>, %arg4: memref<320000x128xf32, #tpu.memory_space<hbm>>, %arg5: memref<320000xi32, #tpu.memory_space<hbm>>, %arg6: memref<320000xi32, #tpu.memory_space<hbm>>, %arg7: memref<320000xi32, #tpu.memory_space<hbm>>, %arg8: memref<10112x128xf32, #tpu.memory_space<hbm>>, %arg9: memref<20224x128xf32, #tpu.memory_space<hbm>>, %arg10: memref<10112x128xf32, #tpu.memory_space<vmem_shared>>, %arg11: memref<80xi32, #tpu.memory_space<vmem>>, %arg12: memref<80xi32, #tpu.memory_space<vmem>>, %arg13: memref<80xi32, #tpu.memory_space<vmem>>, %arg14: memref<80x128xf32, #tpu.memory_space<vmem>>, %arg15: memref<80x128xf32, #tpu.memory_space<vmem>>, %arg16: memref<80x128xf32, #tpu.memory_space<vmem>>, %arg17: memref<80x128xf32, #tpu.memory_space<vmem>>, %arg18: memref<!tpu.dma_semaphore, #tpu.memory_space<semaphore_mem>>, %arg19: memref<!tpu.dma_semaphore, #tpu.memory_space<semaphore_mem>>) attributes {dimension_semantics = [#tpu.dimension_semantics<core_parallel>, #tpu.dimension_semantics<subcore_parallel>], iteration_bounds = array<i64: 2, 16>, scalar_prefetch = 0 : i64, scratch_operands = 10 : i64, tpu.core_type = #tpu.core_type<sc_vector_subcore>, window_params = [{transform_indices = #map}, {transform_indices = #map}, {transform_indices = #map}, {transform_indices = #map1}, {transform_indices = #map1}, {transform_indices = #map1}, {transform_indices = #map}, {transform_indices = #map}]} {
    %mul3A = arith.constant 632 : i32
    %mul3A_0 = arith.muli %arg1, %mul3A : i32
    %mul3A_1 = arith.constant 632 : i32
    %mul3A_2 = arith.muli %arg1, %mul3A_1 : i32
    "tpu.region"() ({
      %run_scoped3A = tpu.sem_alloc : memref<!tpu.dma_semaphore, #tpu.memory_space<semaphore_mem>>
      %dma_start3A = arith.constant 0 : i32
      %dma_start3A_20 = tpu.memref_slice %arg10[%mul3A_2, %dma_start3A] : memref<10112x128xf32, #tpu.memory_space<vmem_shared>> -> memref<632x128xf32, #tpu.memory_space<vmem_shared>>
      %dma_start3A_21 = arith.constant 0 : i32
      %dma_start3A_22 = tpu.memref_slice %arg8[%mul3A_0, %dma_start3A_21] : memref<10112x128xf32, #tpu.memory_space<hbm>> -> memref<632x128xf32, #tpu.memory_space<hbm>>
      tpu.enqueue_dma source(%dma_start3A_22 : memref<632x128xf32, #tpu.memory_space<hbm>>) target(%dma_start3A_20 : memref<632x128xf32, #tpu.memory_space<vmem_shared>>) target_semaphore(%run_scoped3A : memref<!tpu.dma_semaphore, #tpu.memory_space<semaphore_mem>>)
      %dma_wait3A = arith.constant 0 : i32
      %dma_wait3A_23 = tpu.memref_slice %arg10[%mul3A_2, %dma_wait3A] : memref<10112x128xf32, #tpu.memory_space<vmem_shared>> -> memref<632x128xf32, #tpu.memory_space<vmem_shared>>
      %dma_wait3A_24 = arith.constant 0 : i32
      %dma_wait3A_25 = tpu.memref_slice %arg8[%mul3A_0, %dma_wait3A_24] : memref<10112x128xf32, #tpu.memory_space<hbm>> -> memref<632x128xf32, #tpu.memory_space<hbm>>
      tpu.wait_dma2 semaphore(%run_scoped3A : memref<!tpu.dma_semaphore, #tpu.memory_space<semaphore_mem>>) src(%dma_wait3A_25 : memref<632x128xf32, #tpu.memory_space<hbm>>) dst(%dma_wait3A_23 : memref<632x128xf32, #tpu.memory_space<vmem_shared>>)
      tpu.yield
    }) : () -> ()
    %barrier3A = arith.constant 0 : index
    tpu.barrier barrier_id(%barrier3A)
    %mul3A_3 = arith.constant 16 : i32
    %mul3A_4 = arith.muli %arg0, %mul3A_3 : i32
    %add3A = arith.addi %mul3A_4, %arg1 : i32
    %mul3A_5 = arith.constant 10000 : i32
    %mul3A_6 = arith.muli %add3A, %mul3A_5 : i32
    %scan3A = arith.constant 0 : i32
    %scan3A_7 = arith.constant 0 : i32
    %scan3A_8 = arith.constant 125 : i32
    %scan3A_9 = arith.addi %scan3A_7, %scan3A_8 : i32
    %scan3A_10 = arith.constant 1 : i32
    scf.for %scan3A_20 = %scan3A_7 to %scan3A_9 step %scan3A_10  : i32 {
      %mul3A_21 = arith.constant 80 : i32
      %mul3A_22 = arith.muli %scan3A_20, %mul3A_21 : i32
      %add3A_23 = arith.addi %mul3A_6, %mul3A_22 : i32
      "tpu.region"() ({
        %run_scoped3A = tpu.sem_alloc : memref<!tpu.dma_semaphore, #tpu.memory_space<semaphore_mem>>
        %dma_start3A_40 = tpu.memref_slice %arg5[%add3A_23] : memref<320000xi32, #tpu.memory_space<hbm>> -> memref<80xi32, #tpu.memory_space<hbm>>
        %dma_start3A_41 = tpu.memref_slice %arg5[%add3A_23] : memref<320000xi32, #tpu.memory_space<hbm>> -> memref<80xi32, #tpu.memory_space<hbm>>
        tpu.enqueue_dma source(%dma_start3A_41 : memref<80xi32, #tpu.memory_space<hbm>>) target(%arg11 : memref<80xi32, #tpu.memory_space<vmem>>) target_semaphore(%run_scoped3A : memref<!tpu.dma_semaphore, #tpu.memory_space<semaphore_mem>>)
        %dma_wait3A_42 = tpu.memref_slice %arg5[%add3A_23] : memref<320000xi32, #tpu.memory_space<hbm>> -> memref<80xi32, #tpu.memory_space<hbm>>
        %dma_wait3A_43 = tpu.memref_slice %arg5[%add3A_23] : memref<320000xi32, #tpu.memory_space<hbm>> -> memref<80xi32, #tpu.memory_space<hbm>>
        tpu.wait_dma2 semaphore(%run_scoped3A : memref<!tpu.dma_semaphore, #tpu.memory_space<semaphore_mem>>) src(%dma_wait3A_43 : memref<80xi32, #tpu.memory_space<hbm>>) dst(%arg11 : memref<80xi32, #tpu.memory_space<vmem>>)
        tpu.yield
      }) : () -> ()
      "tpu.region"() ({
        %run_scoped3A = tpu.sem_alloc : memref<!tpu.dma_semaphore, #tpu.memory_space<semaphore_mem>>
        %dma_start3A_40 = tpu.memref_slice %arg6[%add3A_23] : memref<320000xi32, #tpu.memory_space<hbm>> -> memref<80xi32, #tpu.memory_space<hbm>>
        %dma_start3A_41 = tpu.memref_slice %arg6[%add3A_23] : memref<320000xi32, #tpu.memory_space<hbm>> -> memref<80xi32, #tpu.memory_space<hbm>>
        tpu.enqueue_dma source(%dma_start3A_41 : memref<80xi32, #tpu.memory_space<hbm>>) target(%arg12 : memref<80xi32, #tpu.memory_space<vmem>>) target_semaphore(%run_scoped3A : memref<!tpu.dma_semaphore, #tpu.memory_space<semaphore_mem>>)
        %dma_wait3A_42 = tpu.memref_slice %arg6[%add3A_23] : memref<320000xi32, #tpu.memory_space<hbm>> -> memref<80xi32, #tpu.memory_space<hbm>>
        %dma_wait3A_43 = tpu.memref_slice %arg6[%add3A_23] : memref<320000xi32, #tpu.memory_space<hbm>> -> memref<80xi32, #tpu.memory_space<hbm>>
        tpu.wait_dma2 semaphore(%run_scoped3A : memref<!tpu.dma_semaphore, #tpu.memory_space<semaphore_mem>>) src(%dma_wait3A_43 : memref<80xi32, #tpu.memory_space<hbm>>) dst(%arg12 : memref<80xi32, #tpu.memory_space<vmem>>)
        tpu.yield
      }) : () -> ()
      "tpu.region"() ({
        %run_scoped3A = tpu.sem_alloc : memref<!tpu.dma_semaphore, #tpu.memory_space<semaphore_mem>>
        %dma_start3A_40 = tpu.memref_slice %arg7[%add3A_23] : memref<320000xi32, #tpu.memory_space<hbm>> -> memref<80xi32, #tpu.memory_space<hbm>>
        %dma_start3A_41 = tpu.memref_slice %arg7[%add3A_23] : memref<320000xi32, #tpu.memory_space<hbm>> -> memref<80xi32, #tpu.memory_space<hbm>>
        tpu.enqueue_dma source(%dma_start3A_41 : memref<80xi32, #tpu.memory_space<hbm>>) target(%arg13 : memref<80xi32, #tpu.memory_space<vmem>>) target_semaphore(%run_scoped3A : memref<!tpu.dma_semaphore, #tpu.memory_space<semaphore_mem>>)
        %dma_wait3A_42 = tpu.memref_slice %arg7[%add3A_23] : memref<320000xi32, #tpu.memory_space<hbm>> -> memref<80xi32, #tpu.memory_space<hbm>>
        %dma_wait3A_43 = tpu.memref_slice %arg7[%add3A_23] : memref<320000xi32, #tpu.memory_space<hbm>> -> memref<80xi32, #tpu.memory_space<hbm>>
        tpu.wait_dma2 semaphore(%run_scoped3A : memref<!tpu.dma_semaphore, #tpu.memory_space<semaphore_mem>>) src(%dma_wait3A_43 : memref<80xi32, #tpu.memory_space<hbm>>) dst(%arg13 : memref<80xi32, #tpu.memory_space<vmem>>)
        tpu.yield
      }) : () -> ()
      "tpu.region"() ({
        %run_scoped3A = tpu.sem_alloc : memref<!tpu.dma_semaphore, #tpu.memory_space<semaphore_mem>>
        %dma_start3A_40 = arith.constant 0 : i32
        %dma_start3A_41 = tpu.memref_slice %arg4[%add3A_23, %dma_start3A_40] : memref<320000x128xf32, #tpu.memory_space<hbm>> -> memref<80x128xf32, #tpu.memory_space<hbm>>
        %dma_start3A_42 = arith.constant 0 : i32
        %dma_start3A_43 = tpu.memref_slice %arg4[%add3A_23, %dma_start3A_42] : memref<320000x128xf32, #tpu.memory_space<hbm>> -> memref<80x128xf32, #tpu.memory_space<hbm>>
        tpu.enqueue_dma source(%dma_start3A_43 : memref<80x128xf32, #tpu.memory_space<hbm>>) target(%arg14 : memref<80x128xf32, #tpu.memory_space<vmem>>) target_semaphore(%run_scoped3A : memref<!tpu.dma_semaphore, #tpu.memory_space<semaphore_mem>>)
        %dma_wait3A_44 = arith.constant 0 : i32
        %dma_wait3A_45 = tpu.memref_slice %arg4[%add3A_23, %dma_wait3A_44] : memref<320000x128xf32, #tpu.memory_space<hbm>> -> memref<80x128xf32, #tpu.memory_space<hbm>>
        %dma_wait3A_46 = arith.constant 0 : i32
        %dma_wait3A_47 = tpu.memref_slice %arg4[%add3A_23, %dma_wait3A_46] : memref<320000x128xf32, #tpu.memory_space<hbm>> -> memref<80x128xf32, #tpu.memory_space<hbm>>
        tpu.wait_dma2 semaphore(%run_scoped3A : memref<!tpu.dma_semaphore, #tpu.memory_space<semaphore_mem>>) src(%dma_wait3A_47 : memref<80x128xf32, #tpu.memory_space<hbm>>) dst(%arg14 : memref<80x128xf32, #tpu.memory_space<vmem>>)
        tpu.yield
      }) : () -> ()
      %dma_start3A = arith.constant 0 : i32
      %dma_start3A_24 = arith.constant 0 : i32
      %dma_start3A_25 = tpu.memref_slice %arg2[%dma_start3A, %dma_start3A_24] : memref<10000x128xf32, #tpu.memory_space<hbm>> -> memref<10000x128xf32, #tpu.memory_space<hbm>>
      tpu.enqueue_indirect_dma source(%dma_start3A_25 : memref<10000x128xf32, #tpu.memory_space<hbm>>) target(%arg15 : memref<80x128xf32, #tpu.memory_space<vmem>>) offsets(%arg11 : memref<80xi32, #tpu.memory_space<vmem>>) semaphore(%arg18 : memref<!tpu.dma_semaphore, #tpu.memory_space<semaphore_mem>>)
      %dma_start3A_26 = arith.constant 0 : i32
      %dma_start3A_27 = arith.constant 0 : i32
      %dma_start3A_28 = tpu.memref_slice %arg3[%dma_start3A_26, %dma_start3A_27] : memref<128x128xf32, #tpu.memory_space<hbm>> -> memref<128x128xf32, #tpu.memory_space<hbm>>
      tpu.enqueue_indirect_dma source(%dma_start3A_28 : memref<128x128xf32, #tpu.memory_space<hbm>>) target(%arg16 : memref<80x128xf32, #tpu.memory_space<vmem>>) offsets(%arg12 : memref<80xi32, #tpu.memory_space<vmem>>) semaphore(%arg19 : memref<!tpu.dma_semaphore, #tpu.memory_space<semaphore_mem>>)
      %dma_wait3A = arith.constant 0 : i32
      %dma_wait3A_29 = arith.constant 0 : i32
      %dma_wait3A_30 = tpu.memref_slice %arg2[%dma_wait3A, %dma_wait3A_29] : memref<10000x128xf32, #tpu.memory_space<hbm>> -> memref<10000x128xf32, #tpu.memory_space<hbm>>
      tpu.wait_indirect_dma semaphore(%arg18 : memref<!tpu.dma_semaphore, #tpu.memory_space<semaphore_mem>>) src(%dma_wait3A_30 : memref<10000x128xf32, #tpu.memory_space<hbm>>) dst(%arg15 : memref<80x128xf32, #tpu.memory_space<vmem>>)
      %dma_wait3A_31 = arith.constant 0 : i32
      %dma_wait3A_32 = arith.constant 0 : i32
      %dma_wait3A_33 = tpu.memref_slice %arg3[%dma_wait3A_31, %dma_wait3A_32] : memref<128x128xf32, #tpu.memory_space<hbm>> -> memref<128x128xf32, #tpu.memory_space<hbm>>
      tpu.wait_indirect_dma semaphore(%arg19 : memref<!tpu.dma_semaphore, #tpu.memory_space<semaphore_mem>>) src(%dma_wait3A_33 : memref<128x128xf32, #tpu.memory_space<hbm>>) dst(%arg16 : memref<80x128xf32, #tpu.memory_space<vmem>>)
      %scan3A_34 = arith.constant 0 : i32
      %scan3A_35 = arith.constant 0 : i32
      %scan3A_36 = arith.constant 80 : i32
      %scan3A_37 = arith.addi %scan3A_35, %scan3A_36 : i32
      %scan3A_38 = arith.constant 1 : i32
      scf.for %scan3A_40 = %scan3A_35 to %scan3A_37 step %scan3A_38  : i32 {
        %get3A = arith.index_cast %scan3A_40 : i32 to index
        %get3A_41 = arith.constant 0 : index
        %get3A_42 = tpu.vector_load %arg15[%get3A, %get3A_41] {strides = array<i32>} : memref<80x128xf32, #tpu.memory_space<vmem>>, vector<1x16xf32>,
        %get3A_43 = vector.shape_cast %get3A_42 : vector<1x16xf32> to vector<16xf32>
        %get3A_44 = arith.index_cast %scan3A_40 : i32 to index
        %get3A_45 = arith.constant 0 : index
        %get3A_46 = tpu.vector_load %arg16[%get3A_44, %get3A_45] {strides = array<i32>} : memref<80x128xf32, #tpu.memory_space<vmem>>, vector<1x16xf32>,
        %get3A_47 = vector.shape_cast %get3A_46 : vector<1x16xf32> to vector<16xf32>
        %add3A_48 = arith.addf %get3A_43, %get3A_47 : vector<16xf32>
        %get3A_49 = arith.index_cast %scan3A_40 : i32 to index
        %get3A_50 = arith.constant 0 : index
        %get3A_51 = tpu.vector_load %arg14[%get3A_49, %get3A_50] {strides = array<i32>} : memref<80x128xf32, #tpu.memory_space<vmem>>, vector<1x16xf32>,
        %get3A_52 = vector.shape_cast %get3A_51 : vector<1x16xf32> to vector<16xf32>
        %mul3A_53 = arith.mulf %add3A_48, %add3A_48 : vector<16xf32>
        %mul3A_54 = arith.mulf %mul3A_53, %add3A_48 : vector<16xf32>
        %mul3A_55 = arith.constant 4.471500e-02 : f32
        %mul3A_56 = vector.broadcast %mul3A_55 : f32 to vector<16xf32>
        %mul3A_57 = arith.mulf %mul3A_56, %mul3A_54 : vector<16xf32>
        %add3A_58 = arith.addf %add3A_48, %mul3A_57 : vector<16xf32>
        %mul3A_59 = arith.constant 1.59576917 : f32
        %mul3A_60 = vector.broadcast %mul3A_59 : f32 to vector<16xf32>
        %mul3A_61 = arith.mulf %mul3A_60, %add3A_58 : vector<16xf32>
        %exp3A = math.exp %mul3A_61 : vector<16xf32>
        %add3A_62 = arith.constant 1.000000e+00 : f32
        %add3A_63 = vector.broadcast %add3A_62 : f32 to vector<16xf32>
        %add3A_64 = arith.addf %exp3A, %add3A_63 : vector<16xf32>
        %div3A = arith.constant 2.000000e+00 : f32
        %div3A_65 = vector.broadcast %div3A : f32 to vector<16xf32>
        %div3A_66 = arith.divf %div3A_65, %add3A_64 : vector<16xf32>
        %sub3A = arith.constant 1.000000e+00 : f32
        %sub3A_67 = vector.broadcast %sub3A : f32 to vector<16xf32>
        %sub3A_68 = arith.subf %sub3A_67, %div3A_66 : vector<16xf32>
        %mul3A_69 = arith.constant 5.000000e-01 : f32
        %mul3A_70 = vector.broadcast %mul3A_69 : f32 to vector<16xf32>
        %mul3A_71 = arith.mulf %mul3A_70, %add3A_48 : vector<16xf32>
        %add3A_72 = arith.constant 1.000000e+00 : f32
        %add3A_73 = vector.broadcast %add3A_72 : f32 to vector<16xf32>
        %add3A_74 = arith.addf %add3A_73, %sub3A_68 : vector<16xf32>
        %mul3A_75 = arith.mulf %mul3A_71, %add3A_74 : vector<16xf32>
        %mul3A_76 = arith.mulf %mul3A_75, %get3A_52 : vector<16xf32>
        %swap3A = arith.index_cast %scan3A_40 : i32 to index
        %swap3A_77 = arith.constant 0 : index
        %swap3A_78 = tpu.vector_load %arg17[%swap3A, %swap3A_77] {strides = array<i32>} : memref<80x128xf32, #tpu.memory_space<vmem>>, vector<1x16xf32>,
        %swap3A_79 = vector.shape_cast %swap3A_78 : vector<1x16xf32> to vector<16xf32>
        %swap3A_80 = vector.shape_cast %mul3A_76 : vector<16xf32> to vector<1x16xf32>
        tpu.vector_store %arg17[%swap3A, %swap3A_77], %swap3A_80 {strides = array<i32>} : memref<80x128xf32, #tpu.memory_space<vmem>>, vector<1x16xf32>,
        %get3A_81 = arith.index_cast %scan3A_40 : i32 to index
        %get3A_82 = arith.constant 16 : index
        %get3A_83 = tpu.vector_load %arg15[%get3A_81, %get3A_82] {strides = array<i32>} : memref<80x128xf32, #tpu.memory_space<vmem>>, vector<1x16xf32>,
        %get3A_84 = vector.shape_cast %get3A_83 : vector<1x16xf32> to vector<16xf32>
        %get3A_85 = arith.index_cast %scan3A_40 : i32 to index
        %get3A_86 = arith.constant 16 : index
        %get3A_87 = tpu.vector_load %arg16[%get3A_85, %get3A_86] {strides = array<i32>} : memref<80x128xf32, #tpu.memory_space<vmem>>, vector<1x16xf32>,
        %get3A_88 = vector.shape_cast %get3A_87 : vector<1x16xf32> to vector<16xf32>
        %add3A_89 = arith.addf %get3A_84, %get3A_88 : vector<16xf32>
        %get3A_90 = arith.index_cast %scan3A_40 : i32 to index
        %get3A_91 = arith.constant 16 : index
        %get3A_92 = tpu.vector_load %arg14[%get3A_90, %get3A_91] {strides = array<i32>} : memref<80x128xf32, #tpu.memory_space<vmem>>, vector<1x16xf32>,
        %get3A_93 = vector.shape_cast %get3A_92 : vector<1x16xf32> to vector<16xf32>
        %mul3A_94 = arith.mulf %add3A_89, %add3A_89 : vector<16xf32>
        %mul3A_95 = arith.mulf %mul3A_94, %add3A_89 : vector<16xf32>
        %mul3A_96 = arith.constant 4.471500e-02 : f32
        %mul3A_97 = vector.broadcast %mul3A_96 : f32 to vector<16xf32>
        %mul3A_98 = arith.mulf %mul3A_97, %mul3A_95 : vector<16xf32>
        %add3A_99 = arith.addf %add3A_89, %mul3A_98 : vector<16xf32>
        %mul3A_100 = arith.constant 1.59576917 : f32
        %mul3A_101 = vector.broadcast %mul3A_100 : f32 to vector<16xf32>
        %mul3A_102 = arith.mulf %mul3A_101, %add3A_99 : vector<16xf32>
        %exp3A_103 = math.exp %mul3A_102 : vector<16xf32>
        %add3A_104 = arith.constant 1.000000e+00 : f32
        %add3A_105 = vector.broadcast %add3A_104 : f32 to vector<16xf32>
        %add3A_106 = arith.addf %exp3A_103, %add3A_105 : vector<16xf32>
        %div3A_107 = arith.constant 2.000000e+00 : f32
        %div3A_108 = vector.broadcast %div3A_107 : f32 to vector<16xf32>
        %div3A_109 = arith.divf %div3A_108, %add3A_106 : vector<16xf32>
        %sub3A_110 = arith.constant 1.000000e+00 : f32
        %sub3A_111 = vector.broadcast %sub3A_110 : f32 to vector<16xf32>
        %sub3A_112 = arith.subf %sub3A_111, %div3A_109 : vector<16xf32>
        %mul3A_113 = arith.constant 5.000000e-01 : f32
        %mul3A_114 = vector.broadcast %mul3A_113 : f32 to vector<16xf32>
        %mul3A_115 = arith.mulf %mul3A_114, %add3A_89 : vector<16xf32>
        %add3A_116 = arith.constant 1.000000e+00 : f32
        %add3A_117 = vector.broadcast %add3A_116 : f32 to vector<16xf32>
        %add3A_118 = arith.addf %add3A_117, %sub3A_112 : vector<16xf32>
        %mul3A_119 = arith.mulf %mul3A_115, %add3A_118 : vector<16xf32>
        %mul3A_120 = arith.mulf %mul3A_119, %get3A_93 : vector<16xf32>
        %swap3A_121 = arith.index_cast %scan3A_40 : i32 to index
        %swap3A_122 = arith.constant 16 : index
        %swap3A_123 = tpu.vector_load %arg17[%swap3A_121, %swap3A_122] {strides = array<i32>} : memref<80x128xf32, #tpu.memory_space<vmem>>, vector<1x16xf32>,
        %swap3A_124 = vector.shape_cast %swap3A_123 : vector<1x16xf32> to vector<16xf32>
        %swap3A_125 = vector.shape_cast %mul3A_120 : vector<16xf32> to vector<1x16xf32>
        tpu.vector_store %arg17[%swap3A_121, %swap3A_122], %swap3A_125 {strides = array<i32>} : memref<80x128xf32, #tpu.memory_space<vmem>>, vector<1x16xf32>,
        %get3A_126 = arith.index_cast %scan3A_40 : i32 to index
        %get3A_127 = arith.constant 32 : index
        %get3A_128 = tpu.vector_load %arg15[%get3A_126, %get3A_127] {strides = array<i32>} : memref<80x128xf32, #tpu.memory_space<vmem>>, vector<1x16xf32>,
        %get3A_129 = vector.shape_cast %get3A_128 : vector<1x16xf32> to vector<16xf32>
        %get3A_130 = arith.index_cast %scan3A_40 : i32 to index
        %get3A_131 = arith.constant 32 : index
        %get3A_132 = tpu.vector_load %arg16[%get3A_130, %get3A_131] {strides = array<i32>} : memref<80x128xf32, #tpu.memory_space<vmem>>, vector<1x16xf32>,
        %get3A_133 = vector.shape_cast %get3A_132 : vector<1x16xf32> to vector<16xf32>
        %add3A_134 = arith.addf %get3A_129, %get3A_133 : vector<16xf32>
        %get3A_135 = arith.index_cast %scan3A_40 : i32 to index
        %get3A_136 = arith.constant 32 : index
        %get3A_137 = tpu.vector_load %arg14[%get3A_135, %get3A_136] {strides = array<i32>} : memref<80x128xf32, #tpu.memory_space<vmem>>, vector<1x16xf32>,
        %get3A_138 = vector.shape_cast %get3A_137 : vector<1x16xf32> to vector<16xf32>
        %mul3A_139 = arith.mulf %add3A_134, %add3A_134 : vector<16xf32>
        %mul3A_140 = arith.mulf %mul3A_139, %add3A_134 : vector<16xf32>
        %mul3A_141 = arith.constant 4.471500e-02 : f32
        %mul3A_142 = vector.broadcast %mul3A_141 : f32 to vector<16xf32>
        %mul3A_143 = arith.mulf %mul3A_142, %mul3A_140 : vector<16xf32>
        %add3A_144 = arith.addf %add3A_134, %mul3A_143 : vector<16xf32>
        %mul3A_145 = arith.constant 1.59576917 : f32
        %mul3A_146 = vector.broadcast %mul3A_145 : f32 to vector<16xf32>
        %mul3A_147 = arith.mulf %mul3A_146, %add3A_144 : vector<16xf32>
        %exp3A_148 = math.exp %mul3A_147 : vector<16xf32>
        %add3A_149 = arith.constant 1.000000e+00 : f32
        %add3A_150 = vector.broadcast %add3A_149 : f32 to vector<16xf32>
        %add3A_151 = arith.addf %exp3A_148, %add3A_150 : vector<16xf32>
        %div3A_152 = arith.constant 2.000000e+00 : f32
        %div3A_153 = vector.broadcast %div3A_152 : f32 to vector<16xf32>
        %div3A_154 = arith.divf %div3A_153, %add3A_151 : vector<16xf32>
        %sub3A_155 = arith.constant 1.000000e+00 : f32
        %sub3A_156 = vector.broadcast %sub3A_155 : f32 to vector<16xf32>
        %sub3A_157 = arith.subf %sub3A_156, %div3A_154 : vector<16xf32>
        %mul3A_158 = arith.constant 5.000000e-01 : f32
        %mul3A_159 = vector.broadcast %mul3A_158 : f32 to vector<16xf32>
        %mul3A_160 = arith.mulf %mul3A_159, %add3A_134 : vector<16xf32>
        %add3A_161 = arith.constant 1.000000e+00 : f32
        %add3A_162 = vector.broadcast %add3A_161 : f32 to vector<16xf32>
        %add3A_163 = arith.addf %add3A_162, %sub3A_157 : vector<16xf32>
        %mul3A_164 = arith.mulf %mul3A_160, %add3A_163 : vector<16xf32>
        %mul3A_165 = arith.mulf %mul3A_164, %get3A_138 : vector<16xf32>
        %swap3A_166 = arith.index_cast %scan3A_40 : i32 to index
        %swap3A_167 = arith.constant 32 : index
        %swap3A_168 = tpu.vector_load %arg17[%swap3A_166, %swap3A_167] {strides = array<i32>} : memref<80x128xf32, #tpu.memory_space<vmem>>, vector<1x16xf32>,
        %swap3A_169 = vector.shape_cast %swap3A_168 : vector<1x16xf32> to vector<16xf32>
        %swap3A_170 = vector.shape_cast %mul3A_165 : vector<16xf32> to vector<1x16xf32>
        tpu.vector_store %arg17[%swap3A_166, %swap3A_167], %swap3A_170 {strides = array<i32>} : memref<80x128xf32, #tpu.memory_space<vmem>>, vector<1x16xf32>,
        %get3A_171 = arith.index_cast %scan3A_40 : i32 to index
        %get3A_172 = arith.constant 48 : index
        %get3A_173 = tpu.vector_load %arg15[%get3A_171, %get3A_172] {strides = array<i32>} : memref<80x128xf32, #tpu.memory_space<vmem>>, vector<1x16xf32>,
        %get3A_174 = vector.shape_cast %get3A_173 : vector<1x16xf32> to vector<16xf32>
        %get3A_175 = arith.index_cast %scan3A_40 : i32 to index
        %get3A_176 = arith.constant 48 : index
        %get3A_177 = tpu.vector_load %arg16[%get3A_175, %get3A_176] {strides = array<i32>} : memref<80x128xf32, #tpu.memory_space<vmem>>, vector<1x16xf32>,
        %get3A_178 = vector.shape_cast %get3A_177 : vector<1x16xf32> to vector<16xf32>
        %add3A_179 = arith.addf %get3A_174, %get3A_178 : vector<16xf32>
        %get3A_180 = arith.index_cast %scan3A_40 : i32 to index
        %get3A_181 = arith.constant 48 : index
        %get3A_182 = tpu.vector_load %arg14[%get3A_180, %get3A_181] {strides = array<i32>} : memref<80x128xf32, #tpu.memory_space<vmem>>, vector<1x16xf32>,
        %get3A_183 = vector.shape_cast %get3A_182 : vector<1x16xf32> to vector<16xf32>
        %mul3A_184 = arith.mulf %add3A_179, %add3A_179 : vector<16xf32>
        %mul3A_185 = arith.mulf %mul3A_184, %add3A_179 : vector<16xf32>
        %mul3A_186 = arith.constant 4.471500e-02 : f32
        %mul3A_187 = vector.broadcast %mul3A_186 : f32 to vector<16xf32>
        %mul3A_188 = arith.mulf %mul3A_187, %mul3A_185 : vector<16xf32>
        %add3A_189 = arith.addf %add3A_179, %mul3A_188 : vector<16xf32>
        %mul3A_190 = arith.constant 1.59576917 : f32
        %mul3A_191 = vector.broadcast %mul3A_190 : f32 to vector<16xf32>
        %mul3A_192 = arith.mulf %mul3A_191, %add3A_189 : vector<16xf32>
        %exp3A_193 = math.exp %mul3A_192 : vector<16xf32>
        %add3A_194 = arith.constant 1.000000e+00 : f32
        %add3A_195 = vector.broadcast %add3A_194 : f32 to vector<16xf32>
        %add3A_196 = arith.addf %exp3A_193, %add3A_195 : vector<16xf32>
        %div3A_197 = arith.constant 2.000000e+00 : f32
        %div3A_198 = vector.broadcast %div3A_197 : f32 to vector<16xf32>
        %div3A_199 = arith.divf %div3A_198, %add3A_196 : vector<16xf32>
        %sub3A_200 = arith.constant 1.000000e+00 : f32
        %sub3A_201 = vector.broadcast %sub3A_200 : f32 to vector<16xf32>
        %sub3A_202 = arith.subf %sub3A_201, %div3A_199 : vector<16xf32>
        %mul3A_203 = arith.constant 5.000000e-01 : f32
        %mul3A_204 = vector.broadcast %mul3A_203 : f32 to vector<16xf32>
        %mul3A_205 = arith.mulf %mul3A_204, %add3A_179 : vector<16xf32>
        %add3A_206 = arith.constant 1.000000e+00 : f32
        %add3A_207 = vector.broadcast %add3A_206 : f32 to vector<16xf32>
        %add3A_208 = arith.addf %add3A_207, %sub3A_202 : vector<16xf32>
        %mul3A_209 = arith.mulf %mul3A_205, %add3A_208 : vector<16xf32>
        %mul3A_210 = arith.mulf %mul3A_209, %get3A_183 : vector<16xf32>
        %swap3A_211 = arith.index_cast %scan3A_40 : i32 to index
        %swap3A_212 = arith.constant 48 : index
        %swap3A_213 = tpu.vector_load %arg17[%swap3A_211, %swap3A_212] {strides = array<i32>} : memref<80x128xf32, #tpu.memory_space<vmem>>, vector<1x16xf32>,
        %swap3A_214 = vector.shape_cast %swap3A_213 : vector<1x16xf32> to vector<16xf32>
        %swap3A_215 = vector.shape_cast %mul3A_210 : vector<16xf32> to vector<1x16xf32>
        tpu.vector_store %arg17[%swap3A_211, %swap3A_212], %swap3A_215 {strides = array<i32>} : memref<80x128xf32, #tpu.memory_space<vmem>>, vector<1x16xf32>,
        %get3A_216 = arith.index_cast %scan3A_40 : i32 to index
        %get3A_217 = arith.constant 64 : index
        %get3A_218 = tpu.vector_load %arg15[%get3A_216, %get3A_217] {strides = array<i32>} : memref<80x128xf32, #tpu.memory_space<vmem>>, vector<1x16xf32>,
        %get3A_219 = vector.shape_cast %get3A_218 : vector<1x16xf32> to vector<16xf32>
        %get3A_220 = arith.index_cast %scan3A_40 : i32 to index
        %get3A_221 = arith.constant 64 : index
        %get3A_222 = tpu.vector_load %arg16[%get3A_220, %get3A_221] {strides = array<i32>} : memref<80x128xf32, #tpu.memory_space<vmem>>, vector<1x16xf32>,
        %get3A_223 = vector.shape_cast %get3A_222 : vector<1x16xf32> to vector<16xf32>
        %add3A_224 = arith.addf %get3A_219, %get3A_223 : vector<16xf32>
        %get3A_225 = arith.index_cast %scan3A_40 : i32 to index
        %get3A_226 = arith.constant 64 : index
        %get3A_227 = tpu.vector_load %arg14[%get3A_225, %get3A_226] {strides = array<i32>} : memref<80x128xf32, #tpu.memory_space<vmem>>, vector<1x16xf32>,
        %get3A_228 = vector.shape_cast %get3A_227 : vector<1x16xf32> to vector<16xf32>
        %mul3A_229 = arith.mulf %add3A_224, %add3A_224 : vector<16xf32>
        %mul3A_230 = arith.mulf %mul3A_229, %add3A_224 : vector<16xf32>
        %mul3A_231 = arith.constant 4.471500e-02 : f32
        %mul3A_232 = vector.broadcast %mul3A_231 : f32 to vector<16xf32>
        %mul3A_233 = arith.mulf %mul3A_232, %mul3A_230 : vector<16xf32>
        %add3A_234 = arith.addf %add3A_224, %mul3A_233 : vector<16xf32>
        %mul3A_235 = arith.constant 1.59576917 : f32
        %mul3A_236 = vector.broadcast %mul3A_235 : f32 to vector<16xf32>
        %mul3A_237 = arith.mulf %mul3A_236, %add3A_234 : vector<16xf32>
        %exp3A_238 = math.exp %mul3A_237 : vector<16xf32>
        %add3A_239 = arith.constant 1.000000e+00 : f32
        %add3A_240 = vector.broadcast %add3A_239 : f32 to vector<16xf32>
        %add3A_241 = arith.addf %exp3A_238, %add3A_240 : vector<16xf32>
        %div3A_242 = arith.constant 2.000000e+00 : f32
        %div3A_243 = vector.broadcast %div3A_242 : f32 to vector<16xf32>
        %div3A_244 = arith.divf %div3A_243, %add3A_241 : vector<16xf32>
        %sub3A_245 = arith.constant 1.000000e+00 : f32
        %sub3A_246 = vector.broadcast %sub3A_245 : f32 to vector<16xf32>
        %sub3A_247 = arith.subf %sub3A_246, %div3A_244 : vector<16xf32>
        %mul3A_248 = arith.constant 5.000000e-01 : f32
        %mul3A_249 = vector.broadcast %mul3A_248 : f32 to vector<16xf32>
        %mul3A_250 = arith.mulf %mul3A_249, %add3A_224 : vector<16xf32>
        %add3A_251 = arith.constant 1.000000e+00 : f32
        %add3A_252 = vector.broadcast %add3A_251 : f32 to vector<16xf32>
        %add3A_253 = arith.addf %add3A_252, %sub3A_247 : vector<16xf32>
        %mul3A_254 = arith.mulf %mul3A_250, %add3A_253 : vector<16xf32>
        %mul3A_255 = arith.mulf %mul3A_254, %get3A_228 : vector<16xf32>
        %swap3A_256 = arith.index_cast %scan3A_40 : i32 to index
        %swap3A_257 = arith.constant 64 : index
        %swap3A_258 = tpu.vector_load %arg17[%swap3A_256, %swap3A_257] {strides = array<i32>} : memref<80x128xf32, #tpu.memory_space<vmem>>, vector<1x16xf32>,
        %swap3A_259 = vector.shape_cast %swap3A_258 : vector<1x16xf32> to vector<16xf32>
        %swap3A_260 = vector.shape_cast %mul3A_255 : vector<16xf32> to vector<1x16xf32>
        tpu.vector_store %arg17[%swap3A_256, %swap3A_257], %swap3A_260 {strides = array<i32>} : memref<80x128xf32, #tpu.memory_space<vmem>>, vector<1x16xf32>,
        %get3A_261 = arith.index_cast %scan3A_40 : i32 to index
        %get3A_262 = arith.constant 80 : index
        %get3A_263 = tpu.vector_load %arg15[%get3A_261, %get3A_262] {strides = array<i32>} : memref<80x128xf32, #tpu.memory_space<vmem>>, vector<1x16xf32>,
        %get3A_264 = vector.shape_cast %get3A_263 : vector<1x16xf32> to vector<16xf32>
        %get3A_265 = arith.index_cast %scan3A_40 : i32 to index
        %get3A_266 = arith.constant 80 : index
        %get3A_267 = tpu.vector_load %arg16[%get3A_265, %get3A_266] {strides = array<i32>} : memref<80x128xf32, #tpu.memory_space<vmem>>, vector<1x16xf32>,
        %get3A_268 = vector.shape_cast %get3A_267 : vector<1x16xf32> to vector<16xf32>
        %add3A_269 = arith.addf %get3A_264, %get3A_268 : vector<16xf32>
        %get3A_270 = arith.index_cast %scan3A_40 : i32 to index
        %get3A_271 = arith.constant 80 : index
        %get3A_272 = tpu.vector_load %arg14[%get3A_270, %get3A_271] {strides = array<i32>} : memref<80x128xf32, #tpu.memory_space<vmem>>, vector<1x16xf32>,
        %get3A_273 = vector.shape_cast %get3A_272 : vector<1x16xf32> to vector<16xf32>
        %mul3A_274 = arith.mulf %add3A_269, %add3A_269 : vector<16xf32>
        %mul3A_275 = arith.mulf %mul3A_274, %add3A_269 : vector<16xf32>
        %mul3A_276 = arith.constant 4.471500e-02 : f32
        %mul3A_277 = vector.broadcast %mul3A_276 : f32 to vector<16xf32>
        %mul3A_278 = arith.mulf %mul3A_277, %mul3A_275 : vector<16xf32>
        %add3A_279 = arith.addf %add3A_269, %mul3A_278 : vector<16xf32>
        %mul3A_280 = arith.constant 1.59576917 : f32
        %mul3A_281 = vector.broadcast %mul3A_280 : f32 to vector<16xf32>
        %mul3A_282 = arith.mulf %mul3A_281, %add3A_279 : vector<16xf32>
        %exp3A_283 = math.exp %mul3A_282 : vector<16xf32>
        %add3A_284 = arith.constant 1.000000e+00 : f32
        %add3A_285 = vector.broadcast %add3A_284 : f32 to vector<16xf32>
        %add3A_286 = arith.addf %exp3A_283, %add3A_285 : vector<16xf32>
        %div3A_287 = arith.constant 2.000000e+00 : f32
        %div3A_288 = vector.broadcast %div3A_287 : f32 to vector<16xf32>
        %div3A_289 = arith.divf %div3A_288, %add3A_286 : vector<16xf32>
        %sub3A_290 = arith.constant 1.000000e+00 : f32
        %sub3A_291 = vector.broadcast %sub3A_290 : f32 to vector<16xf32>
        %sub3A_292 = arith.subf %sub3A_291, %div3A_289 : vector<16xf32>
        %mul3A_293 = arith.constant 5.000000e-01 : f32
        %mul3A_294 = vector.broadcast %mul3A_293 : f32 to vector<16xf32>
        %mul3A_295 = arith.mulf %mul3A_294, %add3A_269 : vector<16xf32>
        %add3A_296 = arith.constant 1.000000e+00 : f32
        %add3A_297 = vector.broadcast %add3A_296 : f32 to vector<16xf32>
        %add3A_298 = arith.addf %add3A_297, %sub3A_292 : vector<16xf32>
        %mul3A_299 = arith.mulf %mul3A_295, %add3A_298 : vector<16xf32>
        %mul3A_300 = arith.mulf %mul3A_299, %get3A_273 : vector<16xf32>
        %swap3A_301 = arith.index_cast %scan3A_40 : i32 to index
        %swap3A_302 = arith.constant 80 : index
        %swap3A_303 = tpu.vector_load %arg17[%swap3A_301, %swap3A_302] {strides = array<i32>} : memref<80x128xf32, #tpu.memory_space<vmem>>, vector<1x16xf32>,
        %swap3A_304 = vector.shape_cast %swap3A_303 : vector<1x16xf32> to vector<16xf32>
        %swap3A_305 = vector.shape_cast %mul3A_300 : vector<16xf32> to vector<1x16xf32>
        tpu.vector_store %arg17[%swap3A_301, %swap3A_302], %swap3A_305 {strides = array<i32>} : memref<80x128xf32, #tpu.memory_space<vmem>>, vector<1x16xf32>,
        %get3A_306 = arith.index_cast %scan3A_40 : i32 to index
        %get3A_307 = arith.constant 96 : index
        %get3A_308 = tpu.vector_load %arg15[%get3A_306, %get3A_307] {strides = array<i32>} : memref<80x128xf32, #tpu.memory_space<vmem>>, vector<1x16xf32>,
        %get3A_309 = vector.shape_cast %get3A_308 : vector<1x16xf32> to vector<16xf32>
        %get3A_310 = arith.index_cast %scan3A_40 : i32 to index
        %get3A_311 = arith.constant 96 : index
        %get3A_312 = tpu.vector_load %arg16[%get3A_310, %get3A_311] {strides = array<i32>} : memref<80x128xf32, #tpu.memory_space<vmem>>, vector<1x16xf32>,
        %get3A_313 = vector.shape_cast %get3A_312 : vector<1x16xf32> to vector<16xf32>
        %add3A_314 = arith.addf %get3A_309, %get3A_313 : vector<16xf32>
        %get3A_315 = arith.index_cast %scan3A_40 : i32 to index
        %get3A_316 = arith.constant 96 : index
        %get3A_317 = tpu.vector_load %arg14[%get3A_315, %get3A_316] {strides = array<i32>} : memref<80x128xf32, #tpu.memory_space<vmem>>, vector<1x16xf32>,
        %get3A_318 = vector.shape_cast %get3A_317 : vector<1x16xf32> to vector<16xf32>
        %mul3A_319 = arith.mulf %add3A_314, %add3A_314 : vector<16xf32>
        %mul3A_320 = arith.mulf %mul3A_319, %add3A_314 : vector<16xf32>
        %mul3A_321 = arith.constant 4.471500e-02 : f32
        %mul3A_322 = vector.broadcast %mul3A_321 : f32 to vector<16xf32>
        %mul3A_323 = arith.mulf %mul3A_322, %mul3A_320 : vector<16xf32>
        %add3A_324 = arith.addf %add3A_314, %mul3A_323 : vector<16xf32>
        %mul3A_325 = arith.constant 1.59576917 : f32
        %mul3A_326 = vector.broadcast %mul3A_325 : f32 to vector<16xf32>
        %mul3A_327 = arith.mulf %mul3A_326, %add3A_324 : vector<16xf32>
        %exp3A_328 = math.exp %mul3A_327 : vector<16xf32>
        %add3A_329 = arith.constant 1.000000e+00 : f32
        %add3A_330 = vector.broadcast %add3A_329 : f32 to vector<16xf32>
        %add3A_331 = arith.addf %exp3A_328, %add3A_330 : vector<16xf32>
        %div3A_332 = arith.constant 2.000000e+00 : f32
        %div3A_333 = vector.broadcast %div3A_332 : f32 to vector<16xf32>
        %div3A_334 = arith.divf %div3A_333, %add3A_331 : vector<16xf32>
        %sub3A_335 = arith.constant 1.000000e+00 : f32
        %sub3A_336 = vector.broadcast %sub3A_335 : f32 to vector<16xf32>
        %sub3A_337 = arith.subf %sub3A_336, %div3A_334 : vector<16xf32>
        %mul3A_338 = arith.constant 5.000000e-01 : f32
        %mul3A_339 = vector.broadcast %mul3A_338 : f32 to vector<16xf32>
        %mul3A_340 = arith.mulf %mul3A_339, %add3A_314 : vector<16xf32>
        %add3A_341 = arith.constant 1.000000e+00 : f32
        %add3A_342 = vector.broadcast %add3A_341 : f32 to vector<16xf32>
        %add3A_343 = arith.addf %add3A_342, %sub3A_337 : vector<16xf32>
        %mul3A_344 = arith.mulf %mul3A_340, %add3A_343 : vector<16xf32>
        %mul3A_345 = arith.mulf %mul3A_344, %get3A_318 : vector<16xf32>
        %swap3A_346 = arith.index_cast %scan3A_40 : i32 to index
        %swap3A_347 = arith.constant 96 : index
        %swap3A_348 = tpu.vector_load %arg17[%swap3A_346, %swap3A_347] {strides = array<i32>} : memref<80x128xf32, #tpu.memory_space<vmem>>, vector<1x16xf32>,
        %swap3A_349 = vector.shape_cast %swap3A_348 : vector<1x16xf32> to vector<16xf32>
        %swap3A_350 = vector.shape_cast %mul3A_345 : vector<16xf32> to vector<1x16xf32>
        tpu.vector_store %arg17[%swap3A_346, %swap3A_347], %swap3A_350 {strides = array<i32>} : memref<80x128xf32, #tpu.memory_space<vmem>>, vector<1x16xf32>,
        %get3A_351 = arith.index_cast %scan3A_40 : i32 to index
        %get3A_352 = arith.constant 112 : index
        %get3A_353 = tpu.vector_load %arg15[%get3A_351, %get3A_352] {strides = array<i32>} : memref<80x128xf32, #tpu.memory_space<vmem>>, vector<1x16xf32>,
        %get3A_354 = vector.shape_cast %get3A_353 : vector<1x16xf32> to vector<16xf32>
        %get3A_355 = arith.index_cast %scan3A_40 : i32 to index
        %get3A_356 = arith.constant 112 : index
        %get3A_357 = tpu.vector_load %arg16[%get3A_355, %get3A_356] {strides = array<i32>} : memref<80x128xf32, #tpu.memory_space<vmem>>, vector<1x16xf32>,
        %get3A_358 = vector.shape_cast %get3A_357 : vector<1x16xf32> to vector<16xf32>
        %add3A_359 = arith.addf %get3A_354, %get3A_358 : vector<16xf32>
        %get3A_360 = arith.index_cast %scan3A_40 : i32 to index
        %get3A_361 = arith.constant 112 : index
        %get3A_362 = tpu.vector_load %arg14[%get3A_360, %get3A_361] {strides = array<i32>} : memref<80x128xf32, #tpu.memory_space<vmem>>, vector<1x16xf32>,
        %get3A_363 = vector.shape_cast %get3A_362 : vector<1x16xf32> to vector<16xf32>
        %mul3A_364 = arith.mulf %add3A_359, %add3A_359 : vector<16xf32>
        %mul3A_365 = arith.mulf %mul3A_364, %add3A_359 : vector<16xf32>
        %mul3A_366 = arith.constant 4.471500e-02 : f32
        %mul3A_367 = vector.broadcast %mul3A_366 : f32 to vector<16xf32>
        %mul3A_368 = arith.mulf %mul3A_367, %mul3A_365 : vector<16xf32>
        %add3A_369 = arith.addf %add3A_359, %mul3A_368 : vector<16xf32>
        %mul3A_370 = arith.constant 1.59576917 : f32
        %mul3A_371 = vector.broadcast %mul3A_370 : f32 to vector<16xf32>
        %mul3A_372 = arith.mulf %mul3A_371, %add3A_369 : vector<16xf32>
        %exp3A_373 = math.exp %mul3A_372 : vector<16xf32>
        %add3A_374 = arith.constant 1.000000e+00 : f32
        %add3A_375 = vector.broadcast %add3A_374 : f32 to vector<16xf32>
        %add3A_376 = arith.addf %exp3A_373, %add3A_375 : vector<16xf32>
        %div3A_377 = arith.constant 2.000000e+00 : f32
        %div3A_378 = vector.broadcast %div3A_377 : f32 to vector<16xf32>
        %div3A_379 = arith.divf %div3A_378, %add3A_376 : vector<16xf32>
        %sub3A_380 = arith.constant 1.000000e+00 : f32
        %sub3A_381 = vector.broadcast %sub3A_380 : f32 to vector<16xf32>
        %sub3A_382 = arith.subf %sub3A_381, %div3A_379 : vector<16xf32>
        %mul3A_383 = arith.constant 5.000000e-01 : f32
        %mul3A_384 = vector.broadcast %mul3A_383 : f32 to vector<16xf32>
        %mul3A_385 = arith.mulf %mul3A_384, %add3A_359 : vector<16xf32>
        %add3A_386 = arith.constant 1.000000e+00 : f32
        %add3A_387 = vector.broadcast %add3A_386 : f32 to vector<16xf32>
        %add3A_388 = arith.addf %add3A_387, %sub3A_382 : vector<16xf32>
        %mul3A_389 = arith.mulf %mul3A_385, %add3A_388 : vector<16xf32>
        %mul3A_390 = arith.mulf %mul3A_389, %get3A_363 : vector<16xf32>
        %swap3A_391 = arith.index_cast %scan3A_40 : i32 to index
        %swap3A_392 = arith.constant 112 : index
        %swap3A_393 = tpu.vector_load %arg17[%swap3A_391, %swap3A_392] {strides = array<i32>} : memref<80x128xf32, #tpu.memory_space<vmem>>, vector<1x16xf32>,
        %swap3A_394 = vector.shape_cast %swap3A_393 : vector<1x16xf32> to vector<16xf32>
        %swap3A_395 = vector.shape_cast %mul3A_390 : vector<16xf32> to vector<1x16xf32>
        tpu.vector_store %arg17[%swap3A_391, %swap3A_392], %swap3A_395 {strides = array<i32>} : memref<80x128xf32, #tpu.memory_space<vmem>>, vector<1x16xf32>,
      }
      %scan3A_39 = arith.constant 80 : i32
      "tpu.region"() ({
        %run_scoped3A = tpu.sem_alloc : memref<!tpu.dma_semaphore, #tpu.memory_space<semaphore_mem>>
        %dma_start3A_40 = arith.constant 0 : i32
        %dma_start3A_41 = arith.constant 0 : i32
        %dma_start3A_42 = tpu.memref_slice %arg10[%dma_start3A_40, %dma_start3A_41] : memref<10112x128xf32, #tpu.memory_space<vmem_shared>> -> memref<10112x128xf32, #tpu.memory_space<vmem_shared>>
        tpu.enqueue_indirect_dma source(%arg17 : memref<80x128xf32, #tpu.memory_space<vmem>>) target(%dma_start3A_42 : memref<10112x128xf32, #tpu.memory_space<vmem_shared>>) offsets(%arg13 : memref<80xi32, #tpu.memory_space<vmem>>) semaphore(%run_scoped3A : memref<!tpu.dma_semaphore, #tpu.memory_space<semaphore_mem>>) {add = true}
        %dma_wait3A_43 = arith.constant 0 : i32
        %dma_wait3A_44 = arith.constant 0 : i32
        %dma_wait3A_45 = tpu.memref_slice %arg10[%dma_wait3A_43, %dma_wait3A_44] : memref<10112x128xf32, #tpu.memory_space<vmem_shared>> -> memref<10112x128xf32, #tpu.memory_space<vmem_shared>>
        tpu.wait_indirect_dma semaphore(%run_scoped3A : memref<!tpu.dma_semaphore, #tpu.memory_space<semaphore_mem>>) src(%arg17 : memref<80x128xf32, #tpu.memory_space<vmem>>) dst(%dma_wait3A_45 : memref<10112x128xf32, #tpu.memory_space<vmem_shared>>)
        tpu.yield
      }) : () -> ()
    }
    %scan3A_11 = arith.constant 125 : i32
    %barrier3A_12 = arith.constant 0 : index
    tpu.barrier barrier_id(%barrier3A_12)
    %mul3A_13 = arith.constant 632 : i32
    %mul3A_14 = arith.muli %arg1, %mul3A_13 : i32
    %mul3A_15 = arith.constant 10112 : i32
    %mul3A_16 = arith.muli %arg0, %mul3A_15 : i32
    %mul3A_17 = arith.constant 632 : i32
    %mul3A_18 = arith.muli %arg1, %mul3A_17 : i32
    %add3A_19 = arith.addi %mul3A_16, %mul3A_18 : i32
    "tpu.region"() ({
      %run_scoped3A = tpu.sem_alloc : memref<!tpu.dma_semaphore, #tpu.memory_space<semaphore_mem>>
      %dma_start3A = arith.constant 0 : i32
      %dma_start3A_20 = tpu.memref_slice %arg9[%add3A_19, %dma_start3A] : memref<20224x128xf32, #tpu.memory_space<hbm>> -> memref<632x128xf32, #tpu.memory_space<hbm>>
      %dma_start3A_21 = arith.constant 0 : i32
      %dma_start3A_22 = tpu.memref_slice %arg10[%mul3A_14, %dma_start3A_21] : memref<10112x128xf32, #tpu.memory_space<vmem_shared>> -> memref<632x128xf32, #tpu.memory_space<vmem_shared>>
      tpu.enqueue_dma source(%dma_start3A_22 : memref<632x128xf32, #tpu.memory_space<vmem_shared>>) target(%dma_start3A_20 : memref<632x128xf32, #tpu.memory_space<hbm>>) target_semaphore(%run_scoped3A : memref<!tpu.dma_semaphore, #tpu.memory_space<semaphore_mem>>)
      %dma_wait3A = arith.constant 0 : i32
      %dma_wait3A_23 = tpu.memref_slice %arg9[%add3A_19, %dma_wait3A] : memref<20224x128xf32, #tpu.memory_space<hbm>> -> memref<632x128xf32, #tpu.memory_space<hbm>>
      %dma_wait3A_24 = arith.constant 0 : i32
      %dma_wait3A_25 = tpu.memref_slice %arg10[%mul3A_14, %dma_wait3A_24] : memref<10112x128xf32, #tpu.memory_space<vmem_shared>> -> memref<632x128xf32, #tpu.memory_space<vmem_shared>>
      tpu.wait_dma2 semaphore(%run_scoped3A : memref<!tpu.dma_semaphore, #tpu.memory_space<semaphore_mem>>) src(%dma_wait3A_25 : memref<632x128xf32, #tpu.memory_space<vmem_shared>>) dst(%dma_wait3A_23 : memref<632x128xf32, #tpu.memory_space<hbm>>)
      tpu.yield
    }) : () -> ()
    return
  }
}

#map = affine_map<(d0, d1) -> (0, 0)>
#map1 = affine_map<(d0, d1) -> (0)>
module attributes {stable_mosaic.version = 14 : i64} {
  func.func @_sc_edge_body(%arg0: i32, %arg1: i32, %arg2: memref<10000x128xf32, #tpu.memory_space<hbm>>, %arg3: memref<128x128xf32, #tpu.memory_space<hbm>>, %arg4: memref<320000x128xf32, #tpu.memory_space<hbm>>, %arg5: memref<320000xi32, #tpu.memory_space<hbm>>, %arg6: memref<320000xi32, #tpu.memory_space<hbm>>, %arg7: memref<320000xi32, #tpu.memory_space<hbm>>, %arg8: memref<10112x128xf32, #tpu.memory_space<hbm>>, %arg9: memref<20224x128xf32, #tpu.memory_space<hbm>>, %arg10: memref<10112x128xf32, #tpu.memory_space<vmem_shared>>, %arg11: memref<80xi32, #tpu.memory_space<vmem>>, %arg12: memref<80xi32, #tpu.memory_space<vmem>>, %arg13: memref<80xi32, #tpu.memory_space<vmem>>, %arg14: memref<80x128xf32, #tpu.memory_space<vmem>>, %arg15: memref<80x128xf32, #tpu.memory_space<vmem>>, %arg16: memref<80x128xf32, #tpu.memory_space<vmem>>, %arg17: memref<80x128xf32, #tpu.memory_space<vmem>>, %arg18: memref<!tpu.dma_semaphore, #tpu.memory_space<semaphore_mem>>, %arg19: memref<!tpu.dma_semaphore, #tpu.memory_space<semaphore_mem>>) attributes {dimension_semantics = [#tpu.dimension_semantics<core_parallel>, #tpu.dimension_semantics<subcore_parallel>], iteration_bounds = array<i64: 2, 16>, scalar_prefetch = 0 : i64, scratch_operands = 10 : i64, tpu.core_type = #tpu.core_type<sc_vector_subcore>, window_params = [{transform_indices = #map}, {transform_indices = #map}, {transform_indices = #map}, {transform_indices = #map1}, {transform_indices = #map1}, {transform_indices = #map1}, {transform_indices = #map}, {transform_indices = #map}]} {
    %mul3A = arith.constant 632 : i32
    %mul3A_0 = arith.muli %arg1, %mul3A : i32
    %mul3A_1 = arith.constant 632 : i32
    %mul3A_2 = arith.muli %arg1, %mul3A_1 : i32
    "tpu.region"() ({
      %run_scoped3A = tpu.sem_alloc : memref<!tpu.dma_semaphore, #tpu.memory_space<semaphore_mem>>
      %dma_start3A = arith.constant 0 : i32
      %dma_start3A_20 = tpu.memref_slice %arg10[%mul3A_2, %dma_start3A] : memref<10112x128xf32, #tpu.memory_space<vmem_shared>> -> memref<632x128xf32, #tpu.memory_space<vmem_shared>>
      %dma_start3A_21 = arith.constant 0 : i32
      %dma_start3A_22 = tpu.memref_slice %arg8[%mul3A_0, %dma_start3A_21] : memref<10112x128xf32, #tpu.memory_space<hbm>> -> memref<632x128xf32, #tpu.memory_space<hbm>>
      tpu.enqueue_dma source(%dma_start3A_22 : memref<632x128xf32, #tpu.memory_space<hbm>>) target(%dma_start3A_20 : memref<632x128xf32, #tpu.memory_space<vmem_shared>>) target_semaphore(%run_scoped3A : memref<!tpu.dma_semaphore, #tpu.memory_space<semaphore_mem>>)
      %dma_wait3A = arith.constant 0 : i32
      %dma_wait3A_23 = tpu.memref_slice %arg10[%mul3A_2, %dma_wait3A] : memref<10112x128xf32, #tpu.memory_space<vmem_shared>> -> memref<632x128xf32, #tpu.memory_space<vmem_shared>>
      %dma_wait3A_24 = arith.constant 0 : i32
      %dma_wait3A_25 = tpu.memref_slice %arg8[%mul3A_0, %dma_wait3A_24] : memref<10112x128xf32, #tpu.memory_space<hbm>> -> memref<632x128xf32, #tpu.memory_space<hbm>>
      tpu.wait_dma2 semaphore(%run_scoped3A : memref<!tpu.dma_semaphore, #tpu.memory_space<semaphore_mem>>) src(%dma_wait3A_25 : memref<632x128xf32, #tpu.memory_space<hbm>>) dst(%dma_wait3A_23 : memref<632x128xf32, #tpu.memory_space<vmem_shared>>)
      tpu.yield
    }) : () -> ()
    %barrier3A = arith.constant 0 : index
    tpu.barrier barrier_id(%barrier3A)
    %mul3A_3 = arith.constant 16 : i32
    %mul3A_4 = arith.muli %arg0, %mul3A_3 : i32
    %add3A = arith.addi %mul3A_4, %arg1 : i32
    %mul3A_5 = arith.constant 10000 : i32
    %mul3A_6 = arith.muli %add3A, %mul3A_5 : i32
    %scan3A = arith.constant 0 : i32
    %scan3A_7 = arith.constant 0 : i32
    %scan3A_8 = arith.constant 125 : i32
    %scan3A_9 = arith.addi %scan3A_7, %scan3A_8 : i32
    %scan3A_10 = arith.constant 1 : i32
    scf.for %scan3A_20 = %scan3A_7 to %scan3A_9 step %scan3A_10  : i32 {
      %mul3A_21 = arith.constant 80 : i32
      %mul3A_22 = arith.muli %scan3A_20, %mul3A_21 : i32
      %add3A_23 = arith.addi %mul3A_6, %mul3A_22 : i32
      "tpu.region"() ({
        %run_scoped3A = tpu.sem_alloc : memref<!tpu.dma_semaphore, #tpu.memory_space<semaphore_mem>>
        %dma_start3A_40 = tpu.memref_slice %arg5[%add3A_23] : memref<320000xi32, #tpu.memory_space<hbm>> -> memref<80xi32, #tpu.memory_space<hbm>>
        %dma_start3A_41 = tpu.memref_slice %arg5[%add3A_23] : memref<320000xi32, #tpu.memory_space<hbm>> -> memref<80xi32, #tpu.memory_space<hbm>>
        tpu.enqueue_dma source(%dma_start3A_41 : memref<80xi32, #tpu.memory_space<hbm>>) target(%arg11 : memref<80xi32, #tpu.memory_space<vmem>>) target_semaphore(%run_scoped3A : memref<!tpu.dma_semaphore, #tpu.memory_space<semaphore_mem>>)
        %dma_wait3A_42 = tpu.memref_slice %arg5[%add3A_23] : memref<320000xi32, #tpu.memory_space<hbm>> -> memref<80xi32, #tpu.memory_space<hbm>>
        %dma_wait3A_43 = tpu.memref_slice %arg5[%add3A_23] : memref<320000xi32, #tpu.memory_space<hbm>> -> memref<80xi32, #tpu.memory_space<hbm>>
        tpu.wait_dma2 semaphore(%run_scoped3A : memref<!tpu.dma_semaphore, #tpu.memory_space<semaphore_mem>>) src(%dma_wait3A_43 : memref<80xi32, #tpu.memory_space<hbm>>) dst(%arg11 : memref<80xi32, #tpu.memory_space<vmem>>)
        tpu.yield
      }) : () -> ()
      "tpu.region"() ({
        %run_scoped3A = tpu.sem_alloc : memref<!tpu.dma_semaphore, #tpu.memory_space<semaphore_mem>>
        %dma_start3A_40 = tpu.memref_slice %arg6[%add3A_23] : memref<320000xi32, #tpu.memory_space<hbm>> -> memref<80xi32, #tpu.memory_space<hbm>>
        %dma_start3A_41 = tpu.memref_slice %arg6[%add3A_23] : memref<320000xi32, #tpu.memory_space<hbm>> -> memref<80xi32, #tpu.memory_space<hbm>>
        tpu.enqueue_dma source(%dma_start3A_41 : memref<80xi32, #tpu.memory_space<hbm>>) target(%arg12 : memref<80xi32, #tpu.memory_space<vmem>>) target_semaphore(%run_scoped3A : memref<!tpu.dma_semaphore, #tpu.memory_space<semaphore_mem>>)
        %dma_wait3A_42 = tpu.memref_slice %arg6[%add3A_23] : memref<320000xi32, #tpu.memory_space<hbm>> -> memref<80xi32, #tpu.memory_space<hbm>>
        %dma_wait3A_43 = tpu.memref_slice %arg6[%add3A_23] : memref<320000xi32, #tpu.memory_space<hbm>> -> memref<80xi32, #tpu.memory_space<hbm>>
        tpu.wait_dma2 semaphore(%run_scoped3A : memref<!tpu.dma_semaphore, #tpu.memory_space<semaphore_mem>>) src(%dma_wait3A_43 : memref<80xi32, #tpu.memory_space<hbm>>) dst(%arg12 : memref<80xi32, #tpu.memory_space<vmem>>)
        tpu.yield
      }) : () -> ()
      "tpu.region"() ({
        %run_scoped3A = tpu.sem_alloc : memref<!tpu.dma_semaphore, #tpu.memory_space<semaphore_mem>>
        %dma_start3A_40 = tpu.memref_slice %arg7[%add3A_23] : memref<320000xi32, #tpu.memory_space<hbm>> -> memref<80xi32, #tpu.memory_space<hbm>>
        %dma_start3A_41 = tpu.memref_slice %arg7[%add3A_23] : memref<320000xi32, #tpu.memory_space<hbm>> -> memref<80xi32, #tpu.memory_space<hbm>>
        tpu.enqueue_dma source(%dma_start3A_41 : memref<80xi32, #tpu.memory_space<hbm>>) target(%arg13 : memref<80xi32, #tpu.memory_space<vmem>>) target_semaphore(%run_scoped3A : memref<!tpu.dma_semaphore, #tpu.memory_space<semaphore_mem>>)
        %dma_wait3A_42 = tpu.memref_slice %arg7[%add3A_23] : memref<320000xi32, #tpu.memory_space<hbm>> -> memref<80xi32, #tpu.memory_space<hbm>>
        %dma_wait3A_43 = tpu.memref_slice %arg7[%add3A_23] : memref<320000xi32, #tpu.memory_space<hbm>> -> memref<80xi32, #tpu.memory_space<hbm>>
        tpu.wait_dma2 semaphore(%run_scoped3A : memref<!tpu.dma_semaphore, #tpu.memory_space<semaphore_mem>>) src(%dma_wait3A_43 : memref<80xi32, #tpu.memory_space<hbm>>) dst(%arg13 : memref<80xi32, #tpu.memory_space<vmem>>)
        tpu.yield
      }) : () -> ()
      "tpu.region"() ({
        %run_scoped3A = tpu.sem_alloc : memref<!tpu.dma_semaphore, #tpu.memory_space<semaphore_mem>>
        %dma_start3A_40 = arith.constant 0 : i32
        %dma_start3A_41 = tpu.memref_slice %arg4[%add3A_23, %dma_start3A_40] : memref<320000x128xf32, #tpu.memory_space<hbm>> -> memref<80x128xf32, #tpu.memory_space<hbm>>
        %dma_start3A_42 = arith.constant 0 : i32
        %dma_start3A_43 = tpu.memref_slice %arg4[%add3A_23, %dma_start3A_42] : memref<320000x128xf32, #tpu.memory_space<hbm>> -> memref<80x128xf32, #tpu.memory_space<hbm>>
        tpu.enqueue_dma source(%dma_start3A_43 : memref<80x128xf32, #tpu.memory_space<hbm>>) target(%arg14 : memref<80x128xf32, #tpu.memory_space<vmem>>) target_semaphore(%run_scoped3A : memref<!tpu.dma_semaphore, #tpu.memory_space<semaphore_mem>>)
        %dma_wait3A_44 = arith.constant 0 : i32
        %dma_wait3A_45 = tpu.memref_slice %arg4[%add3A_23, %dma_wait3A_44] : memref<320000x128xf32, #tpu.memory_space<hbm>> -> memref<80x128xf32, #tpu.memory_space<hbm>>
        %dma_wait3A_46 = arith.constant 0 : i32
        %dma_wait3A_47 = tpu.memref_slice %arg4[%add3A_23, %dma_wait3A_46] : memref<320000x128xf32, #tpu.memory_space<hbm>> -> memref<80x128xf32, #tpu.memory_space<hbm>>
        tpu.wait_dma2 semaphore(%run_scoped3A : memref<!tpu.dma_semaphore, #tpu.memory_space<semaphore_mem>>) src(%dma_wait3A_47 : memref<80x128xf32, #tpu.memory_space<hbm>>) dst(%arg14 : memref<80x128xf32, #tpu.memory_space<vmem>>)
        tpu.yield
      }) : () -> ()
      %dma_start3A = arith.constant 0 : i32
      %dma_start3A_24 = arith.constant 0 : i32
      %dma_start3A_25 = tpu.memref_slice %arg2[%dma_start3A, %dma_start3A_24] : memref<10000x128xf32, #tpu.memory_space<hbm>> -> memref<10000x128xf32, #tpu.memory_space<hbm>>
      tpu.enqueue_indirect_dma source(%dma_start3A_25 : memref<10000x128xf32, #tpu.memory_space<hbm>>) target(%arg15 : memref<80x128xf32, #tpu.memory_space<vmem>>) offsets(%arg11 : memref<80xi32, #tpu.memory_space<vmem>>) semaphore(%arg18 : memref<!tpu.dma_semaphore, #tpu.memory_space<semaphore_mem>>)
      %dma_start3A_26 = arith.constant 0 : i32
      %dma_start3A_27 = arith.constant 0 : i32
      %dma_start3A_28 = tpu.memref_slice %arg3[%dma_start3A_26, %dma_start3A_27] : memref<128x128xf32, #tpu.memory_space<hbm>> -> memref<128x128xf32, #tpu.memory_space<hbm>>
      tpu.enqueue_indirect_dma source(%dma_start3A_28 : memref<128x128xf32, #tpu.memory_space<hbm>>) target(%arg16 : memref<80x128xf32, #tpu.memory_space<vmem>>) offsets(%arg12 : memref<80xi32, #tpu.memory_space<vmem>>) semaphore(%arg19 : memref<!tpu.dma_semaphore, #tpu.memory_space<semaphore_mem>>)
      %dma_wait3A = arith.constant 0 : i32
      %dma_wait3A_29 = arith.constant 0 : i32
      %dma_wait3A_30 = tpu.memref_slice %arg2[%dma_wait3A, %dma_wait3A_29] : memref<10000x128xf32, #tpu.memory_space<hbm>> -> memref<10000x128xf32, #tpu.memory_space<hbm>>
      tpu.wait_indirect_dma semaphore(%arg18 : memref<!tpu.dma_semaphore, #tpu.memory_space<semaphore_mem>>) src(%dma_wait3A_30 : memref<10000x128xf32, #tpu.memory_space<hbm>>) dst(%arg15 : memref<80x128xf32, #tpu.memory_space<vmem>>)
      %dma_wait3A_31 = arith.constant 0 : i32
      %dma_wait3A_32 = arith.constant 0 : i32
      %dma_wait3A_33 = tpu.memref_slice %arg3[%dma_wait3A_31, %dma_wait3A_32] : memref<128x128xf32, #tpu.memory_space<hbm>> -> memref<128x128xf32, #tpu.memory_space<hbm>>
      tpu.wait_indirect_dma semaphore(%arg19 : memref<!tpu.dma_semaphore, #tpu.memory_space<semaphore_mem>>) src(%dma_wait3A_33 : memref<128x128xf32, #tpu.memory_space<hbm>>) dst(%arg16 : memref<80x128xf32, #tpu.memory_space<vmem>>)
      %scan3A_34 = arith.constant 0 : i32
      %scan3A_35 = arith.constant 0 : i32
      %scan3A_36 = arith.constant 80 : i32
      %scan3A_37 = arith.addi %scan3A_35, %scan3A_36 : i32
      %scan3A_38 = arith.constant 1 : i32
      scf.for %scan3A_40 = %scan3A_35 to %scan3A_37 step %scan3A_38  : i32 {
        %get3A = arith.index_cast %scan3A_40 : i32 to index
        %get3A_41 = arith.constant 0 : index
        %get3A_42 = tpu.vector_load %arg15[%get3A, %get3A_41] {strides = array<i32>} : memref<80x128xf32, #tpu.memory_space<vmem>>, vector<1x16xf32>,
        %get3A_43 = vector.shape_cast %get3A_42 : vector<1x16xf32> to vector<16xf32>
        %get3A_44 = arith.index_cast %scan3A_40 : i32 to index
        %get3A_45 = arith.constant 0 : index
        %get3A_46 = tpu.vector_load %arg16[%get3A_44, %get3A_45] {strides = array<i32>} : memref<80x128xf32, #tpu.memory_space<vmem>>, vector<1x16xf32>,
        %get3A_47 = vector.shape_cast %get3A_46 : vector<1x16xf32> to vector<16xf32>
        %add3A_48 = arith.addf %get3A_43, %get3A_47 : vector<16xf32>
        %get3A_49 = arith.index_cast %scan3A_40 : i32 to index
        %get3A_50 = arith.constant 0 : index
        %get3A_51 = tpu.vector_load %arg14[%get3A_49, %get3A_50] {strides = array<i32>} : memref<80x128xf32, #tpu.memory_space<vmem>>, vector<1x16xf32>,
        %get3A_52 = vector.shape_cast %get3A_51 : vector<1x16xf32> to vector<16xf32>
        %mul3A_53 = arith.mulf %add3A_48, %add3A_48 : vector<16xf32>
        %mul3A_54 = arith.mulf %mul3A_53, %add3A_48 : vector<16xf32>
        %mul3A_55 = arith.constant 4.471500e-02 : f32
        %mul3A_56 = vector.broadcast %mul3A_55 : f32 to vector<16xf32>
        %mul3A_57 = arith.mulf %mul3A_56, %mul3A_54 : vector<16xf32>
        %add3A_58 = arith.addf %add3A_48, %mul3A_57 : vector<16xf32>
        %mul3A_59 = arith.constant 1.59576917 : f32
        %mul3A_60 = vector.broadcast %mul3A_59 : f32 to vector<16xf32>
        %mul3A_61 = arith.mulf %mul3A_60, %add3A_58 : vector<16xf32>
        %exp3A = math.exp %mul3A_61 : vector<16xf32>
        %add3A_62 = arith.constant 1.000000e+00 : f32
        %add3A_63 = vector.broadcast %add3A_62 : f32 to vector<16xf32>
        %add3A_64 = arith.addf %exp3A, %add3A_63 : vector<16xf32>
        %div3A = arith.constant 2.000000e+00 : f32
        %div3A_65 = vector.broadcast %div3A : f32 to vector<16xf32>
        %div3A_66 = arith.divf %div3A_65, %add3A_64 : vector<16xf32>
        %sub3A = arith.constant 1.000000e+00 : f32
        %sub3A_67 = vector.broadcast %sub3A : f32 to vector<16xf32>
        %sub3A_68 = arith.subf %sub3A_67, %div3A_66 : vector<16xf32>
        %mul3A_69 = arith.constant 5.000000e-01 : f32
        %mul3A_70 = vector.broadcast %mul3A_69 : f32 to vector<16xf32>
        %mul3A_71 = arith.mulf %mul3A_70, %add3A_48 : vector<16xf32>
        %add3A_72 = arith.constant 1.000000e+00 : f32
        %add3A_73 = vector.broadcast %add3A_72 : f32 to vector<16xf32>
        %add3A_74 = arith.addf %add3A_73, %sub3A_68 : vector<16xf32>
        %mul3A_75 = arith.mulf %mul3A_71, %add3A_74 : vector<16xf32>
        %mul3A_76 = arith.mulf %mul3A_75, %get3A_52 : vector<16xf32>
        %swap3A = arith.index_cast %scan3A_40 : i32 to index
        %swap3A_77 = arith.constant 0 : index
        %swap3A_78 = tpu.vector_load %arg17[%swap3A, %swap3A_77] {strides = array<i32>} : memref<80x128xf32, #tpu.memory_space<vmem>>, vector<1x16xf32>,
        %swap3A_79 = vector.shape_cast %swap3A_78 : vector<1x16xf32> to vector<16xf32>
        %swap3A_80 = vector.shape_cast %mul3A_76 : vector<16xf32> to vector<1x16xf32>
        tpu.vector_store %arg17[%swap3A, %swap3A_77], %swap3A_80 {strides = array<i32>} : memref<80x128xf32, #tpu.memory_space<vmem>>, vector<1x16xf32>,
        %get3A_81 = arith.index_cast %scan3A_40 : i32 to index
        %get3A_82 = arith.constant 16 : index
        %get3A_83 = tpu.vector_load %arg15[%get3A_81, %get3A_82] {strides = array<i32>} : memref<80x128xf32, #tpu.memory_space<vmem>>, vector<1x16xf32>,
        %get3A_84 = vector.shape_cast %get3A_83 : vector<1x16xf32> to vector<16xf32>
        %get3A_85 = arith.index_cast %scan3A_40 : i32 to index
        %get3A_86 = arith.constant 16 : index
        %get3A_87 = tpu.vector_load %arg16[%get3A_85, %get3A_86] {strides = array<i32>} : memref<80x128xf32, #tpu.memory_space<vmem>>, vector<1x16xf32>,
        %get3A_88 = vector.shape_cast %get3A_87 : vector<1x16xf32> to vector<16xf32>
        %add3A_89 = arith.addf %get3A_84, %get3A_88 : vector<16xf32>
        %get3A_90 = arith.index_cast %scan3A_40 : i32 to index
        %get3A_91 = arith.constant 16 : index
        %get3A_92 = tpu.vector_load %arg14[%get3A_90, %get3A_91] {strides = array<i32>} : memref<80x128xf32, #tpu.memory_space<vmem>>, vector<1x16xf32>,
        %get3A_93 = vector.shape_cast %get3A_92 : vector<1x16xf32> to vector<16xf32>
        %mul3A_94 = arith.mulf %add3A_89, %add3A_89 : vector<16xf32>
        %mul3A_95 = arith.mulf %mul3A_94, %add3A_89 : vector<16xf32>
        %mul3A_96 = arith.constant 4.471500e-02 : f32
        %mul3A_97 = vector.broadcast %mul3A_96 : f32 to vector<16xf32>
        %mul3A_98 = arith.mulf %mul3A_97, %mul3A_95 : vector<16xf32>
        %add3A_99 = arith.addf %add3A_89, %mul3A_98 : vector<16xf32>
        %mul3A_100 = arith.constant 1.59576917 : f32
        %mul3A_101 = vector.broadcast %mul3A_100 : f32 to vector<16xf32>
        %mul3A_102 = arith.mulf %mul3A_101, %add3A_99 : vector<16xf32>
        %exp3A_103 = math.exp %mul3A_102 : vector<16xf32>
        %add3A_104 = arith.constant 1.000000e+00 : f32
        %add3A_105 = vector.broadcast %add3A_104 : f32 to vector<16xf32>
        %add3A_106 = arith.addf %exp3A_103, %add3A_105 : vector<16xf32>
        %div3A_107 = arith.constant 2.000000e+00 : f32
        %div3A_108 = vector.broadcast %div3A_107 : f32 to vector<16xf32>
        %div3A_109 = arith.divf %div3A_108, %add3A_106 : vector<16xf32>
        %sub3A_110 = arith.constant 1.000000e+00 : f32
        %sub3A_111 = vector.broadcast %sub3A_110 : f32 to vector<16xf32>
        %sub3A_112 = arith.subf %sub3A_111, %div3A_109 : vector<16xf32>
        %mul3A_113 = arith.constant 5.000000e-01 : f32
        %mul3A_114 = vector.broadcast %mul3A_113 : f32 to vector<16xf32>
        %mul3A_115 = arith.mulf %mul3A_114, %add3A_89 : vector<16xf32>
        %add3A_116 = arith.constant 1.000000e+00 : f32
        %add3A_117 = vector.broadcast %add3A_116 : f32 to vector<16xf32>
        %add3A_118 = arith.addf %add3A_117, %sub3A_112 : vector<16xf32>
        %mul3A_119 = arith.mulf %mul3A_115, %add3A_118 : vector<16xf32>
        %mul3A_120 = arith.mulf %mul3A_119, %get3A_93 : vector<16xf32>
        %swap3A_121 = arith.index_cast %scan3A_40 : i32 to index
        %swap3A_122 = arith.constant 16 : index
        %swap3A_123 = tpu.vector_load %arg17[%swap3A_121, %swap3A_122] {strides = array<i32>} : memref<80x128xf32, #tpu.memory_space<vmem>>, vector<1x16xf32>,
        %swap3A_124 = vector.shape_cast %swap3A_123 : vector<1x16xf32> to vector<16xf32>
        %swap3A_125 = vector.shape_cast %mul3A_120 : vector<16xf32> to vector<1x16xf32>
        tpu.vector_store %arg17[%swap3A_121, %swap3A_122], %swap3A_125 {strides = array<i32>} : memref<80x128xf32, #tpu.memory_space<vmem>>, vector<1x16xf32>,
        %get3A_126 = arith.index_cast %scan3A_40 : i32 to index
        %get3A_127 = arith.constant 32 : index
        %get3A_128 = tpu.vector_load %arg15[%get3A_126, %get3A_127] {strides = array<i32>} : memref<80x128xf32, #tpu.memory_space<vmem>>, vector<1x16xf32>,
        %get3A_129 = vector.shape_cast %get3A_128 : vector<1x16xf32> to vector<16xf32>
        %get3A_130 = arith.index_cast %scan3A_40 : i32 to index
        %get3A_131 = arith.constant 32 : index
        %get3A_132 = tpu.vector_load %arg16[%get3A_130, %get3A_131] {strides = array<i32>} : memref<80x128xf32, #tpu.memory_space<vmem>>, vector<1x16xf32>,
        %get3A_133 = vector.shape_cast %get3A_132 : vector<1x16xf32> to vector<16xf32>
        %add3A_134 = arith.addf %get3A_129, %get3A_133 : vector<16xf32>
        %get3A_135 = arith.index_cast %scan3A_40 : i32 to index
        %get3A_136 = arith.constant 32 : index
        %get3A_137 = tpu.vector_load %arg14[%get3A_135, %get3A_136] {strides = array<i32>} : memref<80x128xf32, #tpu.memory_space<vmem>>, vector<1x16xf32>,
        %get3A_138 = vector.shape_cast %get3A_137 : vector<1x16xf32> to vector<16xf32>
        %mul3A_139 = arith.mulf %add3A_134, %add3A_134 : vector<16xf32>
        %mul3A_140 = arith.mulf %mul3A_139, %add3A_134 : vector<16xf32>
        %mul3A_141 = arith.constant 4.471500e-02 : f32
        %mul3A_142 = vector.broadcast %mul3A_141 : f32 to vector<16xf32>
        %mul3A_143 = arith.mulf %mul3A_142, %mul3A_140 : vector<16xf32>
        %add3A_144 = arith.addf %add3A_134, %mul3A_143 : vector<16xf32>
        %mul3A_145 = arith.constant 1.59576917 : f32
        %mul3A_146 = vector.broadcast %mul3A_145 : f32 to vector<16xf32>
        %mul3A_147 = arith.mulf %mul3A_146, %add3A_144 : vector<16xf32>
        %exp3A_148 = math.exp %mul3A_147 : vector<16xf32>
        %add3A_149 = arith.constant 1.000000e+00 : f32
        %add3A_150 = vector.broadcast %add3A_149 : f32 to vector<16xf32>
        %add3A_151 = arith.addf %exp3A_148, %add3A_150 : vector<16xf32>
        %div3A_152 = arith.constant 2.000000e+00 : f32
        %div3A_153 = vector.broadcast %div3A_152 : f32 to vector<16xf32>
        %div3A_154 = arith.divf %div3A_153, %add3A_151 : vector<16xf32>
        %sub3A_155 = arith.constant 1.000000e+00 : f32
        %sub3A_156 = vector.broadcast %sub3A_155 : f32 to vector<16xf32>
        %sub3A_157 = arith.subf %sub3A_156, %div3A_154 : vector<16xf32>
        %mul3A_158 = arith.constant 5.000000e-01 : f32
        %mul3A_159 = vector.broadcast %mul3A_158 : f32 to vector<16xf32>
        %mul3A_160 = arith.mulf %mul3A_159, %add3A_134 : vector<16xf32>
        %add3A_161 = arith.constant 1.000000e+00 : f32
        %add3A_162 = vector.broadcast %add3A_161 : f32 to vector<16xf32>
        %add3A_163 = arith.addf %add3A_162, %sub3A_157 : vector<16xf32>
        %mul3A_164 = arith.mulf %mul3A_160, %add3A_163 : vector<16xf32>
        %mul3A_165 = arith.mulf %mul3A_164, %get3A_138 : vector<16xf32>
        %swap3A_166 = arith.index_cast %scan3A_40 : i32 to index
        %swap3A_167 = arith.constant 32 : index
        %swap3A_168 = tpu.vector_load %arg17[%swap3A_166, %swap3A_167] {strides = array<i32>} : memref<80x128xf32, #tpu.memory_space<vmem>>, vector<1x16xf32>,
        %swap3A_169 = vector.shape_cast %swap3A_168 : vector<1x16xf32> to vector<16xf32>
        %swap3A_170 = vector.shape_cast %mul3A_165 : vector<16xf32> to vector<1x16xf32>
        tpu.vector_store %arg17[%swap3A_166, %swap3A_167], %swap3A_170 {strides = array<i32>} : memref<80x128xf32, #tpu.memory_space<vmem>>, vector<1x16xf32>,
        %get3A_171 = arith.index_cast %scan3A_40 : i32 to index
        %get3A_172 = arith.constant 48 : index
        %get3A_173 = tpu.vector_load %arg15[%get3A_171, %get3A_172] {strides = array<i32>} : memref<80x128xf32, #tpu.memory_space<vmem>>, vector<1x16xf32>,
        %get3A_174 = vector.shape_cast %get3A_173 : vector<1x16xf32> to vector<16xf32>
        %get3A_175 = arith.index_cast %scan3A_40 : i32 to index
        %get3A_176 = arith.constant 48 : index
        %get3A_177 = tpu.vector_load %arg16[%get3A_175, %get3A_176] {strides = array<i32>} : memref<80x128xf32, #tpu.memory_space<vmem>>, vector<1x16xf32>,
        %get3A_178 = vector.shape_cast %get3A_177 : vector<1x16xf32> to vector<16xf32>
        %add3A_179 = arith.addf %get3A_174, %get3A_178 : vector<16xf32>
        %get3A_180 = arith.index_cast %scan3A_40 : i32 to index
        %get3A_181 = arith.constant 48 : index
        %get3A_182 = tpu.vector_load %arg14[%get3A_180, %get3A_181] {strides = array<i32>} : memref<80x128xf32, #tpu.memory_space<vmem>>, vector<1x16xf32>,
        %get3A_183 = vector.shape_cast %get3A_182 : vector<1x16xf32> to vector<16xf32>
        %mul3A_184 = arith.mulf %add3A_179, %add3A_179 : vector<16xf32>
        %mul3A_185 = arith.mulf %mul3A_184, %add3A_179 : vector<16xf32>
        %mul3A_186 = arith.constant 4.471500e-02 : f32
        %mul3A_187 = vector.broadcast %mul3A_186 : f32 to vector<16xf32>
        %mul3A_188 = arith.mulf %mul3A_187, %mul3A_185 : vector<16xf32>
        %add3A_189 = arith.addf %add3A_179, %mul3A_188 : vector<16xf32>
        %mul3A_190 = arith.constant 1.59576917 : f32
        %mul3A_191 = vector.broadcast %mul3A_190 : f32 to vector<16xf32>
        %mul3A_192 = arith.mulf %mul3A_191, %add3A_189 : vector<16xf32>
        %exp3A_193 = math.exp %mul3A_192 : vector<16xf32>
        %add3A_194 = arith.constant 1.000000e+00 : f32
        %add3A_195 = vector.broadcast %add3A_194 : f32 to vector<16xf32>
        %add3A_196 = arith.addf %exp3A_193, %add3A_195 : vector<16xf32>
        %div3A_197 = arith.constant 2.000000e+00 : f32
        %div3A_198 = vector.broadcast %div3A_197 : f32 to vector<16xf32>
        %div3A_199 = arith.divf %div3A_198, %add3A_196 : vector<16xf32>
        %sub3A_200 = arith.constant 1.000000e+00 : f32
        %sub3A_201 = vector.broadcast %sub3A_200 : f32 to vector<16xf32>
        %sub3A_202 = arith.subf %sub3A_201, %div3A_199 : vector<16xf32>
        %mul3A_203 = arith.constant 5.000000e-01 : f32
        %mul3A_204 = vector.broadcast %mul3A_203 : f32 to vector<16xf32>
        %mul3A_205 = arith.mulf %mul3A_204, %add3A_179 : vector<16xf32>
        %add3A_206 = arith.constant 1.000000e+00 : f32
        %add3A_207 = vector.broadcast %add3A_206 : f32 to vector<16xf32>
        %add3A_208 = arith.addf %add3A_207, %sub3A_202 : vector<16xf32>
        %mul3A_209 = arith.mulf %mul3A_205, %add3A_208 : vector<16xf32>
        %mul3A_210 = arith.mulf %mul3A_209, %get3A_183 : vector<16xf32>
        %swap3A_211 = arith.index_cast %scan3A_40 : i32 to index
        %swap3A_212 = arith.constant 48 : index
        %swap3A_213 = tpu.vector_load %arg17[%swap3A_211, %swap3A_212] {strides = array<i32>} : memref<80x128xf32, #tpu.memory_space<vmem>>, vector<1x16xf32>,
        %swap3A_214 = vector.shape_cast %swap3A_213 : vector<1x16xf32> to vector<16xf32>
        %swap3A_215 = vector.shape_cast %mul3A_210 : vector<16xf32> to vector<1x16xf32>
        tpu.vector_store %arg17[%swap3A_211, %swap3A_212], %swap3A_215 {strides = array<i32>} : memref<80x128xf32, #tpu.memory_space<vmem>>, vector<1x16xf32>,
        %get3A_216 = arith.index_cast %scan3A_40 : i32 to index
        %get3A_217 = arith.constant 64 : index
        %get3A_218 = tpu.vector_load %arg15[%get3A_216, %get3A_217] {strides = array<i32>} : memref<80x128xf32, #tpu.memory_space<vmem>>, vector<1x16xf32>,
        %get3A_219 = vector.shape_cast %get3A_218 : vector<1x16xf32> to vector<16xf32>
        %get3A_220 = arith.index_cast %scan3A_40 : i32 to index
        %get3A_221 = arith.constant 64 : index
        %get3A_222 = tpu.vector_load %arg16[%get3A_220, %get3A_221] {strides = array<i32>} : memref<80x128xf32, #tpu.memory_space<vmem>>, vector<1x16xf32>,
        %get3A_223 = vector.shape_cast %get3A_222 : vector<1x16xf32> to vector<16xf32>
        %add3A_224 = arith.addf %get3A_219, %get3A_223 : vector<16xf32>
        %get3A_225 = arith.index_cast %scan3A_40 : i32 to index
        %get3A_226 = arith.constant 64 : index
        %get3A_227 = tpu.vector_load %arg14[%get3A_225, %get3A_226] {strides = array<i32>} : memref<80x128xf32, #tpu.memory_space<vmem>>, vector<1x16xf32>,
        %get3A_228 = vector.shape_cast %get3A_227 : vector<1x16xf32> to vector<16xf32>
        %mul3A_229 = arith.mulf %add3A_224, %add3A_224 : vector<16xf32>
        %mul3A_230 = arith.mulf %mul3A_229, %add3A_224 : vector<16xf32>
        %mul3A_231 = arith.constant 4.471500e-02 : f32
        %mul3A_232 = vector.broadcast %mul3A_231 : f32 to vector<16xf32>
        %mul3A_233 = arith.mulf %mul3A_232, %mul3A_230 : vector<16xf32>
        %add3A_234 = arith.addf %add3A_224, %mul3A_233 : vector<16xf32>
        %mul3A_235 = arith.constant 1.59576917 : f32
        %mul3A_236 = vector.broadcast %mul3A_235 : f32 to vector<16xf32>
        %mul3A_237 = arith.mulf %mul3A_236, %add3A_234 : vector<16xf32>
        %exp3A_238 = math.exp %mul3A_237 : vector<16xf32>
        %add3A_239 = arith.constant 1.000000e+00 : f32
        %add3A_240 = vector.broadcast %add3A_239 : f32 to vector<16xf32>
        %add3A_241 = arith.addf %exp3A_238, %add3A_240 : vector<16xf32>
        %div3A_242 = arith.constant 2.000000e+00 : f32
        %div3A_243 = vector.broadcast %div3A_242 : f32 to vector<16xf32>
        %div3A_244 = arith.divf %div3A_243, %add3A_241 : vector<16xf32>
        %sub3A_245 = arith.constant 1.000000e+00 : f32
        %sub3A_246 = vector.broadcast %sub3A_245 : f32 to vector<16xf32>
        %sub3A_247 = arith.subf %sub3A_246, %div3A_244 : vector<16xf32>
        %mul3A_248 = arith.constant 5.000000e-01 : f32
        %mul3A_249 = vector.broadcast %mul3A_248 : f32 to vector<16xf32>
        %mul3A_250 = arith.mulf %mul3A_249, %add3A_224 : vector<16xf32>
        %add3A_251 = arith.constant 1.000000e+00 : f32
        %add3A_252 = vector.broadcast %add3A_251 : f32 to vector<16xf32>
        %add3A_253 = arith.addf %add3A_252, %sub3A_247 : vector<16xf32>
        %mul3A_254 = arith.mulf %mul3A_250, %add3A_253 : vector<16xf32>
        %mul3A_255 = arith.mulf %mul3A_254, %get3A_228 : vector<16xf32>
        %swap3A_256 = arith.index_cast %scan3A_40 : i32 to index
        %swap3A_257 = arith.constant 64 : index
        %swap3A_258 = tpu.vector_load %arg17[%swap3A_256, %swap3A_257] {strides = array<i32>} : memref<80x128xf32, #tpu.memory_space<vmem>>, vector<1x16xf32>,
        %swap3A_259 = vector.shape_cast %swap3A_258 : vector<1x16xf32> to vector<16xf32>
        %swap3A_260 = vector.shape_cast %mul3A_255 : vector<16xf32> to vector<1x16xf32>
        tpu.vector_store %arg17[%swap3A_256, %swap3A_257], %swap3A_260 {strides = array<i32>} : memref<80x128xf32, #tpu.memory_space<vmem>>, vector<1x16xf32>,
        %get3A_261 = arith.index_cast %scan3A_40 : i32 to index
        %get3A_262 = arith.constant 80 : index
        %get3A_263 = tpu.vector_load %arg15[%get3A_261, %get3A_262] {strides = array<i32>} : memref<80x128xf32, #tpu.memory_space<vmem>>, vector<1x16xf32>,
        %get3A_264 = vector.shape_cast %get3A_263 : vector<1x16xf32> to vector<16xf32>
        %get3A_265 = arith.index_cast %scan3A_40 : i32 to index
        %get3A_266 = arith.constant 80 : index
        %get3A_267 = tpu.vector_load %arg16[%get3A_265, %get3A_266] {strides = array<i32>} : memref<80x128xf32, #tpu.memory_space<vmem>>, vector<1x16xf32>,
        %get3A_268 = vector.shape_cast %get3A_267 : vector<1x16xf32> to vector<16xf32>
        %add3A_269 = arith.addf %get3A_264, %get3A_268 : vector<16xf32>
        %get3A_270 = arith.index_cast %scan3A_40 : i32 to index
        %get3A_271 = arith.constant 80 : index
        %get3A_272 = tpu.vector_load %arg14[%get3A_270, %get3A_271] {strides = array<i32>} : memref<80x128xf32, #tpu.memory_space<vmem>>, vector<1x16xf32>,
        %get3A_273 = vector.shape_cast %get3A_272 : vector<1x16xf32> to vector<16xf32>
        %mul3A_274 = arith.mulf %add3A_269, %add3A_269 : vector<16xf32>
        %mul3A_275 = arith.mulf %mul3A_274, %add3A_269 : vector<16xf32>
        %mul3A_276 = arith.constant 4.471500e-02 : f32
        %mul3A_277 = vector.broadcast %mul3A_276 : f32 to vector<16xf32>
        %mul3A_278 = arith.mulf %mul3A_277, %mul3A_275 : vector<16xf32>
        %add3A_279 = arith.addf %add3A_269, %mul3A_278 : vector<16xf32>
        %mul3A_280 = arith.constant 1.59576917 : f32
        %mul3A_281 = vector.broadcast %mul3A_280 : f32 to vector<16xf32>
        %mul3A_282 = arith.mulf %mul3A_281, %add3A_279 : vector<16xf32>
        %exp3A_283 = math.exp %mul3A_282 : vector<16xf32>
        %add3A_284 = arith.constant 1.000000e+00 : f32
        %add3A_285 = vector.broadcast %add3A_284 : f32 to vector<16xf32>
        %add3A_286 = arith.addf %exp3A_283, %add3A_285 : vector<16xf32>
        %div3A_287 = arith.constant 2.000000e+00 : f32
        %div3A_288 = vector.broadcast %div3A_287 : f32 to vector<16xf32>
        %div3A_289 = arith.divf %div3A_288, %add3A_286 : vector<16xf32>
        %sub3A_290 = arith.constant 1.000000e+00 : f32
        %sub3A_291 = vector.broadcast %sub3A_290 : f32 to vector<16xf32>
        %sub3A_292 = arith.subf %sub3A_291, %div3A_289 : vector<16xf32>
        %mul3A_293 = arith.constant 5.000000e-01 : f32
        %mul3A_294 = vector.broadcast %mul3A_293 : f32 to vector<16xf32>
        %mul3A_295 = arith.mulf %mul3A_294, %add3A_269 : vector<16xf32>
        %add3A_296 = arith.constant 1.000000e+00 : f32
        %add3A_297 = vector.broadcast %add3A_296 : f32 to vector<16xf32>
        %add3A_298 = arith.addf %add3A_297, %sub3A_292 : vector<16xf32>
        %mul3A_299 = arith.mulf %mul3A_295, %add3A_298 : vector<16xf32>
        %mul3A_300 = arith.mulf %mul3A_299, %get3A_273 : vector<16xf32>
        %swap3A_301 = arith.index_cast %scan3A_40 : i32 to index
        %swap3A_302 = arith.constant 80 : index
        %swap3A_303 = tpu.vector_load %arg17[%swap3A_301, %swap3A_302] {strides = array<i32>} : memref<80x128xf32, #tpu.memory_space<vmem>>, vector<1x16xf32>,
        %swap3A_304 = vector.shape_cast %swap3A_303 : vector<1x16xf32> to vector<16xf32>
        %swap3A_305 = vector.shape_cast %mul3A_300 : vector<16xf32> to vector<1x16xf32>
        tpu.vector_store %arg17[%swap3A_301, %swap3A_302], %swap3A_305 {strides = array<i32>} : memref<80x128xf32, #tpu.memory_space<vmem>>, vector<1x16xf32>,
        %get3A_306 = arith.index_cast %scan3A_40 : i32 to index
        %get3A_307 = arith.constant 96 : index
        %get3A_308 = tpu.vector_load %arg15[%get3A_306, %get3A_307] {strides = array<i32>} : memref<80x128xf32, #tpu.memory_space<vmem>>, vector<1x16xf32>,
        %get3A_309 = vector.shape_cast %get3A_308 : vector<1x16xf32> to vector<16xf32>
        %get3A_310 = arith.index_cast %scan3A_40 : i32 to index
        %get3A_311 = arith.constant 96 : index
        %get3A_312 = tpu.vector_load %arg16[%get3A_310, %get3A_311] {strides = array<i32>} : memref<80x128xf32, #tpu.memory_space<vmem>>, vector<1x16xf32>,
        %get3A_313 = vector.shape_cast %get3A_312 : vector<1x16xf32> to vector<16xf32>
        %add3A_314 = arith.addf %get3A_309, %get3A_313 : vector<16xf32>
        %get3A_315 = arith.index_cast %scan3A_40 : i32 to index
        %get3A_316 = arith.constant 96 : index
        %get3A_317 = tpu.vector_load %arg14[%get3A_315, %get3A_316] {strides = array<i32>} : memref<80x128xf32, #tpu.memory_space<vmem>>, vector<1x16xf32>,
        %get3A_318 = vector.shape_cast %get3A_317 : vector<1x16xf32> to vector<16xf32>
        %mul3A_319 = arith.mulf %add3A_314, %add3A_314 : vector<16xf32>
        %mul3A_320 = arith.mulf %mul3A_319, %add3A_314 : vector<16xf32>
        %mul3A_321 = arith.constant 4.471500e-02 : f32
        %mul3A_322 = vector.broadcast %mul3A_321 : f32 to vector<16xf32>
        %mul3A_323 = arith.mulf %mul3A_322, %mul3A_320 : vector<16xf32>
        %add3A_324 = arith.addf %add3A_314, %mul3A_323 : vector<16xf32>
        %mul3A_325 = arith.constant 1.59576917 : f32
        %mul3A_326 = vector.broadcast %mul3A_325 : f32 to vector<16xf32>
        %mul3A_327 = arith.mulf %mul3A_326, %add3A_324 : vector<16xf32>
        %exp3A_328 = math.exp %mul3A_327 : vector<16xf32>
        %add3A_329 = arith.constant 1.000000e+00 : f32
        %add3A_330 = vector.broadcast %add3A_329 : f32 to vector<16xf32>
        %add3A_331 = arith.addf %exp3A_328, %add3A_330 : vector<16xf32>
        %div3A_332 = arith.constant 2.000000e+00 : f32
        %div3A_333 = vector.broadcast %div3A_332 : f32 to vector<16xf32>
        %div3A_334 = arith.divf %div3A_333, %add3A_331 : vector<16xf32>
        %sub3A_335 = arith.constant 1.000000e+00 : f32
        %sub3A_336 = vector.broadcast %sub3A_335 : f32 to vector<16xf32>
        %sub3A_337 = arith.subf %sub3A_336, %div3A_334 : vector<16xf32>
        %mul3A_338 = arith.constant 5.000000e-01 : f32
        %mul3A_339 = vector.broadcast %mul3A_338 : f32 to vector<16xf32>
        %mul3A_340 = arith.mulf %mul3A_339, %add3A_314 : vector<16xf32>
        %add3A_341 = arith.constant 1.000000e+00 : f32
        %add3A_342 = vector.broadcast %add3A_341 : f32 to vector<16xf32>
        %add3A_343 = arith.addf %add3A_342, %sub3A_337 : vector<16xf32>
        %mul3A_344 = arith.mulf %mul3A_340, %add3A_343 : vector<16xf32>
        %mul3A_345 = arith.mulf %mul3A_344, %get3A_318 : vector<16xf32>
        %swap3A_346 = arith.index_cast %scan3A_40 : i32 to index
        %swap3A_347 = arith.constant 96 : index
        %swap3A_348 = tpu.vector_load %arg17[%swap3A_346, %swap3A_347] {strides = array<i32>} : memref<80x128xf32, #tpu.memory_space<vmem>>, vector<1x16xf32>,
        %swap3A_349 = vector.shape_cast %swap3A_348 : vector<1x16xf32> to vector<16xf32>
        %swap3A_350 = vector.shape_cast %mul3A_345 : vector<16xf32> to vector<1x16xf32>
        tpu.vector_store %arg17[%swap3A_346, %swap3A_347], %swap3A_350 {strides = array<i32>} : memref<80x128xf32, #tpu.memory_space<vmem>>, vector<1x16xf32>,
        %get3A_351 = arith.index_cast %scan3A_40 : i32 to index
        %get3A_352 = arith.constant 112 : index
        %get3A_353 = tpu.vector_load %arg15[%get3A_351, %get3A_352] {strides = array<i32>} : memref<80x128xf32, #tpu.memory_space<vmem>>, vector<1x16xf32>,
        %get3A_354 = vector.shape_cast %get3A_353 : vector<1x16xf32> to vector<16xf32>
        %get3A_355 = arith.index_cast %scan3A_40 : i32 to index
        %get3A_356 = arith.constant 112 : index
        %get3A_357 = tpu.vector_load %arg16[%get3A_355, %get3A_356] {strides = array<i32>} : memref<80x128xf32, #tpu.memory_space<vmem>>, vector<1x16xf32>,
        %get3A_358 = vector.shape_cast %get3A_357 : vector<1x16xf32> to vector<16xf32>
        %add3A_359 = arith.addf %get3A_354, %get3A_358 : vector<16xf32>
        %get3A_360 = arith.index_cast %scan3A_40 : i32 to index
        %get3A_361 = arith.constant 112 : index
        %get3A_362 = tpu.vector_load %arg14[%get3A_360, %get3A_361] {strides = array<i32>} : memref<80x128xf32, #tpu.memory_space<vmem>>, vector<1x16xf32>,
        %get3A_363 = vector.shape_cast %get3A_362 : vector<1x16xf32> to vector<16xf32>
        %mul3A_364 = arith.mulf %add3A_359, %add3A_359 : vector<16xf32>
        %mul3A_365 = arith.mulf %mul3A_364, %add3A_359 : vector<16xf32>
        %mul3A_366 = arith.constant 4.471500e-02 : f32
        %mul3A_367 = vector.broadcast %mul3A_366 : f32 to vector<16xf32>
        %mul3A_368 = arith.mulf %mul3A_367, %mul3A_365 : vector<16xf32>
        %add3A_369 = arith.addf %add3A_359, %mul3A_368 : vector<16xf32>
        %mul3A_370 = arith.constant 1.59576917 : f32
        %mul3A_371 = vector.broadcast %mul3A_370 : f32 to vector<16xf32>
        %mul3A_372 = arith.mulf %mul3A_371, %add3A_369 : vector<16xf32>
        %exp3A_373 = math.exp %mul3A_372 : vector<16xf32>
        %add3A_374 = arith.constant 1.000000e+00 : f32
        %add3A_375 = vector.broadcast %add3A_374 : f32 to vector<16xf32>
        %add3A_376 = arith.addf %exp3A_373, %add3A_375 : vector<16xf32>
        %div3A_377 = arith.constant 2.000000e+00 : f32
        %div3A_378 = vector.broadcast %div3A_377 : f32 to vector<16xf32>
        %div3A_379 = arith.divf %div3A_378, %add3A_376 : vector<16xf32>
        %sub3A_380 = arith.constant 1.000000e+00 : f32
        %sub3A_381 = vector.broadcast %sub3A_380 : f32 to vector<16xf32>
        %sub3A_382 = arith.subf %sub3A_381, %div3A_379 : vector<16xf32>
        %mul3A_383 = arith.constant 5.000000e-01 : f32
        %mul3A_384 = vector.broadcast %mul3A_383 : f32 to vector<16xf32>
        %mul3A_385 = arith.mulf %mul3A_384, %add3A_359 : vector<16xf32>
        %add3A_386 = arith.constant 1.000000e+00 : f32
        %add3A_387 = vector.broadcast %add3A_386 : f32 to vector<16xf32>
        %add3A_388 = arith.addf %add3A_387, %sub3A_382 : vector<16xf32>
        %mul3A_389 = arith.mulf %mul3A_385, %add3A_388 : vector<16xf32>
        %mul3A_390 = arith.mulf %mul3A_389, %get3A_363 : vector<16xf32>
        %swap3A_391 = arith.index_cast %scan3A_40 : i32 to index
        %swap3A_392 = arith.constant 112 : index
        %swap3A_393 = tpu.vector_load %arg17[%swap3A_391, %swap3A_392] {strides = array<i32>} : memref<80x128xf32, #tpu.memory_space<vmem>>, vector<1x16xf32>,
        %swap3A_394 = vector.shape_cast %swap3A_393 : vector<1x16xf32> to vector<16xf32>
        %swap3A_395 = vector.shape_cast %mul3A_390 : vector<16xf32> to vector<1x16xf32>
        tpu.vector_store %arg17[%swap3A_391, %swap3A_392], %swap3A_395 {strides = array<i32>} : memref<80x128xf32, #tpu.memory_space<vmem>>, vector<1x16xf32>,
      }
      %scan3A_39 = arith.constant 80 : i32
      "tpu.region"() ({
        %run_scoped3A = tpu.sem_alloc : memref<!tpu.dma_semaphore, #tpu.memory_space<semaphore_mem>>
        %dma_start3A_40 = arith.constant 0 : i32
        %dma_start3A_41 = arith.constant 0 : i32
        %dma_start3A_42 = tpu.memref_slice %arg10[%dma_start3A_40, %dma_start3A_41] : memref<10112x128xf32, #tpu.memory_space<vmem_shared>> -> memref<10112x128xf32, #tpu.memory_space<vmem_shared>>
        tpu.enqueue_indirect_dma source(%arg17 : memref<80x128xf32, #tpu.memory_space<vmem>>) target(%dma_start3A_42 : memref<10112x128xf32, #tpu.memory_space<vmem_shared>>) offsets(%arg13 : memref<80xi32, #tpu.memory_space<vmem>>) semaphore(%run_scoped3A : memref<!tpu.dma_semaphore, #tpu.memory_space<semaphore_mem>>) {add = true}
        %dma_wait3A_43 = arith.constant 0 : i32
        %dma_wait3A_44 = arith.constant 0 : i32
        %dma_wait3A_45 = tpu.memref_slice %arg10[%dma_wait3A_43, %dma_wait3A_44] : memref<10112x128xf32, #tpu.memory_space<vmem_shared>> -> memref<10112x128xf32, #tpu.memory_space<vmem_shared>>
        tpu.wait_indirect_dma semaphore(%run_scoped3A : memref<!tpu.dma_semaphore, #tpu.memory_space<semaphore_mem>>) src(%arg17 : memref<80x128xf32, #tpu.memory_space<vmem>>) dst(%dma_wait3A_45 : memref<10112x128xf32, #tpu.memory_space<vmem_shared>>)
        tpu.yield
      }) : () -> ()
    }
    %scan3A_11 = arith.constant 125 : i32
    %barrier3A_12 = arith.constant 0 : index
    tpu.barrier barrier_id(%barrier3A_12)
    %mul3A_13 = arith.constant 632 : i32
    %mul3A_14 = arith.muli %arg1, %mul3A_13 : i32
    %mul3A_15 = arith.constant 10112 : i32
    %mul3A_16 = arith.muli %arg0, %mul3A_15 : i32
    %mul3A_17 = arith.constant 632 : i32
    %mul3A_18 = arith.muli %arg1, %mul3A_17 : i32
    %add3A_19 = arith.addi %mul3A_16, %mul3A_18 : i32
    "tpu.region"() ({
      %run_scoped3A = tpu.sem_alloc : memref<!tpu.dma_semaphore, #tpu.memory_space<semaphore_mem>>
      %dma_start3A = arith.constant 0 : i32
      %dma_start3A_20 = tpu.memref_slice %arg9[%add3A_19, %dma_start3A] : memref<20224x128xf32, #tpu.memory_space<hbm>> -> memref<632x128xf32, #tpu.memory_space<hbm>>
      %dma_start3A_21 = arith.constant 0 : i32
      %dma_start3A_22 = tpu.memref_slice %arg10[%mul3A_14, %dma_start3A_21] : memref<10112x128xf32, #tpu.memory_space<vmem_shared>> -> memref<632x128xf32, #tpu.memory_space<vmem_shared>>
      tpu.enqueue_dma source(%dma_start3A_22 : memref<632x128xf32, #tpu.memory_space<vmem_shared>>) target(%dma_start3A_20 : memref<632x128xf32, #tpu.memory_space<hbm>>) target_semaphore(%run_scoped3A : memref<!tpu.dma_semaphore, #tpu.memory_space<semaphore_mem>>)
      %dma_wait3A = arith.constant 0 : i32
      %dma_wait3A_23 = tpu.memref_slice %arg9[%add3A_19, %dma_wait3A] : memref<20224x128xf32, #tpu.memory_space<hbm>> -> memref<632x128xf32, #tpu.memory_space<hbm>>
      %dma_wait3A_24 = arith.constant 0 : i32
      %dma_wait3A_25 = tpu.memref_slice %arg10[%mul3A_14, %dma_wait3A_24] : memref<10112x128xf32, #tpu.memory_space<vmem_shared>> -> memref<632x128xf32, #tpu.memory_space<vmem_shared>>
      tpu.wait_dma2 semaphore(%run_scoped3A : memref<!tpu.dma_semaphore, #tpu.memory_space<semaphore_mem>>) src(%dma_wait3A_25 : memref<632x128xf32, #tpu.memory_space<vmem_shared>>) dst(%dma_wait3A_23 : memref<632x128xf32, #tpu.memory_space<hbm>>)
      tpu.yield
    }) : () -> ()
    return
  }
}

#map = affine_map<(d0, d1) -> (0, 0)>
#map1 = affine_map<(d0, d1) -> (0)>
module attributes {stable_mosaic.version = 14 : i64} {
  func.func @_sc_edge_body(%arg0: i32, %arg1: i32, %arg2: memref<10000x128xf32, #tpu.memory_space<hbm>>, %arg3: memref<128x128xf32, #tpu.memory_space<hbm>>, %arg4: memref<320000x128xf32, #tpu.memory_space<hbm>>, %arg5: memref<320000xi32, #tpu.memory_space<hbm>>, %arg6: memref<320000xi32, #tpu.memory_space<hbm>>, %arg7: memref<320000xi32, #tpu.memory_space<hbm>>, %arg8: memref<10112x128xf32, #tpu.memory_space<hbm>>, %arg9: memref<20224x128xf32, #tpu.memory_space<hbm>>, %arg10: memref<10112x128xf32, #tpu.memory_space<vmem_shared>>, %arg11: memref<80xi32, #tpu.memory_space<vmem>>, %arg12: memref<80xi32, #tpu.memory_space<vmem>>, %arg13: memref<80xi32, #tpu.memory_space<vmem>>, %arg14: memref<80x128xf32, #tpu.memory_space<vmem>>, %arg15: memref<80x128xf32, #tpu.memory_space<vmem>>, %arg16: memref<80x128xf32, #tpu.memory_space<vmem>>, %arg17: memref<80x128xf32, #tpu.memory_space<vmem>>, %arg18: memref<!tpu.dma_semaphore, #tpu.memory_space<semaphore_mem>>, %arg19: memref<!tpu.dma_semaphore, #tpu.memory_space<semaphore_mem>>) attributes {dimension_semantics = [#tpu.dimension_semantics<core_parallel>, #tpu.dimension_semantics<subcore_parallel>], iteration_bounds = array<i64: 2, 16>, scalar_prefetch = 0 : i64, scratch_operands = 10 : i64, tpu.core_type = #tpu.core_type<sc_vector_subcore>, window_params = [{transform_indices = #map}, {transform_indices = #map}, {transform_indices = #map}, {transform_indices = #map1}, {transform_indices = #map1}, {transform_indices = #map1}, {transform_indices = #map}, {transform_indices = #map}]} {
    %mul3A = arith.constant 632 : i32
    %mul3A_0 = arith.muli %arg1, %mul3A : i32
    %mul3A_1 = arith.constant 632 : i32
    %mul3A_2 = arith.muli %arg1, %mul3A_1 : i32
    "tpu.region"() ({
      %run_scoped3A = tpu.sem_alloc : memref<!tpu.dma_semaphore, #tpu.memory_space<semaphore_mem>>
      %dma_start3A = arith.constant 0 : i32
      %dma_start3A_20 = tpu.memref_slice %arg10[%mul3A_2, %dma_start3A] : memref<10112x128xf32, #tpu.memory_space<vmem_shared>> -> memref<632x128xf32, #tpu.memory_space<vmem_shared>>
      %dma_start3A_21 = arith.constant 0 : i32
      %dma_start3A_22 = tpu.memref_slice %arg8[%mul3A_0, %dma_start3A_21] : memref<10112x128xf32, #tpu.memory_space<hbm>> -> memref<632x128xf32, #tpu.memory_space<hbm>>
      tpu.enqueue_dma source(%dma_start3A_22 : memref<632x128xf32, #tpu.memory_space<hbm>>) target(%dma_start3A_20 : memref<632x128xf32, #tpu.memory_space<vmem_shared>>) target_semaphore(%run_scoped3A : memref<!tpu.dma_semaphore, #tpu.memory_space<semaphore_mem>>)
      %dma_wait3A = arith.constant 0 : i32
      %dma_wait3A_23 = tpu.memref_slice %arg10[%mul3A_2, %dma_wait3A] : memref<10112x128xf32, #tpu.memory_space<vmem_shared>> -> memref<632x128xf32, #tpu.memory_space<vmem_shared>>
      %dma_wait3A_24 = arith.constant 0 : i32
      %dma_wait3A_25 = tpu.memref_slice %arg8[%mul3A_0, %dma_wait3A_24] : memref<10112x128xf32, #tpu.memory_space<hbm>> -> memref<632x128xf32, #tpu.memory_space<hbm>>
      tpu.wait_dma2 semaphore(%run_scoped3A : memref<!tpu.dma_semaphore, #tpu.memory_space<semaphore_mem>>) src(%dma_wait3A_25 : memref<632x128xf32, #tpu.memory_space<hbm>>) dst(%dma_wait3A_23 : memref<632x128xf32, #tpu.memory_space<vmem_shared>>)
      tpu.yield
    }) : () -> ()
    %barrier3A = arith.constant 0 : index
    tpu.barrier barrier_id(%barrier3A)
    %mul3A_3 = arith.constant 16 : i32
    %mul3A_4 = arith.muli %arg0, %mul3A_3 : i32
    %add3A = arith.addi %mul3A_4, %arg1 : i32
    %mul3A_5 = arith.constant 10000 : i32
    %mul3A_6 = arith.muli %add3A, %mul3A_5 : i32
    %scan3A = arith.constant 0 : i32
    %scan3A_7 = arith.constant 0 : i32
    %scan3A_8 = arith.constant 125 : i32
    %scan3A_9 = arith.addi %scan3A_7, %scan3A_8 : i32
    %scan3A_10 = arith.constant 1 : i32
    scf.for %scan3A_20 = %scan3A_7 to %scan3A_9 step %scan3A_10  : i32 {
      %mul3A_21 = arith.constant 80 : i32
      %mul3A_22 = arith.muli %scan3A_20, %mul3A_21 : i32
      %add3A_23 = arith.addi %mul3A_6, %mul3A_22 : i32
      "tpu.region"() ({
        %run_scoped3A = tpu.sem_alloc : memref<!tpu.dma_semaphore, #tpu.memory_space<semaphore_mem>>
        %dma_start3A_40 = tpu.memref_slice %arg5[%add3A_23] : memref<320000xi32, #tpu.memory_space<hbm>> -> memref<80xi32, #tpu.memory_space<hbm>>
        %dma_start3A_41 = tpu.memref_slice %arg5[%add3A_23] : memref<320000xi32, #tpu.memory_space<hbm>> -> memref<80xi32, #tpu.memory_space<hbm>>
        tpu.enqueue_dma source(%dma_start3A_41 : memref<80xi32, #tpu.memory_space<hbm>>) target(%arg11 : memref<80xi32, #tpu.memory_space<vmem>>) target_semaphore(%run_scoped3A : memref<!tpu.dma_semaphore, #tpu.memory_space<semaphore_mem>>)
        %dma_wait3A_42 = tpu.memref_slice %arg5[%add3A_23] : memref<320000xi32, #tpu.memory_space<hbm>> -> memref<80xi32, #tpu.memory_space<hbm>>
        %dma_wait3A_43 = tpu.memref_slice %arg5[%add3A_23] : memref<320000xi32, #tpu.memory_space<hbm>> -> memref<80xi32, #tpu.memory_space<hbm>>
        tpu.wait_dma2 semaphore(%run_scoped3A : memref<!tpu.dma_semaphore, #tpu.memory_space<semaphore_mem>>) src(%dma_wait3A_43 : memref<80xi32, #tpu.memory_space<hbm>>) dst(%arg11 : memref<80xi32, #tpu.memory_space<vmem>>)
        tpu.yield
      }) : () -> ()
      "tpu.region"() ({
        %run_scoped3A = tpu.sem_alloc : memref<!tpu.dma_semaphore, #tpu.memory_space<semaphore_mem>>
        %dma_start3A_40 = tpu.memref_slice %arg6[%add3A_23] : memref<320000xi32, #tpu.memory_space<hbm>> -> memref<80xi32, #tpu.memory_space<hbm>>
        %dma_start3A_41 = tpu.memref_slice %arg6[%add3A_23] : memref<320000xi32, #tpu.memory_space<hbm>> -> memref<80xi32, #tpu.memory_space<hbm>>
        tpu.enqueue_dma source(%dma_start3A_41 : memref<80xi32, #tpu.memory_space<hbm>>) target(%arg12 : memref<80xi32, #tpu.memory_space<vmem>>) target_semaphore(%run_scoped3A : memref<!tpu.dma_semaphore, #tpu.memory_space<semaphore_mem>>)
        %dma_wait3A_42 = tpu.memref_slice %arg6[%add3A_23] : memref<320000xi32, #tpu.memory_space<hbm>> -> memref<80xi32, #tpu.memory_space<hbm>>
        %dma_wait3A_43 = tpu.memref_slice %arg6[%add3A_23] : memref<320000xi32, #tpu.memory_space<hbm>> -> memref<80xi32, #tpu.memory_space<hbm>>
        tpu.wait_dma2 semaphore(%run_scoped3A : memref<!tpu.dma_semaphore, #tpu.memory_space<semaphore_mem>>) src(%dma_wait3A_43 : memref<80xi32, #tpu.memory_space<hbm>>) dst(%arg12 : memref<80xi32, #tpu.memory_space<vmem>>)
        tpu.yield
      }) : () -> ()
      "tpu.region"() ({
        %run_scoped3A = tpu.sem_alloc : memref<!tpu.dma_semaphore, #tpu.memory_space<semaphore_mem>>
        %dma_start3A_40 = tpu.memref_slice %arg7[%add3A_23] : memref<320000xi32, #tpu.memory_space<hbm>> -> memref<80xi32, #tpu.memory_space<hbm>>
        %dma_start3A_41 = tpu.memref_slice %arg7[%add3A_23] : memref<320000xi32, #tpu.memory_space<hbm>> -> memref<80xi32, #tpu.memory_space<hbm>>
        tpu.enqueue_dma source(%dma_start3A_41 : memref<80xi32, #tpu.memory_space<hbm>>) target(%arg13 : memref<80xi32, #tpu.memory_space<vmem>>) target_semaphore(%run_scoped3A : memref<!tpu.dma_semaphore, #tpu.memory_space<semaphore_mem>>)
        %dma_wait3A_42 = tpu.memref_slice %arg7[%add3A_23] : memref<320000xi32, #tpu.memory_space<hbm>> -> memref<80xi32, #tpu.memory_space<hbm>>
        %dma_wait3A_43 = tpu.memref_slice %arg7[%add3A_23] : memref<320000xi32, #tpu.memory_space<hbm>> -> memref<80xi32, #tpu.memory_space<hbm>>
        tpu.wait_dma2 semaphore(%run_scoped3A : memref<!tpu.dma_semaphore, #tpu.memory_space<semaphore_mem>>) src(%dma_wait3A_43 : memref<80xi32, #tpu.memory_space<hbm>>) dst(%arg13 : memref<80xi32, #tpu.memory_space<vmem>>)
        tpu.yield
      }) : () -> ()
      "tpu.region"() ({
        %run_scoped3A = tpu.sem_alloc : memref<!tpu.dma_semaphore, #tpu.memory_space<semaphore_mem>>
        %dma_start3A_40 = arith.constant 0 : i32
        %dma_start3A_41 = tpu.memref_slice %arg4[%add3A_23, %dma_start3A_40] : memref<320000x128xf32, #tpu.memory_space<hbm>> -> memref<80x128xf32, #tpu.memory_space<hbm>>
        %dma_start3A_42 = arith.constant 0 : i32
        %dma_start3A_43 = tpu.memref_slice %arg4[%add3A_23, %dma_start3A_42] : memref<320000x128xf32, #tpu.memory_space<hbm>> -> memref<80x128xf32, #tpu.memory_space<hbm>>
        tpu.enqueue_dma source(%dma_start3A_43 : memref<80x128xf32, #tpu.memory_space<hbm>>) target(%arg14 : memref<80x128xf32, #tpu.memory_space<vmem>>) target_semaphore(%run_scoped3A : memref<!tpu.dma_semaphore, #tpu.memory_space<semaphore_mem>>)
        %dma_wait3A_44 = arith.constant 0 : i32
        %dma_wait3A_45 = tpu.memref_slice %arg4[%add3A_23, %dma_wait3A_44] : memref<320000x128xf32, #tpu.memory_space<hbm>> -> memref<80x128xf32, #tpu.memory_space<hbm>>
        %dma_wait3A_46 = arith.constant 0 : i32
        %dma_wait3A_47 = tpu.memref_slice %arg4[%add3A_23, %dma_wait3A_46] : memref<320000x128xf32, #tpu.memory_space<hbm>> -> memref<80x128xf32, #tpu.memory_space<hbm>>
        tpu.wait_dma2 semaphore(%run_scoped3A : memref<!tpu.dma_semaphore, #tpu.memory_space<semaphore_mem>>) src(%dma_wait3A_47 : memref<80x128xf32, #tpu.memory_space<hbm>>) dst(%arg14 : memref<80x128xf32, #tpu.memory_space<vmem>>)
        tpu.yield
      }) : () -> ()
      %dma_start3A = arith.constant 0 : i32
      %dma_start3A_24 = arith.constant 0 : i32
      %dma_start3A_25 = tpu.memref_slice %arg2[%dma_start3A, %dma_start3A_24] : memref<10000x128xf32, #tpu.memory_space<hbm>> -> memref<10000x128xf32, #tpu.memory_space<hbm>>
      tpu.enqueue_indirect_dma source(%dma_start3A_25 : memref<10000x128xf32, #tpu.memory_space<hbm>>) target(%arg15 : memref<80x128xf32, #tpu.memory_space<vmem>>) offsets(%arg11 : memref<80xi32, #tpu.memory_space<vmem>>) semaphore(%arg18 : memref<!tpu.dma_semaphore, #tpu.memory_space<semaphore_mem>>)
      %dma_start3A_26 = arith.constant 0 : i32
      %dma_start3A_27 = arith.constant 0 : i32
      %dma_start3A_28 = tpu.memref_slice %arg3[%dma_start3A_26, %dma_start3A_27] : memref<128x128xf32, #tpu.memory_space<hbm>> -> memref<128x128xf32, #tpu.memory_space<hbm>>
      tpu.enqueue_indirect_dma source(%dma_start3A_28 : memref<128x128xf32, #tpu.memory_space<hbm>>) target(%arg16 : memref<80x128xf32, #tpu.memory_space<vmem>>) offsets(%arg12 : memref<80xi32, #tpu.memory_space<vmem>>) semaphore(%arg19 : memref<!tpu.dma_semaphore, #tpu.memory_space<semaphore_mem>>)
      %dma_wait3A = arith.constant 0 : i32
      %dma_wait3A_29 = arith.constant 0 : i32
      %dma_wait3A_30 = tpu.memref_slice %arg2[%dma_wait3A, %dma_wait3A_29] : memref<10000x128xf32, #tpu.memory_space<hbm>> -> memref<10000x128xf32, #tpu.memory_space<hbm>>
      tpu.wait_indirect_dma semaphore(%arg18 : memref<!tpu.dma_semaphore, #tpu.memory_space<semaphore_mem>>) src(%dma_wait3A_30 : memref<10000x128xf32, #tpu.memory_space<hbm>>) dst(%arg15 : memref<80x128xf32, #tpu.memory_space<vmem>>)
      %dma_wait3A_31 = arith.constant 0 : i32
      %dma_wait3A_32 = arith.constant 0 : i32
      %dma_wait3A_33 = tpu.memref_slice %arg3[%dma_wait3A_31, %dma_wait3A_32] : memref<128x128xf32, #tpu.memory_space<hbm>> -> memref<128x128xf32, #tpu.memory_space<hbm>>
      tpu.wait_indirect_dma semaphore(%arg19 : memref<!tpu.dma_semaphore, #tpu.memory_space<semaphore_mem>>) src(%dma_wait3A_33 : memref<128x128xf32, #tpu.memory_space<hbm>>) dst(%arg16 : memref<80x128xf32, #tpu.memory_space<vmem>>)
      %scan3A_34 = arith.constant 0 : i32
      %scan3A_35 = arith.constant 0 : i32
      %scan3A_36 = arith.constant 80 : i32
      %scan3A_37 = arith.addi %scan3A_35, %scan3A_36 : i32
      %scan3A_38 = arith.constant 1 : i32
      scf.for %scan3A_40 = %scan3A_35 to %scan3A_37 step %scan3A_38  : i32 {
        %get3A = arith.index_cast %scan3A_40 : i32 to index
        %get3A_41 = arith.constant 0 : index
        %get3A_42 = tpu.vector_load %arg15[%get3A, %get3A_41] {strides = array<i32>} : memref<80x128xf32, #tpu.memory_space<vmem>>, vector<1x16xf32>,
        %get3A_43 = vector.shape_cast %get3A_42 : vector<1x16xf32> to vector<16xf32>
        %get3A_44 = arith.index_cast %scan3A_40 : i32 to index
        %get3A_45 = arith.constant 0 : index
        %get3A_46 = tpu.vector_load %arg16[%get3A_44, %get3A_45] {strides = array<i32>} : memref<80x128xf32, #tpu.memory_space<vmem>>, vector<1x16xf32>,
        %get3A_47 = vector.shape_cast %get3A_46 : vector<1x16xf32> to vector<16xf32>
        %add3A_48 = arith.addf %get3A_43, %get3A_47 : vector<16xf32>
        %get3A_49 = arith.index_cast %scan3A_40 : i32 to index
        %get3A_50 = arith.constant 0 : index
        %get3A_51 = tpu.vector_load %arg14[%get3A_49, %get3A_50] {strides = array<i32>} : memref<80x128xf32, #tpu.memory_space<vmem>>, vector<1x16xf32>,
        %get3A_52 = vector.shape_cast %get3A_51 : vector<1x16xf32> to vector<16xf32>
        %mul3A_53 = arith.mulf %add3A_48, %add3A_48 : vector<16xf32>
        %mul3A_54 = arith.mulf %mul3A_53, %add3A_48 : vector<16xf32>
        %mul3A_55 = arith.constant 4.471500e-02 : f32
        %mul3A_56 = vector.broadcast %mul3A_55 : f32 to vector<16xf32>
        %mul3A_57 = arith.mulf %mul3A_56, %mul3A_54 : vector<16xf32>
        %add3A_58 = arith.addf %add3A_48, %mul3A_57 : vector<16xf32>
        %mul3A_59 = arith.constant 1.59576917 : f32
        %mul3A_60 = vector.broadcast %mul3A_59 : f32 to vector<16xf32>
        %mul3A_61 = arith.mulf %mul3A_60, %add3A_58 : vector<16xf32>
        %exp3A = math.exp %mul3A_61 : vector<16xf32>
        %add3A_62 = arith.constant 1.000000e+00 : f32
        %add3A_63 = vector.broadcast %add3A_62 : f32 to vector<16xf32>
        %add3A_64 = arith.addf %exp3A, %add3A_63 : vector<16xf32>
        %div3A = arith.constant 2.000000e+00 : f32
        %div3A_65 = vector.broadcast %div3A : f32 to vector<16xf32>
        %div3A_66 = arith.divf %div3A_65, %add3A_64 : vector<16xf32>
        %sub3A = arith.constant 1.000000e+00 : f32
        %sub3A_67 = vector.broadcast %sub3A : f32 to vector<16xf32>
        %sub3A_68 = arith.subf %sub3A_67, %div3A_66 : vector<16xf32>
        %mul3A_69 = arith.constant 5.000000e-01 : f32
        %mul3A_70 = vector.broadcast %mul3A_69 : f32 to vector<16xf32>
        %mul3A_71 = arith.mulf %mul3A_70, %add3A_48 : vector<16xf32>
        %add3A_72 = arith.constant 1.000000e+00 : f32
        %add3A_73 = vector.broadcast %add3A_72 : f32 to vector<16xf32>
        %add3A_74 = arith.addf %add3A_73, %sub3A_68 : vector<16xf32>
        %mul3A_75 = arith.mulf %mul3A_71, %add3A_74 : vector<16xf32>
        %mul3A_76 = arith.mulf %mul3A_75, %get3A_52 : vector<16xf32>
        %swap3A = arith.index_cast %scan3A_40 : i32 to index
        %swap3A_77 = arith.constant 0 : index
        %swap3A_78 = tpu.vector_load %arg17[%swap3A, %swap3A_77] {strides = array<i32>} : memref<80x128xf32, #tpu.memory_space<vmem>>, vector<1x16xf32>,
        %swap3A_79 = vector.shape_cast %swap3A_78 : vector<1x16xf32> to vector<16xf32>
        %swap3A_80 = vector.shape_cast %mul3A_76 : vector<16xf32> to vector<1x16xf32>
        tpu.vector_store %arg17[%swap3A, %swap3A_77], %swap3A_80 {strides = array<i32>} : memref<80x128xf32, #tpu.memory_space<vmem>>, vector<1x16xf32>,
        %get3A_81 = arith.index_cast %scan3A_40 : i32 to index
        %get3A_82 = arith.constant 16 : index
        %get3A_83 = tpu.vector_load %arg15[%get3A_81, %get3A_82] {strides = array<i32>} : memref<80x128xf32, #tpu.memory_space<vmem>>, vector<1x16xf32>,
        %get3A_84 = vector.shape_cast %get3A_83 : vector<1x16xf32> to vector<16xf32>
        %get3A_85 = arith.index_cast %scan3A_40 : i32 to index
        %get3A_86 = arith.constant 16 : index
        %get3A_87 = tpu.vector_load %arg16[%get3A_85, %get3A_86] {strides = array<i32>} : memref<80x128xf32, #tpu.memory_space<vmem>>, vector<1x16xf32>,
        %get3A_88 = vector.shape_cast %get3A_87 : vector<1x16xf32> to vector<16xf32>
        %add3A_89 = arith.addf %get3A_84, %get3A_88 : vector<16xf32>
        %get3A_90 = arith.index_cast %scan3A_40 : i32 to index
        %get3A_91 = arith.constant 16 : index
        %get3A_92 = tpu.vector_load %arg14[%get3A_90, %get3A_91] {strides = array<i32>} : memref<80x128xf32, #tpu.memory_space<vmem>>, vector<1x16xf32>,
        %get3A_93 = vector.shape_cast %get3A_92 : vector<1x16xf32> to vector<16xf32>
        %mul3A_94 = arith.mulf %add3A_89, %add3A_89 : vector<16xf32>
        %mul3A_95 = arith.mulf %mul3A_94, %add3A_89 : vector<16xf32>
        %mul3A_96 = arith.constant 4.471500e-02 : f32
        %mul3A_97 = vector.broadcast %mul3A_96 : f32 to vector<16xf32>
        %mul3A_98 = arith.mulf %mul3A_97, %mul3A_95 : vector<16xf32>
        %add3A_99 = arith.addf %add3A_89, %mul3A_98 : vector<16xf32>
        %mul3A_100 = arith.constant 1.59576917 : f32
        %mul3A_101 = vector.broadcast %mul3A_100 : f32 to vector<16xf32>
        %mul3A_102 = arith.mulf %mul3A_101, %add3A_99 : vector<16xf32>
        %exp3A_103 = math.exp %mul3A_102 : vector<16xf32>
        %add3A_104 = arith.constant 1.000000e+00 : f32
        %add3A_105 = vector.broadcast %add3A_104 : f32 to vector<16xf32>
        %add3A_106 = arith.addf %exp3A_103, %add3A_105 : vector<16xf32>
        %div3A_107 = arith.constant 2.000000e+00 : f32
        %div3A_108 = vector.broadcast %div3A_107 : f32 to vector<16xf32>
        %div3A_109 = arith.divf %div3A_108, %add3A_106 : vector<16xf32>
        %sub3A_110 = arith.constant 1.000000e+00 : f32
        %sub3A_111 = vector.broadcast %sub3A_110 : f32 to vector<16xf32>
        %sub3A_112 = arith.subf %sub3A_111, %div3A_109 : vector<16xf32>
        %mul3A_113 = arith.constant 5.000000e-01 : f32
        %mul3A_114 = vector.broadcast %mul3A_113 : f32 to vector<16xf32>
        %mul3A_115 = arith.mulf %mul3A_114, %add3A_89 : vector<16xf32>
        %add3A_116 = arith.constant 1.000000e+00 : f32
        %add3A_117 = vector.broadcast %add3A_116 : f32 to vector<16xf32>
        %add3A_118 = arith.addf %add3A_117, %sub3A_112 : vector<16xf32>
        %mul3A_119 = arith.mulf %mul3A_115, %add3A_118 : vector<16xf32>
        %mul3A_120 = arith.mulf %mul3A_119, %get3A_93 : vector<16xf32>
        %swap3A_121 = arith.index_cast %scan3A_40 : i32 to index
        %swap3A_122 = arith.constant 16 : index
        %swap3A_123 = tpu.vector_load %arg17[%swap3A_121, %swap3A_122] {strides = array<i32>} : memref<80x128xf32, #tpu.memory_space<vmem>>, vector<1x16xf32>,
        %swap3A_124 = vector.shape_cast %swap3A_123 : vector<1x16xf32> to vector<16xf32>
        %swap3A_125 = vector.shape_cast %mul3A_120 : vector<16xf32> to vector<1x16xf32>
        tpu.vector_store %arg17[%swap3A_121, %swap3A_122], %swap3A_125 {strides = array<i32>} : memref<80x128xf32, #tpu.memory_space<vmem>>, vector<1x16xf32>,
        %get3A_126 = arith.index_cast %scan3A_40 : i32 to index
        %get3A_127 = arith.constant 32 : index
        %get3A_128 = tpu.vector_load %arg15[%get3A_126, %get3A_127] {strides = array<i32>} : memref<80x128xf32, #tpu.memory_space<vmem>>, vector<1x16xf32>,
        %get3A_129 = vector.shape_cast %get3A_128 : vector<1x16xf32> to vector<16xf32>
        %get3A_130 = arith.index_cast %scan3A_40 : i32 to index
        %get3A_131 = arith.constant 32 : index
        %get3A_132 = tpu.vector_load %arg16[%get3A_130, %get3A_131] {strides = array<i32>} : memref<80x128xf32, #tpu.memory_space<vmem>>, vector<1x16xf32>,
        %get3A_133 = vector.shape_cast %get3A_132 : vector<1x16xf32> to vector<16xf32>
        %add3A_134 = arith.addf %get3A_129, %get3A_133 : vector<16xf32>
        %get3A_135 = arith.index_cast %scan3A_40 : i32 to index
        %get3A_136 = arith.constant 32 : index
        %get3A_137 = tpu.vector_load %arg14[%get3A_135, %get3A_136] {strides = array<i32>} : memref<80x128xf32, #tpu.memory_space<vmem>>, vector<1x16xf32>,
        %get3A_138 = vector.shape_cast %get3A_137 : vector<1x16xf32> to vector<16xf32>
        %mul3A_139 = arith.mulf %add3A_134, %add3A_134 : vector<16xf32>
        %mul3A_140 = arith.mulf %mul3A_139, %add3A_134 : vector<16xf32>
        %mul3A_141 = arith.constant 4.471500e-02 : f32
        %mul3A_142 = vector.broadcast %mul3A_141 : f32 to vector<16xf32>
        %mul3A_143 = arith.mulf %mul3A_142, %mul3A_140 : vector<16xf32>
        %add3A_144 = arith.addf %add3A_134, %mul3A_143 : vector<16xf32>
        %mul3A_145 = arith.constant 1.59576917 : f32
        %mul3A_146 = vector.broadcast %mul3A_145 : f32 to vector<16xf32>
        %mul3A_147 = arith.mulf %mul3A_146, %add3A_144 : vector<16xf32>
        %exp3A_148 = math.exp %mul3A_147 : vector<16xf32>
        %add3A_149 = arith.constant 1.000000e+00 : f32
        %add3A_150 = vector.broadcast %add3A_149 : f32 to vector<16xf32>
        %add3A_151 = arith.addf %exp3A_148, %add3A_150 : vector<16xf32>
        %div3A_152 = arith.constant 2.000000e+00 : f32
        %div3A_153 = vector.broadcast %div3A_152 : f32 to vector<16xf32>
        %div3A_154 = arith.divf %div3A_153, %add3A_151 : vector<16xf32>
        %sub3A_155 = arith.constant 1.000000e+00 : f32
        %sub3A_156 = vector.broadcast %sub3A_155 : f32 to vector<16xf32>
        %sub3A_157 = arith.subf %sub3A_156, %div3A_154 : vector<16xf32>
        %mul3A_158 = arith.constant 5.000000e-01 : f32
        %mul3A_159 = vector.broadcast %mul3A_158 : f32 to vector<16xf32>
        %mul3A_160 = arith.mulf %mul3A_159, %add3A_134 : vector<16xf32>
        %add3A_161 = arith.constant 1.000000e+00 : f32
        %add3A_162 = vector.broadcast %add3A_161 : f32 to vector<16xf32>
        %add3A_163 = arith.addf %add3A_162, %sub3A_157 : vector<16xf32>
        %mul3A_164 = arith.mulf %mul3A_160, %add3A_163 : vector<16xf32>
        %mul3A_165 = arith.mulf %mul3A_164, %get3A_138 : vector<16xf32>
        %swap3A_166 = arith.index_cast %scan3A_40 : i32 to index
        %swap3A_167 = arith.constant 32 : index
        %swap3A_168 = tpu.vector_load %arg17[%swap3A_166, %swap3A_167] {strides = array<i32>} : memref<80x128xf32, #tpu.memory_space<vmem>>, vector<1x16xf32>,
        %swap3A_169 = vector.shape_cast %swap3A_168 : vector<1x16xf32> to vector<16xf32>
        %swap3A_170 = vector.shape_cast %mul3A_165 : vector<16xf32> to vector<1x16xf32>
        tpu.vector_store %arg17[%swap3A_166, %swap3A_167], %swap3A_170 {strides = array<i32>} : memref<80x128xf32, #tpu.memory_space<vmem>>, vector<1x16xf32>,
        %get3A_171 = arith.index_cast %scan3A_40 : i32 to index
        %get3A_172 = arith.constant 48 : index
        %get3A_173 = tpu.vector_load %arg15[%get3A_171, %get3A_172] {strides = array<i32>} : memref<80x128xf32, #tpu.memory_space<vmem>>, vector<1x16xf32>,
        %get3A_174 = vector.shape_cast %get3A_173 : vector<1x16xf32> to vector<16xf32>
        %get3A_175 = arith.index_cast %scan3A_40 : i32 to index
        %get3A_176 = arith.constant 48 : index
        %get3A_177 = tpu.vector_load %arg16[%get3A_175, %get3A_176] {strides = array<i32>} : memref<80x128xf32, #tpu.memory_space<vmem>>, vector<1x16xf32>,
        %get3A_178 = vector.shape_cast %get3A_177 : vector<1x16xf32> to vector<16xf32>
        %add3A_179 = arith.addf %get3A_174, %get3A_178 : vector<16xf32>
        %get3A_180 = arith.index_cast %scan3A_40 : i32 to index
        %get3A_181 = arith.constant 48 : index
        %get3A_182 = tpu.vector_load %arg14[%get3A_180, %get3A_181] {strides = array<i32>} : memref<80x128xf32, #tpu.memory_space<vmem>>, vector<1x16xf32>,
        %get3A_183 = vector.shape_cast %get3A_182 : vector<1x16xf32> to vector<16xf32>
        %mul3A_184 = arith.mulf %add3A_179, %add3A_179 : vector<16xf32>
        %mul3A_185 = arith.mulf %mul3A_184, %add3A_179 : vector<16xf32>
        %mul3A_186 = arith.constant 4.471500e-02 : f32
        %mul3A_187 = vector.broadcast %mul3A_186 : f32 to vector<16xf32>
        %mul3A_188 = arith.mulf %mul3A_187, %mul3A_185 : vector<16xf32>
        %add3A_189 = arith.addf %add3A_179, %mul3A_188 : vector<16xf32>
        %mul3A_190 = arith.constant 1.59576917 : f32
        %mul3A_191 = vector.broadcast %mul3A_190 : f32 to vector<16xf32>
        %mul3A_192 = arith.mulf %mul3A_191, %add3A_189 : vector<16xf32>
        %exp3A_193 = math.exp %mul3A_192 : vector<16xf32>
        %add3A_194 = arith.constant 1.000000e+00 : f32
        %add3A_195 = vector.broadcast %add3A_194 : f32 to vector<16xf32>
        %add3A_196 = arith.addf %exp3A_193, %add3A_195 : vector<16xf32>
        %div3A_197 = arith.constant 2.000000e+00 : f32
        %div3A_198 = vector.broadcast %div3A_197 : f32 to vector<16xf32>
        %div3A_199 = arith.divf %div3A_198, %add3A_196 : vector<16xf32>
        %sub3A_200 = arith.constant 1.000000e+00 : f32
        %sub3A_201 = vector.broadcast %sub3A_200 : f32 to vector<16xf32>
        %sub3A_202 = arith.subf %sub3A_201, %div3A_199 : vector<16xf32>
        %mul3A_203 = arith.constant 5.000000e-01 : f32
        %mul3A_204 = vector.broadcast %mul3A_203 : f32 to vector<16xf32>
        %mul3A_205 = arith.mulf %mul3A_204, %add3A_179 : vector<16xf32>
        %add3A_206 = arith.constant 1.000000e+00 : f32
        %add3A_207 = vector.broadcast %add3A_206 : f32 to vector<16xf32>
        %add3A_208 = arith.addf %add3A_207, %sub3A_202 : vector<16xf32>
        %mul3A_209 = arith.mulf %mul3A_205, %add3A_208 : vector<16xf32>
        %mul3A_210 = arith.mulf %mul3A_209, %get3A_183 : vector<16xf32>
        %swap3A_211 = arith.index_cast %scan3A_40 : i32 to index
        %swap3A_212 = arith.constant 48 : index
        %swap3A_213 = tpu.vector_load %arg17[%swap3A_211, %swap3A_212] {strides = array<i32>} : memref<80x128xf32, #tpu.memory_space<vmem>>, vector<1x16xf32>,
        %swap3A_214 = vector.shape_cast %swap3A_213 : vector<1x16xf32> to vector<16xf32>
        %swap3A_215 = vector.shape_cast %mul3A_210 : vector<16xf32> to vector<1x16xf32>
        tpu.vector_store %arg17[%swap3A_211, %swap3A_212], %swap3A_215 {strides = array<i32>} : memref<80x128xf32, #tpu.memory_space<vmem>>, vector<1x16xf32>,
        %get3A_216 = arith.index_cast %scan3A_40 : i32 to index
        %get3A_217 = arith.constant 64 : index
        %get3A_218 = tpu.vector_load %arg15[%get3A_216, %get3A_217] {strides = array<i32>} : memref<80x128xf32, #tpu.memory_space<vmem>>, vector<1x16xf32>,
        %get3A_219 = vector.shape_cast %get3A_218 : vector<1x16xf32> to vector<16xf32>
        %get3A_220 = arith.index_cast %scan3A_40 : i32 to index
        %get3A_221 = arith.constant 64 : index
        %get3A_222 = tpu.vector_load %arg16[%get3A_220, %get3A_221] {strides = array<i32>} : memref<80x128xf32, #tpu.memory_space<vmem>>, vector<1x16xf32>,
        %get3A_223 = vector.shape_cast %get3A_222 : vector<1x16xf32> to vector<16xf32>
        %add3A_224 = arith.addf %get3A_219, %get3A_223 : vector<16xf32>
        %get3A_225 = arith.index_cast %scan3A_40 : i32 to index
        %get3A_226 = arith.constant 64 : index
        %get3A_227 = tpu.vector_load %arg14[%get3A_225, %get3A_226] {strides = array<i32>} : memref<80x128xf32, #tpu.memory_space<vmem>>, vector<1x16xf32>,
        %get3A_228 = vector.shape_cast %get3A_227 : vector<1x16xf32> to vector<16xf32>
        %mul3A_229 = arith.mulf %add3A_224, %add3A_224 : vector<16xf32>
        %mul3A_230 = arith.mulf %mul3A_229, %add3A_224 : vector<16xf32>
        %mul3A_231 = arith.constant 4.471500e-02 : f32
        %mul3A_232 = vector.broadcast %mul3A_231 : f32 to vector<16xf32>
        %mul3A_233 = arith.mulf %mul3A_232, %mul3A_230 : vector<16xf32>
        %add3A_234 = arith.addf %add3A_224, %mul3A_233 : vector<16xf32>
        %mul3A_235 = arith.constant 1.59576917 : f32
        %mul3A_236 = vector.broadcast %mul3A_235 : f32 to vector<16xf32>
        %mul3A_237 = arith.mulf %mul3A_236, %add3A_234 : vector<16xf32>
        %exp3A_238 = math.exp %mul3A_237 : vector<16xf32>
        %add3A_239 = arith.constant 1.000000e+00 : f32
        %add3A_240 = vector.broadcast %add3A_239 : f32 to vector<16xf32>
        %add3A_241 = arith.addf %exp3A_238, %add3A_240 : vector<16xf32>
        %div3A_242 = arith.constant 2.000000e+00 : f32
        %div3A_243 = vector.broadcast %div3A_242 : f32 to vector<16xf32>
        %div3A_244 = arith.divf %div3A_243, %add3A_241 : vector<16xf32>
        %sub3A_245 = arith.constant 1.000000e+00 : f32
        %sub3A_246 = vector.broadcast %sub3A_245 : f32 to vector<16xf32>
        %sub3A_247 = arith.subf %sub3A_246, %div3A_244 : vector<16xf32>
        %mul3A_248 = arith.constant 5.000000e-01 : f32
        %mul3A_249 = vector.broadcast %mul3A_248 : f32 to vector<16xf32>
        %mul3A_250 = arith.mulf %mul3A_249, %add3A_224 : vector<16xf32>
        %add3A_251 = arith.constant 1.000000e+00 : f32
        %add3A_252 = vector.broadcast %add3A_251 : f32 to vector<16xf32>
        %add3A_253 = arith.addf %add3A_252, %sub3A_247 : vector<16xf32>
        %mul3A_254 = arith.mulf %mul3A_250, %add3A_253 : vector<16xf32>
        %mul3A_255 = arith.mulf %mul3A_254, %get3A_228 : vector<16xf32>
        %swap3A_256 = arith.index_cast %scan3A_40 : i32 to index
        %swap3A_257 = arith.constant 64 : index
        %swap3A_258 = tpu.vector_load %arg17[%swap3A_256, %swap3A_257] {strides = array<i32>} : memref<80x128xf32, #tpu.memory_space<vmem>>, vector<1x16xf32>,
        %swap3A_259 = vector.shape_cast %swap3A_258 : vector<1x16xf32> to vector<16xf32>
        %swap3A_260 = vector.shape_cast %mul3A_255 : vector<16xf32> to vector<1x16xf32>
        tpu.vector_store %arg17[%swap3A_256, %swap3A_257], %swap3A_260 {strides = array<i32>} : memref<80x128xf32, #tpu.memory_space<vmem>>, vector<1x16xf32>,
        %get3A_261 = arith.index_cast %scan3A_40 : i32 to index
        %get3A_262 = arith.constant 80 : index
        %get3A_263 = tpu.vector_load %arg15[%get3A_261, %get3A_262] {strides = array<i32>} : memref<80x128xf32, #tpu.memory_space<vmem>>, vector<1x16xf32>,
        %get3A_264 = vector.shape_cast %get3A_263 : vector<1x16xf32> to vector<16xf32>
        %get3A_265 = arith.index_cast %scan3A_40 : i32 to index
        %get3A_266 = arith.constant 80 : index
        %get3A_267 = tpu.vector_load %arg16[%get3A_265, %get3A_266] {strides = array<i32>} : memref<80x128xf32, #tpu.memory_space<vmem>>, vector<1x16xf32>,
        %get3A_268 = vector.shape_cast %get3A_267 : vector<1x16xf32> to vector<16xf32>
        %add3A_269 = arith.addf %get3A_264, %get3A_268 : vector<16xf32>
        %get3A_270 = arith.index_cast %scan3A_40 : i32 to index
        %get3A_271 = arith.constant 80 : index
        %get3A_272 = tpu.vector_load %arg14[%get3A_270, %get3A_271] {strides = array<i32>} : memref<80x128xf32, #tpu.memory_space<vmem>>, vector<1x16xf32>,
        %get3A_273 = vector.shape_cast %get3A_272 : vector<1x16xf32> to vector<16xf32>
        %mul3A_274 = arith.mulf %add3A_269, %add3A_269 : vector<16xf32>
        %mul3A_275 = arith.mulf %mul3A_274, %add3A_269 : vector<16xf32>
        %mul3A_276 = arith.constant 4.471500e-02 : f32
        %mul3A_277 = vector.broadcast %mul3A_276 : f32 to vector<16xf32>
        %mul3A_278 = arith.mulf %mul3A_277, %mul3A_275 : vector<16xf32>
        %add3A_279 = arith.addf %add3A_269, %mul3A_278 : vector<16xf32>
        %mul3A_280 = arith.constant 1.59576917 : f32
        %mul3A_281 = vector.broadcast %mul3A_280 : f32 to vector<16xf32>
        %mul3A_282 = arith.mulf %mul3A_281, %add3A_279 : vector<16xf32>
        %exp3A_283 = math.exp %mul3A_282 : vector<16xf32>
        %add3A_284 = arith.constant 1.000000e+00 : f32
        %add3A_285 = vector.broadcast %add3A_284 : f32 to vector<16xf32>
        %add3A_286 = arith.addf %exp3A_283, %add3A_285 : vector<16xf32>
        %div3A_287 = arith.constant 2.000000e+00 : f32
        %div3A_288 = vector.broadcast %div3A_287 : f32 to vector<16xf32>
        %div3A_289 = arith.divf %div3A_288, %add3A_286 : vector<16xf32>
        %sub3A_290 = arith.constant 1.000000e+00 : f32
        %sub3A_291 = vector.broadcast %sub3A_290 : f32 to vector<16xf32>
        %sub3A_292 = arith.subf %sub3A_291, %div3A_289 : vector<16xf32>
        %mul3A_293 = arith.constant 5.000000e-01 : f32
        %mul3A_294 = vector.broadcast %mul3A_293 : f32 to vector<16xf32>
        %mul3A_295 = arith.mulf %mul3A_294, %add3A_269 : vector<16xf32>
        %add3A_296 = arith.constant 1.000000e+00 : f32
        %add3A_297 = vector.broadcast %add3A_296 : f32 to vector<16xf32>
        %add3A_298 = arith.addf %add3A_297, %sub3A_292 : vector<16xf32>
        %mul3A_299 = arith.mulf %mul3A_295, %add3A_298 : vector<16xf32>
        %mul3A_300 = arith.mulf %mul3A_299, %get3A_273 : vector<16xf32>
        %swap3A_301 = arith.index_cast %scan3A_40 : i32 to index
        %swap3A_302 = arith.constant 80 : index
        %swap3A_303 = tpu.vector_load %arg17[%swap3A_301, %swap3A_302] {strides = array<i32>} : memref<80x128xf32, #tpu.memory_space<vmem>>, vector<1x16xf32>,
        %swap3A_304 = vector.shape_cast %swap3A_303 : vector<1x16xf32> to vector<16xf32>
        %swap3A_305 = vector.shape_cast %mul3A_300 : vector<16xf32> to vector<1x16xf32>
        tpu.vector_store %arg17[%swap3A_301, %swap3A_302], %swap3A_305 {strides = array<i32>} : memref<80x128xf32, #tpu.memory_space<vmem>>, vector<1x16xf32>,
        %get3A_306 = arith.index_cast %scan3A_40 : i32 to index
        %get3A_307 = arith.constant 96 : index
        %get3A_308 = tpu.vector_load %arg15[%get3A_306, %get3A_307] {strides = array<i32>} : memref<80x128xf32, #tpu.memory_space<vmem>>, vector<1x16xf32>,
        %get3A_309 = vector.shape_cast %get3A_308 : vector<1x16xf32> to vector<16xf32>
        %get3A_310 = arith.index_cast %scan3A_40 : i32 to index
        %get3A_311 = arith.constant 96 : index
        %get3A_312 = tpu.vector_load %arg16[%get3A_310, %get3A_311] {strides = array<i32>} : memref<80x128xf32, #tpu.memory_space<vmem>>, vector<1x16xf32>,
        %get3A_313 = vector.shape_cast %get3A_312 : vector<1x16xf32> to vector<16xf32>
        %add3A_314 = arith.addf %get3A_309, %get3A_313 : vector<16xf32>
        %get3A_315 = arith.index_cast %scan3A_40 : i32 to index
        %get3A_316 = arith.constant 96 : index
        %get3A_317 = tpu.vector_load %arg14[%get3A_315, %get3A_316] {strides = array<i32>} : memref<80x128xf32, #tpu.memory_space<vmem>>, vector<1x16xf32>,
        %get3A_318 = vector.shape_cast %get3A_317 : vector<1x16xf32> to vector<16xf32>
        %mul3A_319 = arith.mulf %add3A_314, %add3A_314 : vector<16xf32>
        %mul3A_320 = arith.mulf %mul3A_319, %add3A_314 : vector<16xf32>
        %mul3A_321 = arith.constant 4.471500e-02 : f32
        %mul3A_322 = vector.broadcast %mul3A_321 : f32 to vector<16xf32>
        %mul3A_323 = arith.mulf %mul3A_322, %mul3A_320 : vector<16xf32>
        %add3A_324 = arith.addf %add3A_314, %mul3A_323 : vector<16xf32>
        %mul3A_325 = arith.constant 1.59576917 : f32
        %mul3A_326 = vector.broadcast %mul3A_325 : f32 to vector<16xf32>
        %mul3A_327 = arith.mulf %mul3A_326, %add3A_324 : vector<16xf32>
        %exp3A_328 = math.exp %mul3A_327 : vector<16xf32>
        %add3A_329 = arith.constant 1.000000e+00 : f32
        %add3A_330 = vector.broadcast %add3A_329 : f32 to vector<16xf32>
        %add3A_331 = arith.addf %exp3A_328, %add3A_330 : vector<16xf32>
        %div3A_332 = arith.constant 2.000000e+00 : f32
        %div3A_333 = vector.broadcast %div3A_332 : f32 to vector<16xf32>
        %div3A_334 = arith.divf %div3A_333, %add3A_331 : vector<16xf32>
        %sub3A_335 = arith.constant 1.000000e+00 : f32
        %sub3A_336 = vector.broadcast %sub3A_335 : f32 to vector<16xf32>
        %sub3A_337 = arith.subf %sub3A_336, %div3A_334 : vector<16xf32>
        %mul3A_338 = arith.constant 5.000000e-01 : f32
        %mul3A_339 = vector.broadcast %mul3A_338 : f32 to vector<16xf32>
        %mul3A_340 = arith.mulf %mul3A_339, %add3A_314 : vector<16xf32>
        %add3A_341 = arith.constant 1.000000e+00 : f32
        %add3A_342 = vector.broadcast %add3A_341 : f32 to vector<16xf32>
        %add3A_343 = arith.addf %add3A_342, %sub3A_337 : vector<16xf32>
        %mul3A_344 = arith.mulf %mul3A_340, %add3A_343 : vector<16xf32>
        %mul3A_345 = arith.mulf %mul3A_344, %get3A_318 : vector<16xf32>
        %swap3A_346 = arith.index_cast %scan3A_40 : i32 to index
        %swap3A_347 = arith.constant 96 : index
        %swap3A_348 = tpu.vector_load %arg17[%swap3A_346, %swap3A_347] {strides = array<i32>} : memref<80x128xf32, #tpu.memory_space<vmem>>, vector<1x16xf32>,
        %swap3A_349 = vector.shape_cast %swap3A_348 : vector<1x16xf32> to vector<16xf32>
        %swap3A_350 = vector.shape_cast %mul3A_345 : vector<16xf32> to vector<1x16xf32>
        tpu.vector_store %arg17[%swap3A_346, %swap3A_347], %swap3A_350 {strides = array<i32>} : memref<80x128xf32, #tpu.memory_space<vmem>>, vector<1x16xf32>,
        %get3A_351 = arith.index_cast %scan3A_40 : i32 to index
        %get3A_352 = arith.constant 112 : index
        %get3A_353 = tpu.vector_load %arg15[%get3A_351, %get3A_352] {strides = array<i32>} : memref<80x128xf32, #tpu.memory_space<vmem>>, vector<1x16xf32>,
        %get3A_354 = vector.shape_cast %get3A_353 : vector<1x16xf32> to vector<16xf32>
        %get3A_355 = arith.index_cast %scan3A_40 : i32 to index
        %get3A_356 = arith.constant 112 : index
        %get3A_357 = tpu.vector_load %arg16[%get3A_355, %get3A_356] {strides = array<i32>} : memref<80x128xf32, #tpu.memory_space<vmem>>, vector<1x16xf32>,
        %get3A_358 = vector.shape_cast %get3A_357 : vector<1x16xf32> to vector<16xf32>
        %add3A_359 = arith.addf %get3A_354, %get3A_358 : vector<16xf32>
        %get3A_360 = arith.index_cast %scan3A_40 : i32 to index
        %get3A_361 = arith.constant 112 : index
        %get3A_362 = tpu.vector_load %arg14[%get3A_360, %get3A_361] {strides = array<i32>} : memref<80x128xf32, #tpu.memory_space<vmem>>, vector<1x16xf32>,
        %get3A_363 = vector.shape_cast %get3A_362 : vector<1x16xf32> to vector<16xf32>
        %mul3A_364 = arith.mulf %add3A_359, %add3A_359 : vector<16xf32>
        %mul3A_365 = arith.mulf %mul3A_364, %add3A_359 : vector<16xf32>
        %mul3A_366 = arith.constant 4.471500e-02 : f32
        %mul3A_367 = vector.broadcast %mul3A_366 : f32 to vector<16xf32>
        %mul3A_368 = arith.mulf %mul3A_367, %mul3A_365 : vector<16xf32>
        %add3A_369 = arith.addf %add3A_359, %mul3A_368 : vector<16xf32>
        %mul3A_370 = arith.constant 1.59576917 : f32
        %mul3A_371 = vector.broadcast %mul3A_370 : f32 to vector<16xf32>
        %mul3A_372 = arith.mulf %mul3A_371, %add3A_369 : vector<16xf32>
        %exp3A_373 = math.exp %mul3A_372 : vector<16xf32>
        %add3A_374 = arith.constant 1.000000e+00 : f32
        %add3A_375 = vector.broadcast %add3A_374 : f32 to vector<16xf32>
        %add3A_376 = arith.addf %exp3A_373, %add3A_375 : vector<16xf32>
        %div3A_377 = arith.constant 2.000000e+00 : f32
        %div3A_378 = vector.broadcast %div3A_377 : f32 to vector<16xf32>
        %div3A_379 = arith.divf %div3A_378, %add3A_376 : vector<16xf32>
        %sub3A_380 = arith.constant 1.000000e+00 : f32
        %sub3A_381 = vector.broadcast %sub3A_380 : f32 to vector<16xf32>
        %sub3A_382 = arith.subf %sub3A_381, %div3A_379 : vector<16xf32>
        %mul3A_383 = arith.constant 5.000000e-01 : f32
        %mul3A_384 = vector.broadcast %mul3A_383 : f32 to vector<16xf32>
        %mul3A_385 = arith.mulf %mul3A_384, %add3A_359 : vector<16xf32>
        %add3A_386 = arith.constant 1.000000e+00 : f32
        %add3A_387 = vector.broadcast %add3A_386 : f32 to vector<16xf32>
        %add3A_388 = arith.addf %add3A_387, %sub3A_382 : vector<16xf32>
        %mul3A_389 = arith.mulf %mul3A_385, %add3A_388 : vector<16xf32>
        %mul3A_390 = arith.mulf %mul3A_389, %get3A_363 : vector<16xf32>
        %swap3A_391 = arith.index_cast %scan3A_40 : i32 to index
        %swap3A_392 = arith.constant 112 : index
        %swap3A_393 = tpu.vector_load %arg17[%swap3A_391, %swap3A_392] {strides = array<i32>} : memref<80x128xf32, #tpu.memory_space<vmem>>, vector<1x16xf32>,
        %swap3A_394 = vector.shape_cast %swap3A_393 : vector<1x16xf32> to vector<16xf32>
        %swap3A_395 = vector.shape_cast %mul3A_390 : vector<16xf32> to vector<1x16xf32>
        tpu.vector_store %arg17[%swap3A_391, %swap3A_392], %swap3A_395 {strides = array<i32>} : memref<80x128xf32, #tpu.memory_space<vmem>>, vector<1x16xf32>,
      }
      %scan3A_39 = arith.constant 80 : i32
      "tpu.region"() ({
        %run_scoped3A = tpu.sem_alloc : memref<!tpu.dma_semaphore, #tpu.memory_space<semaphore_mem>>
        %dma_start3A_40 = arith.constant 0 : i32
        %dma_start3A_41 = arith.constant 0 : i32
        %dma_start3A_42 = tpu.memref_slice %arg10[%dma_start3A_40, %dma_start3A_41] : memref<10112x128xf32, #tpu.memory_space<vmem_shared>> -> memref<10112x128xf32, #tpu.memory_space<vmem_shared>>
        tpu.enqueue_indirect_dma source(%arg17 : memref<80x128xf32, #tpu.memory_space<vmem>>) target(%dma_start3A_42 : memref<10112x128xf32, #tpu.memory_space<vmem_shared>>) offsets(%arg13 : memref<80xi32, #tpu.memory_space<vmem>>) semaphore(%run_scoped3A : memref<!tpu.dma_semaphore, #tpu.memory_space<semaphore_mem>>) {add = true}
        %dma_wait3A_43 = arith.constant 0 : i32
        %dma_wait3A_44 = arith.constant 0 : i32
        %dma_wait3A_45 = tpu.memref_slice %arg10[%dma_wait3A_43, %dma_wait3A_44] : memref<10112x128xf32, #tpu.memory_space<vmem_shared>> -> memref<10112x128xf32, #tpu.memory_space<vmem_shared>>
        tpu.wait_indirect_dma semaphore(%run_scoped3A : memref<!tpu.dma_semaphore, #tpu.memory_space<semaphore_mem>>) src(%arg17 : memref<80x128xf32, #tpu.memory_space<vmem>>) dst(%dma_wait3A_45 : memref<10112x128xf32, #tpu.memory_space<vmem_shared>>)
        tpu.yield
      }) : () -> ()
    }
    %scan3A_11 = arith.constant 125 : i32
    %barrier3A_12 = arith.constant 0 : index
    tpu.barrier barrier_id(%barrier3A_12)
    %mul3A_13 = arith.constant 632 : i32
    %mul3A_14 = arith.muli %arg1, %mul3A_13 : i32
    %mul3A_15 = arith.constant 10112 : i32
    %mul3A_16 = arith.muli %arg0, %mul3A_15 : i32
    %mul3A_17 = arith.constant 632 : i32
    %mul3A_18 = arith.muli %arg1, %mul3A_17 : i32
    %add3A_19 = arith.addi %mul3A_16, %mul3A_18 : i32
    "tpu.region"() ({
      %run_scoped3A = tpu.sem_alloc : memref<!tpu.dma_semaphore, #tpu.memory_space<semaphore_mem>>
      %dma_start3A = arith.constant 0 : i32
      %dma_start3A_20 = tpu.memref_slice %arg9[%add3A_19, %dma_start3A] : memref<20224x128xf32, #tpu.memory_space<hbm>> -> memref<632x128xf32, #tpu.memory_space<hbm>>
      %dma_start3A_21 = arith.constant 0 : i32
      %dma_start3A_22 = tpu.memref_slice %arg10[%mul3A_14, %dma_start3A_21] : memref<10112x128xf32, #tpu.memory_space<vmem_shared>> -> memref<632x128xf32, #tpu.memory_space<vmem_shared>>
      tpu.enqueue_dma source(%dma_start3A_22 : memref<632x128xf32, #tpu.memory_space<vmem_shared>>) target(%dma_start3A_20 : memref<632x128xf32, #tpu.memory_space<hbm>>) target_semaphore(%run_scoped3A : memref<!tpu.dma_semaphore, #tpu.memory_space<semaphore_mem>>)
      %dma_wait3A = arith.constant 0 : i32
      %dma_wait3A_23 = tpu.memref_slice %arg9[%add3A_19, %dma_wait3A] : memref<20224x128xf32, #tpu.memory_space<hbm>> -> memref<632x128xf32, #tpu.memory_space<hbm>>
      %dma_wait3A_24 = arith.constant 0 : i32
      %dma_wait3A_25 = tpu.memref_slice %arg10[%mul3A_14, %dma_wait3A_24] : memref<10112x128xf32, #tpu.memory_space<vmem_shared>> -> memref<632x128xf32, #tpu.memory_space<vmem_shared>>
      tpu.wait_dma2 semaphore(%run_scoped3A : memref<!tpu.dma_semaphore, #tpu.memory_space<semaphore_mem>>) src(%dma_wait3A_25 : memref<632x128xf32, #tpu.memory_space<vmem_shared>>) dst(%dma_wait3A_23 : memref<632x128xf32, #tpu.memory_space<hbm>>)
      tpu.yield
    }) : () -> ()
    return
  }
}

module attributes {stable_mosaic.version = 14 : i64} {
  func.func @_filt_body(%arg0: i32, %arg1: memref<3200x16xf32, #tpu.memory_space<vmem>>, %arg2: memref<3200x3xi32, #tpu.memory_space<vmem>>, %arg3: memref<16x128xf32, #tpu.memory_space<vmem>>, %arg4: memref<1x128xf32, #tpu.memory_space<vmem>>, %arg5: memref<128x128xf32, #tpu.memory_space<vmem>>, %arg6: memref<1x128xf32, #tpu.memory_space<vmem>>, %arg7: memref<3200x128xf32, #tpu.memory_space<vmem>>, %arg8: memref<3200x1xi32, #tpu.memory_space<vmem>>) attributes {dimension_semantics = [#tpu.dimension_semantics<arbitrary>], iteration_bounds = array<i64: 100>, scalar_prefetch = 0 : i64, scratch_operands = 0 : i64, tpu.core_type = #tpu.core_type<tc>, window_params = [{transform_indices = @transform_0, window_bounds = array<i64: 3200, 16>}, {transform_indices = @transform_1, window_bounds = array<i64: 3200, 3>}, {pipeline_mode = #tpu.pipeline_mode<synchronous>, transform_indices = @transform_2, window_bounds = array<i64: 16, 128>}, {pipeline_mode = #tpu.pipeline_mode<synchronous>, transform_indices = @transform_3, window_bounds = array<i64: 1, 128>}, {pipeline_mode = #tpu.pipeline_mode<synchronous>, transform_indices = @transform_4, window_bounds = array<i64: 128, 128>}, {pipeline_mode = #tpu.pipeline_mode<synchronous>, transform_indices = @transform_5, window_bounds = array<i64: 1, 128>}, {transform_indices = @transform_6, window_bounds = array<i64: 3200, 128>}, {transform_indices = @transform_7, window_bounds = array<i64: 3200, 1>}]} {
    %get3A = arith.constant 0 : index
    %get3A_0 = arith.constant 0 : index
    %get3A_1 = vector.load %arg1[%get3A, %get3A_0] : memref<3200x16xf32, #tpu.memory_space<vmem>>, vector<3200x16xf32>
    %get3A_2 = arith.constant 0 : index
    %get3A_3 = arith.constant 0 : index
    %get3A_4 = vector.load %arg3[%get3A_2, %get3A_3] : memref<16x128xf32, #tpu.memory_space<vmem>>, vector<16x128xf32>
    %dot_general3A = arith.constant dense<0.000000e+00> : vector<3200x128xf32>
    %dot_general3A_5 = tpu.matmul %get3A_1, %get3A_4, %dot_general3A {dimension_numbers = #tpu.dot_dimension_numbers<[1], [0], [0], [1], [0, 0, 1, 1], [], []>, transpose_lhs_hint = false} : vector<3200x16xf32>, vector<16x128xf32>, vector<3200x128xf32> -> vector<3200x128xf32>
    %get3A_6 = arith.constant 0 : index
    %get3A_7 = arith.constant 0 : index
    %get3A_8 = vector.load %arg4[%get3A_6, %get3A_7] : memref<1x128xf32, #tpu.memory_space<vmem>>, vector<1x128xf32>
    %add3A = vector.broadcast %get3A_8 : vector<1x128xf32> to vector<3200x128xf32>
    %add3A_9 = arith.addf %dot_general3A_5, %add3A : vector<3200x128xf32>
    %integer_pow3A = arith.mulf %add3A_9, %add3A_9 : vector<3200x128xf32>
    %integer_pow3A_10 = arith.mulf %add3A_9, %integer_pow3A : vector<3200x128xf32>
    %mul3A = arith.constant 4.471500e-02 : f32
    %mul3A_11 = vector.broadcast %mul3A : f32 to vector<3200x128xf32>
    %mul3A_12 = arith.mulf %mul3A_11, %integer_pow3A_10 : vector<3200x128xf32>
    %add3A_13 = arith.addf %add3A_9, %mul3A_12 : vector<3200x128xf32>
    %mul3A_14 = arith.constant 0.797884583 : f32
    %mul3A_15 = vector.broadcast %mul3A_14 : f32 to vector<3200x128xf32>
    %mul3A_16 = arith.mulf %mul3A_15, %add3A_13 : vector<3200x128xf32>
    %tanh3A = math.tanh %mul3A_16 : vector<3200x128xf32>
    %add3A_17 = arith.constant 1.000000e+00 : f32
    %add3A_18 = vector.broadcast %add3A_17 : f32 to vector<3200x128xf32>
    %add3A_19 = arith.addf %add3A_18, %tanh3A : vector<3200x128xf32>
    %mul3A_20 = arith.constant 5.000000e-01 : f32
    %mul3A_21 = vector.broadcast %mul3A_20 : f32 to vector<3200x128xf32>
    %mul3A_22 = arith.mulf %mul3A_21, %add3A_19 : vector<3200x128xf32>
    %mul3A_23 = arith.mulf %add3A_9, %mul3A_22 : vector<3200x128xf32>
    %get3A_24 = arith.constant 0 : index
    %get3A_25 = arith.constant 0 : index
    %get3A_26 = vector.load %arg5[%get3A_24, %get3A_25] : memref<128x128xf32, #tpu.memory_space<vmem>>, vector<128x128xf32>
    %dot_general3A_27 = arith.constant dense<0.000000e+00> : vector<3200x128xf32>
    %dot_general3A_28 = tpu.matmul %mul3A_23, %get3A_26, %dot_general3A_27 {dimension_numbers = #tpu.dot_dimension_numbers<[1], [0], [0], [1], [0, 0, 1, 1], [], []>, transpose_lhs_hint = false} : vector<3200x128xf32>, vector<128x128xf32>, vector<3200x128xf32> -> vector<3200x128xf32>
    %get3A_29 = arith.constant 0 : index
    %get3A_30 = arith.constant 0 : index
    %get3A_31 = vector.load %arg6[%get3A_29, %get3A_30] : memref<1x128xf32, #tpu.memory_space<vmem>>, vector<1x128xf32>
    %add3A_32 = vector.broadcast %get3A_31 : vector<1x128xf32> to vector<3200x128xf32>
    %add3A_33 = arith.addf %dot_general3A_28, %add3A_32 : vector<3200x128xf32>
    %integer_pow3A_34 = arith.mulf %add3A_33, %add3A_33 : vector<3200x128xf32>
    %integer_pow3A_35 = arith.mulf %add3A_33, %integer_pow3A_34 : vector<3200x128xf32>
    %mul3A_36 = arith.constant 4.471500e-02 : f32
    %mul3A_37 = vector.broadcast %mul3A_36 : f32 to vector<3200x128xf32>
    %mul3A_38 = arith.mulf %mul3A_37, %integer_pow3A_35 : vector<3200x128xf32>
    %add3A_39 = arith.addf %add3A_33, %mul3A_38 : vector<3200x128xf32>
    %mul3A_40 = arith.constant 0.797884583 : f32
    %mul3A_41 = vector.broadcast %mul3A_40 : f32 to vector<3200x128xf32>
    %mul3A_42 = arith.mulf %mul3A_41, %add3A_39 : vector<3200x128xf32>
    %tanh3A_43 = math.tanh %mul3A_42 : vector<3200x128xf32>
    %add3A_44 = arith.constant 1.000000e+00 : f32
    %add3A_45 = vector.broadcast %add3A_44 : f32 to vector<3200x128xf32>
    %add3A_46 = arith.addf %add3A_45, %tanh3A_43 : vector<3200x128xf32>
    %mul3A_47 = arith.constant 5.000000e-01 : f32
    %mul3A_48 = vector.broadcast %mul3A_47 : f32 to vector<3200x128xf32>
    %mul3A_49 = arith.mulf %mul3A_48, %add3A_46 : vector<3200x128xf32>
    %mul3A_50 = arith.mulf %add3A_33, %mul3A_49 : vector<3200x128xf32>
    %exp3A = math.exp %mul3A_50 : vector<3200x128xf32>
    %swap3A = arith.constant 0 : index
    %swap3A_51 = arith.constant 0 : index
    %swap3A_52 = vector.load %arg7[%swap3A, %swap3A_51] : memref<3200x128xf32, #tpu.memory_space<vmem>>, vector<3200x128xf32>
    tpu.vector_store %arg7[%swap3A, %swap3A_51], %exp3A {strides = array<i32>} : memref<3200x128xf32, #tpu.memory_space<vmem>>, vector<3200x128xf32>,
    %get3A_53 = arith.constant 0 : index
    %get3A_54 = arith.constant 0 : index
    %get3A_55 = vector.load %arg2[%get3A_53, %get3A_54] : memref<3200x3xi32, #tpu.memory_space<vmem>>, vector<3200x3xi32>
    %slice3A = vector.extract_strided_slice %get3A_55 {offsets = [0, 0], sizes = [3200, 1], strides = [1, 1]} : vector<3200x3xi32> to vector<3200x1xi32>
    %mul3A_56 = arith.constant 25 : i32
    %mul3A_57 = vector.broadcast %mul3A_56 : i32 to vector<3200x1xi32>
    %mul3A_58 = arith.muli %slice3A, %mul3A_57 : vector<3200x1xi32>
    %slice3A_59 = vector.extract_strided_slice %get3A_55 {offsets = [0, 1], sizes = [3200, 1], strides = [1, 1]} : vector<3200x3xi32> to vector<3200x1xi32>
    %mul3A_60 = arith.constant 5 : i32
    %mul3A_61 = vector.broadcast %mul3A_60 : i32 to vector<3200x1xi32>
    %mul3A_62 = arith.muli %slice3A_59, %mul3A_61 : vector<3200x1xi32>
    %add3A_63 = arith.addi %mul3A_58, %mul3A_62 : vector<3200x1xi32>
    %slice3A_64 = vector.extract_strided_slice %get3A_55 {offsets = [0, 2], sizes = [3200, 1], strides = [1, 1]} : vector<3200x3xi32> to vector<3200x1xi32>
    %add3A_65 = arith.addi %add3A_63, %slice3A_64 : vector<3200x1xi32>
    %swap3A_66 = arith.constant 0 : index
    %swap3A_67 = arith.constant 0 : index
    %swap3A_68 = vector.load %arg8[%swap3A_66, %swap3A_67] : memref<3200x1xi32, #tpu.memory_space<vmem>>, vector<3200x1xi32>
    tpu.vector_store %arg8[%swap3A_66, %swap3A_67], %add3A_65 {strides = array<i32>} : memref<3200x1xi32, #tpu.memory_space<vmem>>, vector<3200x1xi32>,
    return
  }
  func.func @transform_0(%arg0: i32) -> (i32, i32) {
    %c0_i32 = arith.constant 0 : i32
    %c0_i32_0 = arith.constant 0 : i32
    return %arg0, %c0_i32 : i32, i32
  }
  func.func @transform_1(%arg0: i32) -> (i32, i32) {
    %c0_i32 = arith.constant 0 : i32
    %c0_i32_0 = arith.constant 0 : i32
    return %arg0, %c0_i32 : i32, i32
  }
  func.func @transform_2(%arg0: i32) -> (i32, i32) {
    %c0_i32 = arith.constant 0 : i32
    %c0_i32_0 = arith.constant 0 : i32
    %c0_i32_1 = arith.constant 0 : i32
    return %c0_i32, %c0_i32_0 : i32, i32
  }
  func.func @transform_3(%arg0: i32) -> (i32, i32) {
    %c0_i32 = arith.constant 0 : i32
    %c0_i32_0 = arith.constant 0 : i32
    %c0_i32_1 = arith.constant 0 : i32
    return %c0_i32, %c0_i32_0 : i32, i32
  }
  func.func @transform_4(%arg0: i32) -> (i32, i32) {
    %c0_i32 = arith.constant 0 : i32
    %c0_i32_0 = arith.constant 0 : i32
    %c0_i32_1 = arith.constant 0 : i32
    return %c0_i32, %c0_i32_0 : i32, i32
  }
  func.func @transform_5(%arg0: i32) -> (i32, i32) {
    %c0_i32 = arith.constant 0 : i32
    %c0_i32_0 = arith.constant 0 : i32
    %c0_i32_1 = arith.constant 0 : i32
    return %c0_i32, %c0_i32_0 : i32, i32
  }
  func.func @transform_6(%arg0: i32) -> (i32, i32) {
    %c0_i32 = arith.constant 0 : i32
    %c0_i32_0 = arith.constant 0 : i32
    return %arg0, %c0_i32 : i32, i32
  }
  func.func @transform_7(%arg0: i32) -> (i32, i32) {
    %c0_i32 = arith.constant 0 : i32
    %c0_i32_0 = arith.constant 0 : i32
    return %arg0, %c0_i32 : i32, i32
  }
}

module attributes {stable_mosaic.version = 14 : i64} {
  func.func @_tcomb_body(%arg0: i32, %arg1: memref<128x128xf32, #tpu.memory_space<vmem>>, %arg2: memref<1x128x128xf32, #tpu.memory_space<vmem>>, %arg3: memref<1x128x128xf32, #tpu.memory_space<vmem>>) attributes {dimension_semantics = [#tpu.dimension_semantics<arbitrary>], iteration_bounds = array<i64: 4>, scalar_prefetch = 0 : i64, scratch_operands = 0 : i64, tpu.core_type = #tpu.core_type<tc>, window_params = [{pipeline_mode = #tpu.pipeline_mode<synchronous>, transform_indices = @transform_0, window_bounds = array<i64: 128, 128>}, {transform_indices = @transform_1, window_bounds = array<i64: 1, 128, 128>}, {transform_indices = @transform_2, window_bounds = array<i64: 1, 128, 128>}]} {
    %get3A = arith.constant 0 : index
    %get3A_0 = arith.constant 0 : index
    %get3A_1 = vector.load %arg1[%get3A, %get3A_0] : memref<128x128xf32, #tpu.memory_space<vmem>>, vector<128x128xf32>
    %get3A_2 = arith.constant 0 : index
    %get3A_3 = arith.constant 0 : index
    %get3A_4 = arith.constant 0 : index
    %get3A_5 = vector.load %arg2[%get3A_2, %get3A_3, %get3A_4] : memref<1x128x128xf32, #tpu.memory_space<vmem>>, vector<1x128x128xf32>
    %get3A_6 = vector.shape_cast %get3A_5 : vector<1x128x128xf32> to vector<128x128xf32>
    %dot_general3A = arith.constant dense<0.000000e+00> : vector<128x128xf32>
    %dot_general3A_7 = tpu.matmul %get3A_1, %get3A_6, %dot_general3A {dimension_numbers = #tpu.dot_dimension_numbers<[1], [0], [0], [1], [0, 0, 1, 1], [], []>, transpose_lhs_hint = false} : vector<128x128xf32>, vector<128x128xf32>, vector<128x128xf32> -> vector<128x128xf32>
    %broadcast_in_dim3A = vector.shape_cast %dot_general3A_7 : vector<128x128xf32> to vector<1x128x128xf32>
    %swap3A = arith.constant 0 : index
    %swap3A_8 = arith.constant 0 : index
    %swap3A_9 = arith.constant 0 : index
    %swap3A_10 = vector.load %arg3[%swap3A, %swap3A_8, %swap3A_9] : memref<1x128x128xf32, #tpu.memory_space<vmem>>, vector<1x128x128xf32>
    tpu.vector_store %arg3[%swap3A, %swap3A_8, %swap3A_9], %broadcast_in_dim3A {strides = array<i32>} : memref<1x128x128xf32, #tpu.memory_space<vmem>>, vector<1x128x128xf32>,
    return
  }
  func.func @transform_0(%arg0: i32) -> (i32, i32) {
    %c0_i32 = arith.constant 0 : i32
    %c0_i32_0 = arith.constant 0 : i32
    %c0_i32_1 = arith.constant 0 : i32
    return %c0_i32, %c0_i32_0 : i32, i32
  }
  func.func @transform_1(%arg0: i32) -> (i32, i32, i32) {
    %c0_i32 = arith.constant 0 : i32
    %c0_i32_0 = arith.constant 0 : i32
    %c0_i32_1 = arith.constant 0 : i32
    return %arg0, %c0_i32, %c0_i32_0 : i32, i32, i32
  }
  func.func @transform_2(%arg0: i32) -> (i32, i32, i32) {
    %c0_i32 = arith.constant 0 : i32
    %c0_i32_0 = arith.constant 0 : i32
    %c0_i32_1 = arith.constant 0 : i32
    return %arg0, %c0_i32, %c0_i32_0 : i32, i32, i32
  }
}

module attributes {stable_mosaic.version = 14 : i64} {
  func.func @_pre_body(%arg0: i32, %arg1: memref<2000x9xi32, #tpu.memory_space<vmem>>, %arg2: memref<9x128x128xf32, #tpu.memory_space<vmem>>, %arg3: memref<2x2000x128xf32, #tpu.memory_space<vmem>>, %arg4: memref<128x128xf32, #tpu.memory_space<vmem>>, %arg5: memref<1x128xf32, #tpu.memory_space<vmem>>, %arg6: memref<2000x128xf32, #tpu.memory_space<vmem>>, %arg7: memref<2000x128xf32, #tpu.memory_space<vmem>>, %arg8: memref<2000x128xf32, #tpu.memory_space<vmem>>) attributes {dimension_semantics = [#tpu.dimension_semantics<arbitrary>], iteration_bounds = array<i64: 5>, scalar_prefetch = 0 : i64, scratch_operands = 0 : i64, tpu.core_type = #tpu.core_type<tc>, window_params = [{transform_indices = @transform_0, window_bounds = array<i64: 2000, 9>}, {pipeline_mode = #tpu.pipeline_mode<synchronous>, transform_indices = @transform_1, window_bounds = array<i64: 9, 128, 128>}, {transform_indices = @transform_2, window_bounds = array<i64: 2, 2000, 128>}, {pipeline_mode = #tpu.pipeline_mode<synchronous>, transform_indices = @transform_3, window_bounds = array<i64: 128, 128>}, {pipeline_mode = #tpu.pipeline_mode<synchronous>, transform_indices = @transform_4, window_bounds = array<i64: 1, 128>}, {transform_indices = @transform_5, window_bounds = array<i64: 2000, 128>}, {transform_indices = @transform_6, window_bounds = array<i64: 2000, 128>}, {transform_indices = @transform_7, window_bounds = array<i64: 2000, 128>}]} {
    %get3A = arith.constant 0 : index
    %get3A_0 = arith.constant 0 : index
    %get3A_1 = vector.load %arg1[%get3A, %get3A_0] : memref<2000x9xi32, #tpu.memory_space<vmem>>, vector<2000x9xi32>
    %iota3A = tpu.iota {dimensions = array<i32: 1>} : vector<1x128xi32>
    %broadcast_in_dim3A = arith.constant 0.000000e+00 : f32
    %broadcast_in_dim3A_2 = vector.broadcast %broadcast_in_dim3A : f32 to vector<2000x128xf32>
    %slice3A = vector.extract_strided_slice %get3A_1 {offsets = [0, 0], sizes = [2000, 1], strides = [1, 1]} : vector<2000x9xi32> to vector<2000x1xi32>
    %eq3A = vector.broadcast %slice3A : vector<2000x1xi32> to vector<2000x128xi32>
    %eq3A_3 = vector.broadcast %iota3A : vector<1x128xi32> to vector<2000x128xi32>
    %eq3A_4 = arith.cmpi eq, %eq3A, %eq3A_3 : vector<2000x128xi32>
    %convert_element_type3A = arith.extui %eq3A_4 : vector<2000x128xi1> to vector<2000x128xi32>
    %convert_element_type3A_5 = arith.sitofp %convert_element_type3A : vector<2000x128xi32> to vector<2000x128xf32>
    %get3A_6 = arith.constant 0 : index
    %get3A_7 = arith.constant 0 : index
    %get3A_8 = arith.constant 0 : index
    %get3A_9 = vector.load %arg2[%get3A_6, %get3A_7, %get3A_8] : memref<9x128x128xf32, #tpu.memory_space<vmem>>, vector<1x128x128xf32>
    %get3A_10 = vector.shape_cast %get3A_9 : vector<1x128x128xf32> to vector<128x128xf32>
    %dot_general3A = arith.constant dense<0.000000e+00> : vector<2000x128xf32>
    %dot_general3A_11 = tpu.matmul %convert_element_type3A_5, %get3A_10, %dot_general3A {dimension_numbers = #tpu.dot_dimension_numbers<[1], [0], [0], [1], [0, 0, 1, 1], [], []>, transpose_lhs_hint = false} : vector<2000x128xf32>, vector<128x128xf32>, vector<2000x128xf32> -> vector<2000x128xf32>
    %add3A = arith.addf %broadcast_in_dim3A_2, %dot_general3A_11 : vector<2000x128xf32>
    %slice3A_12 = vector.extract_strided_slice %get3A_1 {offsets = [0, 1], sizes = [2000, 1], strides = [1, 1]} : vector<2000x9xi32> to vector<2000x1xi32>
    %eq3A_13 = vector.broadcast %slice3A_12 : vector<2000x1xi32> to vector<2000x128xi32>
    %eq3A_14 = vector.broadcast %iota3A : vector<1x128xi32> to vector<2000x128xi32>
    %eq3A_15 = arith.cmpi eq, %eq3A_13, %eq3A_14 : vector<2000x128xi32>
    %convert_element_type3A_16 = arith.extui %eq3A_15 : vector<2000x128xi1> to vector<2000x128xi32>
    %convert_element_type3A_17 = arith.sitofp %convert_element_type3A_16 : vector<2000x128xi32> to vector<2000x128xf32>
    %get3A_18 = arith.constant 1 : index
    %get3A_19 = arith.constant 0 : index
    %get3A_20 = arith.constant 0 : index
    %get3A_21 = vector.load %arg2[%get3A_18, %get3A_19, %get3A_20] : memref<9x128x128xf32, #tpu.memory_space<vmem>>, vector<1x128x128xf32>
    %get3A_22 = vector.shape_cast %get3A_21 : vector<1x128x128xf32> to vector<128x128xf32>
    %dot_general3A_23 = arith.constant dense<0.000000e+00> : vector<2000x128xf32>
    %dot_general3A_24 = tpu.matmul %convert_element_type3A_17, %get3A_22, %dot_general3A_23 {dimension_numbers = #tpu.dot_dimension_numbers<[1], [0], [0], [1], [0, 0, 1, 1], [], []>, transpose_lhs_hint = false} : vector<2000x128xf32>, vector<128x128xf32>, vector<2000x128xf32> -> vector<2000x128xf32>
    %add3A_25 = arith.addf %add3A, %dot_general3A_24 : vector<2000x128xf32>
    %slice3A_26 = vector.extract_strided_slice %get3A_1 {offsets = [0, 2], sizes = [2000, 1], strides = [1, 1]} : vector<2000x9xi32> to vector<2000x1xi32>
    %eq3A_27 = vector.broadcast %slice3A_26 : vector<2000x1xi32> to vector<2000x128xi32>
    %eq3A_28 = vector.broadcast %iota3A : vector<1x128xi32> to vector<2000x128xi32>
    %eq3A_29 = arith.cmpi eq, %eq3A_27, %eq3A_28 : vector<2000x128xi32>
    %convert_element_type3A_30 = arith.extui %eq3A_29 : vector<2000x128xi1> to vector<2000x128xi32>
    %convert_element_type3A_31 = arith.sitofp %convert_element_type3A_30 : vector<2000x128xi32> to vector<2000x128xf32>
    %get3A_32 = arith.constant 2 : index
    %get3A_33 = arith.constant 0 : index
    %get3A_34 = arith.constant 0 : index
    %get3A_35 = vector.load %arg2[%get3A_32, %get3A_33, %get3A_34] : memref<9x128x128xf32, #tpu.memory_space<vmem>>, vector<1x128x128xf32>
    %get3A_36 = vector.shape_cast %get3A_35 : vector<1x128x128xf32> to vector<128x128xf32>
    %dot_general3A_37 = arith.constant dense<0.000000e+00> : vector<2000x128xf32>
    %dot_general3A_38 = tpu.matmul %convert_element_type3A_31, %get3A_36, %dot_general3A_37 {dimension_numbers = #tpu.dot_dimension_numbers<[1], [0], [0], [1], [0, 0, 1, 1], [], []>, transpose_lhs_hint = false} : vector<2000x128xf32>, vector<128x128xf32>, vector<2000x128xf32> -> vector<2000x128xf32>
    %add3A_39 = arith.addf %add3A_25, %dot_general3A_38 : vector<2000x128xf32>
    %slice3A_40 = vector.extract_strided_slice %get3A_1 {offsets = [0, 3], sizes = [2000, 1], strides = [1, 1]} : vector<2000x9xi32> to vector<2000x1xi32>
    %eq3A_41 = vector.broadcast %slice3A_40 : vector<2000x1xi32> to vector<2000x128xi32>
    %eq3A_42 = vector.broadcast %iota3A : vector<1x128xi32> to vector<2000x128xi32>
    %eq3A_43 = arith.cmpi eq, %eq3A_41, %eq3A_42 : vector<2000x128xi32>
    %convert_element_type3A_44 = arith.extui %eq3A_43 : vector<2000x128xi1> to vector<2000x128xi32>
    %convert_element_type3A_45 = arith.sitofp %convert_element_type3A_44 : vector<2000x128xi32> to vector<2000x128xf32>
    %get3A_46 = arith.constant 3 : index
    %get3A_47 = arith.constant 0 : index
    %get3A_48 = arith.constant 0 : index
    %get3A_49 = vector.load %arg2[%get3A_46, %get3A_47, %get3A_48] : memref<9x128x128xf32, #tpu.memory_space<vmem>>, vector<1x128x128xf32>
    %get3A_50 = vector.shape_cast %get3A_49 : vector<1x128x128xf32> to vector<128x128xf32>
    %dot_general3A_51 = arith.constant dense<0.000000e+00> : vector<2000x128xf32>
    %dot_general3A_52 = tpu.matmul %convert_element_type3A_45, %get3A_50, %dot_general3A_51 {dimension_numbers = #tpu.dot_dimension_numbers<[1], [0], [0], [1], [0, 0, 1, 1], [], []>, transpose_lhs_hint = false} : vector<2000x128xf32>, vector<128x128xf32>, vector<2000x128xf32> -> vector<2000x128xf32>
    %add3A_53 = arith.addf %add3A_39, %dot_general3A_52 : vector<2000x128xf32>
    %slice3A_54 = vector.extract_strided_slice %get3A_1 {offsets = [0, 4], sizes = [2000, 1], strides = [1, 1]} : vector<2000x9xi32> to vector<2000x1xi32>
    %eq3A_55 = vector.broadcast %slice3A_54 : vector<2000x1xi32> to vector<2000x128xi32>
    %eq3A_56 = vector.broadcast %iota3A : vector<1x128xi32> to vector<2000x128xi32>
    %eq3A_57 = arith.cmpi eq, %eq3A_55, %eq3A_56 : vector<2000x128xi32>
    %convert_element_type3A_58 = arith.extui %eq3A_57 : vector<2000x128xi1> to vector<2000x128xi32>
    %convert_element_type3A_59 = arith.sitofp %convert_element_type3A_58 : vector<2000x128xi32> to vector<2000x128xf32>
    %get3A_60 = arith.constant 4 : index
    %get3A_61 = arith.constant 0 : index
    %get3A_62 = arith.constant 0 : index
    %get3A_63 = vector.load %arg2[%get3A_60, %get3A_61, %get3A_62] : memref<9x128x128xf32, #tpu.memory_space<vmem>>, vector<1x128x128xf32>
    %get3A_64 = vector.shape_cast %get3A_63 : vector<1x128x128xf32> to vector<128x128xf32>
    %dot_general3A_65 = arith.constant dense<0.000000e+00> : vector<2000x128xf32>
    %dot_general3A_66 = tpu.matmul %convert_element_type3A_59, %get3A_64, %dot_general3A_65 {dimension_numbers = #tpu.dot_dimension_numbers<[1], [0], [0], [1], [0, 0, 1, 1], [], []>, transpose_lhs_hint = false} : vector<2000x128xf32>, vector<128x128xf32>, vector<2000x128xf32> -> vector<2000x128xf32>
    %add3A_67 = arith.addf %add3A_53, %dot_general3A_66 : vector<2000x128xf32>
    %slice3A_68 = vector.extract_strided_slice %get3A_1 {offsets = [0, 5], sizes = [2000, 1], strides = [1, 1]} : vector<2000x9xi32> to vector<2000x1xi32>
    %eq3A_69 = vector.broadcast %slice3A_68 : vector<2000x1xi32> to vector<2000x128xi32>
    %eq3A_70 = vector.broadcast %iota3A : vector<1x128xi32> to vector<2000x128xi32>
    %eq3A_71 = arith.cmpi eq, %eq3A_69, %eq3A_70 : vector<2000x128xi32>
    %convert_element_type3A_72 = arith.extui %eq3A_71 : vector<2000x128xi1> to vector<2000x128xi32>
    %convert_element_type3A_73 = arith.sitofp %convert_element_type3A_72 : vector<2000x128xi32> to vector<2000x128xf32>
    %get3A_74 = arith.constant 5 : index
    %get3A_75 = arith.constant 0 : index
    %get3A_76 = arith.constant 0 : index
    %get3A_77 = vector.load %arg2[%get3A_74, %get3A_75, %get3A_76] : memref<9x128x128xf32, #tpu.memory_space<vmem>>, vector<1x128x128xf32>
    %get3A_78 = vector.shape_cast %get3A_77 : vector<1x128x128xf32> to vector<128x128xf32>
    %dot_general3A_79 = arith.constant dense<0.000000e+00> : vector<2000x128xf32>
    %dot_general3A_80 = tpu.matmul %convert_element_type3A_73, %get3A_78, %dot_general3A_79 {dimension_numbers = #tpu.dot_dimension_numbers<[1], [0], [0], [1], [0, 0, 1, 1], [], []>, transpose_lhs_hint = false} : vector<2000x128xf32>, vector<128x128xf32>, vector<2000x128xf32> -> vector<2000x128xf32>
    %add3A_81 = arith.addf %add3A_67, %dot_general3A_80 : vector<2000x128xf32>
    %slice3A_82 = vector.extract_strided_slice %get3A_1 {offsets = [0, 6], sizes = [2000, 1], strides = [1, 1]} : vector<2000x9xi32> to vector<2000x1xi32>
    %eq3A_83 = vector.broadcast %slice3A_82 : vector<2000x1xi32> to vector<2000x128xi32>
    %eq3A_84 = vector.broadcast %iota3A : vector<1x128xi32> to vector<2000x128xi32>
    %eq3A_85 = arith.cmpi eq, %eq3A_83, %eq3A_84 : vector<2000x128xi32>
    %convert_element_type3A_86 = arith.extui %eq3A_85 : vector<2000x128xi1> to vector<2000x128xi32>
    %convert_element_type3A_87 = arith.sitofp %convert_element_type3A_86 : vector<2000x128xi32> to vector<2000x128xf32>
    %get3A_88 = arith.constant 6 : index
    %get3A_89 = arith.constant 0 : index
    %get3A_90 = arith.constant 0 : index
    %get3A_91 = vector.load %arg2[%get3A_88, %get3A_89, %get3A_90] : memref<9x128x128xf32, #tpu.memory_space<vmem>>, vector<1x128x128xf32>
    %get3A_92 = vector.shape_cast %get3A_91 : vector<1x128x128xf32> to vector<128x128xf32>
    %dot_general3A_93 = arith.constant dense<0.000000e+00> : vector<2000x128xf32>
    %dot_general3A_94 = tpu.matmul %convert_element_type3A_87, %get3A_92, %dot_general3A_93 {dimension_numbers = #tpu.dot_dimension_numbers<[1], [0], [0], [1], [0, 0, 1, 1], [], []>, transpose_lhs_hint = false} : vector<2000x128xf32>, vector<128x128xf32>, vector<2000x128xf32> -> vector<2000x128xf32>
    %add3A_95 = arith.addf %add3A_81, %dot_general3A_94 : vector<2000x128xf32>
    %slice3A_96 = vector.extract_strided_slice %get3A_1 {offsets = [0, 7], sizes = [2000, 1], strides = [1, 1]} : vector<2000x9xi32> to vector<2000x1xi32>
    %eq3A_97 = vector.broadcast %slice3A_96 : vector<2000x1xi32> to vector<2000x128xi32>
    %eq3A_98 = vector.broadcast %iota3A : vector<1x128xi32> to vector<2000x128xi32>
    %eq3A_99 = arith.cmpi eq, %eq3A_97, %eq3A_98 : vector<2000x128xi32>
    %convert_element_type3A_100 = arith.extui %eq3A_99 : vector<2000x128xi1> to vector<2000x128xi32>
    %convert_element_type3A_101 = arith.sitofp %convert_element_type3A_100 : vector<2000x128xi32> to vector<2000x128xf32>
    %get3A_102 = arith.constant 7 : index
    %get3A_103 = arith.constant 0 : index
    %get3A_104 = arith.constant 0 : index
    %get3A_105 = vector.load %arg2[%get3A_102, %get3A_103, %get3A_104] : memref<9x128x128xf32, #tpu.memory_space<vmem>>, vector<1x128x128xf32>
    %get3A_106 = vector.shape_cast %get3A_105 : vector<1x128x128xf32> to vector<128x128xf32>
    %dot_general3A_107 = arith.constant dense<0.000000e+00> : vector<2000x128xf32>
    %dot_general3A_108 = tpu.matmul %convert_element_type3A_101, %get3A_106, %dot_general3A_107 {dimension_numbers = #tpu.dot_dimension_numbers<[1], [0], [0], [1], [0, 0, 1, 1], [], []>, transpose_lhs_hint = false} : vector<2000x128xf32>, vector<128x128xf32>, vector<2000x128xf32> -> vector<2000x128xf32>
    %add3A_109 = arith.addf %add3A_95, %dot_general3A_108 : vector<2000x128xf32>
    %slice3A_110 = vector.extract_strided_slice %get3A_1 {offsets = [0, 8], sizes = [2000, 1], strides = [1, 1]} : vector<2000x9xi32> to vector<2000x1xi32>
    %eq3A_111 = vector.broadcast %slice3A_110 : vector<2000x1xi32> to vector<2000x128xi32>
    %eq3A_112 = vector.broadcast %iota3A : vector<1x128xi32> to vector<2000x128xi32>
    %eq3A_113 = arith.cmpi eq, %eq3A_111, %eq3A_112 : vector<2000x128xi32>
    %convert_element_type3A_114 = arith.extui %eq3A_113 : vector<2000x128xi1> to vector<2000x128xi32>
    %convert_element_type3A_115 = arith.sitofp %convert_element_type3A_114 : vector<2000x128xi32> to vector<2000x128xf32>
    %get3A_116 = arith.constant 8 : index
    %get3A_117 = arith.constant 0 : index
    %get3A_118 = arith.constant 0 : index
    %get3A_119 = vector.load %arg2[%get3A_116, %get3A_117, %get3A_118] : memref<9x128x128xf32, #tpu.memory_space<vmem>>, vector<1x128x128xf32>
    %get3A_120 = vector.shape_cast %get3A_119 : vector<1x128x128xf32> to vector<128x128xf32>
    %dot_general3A_121 = arith.constant dense<0.000000e+00> : vector<2000x128xf32>
    %dot_general3A_122 = tpu.matmul %convert_element_type3A_115, %get3A_120, %dot_general3A_121 {dimension_numbers = #tpu.dot_dimension_numbers<[1], [0], [0], [1], [0, 0, 1, 1], [], []>, transpose_lhs_hint = false} : vector<2000x128xf32>, vector<128x128xf32>, vector<2000x128xf32> -> vector<2000x128xf32>
    %add3A_123 = arith.addf %add3A_109, %dot_general3A_122 : vector<2000x128xf32>
    %swap3A = arith.constant 0 : index
    %swap3A_124 = arith.constant 0 : index
    %swap3A_125 = vector.load %arg6[%swap3A, %swap3A_124] : memref<2000x128xf32, #tpu.memory_space<vmem>>, vector<2000x128xf32>
    tpu.vector_store %arg6[%swap3A, %swap3A_124], %add3A_123 {strides = array<i32>} : memref<2000x128xf32, #tpu.memory_space<vmem>>, vector<2000x128xf32>,
    %get3A_126 = arith.constant 0 : index
    %get3A_127 = arith.constant 0 : index
    %get3A_128 = vector.load %arg4[%get3A_126, %get3A_127] : memref<128x128xf32, #tpu.memory_space<vmem>>, vector<128x128xf32>
    %dot_general3A_129 = arith.constant dense<0.000000e+00> : vector<2000x128xf32>
    %dot_general3A_130 = tpu.matmul %add3A_123, %get3A_128, %dot_general3A_129 {dimension_numbers = #tpu.dot_dimension_numbers<[1], [0], [0], [1], [0, 0, 1, 1], [], []>, transpose_lhs_hint = false} : vector<2000x128xf32>, vector<128x128xf32>, vector<2000x128xf32> -> vector<2000x128xf32>
    %get3A_131 = arith.constant 0 : index
    %get3A_132 = arith.constant 0 : index
    %get3A_133 = vector.load %arg5[%get3A_131, %get3A_132] : memref<1x128xf32, #tpu.memory_space<vmem>>, vector<1x128xf32>
    %add3A_134 = vector.broadcast %get3A_133 : vector<1x128xf32> to vector<2000x128xf32>
    %add3A_135 = arith.addf %dot_general3A_130, %add3A_134 : vector<2000x128xf32>
    %swap3A_136 = arith.constant 0 : index
    %swap3A_137 = arith.constant 0 : index
    %swap3A_138 = vector.load %arg7[%swap3A_136, %swap3A_137] : memref<2000x128xf32, #tpu.memory_space<vmem>>, vector<2000x128xf32>
    tpu.vector_store %arg7[%swap3A_136, %swap3A_137], %add3A_135 {strides = array<i32>} : memref<2000x128xf32, #tpu.memory_space<vmem>>, vector<2000x128xf32>,
    %get3A_139 = arith.constant 0 : index
    %get3A_140 = arith.constant 0 : index
    %get3A_141 = arith.constant 0 : index
    %get3A_142 = vector.load %arg3[%get3A_139, %get3A_140, %get3A_141] : memref<2x2000x128xf32, #tpu.memory_space<vmem>>, vector<1x2000x128xf32>
    %get3A_143 = vector.shape_cast %get3A_142 : vector<1x2000x128xf32> to vector<2000x128xf32>
    %get3A_144 = arith.constant 1 : index
    %get3A_145 = arith.constant 0 : index
    %get3A_146 = arith.constant 0 : index
    %get3A_147 = vector.load %arg3[%get3A_144, %get3A_145, %get3A_146] : memref<2x2000x128xf32, #tpu.memory_space<vmem>>, vector<1x2000x128xf32>
    %get3A_148 = vector.shape_cast %get3A_147 : vector<1x2000x128xf32> to vector<2000x128xf32>
    %add3A_149 = arith.addf %get3A_143, %get3A_148 : vector<2000x128xf32>
    %swap3A_150 = arith.constant 0 : index
    %swap3A_151 = arith.constant 0 : index
    %swap3A_152 = vector.load %arg8[%swap3A_150, %swap3A_151] : memref<2000x128xf32, #tpu.memory_space<vmem>>, vector<2000x128xf32>
    tpu.vector_store %arg8[%swap3A_150, %swap3A_151], %add3A_149 {strides = array<i32>} : memref<2000x128xf32, #tpu.memory_space<vmem>>, vector<2000x128xf32>,
    return
  }
  func.func @transform_0(%arg0: i32) -> (i32, i32) {
    %c0_i32 = arith.constant 0 : i32
    %c0_i32_0 = arith.constant 0 : i32
    return %arg0, %c0_i32 : i32, i32
  }
  func.func @transform_1(%arg0: i32) -> (i32, i32, i32) {
    %c0_i32 = arith.constant 0 : i32
    %c0_i32_0 = arith.constant 0 : i32
    %c0_i32_1 = arith.constant 0 : i32
    %c0_i32_2 = arith.constant 0 : i32
    return %c0_i32, %c0_i32_0, %c0_i32_1 : i32, i32, i32
  }
  func.func @transform_2(%arg0: i32) -> (i32, i32, i32) {
    %c0_i32 = arith.constant 0 : i32
    %c0_i32_0 = arith.constant 0 : i32
    %c0_i32_1 = arith.constant 0 : i32
    return %c0_i32, %arg0, %c0_i32_0 : i32, i32, i32
  }
  func.func @transform_3(%arg0: i32) -> (i32, i32) {
    %c0_i32 = arith.constant 0 : i32
    %c0_i32_0 = arith.constant 0 : i32
    %c0_i32_1 = arith.constant 0 : i32
    return %c0_i32, %c0_i32_0 : i32, i32
  }
  func.func @transform_4(%arg0: i32) -> (i32, i32) {
    %c0_i32 = arith.constant 0 : i32
    %c0_i32_0 = arith.constant 0 : i32
    %c0_i32_1 = arith.constant 0 : i32
    return %c0_i32, %c0_i32_0 : i32, i32
  }
  func.func @transform_5(%arg0: i32) -> (i32, i32) {
    %c0_i32 = arith.constant 0 : i32
    %c0_i32_0 = arith.constant 0 : i32
    return %arg0, %c0_i32 : i32, i32
  }
  func.func @transform_6(%arg0: i32) -> (i32, i32) {
    %c0_i32 = arith.constant 0 : i32
    %c0_i32_0 = arith.constant 0 : i32
    return %arg0, %c0_i32 : i32, i32
  }
  func.func @transform_7(%arg0: i32) -> (i32, i32) {
    %c0_i32 = arith.constant 0 : i32
    %c0_i32_0 = arith.constant 0 : i32
    return %arg0, %c0_i32 : i32, i32
  }
}

module attributes {stable_mosaic.version = 14 : i64} {
  func.func @_node_mid_body(%arg0: i32, %arg1: memref<2000x128xf32, #tpu.memory_space<vmem>>, %arg2: memref<2x2000x128xf32, #tpu.memory_space<vmem>>, %arg3: memref<2000x128xf32, #tpu.memory_space<vmem>>, %arg4: memref<128x128xf32, #tpu.memory_space<vmem>>, %arg5: memref<1x128xf32, #tpu.memory_space<vmem>>, %arg6: memref<128x128xf32, #tpu.memory_space<vmem>>, %arg7: memref<1x128xf32, #tpu.memory_space<vmem>>, %arg8: memref<128x128xf32, #tpu.memory_space<vmem>>, %arg9: memref<1x128xf32, #tpu.memory_space<vmem>>, %arg10: memref<2000x128xf32, #tpu.memory_space<vmem>>, %arg11: memref<2000x128xf32, #tpu.memory_space<vmem>>) attributes {dimension_semantics = [#tpu.dimension_semantics<arbitrary>], iteration_bounds = array<i64: 5>, scalar_prefetch = 0 : i64, scratch_operands = 0 : i64, tpu.core_type = #tpu.core_type<tc>, window_params = [{transform_indices = @transform_0, window_bounds = array<i64: 2000, 128>}, {transform_indices = @transform_1, window_bounds = array<i64: 2, 2000, 128>}, {transform_indices = @transform_2, window_bounds = array<i64: 2000, 128>}, {pipeline_mode = #tpu.pipeline_mode<synchronous>, transform_indices = @transform_3, window_bounds = array<i64: 128, 128>}, {pipeline_mode = #tpu.pipeline_mode<synchronous>, transform_indices = @transform_4, window_bounds = array<i64: 1, 128>}, {pipeline_mode = #tpu.pipeline_mode<synchronous>, transform_indices = @transform_5, window_bounds = array<i64: 128, 128>}, {pipeline_mode = #tpu.pipeline_mode<synchronous>, transform_indices = @transform_6, window_bounds = array<i64: 1, 128>}, {pipeline_mode = #tpu.pipeline_mode<synchronous>, transform_indices = @transform_7, window_bounds = array<i64: 128, 128>}, {pipeline_mode = #tpu.pipeline_mode<synchronous>, transform_indices = @transform_8, window_bounds = array<i64: 1, 128>}, {transform_indices = @transform_9, window_bounds = array<i64: 2000, 128>}, {transform_indices = @transform_10, window_bounds = array<i64: 2000, 128>}]} {
    %get3A = arith.constant 0 : index
    %get3A_0 = arith.constant 0 : index
    %get3A_1 = vector.load %arg3[%get3A, %get3A_0] : memref<2000x128xf32, #tpu.memory_space<vmem>>, vector<2000x128xf32>
    %get3A_2 = arith.constant 0 : index
    %get3A_3 = arith.constant 0 : index
    %get3A_4 = arith.constant 0 : index
    %get3A_5 = vector.load %arg2[%get3A_2, %get3A_3, %get3A_4] : memref<2x2000x128xf32, #tpu.memory_space<vmem>>, vector<1x2000x128xf32>
    %get3A_6 = vector.shape_cast %get3A_5 : vector<1x2000x128xf32> to vector<2000x128xf32>
    %get3A_7 = arith.constant 1 : index
    %get3A_8 = arith.constant 0 : index
    %get3A_9 = arith.constant 0 : index
    %get3A_10 = vector.load %arg2[%get3A_7, %get3A_8, %get3A_9] : memref<2x2000x128xf32, #tpu.memory_space<vmem>>, vector<1x2000x128xf32>
    %get3A_11 = vector.shape_cast %get3A_10 : vector<1x2000x128xf32> to vector<2000x128xf32>
    %add3A = arith.addf %get3A_6, %get3A_11 : vector<2000x128xf32>
    %gt3A = arith.constant 0.000000e+00 : f32
    %gt3A_12 = vector.broadcast %gt3A : f32 to vector<2000x128xf32>
    %gt3A_13 = arith.cmpf ogt, %get3A_1, %gt3A_12 : vector<2000x128xf32>
    %div3A = arith.divf %add3A, %get3A_1 : vector<2000x128xf32>
    %jit3A = arith.constant 0.000000e+00 : f32
    %broadcast_in_dim3A = vector.broadcast %jit3A : f32 to vector<2000x128xf32>
    %select_n3A = arith.select %gt3A_13, %div3A, %broadcast_in_dim3A : vector<2000x128xi1>, vector<2000x128xf32>
    %get3A_14 = arith.constant 0 : index
    %get3A_15 = arith.constant 0 : index
    %get3A_16 = vector.load %arg1[%get3A_14, %get3A_15] : memref<2000x128xf32, #tpu.memory_space<vmem>>, vector<2000x128xf32>
    %add3A_17 = arith.addf %get3A_16, %select_n3A : vector<2000x128xf32>
    %get3A_18 = arith.constant 0 : index
    %get3A_19 = arith.constant 0 : index
    %get3A_20 = vector.load %arg4[%get3A_18, %get3A_19] : memref<128x128xf32, #tpu.memory_space<vmem>>, vector<128x128xf32>
    %dot_general3A = arith.constant dense<0.000000e+00> : vector<2000x128xf32>
    %dot_general3A_21 = tpu.matmul %add3A_17, %get3A_20, %dot_general3A {dimension_numbers = #tpu.dot_dimension_numbers<[1], [0], [0], [1], [0, 0, 1, 1], [], []>, transpose_lhs_hint = false} : vector<2000x128xf32>, vector<128x128xf32>, vector<2000x128xf32> -> vector<2000x128xf32>
    %get3A_22 = arith.constant 0 : index
    %get3A_23 = arith.constant 0 : index
    %get3A_24 = vector.load %arg5[%get3A_22, %get3A_23] : memref<1x128xf32, #tpu.memory_space<vmem>>, vector<1x128xf32>
    %add3A_25 = vector.broadcast %get3A_24 : vector<1x128xf32> to vector<2000x128xf32>
    %add3A_26 = arith.addf %dot_general3A_21, %add3A_25 : vector<2000x128xf32>
    %max3A = arith.constant 0.000000e+00 : f32
    %max3A_27 = vector.broadcast %max3A : f32 to vector<2000x128xf32>
    %max3A_28 = arith.maximumf %add3A_26, %max3A_27 : vector<2000x128xf32>
    %get3A_29 = arith.constant 0 : index
    %get3A_30 = arith.constant 0 : index
    %get3A_31 = vector.load %arg6[%get3A_29, %get3A_30] : memref<128x128xf32, #tpu.memory_space<vmem>>, vector<128x128xf32>
    %dot_general3A_32 = arith.constant dense<0.000000e+00> : vector<2000x128xf32>
    %dot_general3A_33 = tpu.matmul %max3A_28, %get3A_31, %dot_general3A_32 {dimension_numbers = #tpu.dot_dimension_numbers<[1], [0], [0], [1], [0, 0, 1, 1], [], []>, transpose_lhs_hint = false} : vector<2000x128xf32>, vector<128x128xf32>, vector<2000x128xf32> -> vector<2000x128xf32>
    %get3A_34 = arith.constant 0 : index
    %get3A_35 = arith.constant 0 : index
    %get3A_36 = vector.load %arg7[%get3A_34, %get3A_35] : memref<1x128xf32, #tpu.memory_space<vmem>>, vector<1x128xf32>
    %add3A_37 = vector.broadcast %get3A_36 : vector<1x128xf32> to vector<2000x128xf32>
    %add3A_38 = arith.addf %dot_general3A_33, %add3A_37 : vector<2000x128xf32>
    %max3A_39 = arith.constant 0.000000e+00 : f32
    %max3A_40 = vector.broadcast %max3A_39 : f32 to vector<2000x128xf32>
    %max3A_41 = arith.maximumf %add3A_38, %max3A_40 : vector<2000x128xf32>
    %add3A_42 = arith.addf %add3A_17, %max3A_41 : vector<2000x128xf32>
    %swap3A = arith.constant 0 : index
    %swap3A_43 = arith.constant 0 : index
    %swap3A_44 = vector.load %arg10[%swap3A, %swap3A_43] : memref<2000x128xf32, #tpu.memory_space<vmem>>, vector<2000x128xf32>
    tpu.vector_store %arg10[%swap3A, %swap3A_43], %add3A_42 {strides = array<i32>} : memref<2000x128xf32, #tpu.memory_space<vmem>>, vector<2000x128xf32>,
    %get3A_45 = arith.constant 0 : index
    %get3A_46 = arith.constant 0 : index
    %get3A_47 = vector.load %arg8[%get3A_45, %get3A_46] : memref<128x128xf32, #tpu.memory_space<vmem>>, vector<128x128xf32>
    %dot_general3A_48 = arith.constant dense<0.000000e+00> : vector<2000x128xf32>
    %dot_general3A_49 = tpu.matmul %add3A_42, %get3A_47, %dot_general3A_48 {dimension_numbers = #tpu.dot_dimension_numbers<[1], [0], [0], [1], [0, 0, 1, 1], [], []>, transpose_lhs_hint = false} : vector<2000x128xf32>, vector<128x128xf32>, vector<2000x128xf32> -> vector<2000x128xf32>
    %get3A_50 = arith.constant 0 : index
    %get3A_51 = arith.constant 0 : index
    %get3A_52 = vector.load %arg9[%get3A_50, %get3A_51] : memref<1x128xf32, #tpu.memory_space<vmem>>, vector<1x128xf32>
    %add3A_53 = vector.broadcast %get3A_52 : vector<1x128xf32> to vector<2000x128xf32>
    %add3A_54 = arith.addf %dot_general3A_49, %add3A_53 : vector<2000x128xf32>
    %swap3A_55 = arith.constant 0 : index
    %swap3A_56 = arith.constant 0 : index
    %swap3A_57 = vector.load %arg11[%swap3A_55, %swap3A_56] : memref<2000x128xf32, #tpu.memory_space<vmem>>, vector<2000x128xf32>
    tpu.vector_store %arg11[%swap3A_55, %swap3A_56], %add3A_54 {strides = array<i32>} : memref<2000x128xf32, #tpu.memory_space<vmem>>, vector<2000x128xf32>,
    return
  }
  func.func @transform_0(%arg0: i32) -> (i32, i32) {
    %c0_i32 = arith.constant 0 : i32
    %c0_i32_0 = arith.constant 0 : i32
    return %arg0, %c0_i32 : i32, i32
  }
  func.func @transform_1(%arg0: i32) -> (i32, i32, i32) {
    %c0_i32 = arith.constant 0 : i32
    %c0_i32_0 = arith.constant 0 : i32
    %c0_i32_1 = arith.constant 0 : i32
    return %c0_i32, %arg0, %c0_i32_0 : i32, i32, i32
  }
  func.func @transform_2(%arg0: i32) -> (i32, i32) {
    %c0_i32 = arith.constant 0 : i32
    %c0_i32_0 = arith.constant 0 : i32
    return %arg0, %c0_i32 : i32, i32
  }
  func.func @transform_3(%arg0: i32) -> (i32, i32) {
    %c0_i32 = arith.constant 0 : i32
    %c0_i32_0 = arith.constant 0 : i32
    %c0_i32_1 = arith.constant 0 : i32
    return %c0_i32, %c0_i32_0 : i32, i32
  }
  func.func @transform_4(%arg0: i32) -> (i32, i32) {
    %c0_i32 = arith.constant 0 : i32
    %c0_i32_0 = arith.constant 0 : i32
    %c0_i32_1 = arith.constant 0 : i32
    return %c0_i32, %c0_i32_0 : i32, i32
  }
  func.func @transform_5(%arg0: i32) -> (i32, i32) {
    %c0_i32 = arith.constant 0 : i32
    %c0_i32_0 = arith.constant 0 : i32
    %c0_i32_1 = arith.constant 0 : i32
    return %c0_i32, %c0_i32_0 : i32, i32
  }
  func.func @transform_6(%arg0: i32) -> (i32, i32) {
    %c0_i32 = arith.constant 0 : i32
    %c0_i32_0 = arith.constant 0 : i32
    %c0_i32_1 = arith.constant 0 : i32
    return %c0_i32, %c0_i32_0 : i32, i32
  }
  func.func @transform_7(%arg0: i32) -> (i32, i32) {
    %c0_i32 = arith.constant 0 : i32
    %c0_i32_0 = arith.constant 0 : i32
    %c0_i32_1 = arith.constant 0 : i32
    return %c0_i32, %c0_i32_0 : i32, i32
  }
  func.func @transform_8(%arg0: i32) -> (i32, i32) {
    %c0_i32 = arith.constant 0 : i32
    %c0_i32_0 = arith.constant 0 : i32
    %c0_i32_1 = arith.constant 0 : i32
    return %c0_i32, %c0_i32_0 : i32, i32
  }
  func.func @transform_9(%arg0: i32) -> (i32, i32) {
    %c0_i32 = arith.constant 0 : i32
    %c0_i32_0 = arith.constant 0 : i32
    return %arg0, %c0_i32 : i32, i32
  }
  func.func @transform_10(%arg0: i32) -> (i32, i32) {
    %c0_i32 = arith.constant 0 : i32
    %c0_i32_0 = arith.constant 0 : i32
    return %arg0, %c0_i32 : i32, i32
  }
}

module attributes {stable_mosaic.version = 14 : i64} {
  func.func @_node_last_body(%arg0: i32, %arg1: memref<2000x128xf32, #tpu.memory_space<vmem>>, %arg2: memref<2x2000x128xf32, #tpu.memory_space<vmem>>, %arg3: memref<2000x128xf32, #tpu.memory_space<vmem>>, %arg4: memref<128x128xf32, #tpu.memory_space<vmem>>, %arg5: memref<1x128xf32, #tpu.memory_space<vmem>>, %arg6: memref<128x128xf32, #tpu.memory_space<vmem>>, %arg7: memref<1x128xf32, #tpu.memory_space<vmem>>, %arg8: memref<128x1xf32, #tpu.memory_space<vmem>>, %arg9: memref<1x1xf32, #tpu.memory_space<vmem>>, %arg10: memref<1x1xf32, #tpu.memory_space<vmem>>) attributes {dimension_semantics = [#tpu.dimension_semantics<arbitrary>], iteration_bounds = array<i64: 5>, scalar_prefetch = 0 : i64, scratch_operands = 0 : i64, tpu.core_type = #tpu.core_type<tc>, window_params = [{transform_indices = @transform_0, window_bounds = array<i64: 2000, 128>}, {transform_indices = @transform_1, window_bounds = array<i64: 2, 2000, 128>}, {transform_indices = @transform_2, window_bounds = array<i64: 2000, 128>}, {pipeline_mode = #tpu.pipeline_mode<synchronous>, transform_indices = @transform_3, window_bounds = array<i64: 128, 128>}, {pipeline_mode = #tpu.pipeline_mode<synchronous>, transform_indices = @transform_4, window_bounds = array<i64: 1, 128>}, {pipeline_mode = #tpu.pipeline_mode<synchronous>, transform_indices = @transform_5, window_bounds = array<i64: 128, 128>}, {pipeline_mode = #tpu.pipeline_mode<synchronous>, transform_indices = @transform_6, window_bounds = array<i64: 1, 128>}, {pipeline_mode = #tpu.pipeline_mode<synchronous>, transform_indices = @transform_7, window_bounds = array<i64: 128, 1>}, {pipeline_mode = #tpu.pipeline_mode<synchronous>, transform_indices = @transform_8, window_bounds = array<i64: 1, 1>}, {pipeline_mode = #tpu.pipeline_mode<synchronous>, transform_indices = @transform_9, window_bounds = array<i64: 1, 1>}]} {
    %get3A = arith.constant 0 : index
    %get3A_0 = arith.constant 0 : index
    %get3A_1 = vector.load %arg3[%get3A, %get3A_0] : memref<2000x128xf32, #tpu.memory_space<vmem>>, vector<2000x128xf32>
    %get3A_2 = arith.constant 0 : index
    %get3A_3 = arith.constant 0 : index
    %get3A_4 = arith.constant 0 : index
    %get3A_5 = vector.load %arg2[%get3A_2, %get3A_3, %get3A_4] : memref<2x2000x128xf32, #tpu.memory_space<vmem>>, vector<1x2000x128xf32>
    %get3A_6 = vector.shape_cast %get3A_5 : vector<1x2000x128xf32> to vector<2000x128xf32>
    %get3A_7 = arith.constant 1 : index
    %get3A_8 = arith.constant 0 : index
    %get3A_9 = arith.constant 0 : index
    %get3A_10 = vector.load %arg2[%get3A_7, %get3A_8, %get3A_9] : memref<2x2000x128xf32, #tpu.memory_space<vmem>>, vector<1x2000x128xf32>
    %get3A_11 = vector.shape_cast %get3A_10 : vector<1x2000x128xf32> to vector<2000x128xf32>
    %add3A = arith.addf %get3A_6, %get3A_11 : vector<2000x128xf32>
    %gt3A = arith.constant 0.000000e+00 : f32
    %gt3A_12 = vector.broadcast %gt3A : f32 to vector<2000x128xf32>
    %gt3A_13 = arith.cmpf ogt, %get3A_1, %gt3A_12 : vector<2000x128xf32>
    %div3A = arith.divf %add3A, %get3A_1 : vector<2000x128xf32>
    %jit3A = arith.constant 0.000000e+00 : f32
    %broadcast_in_dim3A = vector.broadcast %jit3A : f32 to vector<2000x128xf32>
    %select_n3A = arith.select %gt3A_13, %div3A, %broadcast_in_dim3A : vector<2000x128xi1>, vector<2000x128xf32>
    %get3A_14 = arith.constant 0 : index
    %get3A_15 = arith.constant 0 : index
    %get3A_16 = vector.load %arg1[%get3A_14, %get3A_15] : memref<2000x128xf32, #tpu.memory_space<vmem>>, vector<2000x128xf32>
    %add3A_17 = arith.addf %get3A_16, %select_n3A : vector<2000x128xf32>
    %get3A_18 = arith.constant 0 : index
    %get3A_19 = arith.constant 0 : index
    %get3A_20 = vector.load %arg4[%get3A_18, %get3A_19] : memref<128x128xf32, #tpu.memory_space<vmem>>, vector<128x128xf32>
    %dot_general3A = arith.constant dense<0.000000e+00> : vector<2000x128xf32>
    %dot_general3A_21 = tpu.matmul %add3A_17, %get3A_20, %dot_general3A {dimension_numbers = #tpu.dot_dimension_numbers<[1], [0], [0], [1], [0, 0, 1, 1], [], []>, transpose_lhs_hint = false} : vector<2000x128xf32>, vector<128x128xf32>, vector<2000x128xf32> -> vector<2000x128xf32>
    %get3A_22 = arith.constant 0 : index
    %get3A_23 = arith.constant 0 : index
    %get3A_24 = vector.load %arg5[%get3A_22, %get3A_23] : memref<1x128xf32, #tpu.memory_space<vmem>>, vector<1x128xf32>
    %add3A_25 = vector.broadcast %get3A_24 : vector<1x128xf32> to vector<2000x128xf32>
    %add3A_26 = arith.addf %dot_general3A_21, %add3A_25 : vector<2000x128xf32>
    %max3A = arith.constant 0.000000e+00 : f32
    %max3A_27 = vector.broadcast %max3A : f32 to vector<2000x128xf32>
    %max3A_28 = arith.maximumf %add3A_26, %max3A_27 : vector<2000x128xf32>
    %get3A_29 = arith.constant 0 : index
    %get3A_30 = arith.constant 0 : index
    %get3A_31 = vector.load %arg6[%get3A_29, %get3A_30] : memref<128x128xf32, #tpu.memory_space<vmem>>, vector<128x128xf32>
    %dot_general3A_32 = arith.constant dense<0.000000e+00> : vector<2000x128xf32>
    %dot_general3A_33 = tpu.matmul %max3A_28, %get3A_31, %dot_general3A_32 {dimension_numbers = #tpu.dot_dimension_numbers<[1], [0], [0], [1], [0, 0, 1, 1], [], []>, transpose_lhs_hint = false} : vector<2000x128xf32>, vector<128x128xf32>, vector<2000x128xf32> -> vector<2000x128xf32>
    %get3A_34 = arith.constant 0 : index
    %get3A_35 = arith.constant 0 : index
    %get3A_36 = vector.load %arg7[%get3A_34, %get3A_35] : memref<1x128xf32, #tpu.memory_space<vmem>>, vector<1x128xf32>
    %add3A_37 = vector.broadcast %get3A_36 : vector<1x128xf32> to vector<2000x128xf32>
    %add3A_38 = arith.addf %dot_general3A_33, %add3A_37 : vector<2000x128xf32>
    %max3A_39 = arith.constant 0.000000e+00 : f32
    %max3A_40 = vector.broadcast %max3A_39 : f32 to vector<2000x128xf32>
    %max3A_41 = arith.maximumf %add3A_38, %max3A_40 : vector<2000x128xf32>
    %add3A_42 = arith.addf %add3A_17, %max3A_41 : vector<2000x128xf32>
    %reduce_sum3A = arith.constant dense<0.000000e+00> : vector<128xf32>
    %reduce_sum3A_43 = vector.multi_reduction <add>, %add3A_42, %reduce_sum3A [0] : vector<2000x128xf32> to vector<128xf32>
    %broadcast_in_dim3A_44 = vector.shape_cast %reduce_sum3A_43 : vector<128xf32> to vector<1x128xf32>
    %get3A_45 = arith.constant 0 : index
    %get3A_46 = arith.constant 0 : index
    %get3A_47 = vector.load %arg8[%get3A_45, %get3A_46] : memref<128x1xf32, #tpu.memory_space<vmem>>, vector<128x1xf32>
    %dot_general3A_48 = arith.constant dense<0.000000e+00> : vector<1x1xf32>
    %dot_general3A_49 = tpu.matmul %broadcast_in_dim3A_44, %get3A_47, %dot_general3A_48 {dimension_numbers = #tpu.dot_dimension_numbers<[1], [0], [0], [1], [0, 0, 1, 1], [], []>, transpose_lhs_hint = false} : vector<1x128xf32>, vector<128x1xf32>, vector<1x1xf32> -> vector<1x1xf32>
    %eq3A = arith.constant 0 : i32
    %eq3A_50 = arith.cmpi eq, %arg0, %eq3A : i32
    %convert_element_type3A = arith.extui %eq3A_50 : i1 to i32
    %cond3A = arith.constant 0 : i32
    %cond3A_51 = arith.cmpi ne, %convert_element_type3A, %cond3A : i32
    scf.if %cond3A_51 {
      %get3A_58 = arith.constant 0 : index
      %get3A_59 = arith.constant 0 : index
      %get3A_60 = vector.load %arg9[%get3A_58, %get3A_59] : memref<1x1xf32, #tpu.memory_space<vmem>>, vector<1x1xf32>
      %swap3A_61 = arith.constant 0 : index
      %swap3A_62 = arith.constant 0 : index
      %swap3A_63 = vector.load %arg10[%swap3A_61, %swap3A_62] : memref<1x1xf32, #tpu.memory_space<vmem>>, vector<1x1xf32>
      tpu.vector_store %arg10[%swap3A_61, %swap3A_62], %get3A_60 {strides = array<i32>} : memref<1x1xf32, #tpu.memory_space<vmem>>, vector<1x1xf32>,
    } else {
    }
    %get3A_52 = arith.constant 0 : index
    %get3A_53 = arith.constant 0 : index
    %get3A_54 = vector.load %arg10[%get3A_52, %get3A_53] : memref<1x1xf32, #tpu.memory_space<vmem>>, vector<1x1xf32>
    %add3A_55 = arith.addf %get3A_54, %dot_general3A_49 : vector<1x1xf32>
    %swap3A = arith.constant 0 : index
    %swap3A_56 = arith.constant 0 : index
    %swap3A_57 = vector.load %arg10[%swap3A, %swap3A_56] : memref<1x1xf32, #tpu.memory_space<vmem>>, vector<1x1xf32>
    tpu.vector_store %arg10[%swap3A, %swap3A_56], %add3A_55 {strides = array<i32>} : memref<1x1xf32, #tpu.memory_space<vmem>>, vector<1x1xf32>,
    return
  }
  func.func @transform_0(%arg0: i32) -> (i32, i32) {
    %c0_i32 = arith.constant 0 : i32
    %c0_i32_0 = arith.constant 0 : i32
    return %arg0, %c0_i32 : i32, i32
  }
  func.func @transform_1(%arg0: i32) -> (i32, i32, i32) {
    %c0_i32 = arith.constant 0 : i32
    %c0_i32_0 = arith.constant 0 : i32
    %c0_i32_1 = arith.constant 0 : i32
    return %c0_i32, %arg0, %c0_i32_0 : i32, i32, i32
  }
  func.func @transform_2(%arg0: i32) -> (i32, i32) {
    %c0_i32 = arith.constant 0 : i32
    %c0_i32_0 = arith.constant 0 : i32
    return %arg0, %c0_i32 : i32, i32
  }
  func.func @transform_3(%arg0: i32) -> (i32, i32) {
    %c0_i32 = arith.constant 0 : i32
    %c0_i32_0 = arith.constant 0 : i32
    %c0_i32_1 = arith.constant 0 : i32
    return %c0_i32, %c0_i32_0 : i32, i32
  }
  func.func @transform_4(%arg0: i32) -> (i32, i32) {
    %c0_i32 = arith.constant 0 : i32
    %c0_i32_0 = arith.constant 0 : i32
    %c0_i32_1 = arith.constant 0 : i32
    return %c0_i32, %c0_i32_0 : i32, i32
  }
  func.func @transform_5(%arg0: i32) -> (i32, i32) {
    %c0_i32 = arith.constant 0 : i32
    %c0_i32_0 = arith.constant 0 : i32
    %c0_i32_1 = arith.constant 0 : i32
    return %c0_i32, %c0_i32_0 : i32, i32
  }
  func.func @transform_6(%arg0: i32) -> (i32, i32) {
    %c0_i32 = arith.constant 0 : i32
    %c0_i32_0 = arith.constant 0 : i32
    %c0_i32_1 = arith.constant 0 : i32
    return %c0_i32, %c0_i32_0 : i32, i32
  }
  func.func @transform_7(%arg0: i32) -> (i32, i32) {
    %c0_i32 = arith.constant 0 : i32
    %c0_i32_0 = arith.constant 0 : i32
    %c0_i32_1 = arith.constant 0 : i32
    return %c0_i32, %c0_i32_0 : i32, i32
  }
  func.func @transform_8(%arg0: i32) -> (i32, i32) {
    %c0_i32 = arith.constant 0 : i32
    %c0_i32_0 = arith.constant 0 : i32
    %c0_i32_1 = arith.constant 0 : i32
    return %c0_i32, %c0_i32_0 : i32, i32
  }
  func.func @transform_9(%arg0: i32) -> (i32, i32) {
    %c0_i32 = arith.constant 0 : i32
    %c0_i32_0 = arith.constant 0 : i32
    %c0_i32_1 = arith.constant 0 : i32
    return %c0_i32, %c0_i32_0 : i32, i32
  }
}

</mosaic_0001>

<sc_bundles>
// kernel: kernel.14.cloned.1.call-start
scs
__scs_entry_jumppad:
0x0: {  	(pc) =	sbr.rel $0x88, $3  }
0x1: {  	(tag) =	ssettag $0x0;
	lr =	simm.s32 $0x1  }
0x2: {  	[smem:$0x3F87] =	sst lr;
	_ =	strace $0xD0000000  }
0x3: {  	_ = 	snop  }
0x4: {  	_ = 	snop  }
0x5: {  	_ = 	snop  }
0x6: {  	_ = 	snop  }
0x7: {  	_ = 	snop  }
__scs_overlays_trampoline_lowered:
0x8: {  	[smem:$0x3F96] =	sst s0  }
0x9: {  	[smem:$0x3F97] =	sst s1  }
0xa: {  	[smem:$0x3F98] =	sst s2  }
0xb: {  	[smem:$0x3F99] =	sst s3  }
0xc: {  	[smem:$0x3F9A] =	sst s4  }
0xd: {  	[smem:$0x3F9B] =	sst s5  }
0xe: {  	[smem:$0x3F9C] =	sst s6  }
0xf: {  	[smem:$0x3F9D] =	sst s7  }
0x10: {  	[smem:$0x3F9E] =	sst s8  }
0x11: {  	[smem:$0x3F9F] =	sst s9;
	s0 =	simm.s32 @!p0 $0x0  }
0x12: {  	s1 =	sld [smem:$0x3F85];
	s0 =	simm.s32 @p0 $0x1  }
0x13: {  	[smem:$0x3FA0] =	sst s0;
	s0 =	simm.s32 @!p1 $0x0  }
0x14: {  	s2 =	sld [smem:$0x3F84];
	s0 =	simm.s32 @p1 $0x1  }
0x15: {  	[smem:$0x3FA1] =	sst s0;
	s0 =	simm.s32 @!p2 $0x0  }
0x16: {  	s3 =	sld [smem:$0x3FDB];
	s0 =	simm.s32 @p2 $0x1  }
0x17: {  	s4 =	simm.s32 $0x1BF5;
	[smem:$0x3FA3] =	sst s0  }
0x18: {  	s0 =	sld [smem:$0x3F86];
	_ =	swait.ge [sflag:s4], $0x0  }
0x19: {  	s7 =	sld [smem:$0x3F87]  }
0x1a: {  	s8 =	sadd.s32 $0xFFFFE003, lr  }
0x1b: {  	s9 =	sadd.s32 $0xFFFFFEF7, lr;
	s5 =	simm.s32 $0xFFFFFFFF;
	p2 =	slt.u32 s8, $0xFFFFF086  }
0x1c: {  	p1 =	slt.u32 s9, $0xF7A;
	s5 =	simm.s32 @!p2 $0x0  }
0x1d: {  	s5 =	simm.s32 @p1 $0x1;
	p0 =	seq.s32 s7, s2  }
0x1e: {  	s7 =	smul.u32 @!p0 $0xF7A, s2;
	p2 =	seq.s32 @!p0 s5, $0x0  }
0x1f: {  	s9 =	smul.u32 $0xF7A, s1;
	s8 =	simm.s32 @!p0 $0x1BF5;
	p2 =	por !p2, p0  }
0x20: {  	[sflag:s8] =	ssyncset.s32 @!p0 $0xFFFFF086;
	s6 =	sadd.s32 @!p0 s3, s7;
	s7 =	simm.s32 @!p0 $0x108  }
0x21: {  	s3 =	sadd.s32 s3, s9;
	s6 =	sadd.s32 @!p0 $0x88, s6;
	s7 =	simm.s32 @p2 $0x1082  }
0x22: {  	[simem:s7], [sflag:s8] =	dma.local @!p0 [hbm:s6], $0xF7A  }
0x23: {  	s9 =	sor.u32 $0xD0000000, s2;
	s6 =	simm.s32 $0x108;
	_ =	swait.ge @!p0 [sflag:s8], $0x0  }
0x24: {  	s3 =	sadd.s32 $0x88, s3;
	s6 =	simm.s32 @!p1 $0x1082;
	[sflag:s4] =	ssyncset.s32 $0xFFFFF086  }
0x25: {  	[simem:s6], [sflag:s4] =	dma.local [hbm:s3], $0xF7A  }
0x26: {  	[smem:$0x3F87] =	sst s1;
	(tag) =	ssettag s2;
	_ =	strace s9  }
0x27: {  	s1 =	sld [smem:$0x3F97]  }
0x28: {  	s2 =	sld [smem:$0x3F98]  }
0x29: {  	s4 =	sld [smem:$0x3F9A]  }
0x2a: {  	p0 =	seq.s32 s5, $0x0;
	s5 =	sld [smem:$0x3F9B]  }
0x2b: {  	s6 =	sld [smem:$0x3F9C]  }
0x2c: {  	s7 =	sld [smem:$0x3F9D]  }
0x2d: {  	s3 =	simm.s32 $0x108;
	s8 =	sld [smem:$0x3F9E]  }
0x2e: {  	s3 =	simm.s32 @!p0 $0x1082;
	s9 =	sld [smem:$0x3F9F]  }
0x2f: {  	lr =	sadd.s32 s0, s3;
	s0 =	sld [smem:$0x3F96]  }
0x30: {  	s3 =	sld [smem:$0x3F99]  }
0x31: {  	[smem:$0x3FA2] =	sst s10  }
0x32: {  	s10 =	sld [smem:$0x3FA0];
	_ =	sdelay $0x3  }
0x33: {  	p0 =	seq.s32 s10, $0x1;
	s10 =	sld [smem:$0x3FA2];
	_ =	sdelay $0x3  }
0x34: {  	[smem:$0x3FA2] =	sst s10  }
0x35: {  	s10 =	sld [smem:$0x3FA1];
	_ =	sdelay $0x3  }
0x36: {  	p1 =	seq.s32 s10, $0x1;
	s10 =	sld [smem:$0x3FA2];
	_ =	sdelay $0x3  }
0x37: {  	[smem:$0x3FA2] =	sst s10  }
0x38: {  	s10 =	sld [smem:$0x3FA3]  }
0x39: {  	_ = 	snop;
	(pc) =	sbr.ind lr, $3  }
0x3a: {  	_ = 	snop  }
0x3b: {  	_ = 	snop  }
0x3c: {  	p2 =	seq.s32 s10, $0x1;
	s10 =	sld [smem:$0x3FA2]  }
0x3d: {  	_ =	shalt  }
0x3e: {  	_ =	shalt  }
0x3f: {  	_ =	shalt  }
0x40: {  	_ =	shalt  }
0x41: {  	_ =	shalt  }
0x42: {  	_ =	shalt  }
0x43: {  	_ =	shalt  }
0x44: {  	_ =	shalt  }
0x45: {  	_ =	shalt  }
0x46: {  	_ =	shalt  }
0x47: {  	_ =	shalt  }
0x48: {  	_ =	shalt  }
0x49: {  	_ =	shalt  }
0x4a: {  	_ =	shalt  }
0x4b: {  	_ =	shalt  }
0x4c: {  	_ =	shalt  }
0x4d: {  	_ =	shalt  }
0x4e: {  	_ =	shalt  }
0x4f: {  	_ =	shalt  }
0x50: {  	_ =	shalt  }
0x51: {  	_ =	shalt  }
0x52: {  	_ =	shalt  }
0x53: {  	_ =	shalt  }
0x54: {  	_ =	shalt  }
0x55: {  	_ =	shalt  }
0x56: {  	_ =	shalt  }
0x57: {  	_ =	shalt  }
0x58: {  	_ =	shalt  }
0x59: {  	_ =	shalt  }
0x5a: {  	_ =	shalt  }
0x5b: {  	_ =	shalt  }
0x5c: {  	_ =	shalt  }
0x5d: {  	_ =	shalt  }
0x5e: {  	_ =	shalt  }
0x5f: {  	_ =	shalt  }
0x60: {  	_ =	shalt  }
0x61: {  	_ =	shalt  }
0x62: {  	_ =	shalt  }
0x63: {  	_ =	shalt  }
0x64: {  	_ =	shalt  }
0x65: {  	_ =	shalt  }
0x66: {  	_ =	shalt  }
0x67: {  	_ =	shalt  }
0x68: {  	_ =	shalt  }
0x69: {  	_ =	shalt  }
0x6a: {  	_ =	shalt  }
0x6b: {  	_ =	shalt  }
0x6c: {  	_ =	shalt  }
0x6d: {  	_ =	shalt  }
0x6e: {  	_ =	shalt  }
0x6f: {  	_ =	shalt  }
0x70: {  	_ =	shalt  }
0x71: {  	_ =	shalt  }
0x72: {  	_ =	shalt  }
0x73: {  	_ =	shalt  }
0x74: {  	_ =	shalt  }
0x75: {  	_ =	shalt  }
0x76: {  	_ =	shalt  }
0x77: {  	_ =	shalt  }
0x78: {  	_ =	shalt  }
0x79: {  	_ =	shalt  }
0x7a: {  	_ =	shalt  }
0x7b: {  	_ =	shalt  }
0x7c: {  	_ =	shalt  }
0x7d: {  	_ =	shalt  }
0x7e: {  	_ =	shalt  }
0x7f: {  	_ =	shalt  }
0x80: {  	_ =	shalt  }
0x81: {  	_ =	shalt  }
0x82: {  	_ =	shalt  }
0x83: {  	_ =	shalt  }
0x84: {  	_ =	shalt  }
0x85: {  	_ =	shalt  }
0x86: {  	_ =	shalt  }
0x87: {  	_ =	shalt  }
.Lfunc_end0:
.L_simem_size_0:
called_computation_lowered:
.L_overlay_start_0:
0x88: {  	s2 =	sld [smem:$0x3FD9]  }
0x89: {  	s3 =	sld [smem:$0x3FFE];
	_ =	sdelay $0x1  }
0x8a: {  	s1 =	srdreg.scid  }
0x8b: {  	s0 =	sand.u32 $0x1, s1  }
0x8c: {  	s16 =	sshll.u32 s0, $0xA;
	s2 =	sadd.s32 s3, s2  }
0x8d: {  	s2 =	sadd.s32 s2, s16  }
0x8e: {  	[smem:$0x3FAE] =	sst s2  }
0x8f: {  	_ = 	snop  }
0x90: {  	(tm) =	ssettm $0x1  }
0x91: {  	s17 =	sld [smem:$0x3FFB];
	_ =	sdelay $0x3  }
0x92: {  	_ =	strace s17  }
0x93: {  	s2 =	sld [smem:$0x3FFC];
	_ =	sdelay $0x3  }
0x94: {  	_ =	strace s2  }
0x95: {  	s2 =	sld [smem:$0x3FFD];
	_ =	sdelay $0x3  }
0x96: {  	_ =	strace s2  }
0x97: {  	_ =	strace $0x8FFFFFFF  }
0x98: {  	s18 =	sld [smem:$0x3FDB];
	_ =	sdelay $0x1  }
0x99: {  	s19 =	simm.s32 $_scs_section_size  }
0x9a: {  	s4 =	simm.s32 $_size__tile_overlayer_lowered;
	s5 =	simm.s32 $_tile_overlayer_lowered  }
0x9b: {  	s22 =	simm.s32 $0x1BFF;
	s21 =	sshll.u32 s5, $0x1;
	s2 =	sadd.s32 s19, s18  }
0x9c: {  	s6 =	simm.s32 $0x0;
	s20 =	sshll.u32 s4, $0x1;
	s4 =	sadd.s32 s21, s2  }
0x9d: {  	[timem:s6], [sflag:s22] =	dma.local [hbm:s4], s20  }
0x9e: {  	_ =	swait.ge [sflag:s22], s20  }
0x9f: {  	s3 =	ssub.s32 $0x0, s20;
	[sflag:s22] =	ssyncset.done $0x0  }
0xa0: {  	[sflag:s22] =	ssyncadd.s32 s3;
	_ =	sdelay $0x1  }
0xa1: {  	s23 =	simm.s32 $0x1B8B  }
0xa2: {  	_ =	swait.ge [sflag:s23], $0x1  }
0xa3: {  	[sflag:s23] =	ssyncset.done $0x0  }
0xa4: {  	s25 =	simm.s32 $0x1B8E;
	s24 =	sld [smem:$0x3FFE];
	[sflag:s23] =	ssyncadd.s32 $0xFFFFFFFF  }
0xa5: {  	s26 =	simm.s32 $execute0_lowered;
	[smem:$0x3FD2] =	sst s25  }
0xa6: {  	s4 =	sshll.u32 s26, $0x1;
	_ =	strace $0x80000046;
	[dreg:$0x1] =	wrdreg $0xFFFFFFFF  }
0xa7: {  	s28 =	simm.s32 $_size_execute0_lowered;
	s2 =	sadd.s32 s2, s4;
	[dreg:$0x0] =	wrdreg $0x0  }
0xa8: {  	s4 =	sshll.u32 s28, $0x1;
	[dreg:$0x2] =	wrdreg s2  }
0xa9: {  	[dreg:$0x3] =	wrdreg s4  }
0xaa: {  	[dreg:$0x4] =	wrdreg $0xC0  }
0xab: {  	_ =	task [dreg:s6], $0x5FFFF  }
0xac: {  	[dreg:$0x1] =	wrdreg $0xFFFFFFFF  }
0xad: {  	[dreg:$0x0] =	wrdreg $0x60  }
0xae: {  	[dreg:$0x2] =	wrdreg s24  }
0xaf: {  	[dreg:$0x3] =	wrdreg $0x0  }
0xb0: {  	[dreg:$0x4] =	wrdreg $0x9  }
0xb1: {  	_ =	task.clear_ibuf [dreg:s6], $0x5FFFF;
	_ =	strace $0x90000046  }
0xb2: {  	s29 =	simm.s32 $0x9;
	_ =	strace $0x80000048  }
0xb3: {  	_ =	swait.ge [sflag:s29], $0x1  }
0xb4: {  	[sflag:s29] =	ssyncadd.s32 $0xFFFFFFFF  }
0xb5: {  	_ =	strace $0x90000048  }
0xb6: {  	_ =	sfence  }
0xb7: {  	s30 =	sld [smem:$0x0];
	_ =	sdelay $0x2  }
0xb8: {  	s31 =	sshll.u32 s1, $0xD;
	s1 =	sshrl.u32 s1, $0x2  }
0xb9: {  	s3 =	sand.u32 $0x4000, s31;
	s1 =	sadd.s32 s1, s30  }
0xba: {  	s0 =	sor.u32 s3, s0;
	s1 =	sshll.u32 s1, $0x11  }
0xbb: {  	s0 =	sor.u32 s1, s0  }
0xbc: {  	s0 =	sadd.s32 $0x8F2B, s0  }
0xbd: {  	[sflag:s0] =	ssyncadd.remote.s32 $0x1  }
0xbe: {  	_ =	sfence.sel $0xFFFF  }
0xbf: {  	[dreg:$0x0] =	wrdreg $0xFFFFFFFF;
	(pc) =	sbr.abs _section_cstart, $3  }
0xc0: {  	[dreg:$0x1] =	wrdreg $0xFFFFFFFF  }
0xc1: {  	_ =	task.clear_ibuf [dreg:s6], $0x2FFFF;
	_ =	strace $0x9FFFFFFF  }
0xc2: {  	(tm) =	ssettm $0x7FFFFFFF  }
0xc3: {  	_ =	shalt  }
tec
execute0_lowered:
.L_overlay_start_1:
0x0: {  	(tag) =	ssettag $0x1  }
0x1: {  	s0 =	srdreg.scid  }
0x2: {  	s4 =	rddreg [dreg:$0x0];
	s5 =	sand.u32 $0x1, s0  }
0x3: {  	s0 =	stileid.u32;
	s6 =	smul.u32 $0x27100, s5  }
0x4: {  	s2 =	rddreg [dreg:$0x1];
	s7 =	smul.u32 $0x2710, s0  }
0x5: {  	s1 =	rddreg [dreg:$0x2];
	s8 =	smul.u32 $0x271000, s5  }
0x6: {  	s3 =	simm.s32 $0x0;
	s13 =	simm.s32 $0x13C80;
	s24 =	smul.u32 $0x2780, s0  }
0x7: {  	s14 =	simm.s32 $0x50;
	[smem:$0x7FF] =	sst s3;
	s9 =	smul.u32 $0x27800, s5  }
0x8: {  	s15 =	simm.s32 $0x0;
	_ =	strace $0x80000047;
	s26 =	smul.u32 $0x4F000, s0  }
0x9: {  	s5 =	ssub.s32 $0x2, s5;
	s30 =	smul.u32 $0x27100, s0;
	s31 =	sshll.u32 s0, $0x6  }
0xa: {  	s28 =	sshrl.u32 s5, $0x1;
	s6 =	sadd.s32 s7, s6;
	s8 =	sadd.s32 s8, s4  }
0xb: {  	s25 =	sadd.s32 s24, s9;
	s7 =	sadd.s32 s24, s4;
	s11 =	ssub.s32 s5, s28  }
0xc: {  	s29 =	sshrl.u32 s26, $0x2;
	s5 =	sor.u32 $0x1C01, s31;
	s6 =	sshrl.u32 s6, $0x3  }
0xd: {  	s12 =	sadd.s32 s29, s2;
	s8 =	sadd.s32 s30, s8;
	s10 =	sadd.s32 s6, s4  }
0xe: {  	s6 =	sadd.s32 s25, s4;
	s4 =	sadd.s32 $0x9C00, s7;
	s7 =	smax.u32 s11, $0x1  }
0xf: {  	s8 =	sadd.s32 $0xEC3800, s8;
	s11 =	simm.s32 $0x1;
	s6 =	sadd.s32 $0x31400, s6  }
0x10: {  	s9 =	sadd.s32 $0x9D7A00, s10;
	s10 =	sshrl.u32 s12, $0x3;
	s12 =	simm.s32 $0x13C00  }
.LBB2_1:
0x11: {  	[spmem:s10], [sflag:s5] =	dma.local [hbm:s4], $0x2780  }
0x12: {  	_ =	swait.ge [sflag:s11], $0x2780  }
0x13: {  	[sflag:s11] =	ssyncset.done $0x0  }
0x14: {  	[sflag:s11] =	ssyncadd.s32 $0xFFFFD880  }
0x15: {  	s16 =	sadd.s32 $0x0, s9;
	[bflag:$0x0] =	sbarrier.arrive $0xFFFF  }
0x16: {  	[tilespmem:s12], [sflag:$0x1] =	stream.linear.gather [hbm4b:s16+s3], $0x50, $0x38;
	[tilespmem:$0x16480] =	vst v63  }
0x17: {  	_ =	swait.ge [sflag:s11], $0x50  }
0x18: {  	[sflag:s11] =	ssyncset.done $0x0  }
0x19: {  	[sflag:s11] =	ssyncadd.s32 $0xFFFFFFB0  }
0x1a: {  	[tilespmem:s13], [sflag:$0x1] =	stream.linear.gather [hbm4b:s8+s3], $0x2800, $0x38;
	[tilespmem:$0x16480] =	vst v63  }
0x1b: {  	_ =	swait.ge [sflag:s11], $0x2800  }
0x1c: {  	[sflag:s11] =	ssyncset.done $0x0  }
0x1d: {  	[sflag:s11] =	ssyncadd.s32 $0xFFFFD800  }
0x1e: {  	[spmem:s2] =	stream.indirect.scatter.add.f32 [tilespmem:s13], [sflag:$0x1], $0x80, s12, s14, $0xb8;
	[tilespmem:$0x16480] =	vst v63  }
0x1f: {  	s17 =	simm.s32 $0xA;
	_ =	swait.ge [sflag:s11], $0x2800  }
0x20: {  	s18 =	simm.s32 $0x14;
	s16 =	sadd.s32 $0x500, s8;
	[sflag:s11] =	ssyncset.done $0x0  }
.LBB2_2:
0x21: {  	s19 =	sadd.s32 s17, s9  }
0x22: {  	[sflag:s11] =	ssyncadd.s32 $0xFFFFD800;
	s17 =	smov.u32 s18;
	s20 =	sadd.s32 $0xA, s18  }
0x23: {  	[tilespmem:s12], [sflag:$0x1] =	stream.linear.gather [hbm4b:s19+s3], $0x50, $0x38;
	[tilespmem:$0x16480] =	vst v63  }
0x24: {  	p0 =	sne.s32 s18, $0x4D8;
	_ =	swait.ge [sflag:s11], $0x50  }
0x25: {  	[sflag:s11] =	ssyncset.done $0x0  }
0x26: {  	[sflag:s11] =	ssyncadd.s32 $0xFFFFFFB0  }
0x27: {  	[tilespmem:s13], [sflag:$0x1] =	stream.linear.gather [hbm4b:s16+s3], $0x2800, $0x38;
	[tilespmem:$0x16480] =	vst v63  }
0x28: {  	_ =	swait.ge [sflag:s11], $0x2800  }
.Ltmp0:
0x29: {  	[sflag:s11] =	ssyncset.done $0x0;
	(pc) =	sbr.rel @p0 .LBB2_2-.Ltmp0, $4  }
0x2a: {  	[sflag:s11] =	ssyncadd.s32 $0xFFFFD800  }
0x2b: {  	[spmem:s2] =	stream.indirect.scatter.add.f32 [tilespmem:s13], [sflag:$0x1], $0x80, s12, s14, $0xb8;
	[tilespmem:$0x16480] =	vst v63  }
0x2c: {  	_ =	swait.ge [sflag:s11], $0x2800  }
0x2d: {  	s18 =	smov.u32 s20;
	s16 =	sadd.s32 $0x500, s16;
	[sflag:s11] =	ssyncset.done $0x0  }
0x2e: {  	s17 =	sadd.s32 s17, s9;
	[sflag:s11] =	ssyncadd.s32 $0xFFFFD800  }
0x2f: {  	[tilespmem:s12], [sflag:$0x1] =	stream.linear.gather [hbm4b:s17+s3], $0x50, $0x38;
	[tilespmem:$0x16480] =	vst v63  }
0x30: {  	_ =	swait.ge [sflag:s11], $0x50  }
0x31: {  	[sflag:s11] =	ssyncset.done $0x0  }
0x32: {  	[sflag:s11] =	ssyncadd.s32 $0xFFFFFFB0  }
0x33: {  	[tilespmem:s13], [sflag:$0x1] =	stream.linear.gather [hbm4b:s16+s3], $0x2800, $0x38;
	[tilespmem:$0x16480] =	vst v63  }
0x34: {  	_ =	swait.ge [sflag:s11], $0x2800  }
0x35: {  	[sflag:s11] =	ssyncset.done $0x0  }
0x36: {  	[sflag:s11] =	ssyncadd.s32 $0xFFFFD800  }
0x37: {  	[spmem:s2] =	stream.indirect.scatter.add.f32 [tilespmem:s13], [sflag:$0x1], $0x80, s12, s14, $0xb8;
	[tilespmem:$0x16480] =	vst v63  }
0x38: {  	_ =	swait.ge [sflag:s11], $0x2800  }
0x39: {  	s15 =	sadd.s32 $0x1, s15;
	[sflag:s11] =	ssyncset.done $0x0  }
0x3a: {  	p0 =	sne.s32 s15, s7;
	[sflag:s11] =	ssyncadd.s32 $0xFFFFD800  }
.Ltmp1:
0x3b: {  	[bflag:$0x0] =	sbarrier.arrive $0xFFFF;
	(pc) =	sbr.rel @p0 .LBB2_1-.Ltmp1, $4  }
0x3c: {  	[hbm:s6], [sflag:s5] =	dma.local [spmem:s10], $0x2780  }
0x3d: {  	_ =	swait.ge [sflag:s11], $0x2780  }
0x3e: {  	[sflag:s11] =	ssyncset.done $0x0  }
0x3f: {  	[sflag:s11] =	ssyncadd.s32 $0xFFFFD880  }
0x40: {  	_ =	sfence.sel $0x180000  }
0x41: {  	[bflag:$0x0] =	sbarrier.arrive $0xFFFF  }
0x42: {  	p0 =	sne.s32 s0, $0x0;
	_ =	strace $0x90000047  }
0x43: {  	s0 =	sadd.s32 @!p0 $0x100000, s1;
	[bflag:$0x2] =	sbarrier.arrive $0xFFFF  }
0x44: {  	[sflag:s0] =	ssyncadd.tile.s32 @!p0 $0x1;
	_ =	shalt  }
.Lfunc_end2:
_tile_overlayer_lowered:
.L_overlay_start_2:
0x45: {  	(tag) =	ssettag $0x2  }
0x46: {  	s0 =	rddreg [dreg:$0x0];
	s2 =	stileid.u32  }
0x47: {  	s1 =	rddreg [dreg:$0x1];
	p0 =	sne.s32 s2, $0x0  }
0x48: {  	s3 =	rddreg [dreg:$0x2];
	[bflag:$0x3] =	sbarrier.arrive $0xFFFF;
	s2 =	simm.s32 @!p0 $0x1C01  }
0x49: {  	[timem:s3], [sflag:s2] =	dma.local @!p0 [hbm:s0], s1  }
0x4a: {  	s0 =	simm.s32 @!p0 $0x1  }
0x4b: {  	_ =	swait.ge @!p0 [sflag:s0], s1  }
0x4c: {  	s1 =	ssub.s32 @!p0 $0x0, s1;
	[sflag:s0] =	ssyncset.done @!p0 $0x0  }
0x4d: {  	[sflag:s0] =	ssyncadd.s32 @!p0 s1  }
0x4e: {  	[bflag:$0x3] =	sbarrier.arrive $0xFFFF  }
0x4f: {  	_ =	shalt  }

// kernel: kernel.17.cloned.1.call-start
scs
__scs_entry_jumppad:
0x0: {  	(pc) =	sbr.rel $0x88, $3  }
0x1: {  	(tag) =	ssettag $0x0;
	lr =	simm.s32 $0x1  }
0x2: {  	[smem:$0x3F87] =	sst lr;
	_ =	strace $0xD0000000  }
0x3: {  	_ = 	snop  }
0x4: {  	_ = 	snop  }
0x5: {  	_ = 	snop  }
0x6: {  	_ = 	snop  }
0x7: {  	_ = 	snop  }
__scs_overlays_trampoline_lowered:
0x8: {  	[smem:$0x3F96] =	sst s0  }
0x9: {  	[smem:$0x3F97] =	sst s1  }
0xa: {  	[smem:$0x3F98] =	sst s2  }
0xb: {  	[smem:$0x3F99] =	sst s3  }
0xc: {  	[smem:$0x3F9A] =	sst s4  }
0xd: {  	[smem:$0x3F9B] =	sst s5  }
0xe: {  	[smem:$0x3F9C] =	sst s6  }
0xf: {  	[smem:$0x3F9D] =	sst s7  }
0x10: {  	[smem:$0x3F9E] =	sst s8  }
0x11: {  	[smem:$0x3F9F] =	sst s9;
	s0 =	simm.s32 @!p0 $0x0  }
0x12: {  	s1 =	sld [smem:$0x3F85];
	s0 =	simm.s32 @p0 $0x1  }
0x13: {  	[smem:$0x3FA0] =	sst s0;
	s0 =	simm.s32 @!p1 $0x0  }
0x14: {  	s2 =	sld [smem:$0x3F84];
	s0 =	simm.s32 @p1 $0x1  }
0x15: {  	[smem:$0x3FA1] =	sst s0;
	s0 =	simm.s32 @!p2 $0x0  }
0x16: {  	s3 =	sld [smem:$0x3FDB];
	s0 =	simm.s32 @p2 $0x1  }
0x17: {  	s4 =	simm.s32 $0x1BF5;
	[smem:$0x3FA3] =	sst s0  }
0x18: {  	s0 =	sld [smem:$0x3F86];
	_ =	swait.ge [sflag:s4], $0x0  }
0x19: {  	s7 =	sld [smem:$0x3F87]  }
0x1a: {  	s8 =	sadd.s32 $0xFFFFE003, lr  }
0x1b: {  	s9 =	sadd.s32 $0xFFFFFEF7, lr;
	s5 =	simm.s32 $0xFFFFFFFF;
	p2 =	slt.u32 s8, $0xFFFFF086  }
0x1c: {  	p1 =	slt.u32 s9, $0xF7A;
	s5 =	simm.s32 @!p2 $0x0  }
0x1d: {  	s5 =	simm.s32 @p1 $0x1;
	p0 =	seq.s32 s7, s2  }
0x1e: {  	s7 =	smul.u32 @!p0 $0xF7A, s2;
	p2 =	seq.s32 @!p0 s5, $0x0  }
0x1f: {  	s9 =	smul.u32 $0xF7A, s1;
	s8 =	simm.s32 @!p0 $0x1BF5;
	p2 =	por !p2, p0  }
0x20: {  	[sflag:s8] =	ssyncset.s32 @!p0 $0xFFFFF086;
	s6 =	sadd.s32 @!p0 s3, s7;
	s7 =	simm.s32 @!p0 $0x108  }
0x21: {  	s3 =	sadd.s32 s3, s9;
	s6 =	sadd.s32 @!p0 $0x88, s6;
	s7 =	simm.s32 @p2 $0x1082  }
0x22: {  	[simem:s7], [sflag:s8] =	dma.local @!p0 [hbm:s6], $0xF7A  }
0x23: {  	s9 =	sor.u32 $0xD0000000, s2;
	s6 =	simm.s32 $0x108;
	_ =	swait.ge @!p0 [sflag:s8], $0x0  }
0x24: {  	s3 =	sadd.s32 $0x88, s3;
	s6 =	simm.s32 @!p1 $0x1082;
	[sflag:s4] =	ssyncset.s32 $0xFFFFF086  }
0x25: {  	[simem:s6], [sflag:s4] =	dma.local [hbm:s3], $0xF7A  }
0x26: {  	[smem:$0x3F87] =	sst s1;
	(tag) =	ssettag s2;
	_ =	strace s9  }
0x27: {  	s1 =	sld [smem:$0x3F97]  }
0x28: {  	s2 =	sld [smem:$0x3F98]  }
0x29: {  	s4 =	sld [smem:$0x3F9A]  }
0x2a: {  	p0 =	seq.s32 s5, $0x0;
	s5 =	sld [smem:$0x3F9B]  }
0x2b: {  	s6 =	sld [smem:$0x3F9C]  }
0x2c: {  	s7 =	sld [smem:$0x3F9D]  }
0x2d: {  	s3 =	simm.s32 $0x108;
	s8 =	sld [smem:$0x3F9E]  }
0x2e: {  	s3 =	simm.s32 @!p0 $0x1082;
	s9 =	sld [smem:$0x3F9F]  }
0x2f: {  	lr =	sadd.s32 s0, s3;
	s0 =	sld [smem:$0x3F96]  }
0x30: {  	s3 =	sld [smem:$0x3F99]  }
0x31: {  	[smem:$0x3FA2] =	sst s10  }
0x32: {  	s10 =	sld [smem:$0x3FA0];
	_ =	sdelay $0x3  }
0x33: {  	p0 =	seq.s32 s10, $0x1;
	s10 =	sld [smem:$0x3FA2];
	_ =	sdelay $0x3  }
0x34: {  	[smem:$0x3FA2] =	sst s10  }
0x35: {  	s10 =	sld [smem:$0x3FA1];
	_ =	sdelay $0x3  }
0x36: {  	p1 =	seq.s32 s10, $0x1;
	s10 =	sld [smem:$0x3FA2];
	_ =	sdelay $0x3  }
0x37: {  	[smem:$0x3FA2] =	sst s10  }
0x38: {  	s10 =	sld [smem:$0x3FA3]  }
0x39: {  	_ = 	snop;
	(pc) =	sbr.ind lr, $3  }
0x3a: {  	_ = 	snop  }
0x3b: {  	_ = 	snop  }
0x3c: {  	p2 =	seq.s32 s10, $0x1;
	s10 =	sld [smem:$0x3FA2]  }
0x3d: {  	_ =	shalt  }
0x3e: {  	_ =	shalt  }
0x3f: {  	_ =	shalt  }
0x40: {  	_ =	shalt  }
0x41: {  	_ =	shalt  }
0x42: {  	_ =	shalt  }
0x43: {  	_ =	shalt  }
0x44: {  	_ =	shalt  }
0x45: {  	_ =	shalt  }
0x46: {  	_ =	shalt  }
0x47: {  	_ =	shalt  }
0x48: {  	_ =	shalt  }
0x49: {  	_ =	shalt  }
0x4a: {  	_ =	shalt  }
0x4b: {  	_ =	shalt  }
0x4c: {  	_ =	shalt  }
0x4d: {  	_ =	shalt  }
0x4e: {  	_ =	shalt  }
0x4f: {  	_ =	shalt  }
0x50: {  	_ =	shalt  }
0x51: {  	_ =	shalt  }
0x52: {  	_ =	shalt  }
0x53: {  	_ =	shalt  }
0x54: {  	_ =	shalt  }
0x55: {  	_ =	shalt  }
0x56: {  	_ =	shalt  }
0x57: {  	_ =	shalt  }
0x58: {  	_ =	shalt  }
0x59: {  	_ =	shalt  }
0x5a: {  	_ =	shalt  }
0x5b: {  	_ =	shalt  }
0x5c: {  	_ =	shalt  }
0x5d: {  	_ =	shalt  }
0x5e: {  	_ =	shalt  }
0x5f: {  	_ =	shalt  }
0x60: {  	_ =	shalt  }
0x61: {  	_ =	shalt  }
0x62: {  	_ =	shalt  }
0x63: {  	_ =	shalt  }
0x64: {  	_ =	shalt  }
0x65: {  	_ =	shalt  }
0x66: {  	_ =	shalt  }
0x67: {  	_ =	shalt  }
0x68: {  	_ =	shalt  }
0x69: {  	_ =	shalt  }
0x6a: {  	_ =	shalt  }
0x6b: {  	_ =	shalt  }
0x6c: {  	_ =	shalt  }
0x6d: {  	_ =	shalt  }
0x6e: {  	_ =	shalt  }
0x6f: {  	_ =	shalt  }
0x70: {  	_ =	shalt  }
0x71: {  	_ =	shalt  }
0x72: {  	_ =	shalt  }
0x73: {  	_ =	shalt  }
0x74: {  	_ =	shalt  }
0x75: {  	_ =	shalt  }
0x76: {  	_ =	shalt  }
0x77: {  	_ =	shalt  }
0x78: {  	_ =	shalt  }
0x79: {  	_ =	shalt  }
0x7a: {  	_ =	shalt  }
0x7b: {  	_ =	shalt  }
0x7c: {  	_ =	shalt  }
0x7d: {  	_ =	shalt  }
0x7e: {  	_ =	shalt  }
0x7f: {  	_ =	shalt  }
0x80: {  	_ =	shalt  }
0x81: {  	_ =	shalt  }
0x82: {  	_ =	shalt  }
0x83: {  	_ =	shalt  }
0x84: {  	_ =	shalt  }
0x85: {  	_ =	shalt  }
0x86: {  	_ =	shalt  }
0x87: {  	_ =	shalt  }
.Lfunc_end0:
.L_simem_size_0:
called_computation.1_lowered:
.L_overlay_start_0:
0x88: {  	s2 =	sld [smem:$0x3FD9]  }
0x89: {  	s3 =	sld [smem:$0x3FFE];
	_ =	sdelay $0x1  }
0x8a: {  	s1 =	srdreg.scid  }
0x8b: {  	s0 =	sand.u32 $0x1, s1  }
0x8c: {  	s16 =	sshll.u32 s0, $0xA;
	s2 =	sadd.s32 s3, s2  }
0x8d: {  	s2 =	sadd.s32 s2, s16  }
0x8e: {  	[smem:$0x3FAE] =	sst s2  }
0x8f: {  	_ = 	snop  }
0x90: {  	(tm) =	ssettm $0x1  }
0x91: {  	s17 =	sld [smem:$0x3FFB];
	_ =	sdelay $0x3  }
0x92: {  	_ =	strace s17  }
0x93: {  	s2 =	sld [smem:$0x3FFC];
	_ =	sdelay $0x3  }
0x94: {  	_ =	strace s2  }
0x95: {  	s2 =	sld [smem:$0x3FFD];
	_ =	sdelay $0x3  }
0x96: {  	_ =	strace s2  }
0x97: {  	_ =	strace $0x8FFFFFFF  }
0x98: {  	s18 =	sld [smem:$0x3FDB];
	_ =	sdelay $0x1  }
0x99: {  	s19 =	simm.s32 $_scs_section_size  }
0x9a: {  	s4 =	simm.s32 $_size__tile_overlayer_lowered;
	s5 =	simm.s32 $_tile_overlayer_lowered  }
0x9b: {  	s22 =	simm.s32 $0x1BFF;
	s21 =	sshll.u32 s5, $0x1;
	s2 =	sadd.s32 s19, s18  }
0x9c: {  	s6 =	simm.s32 $0x0;
	s20 =	sshll.u32 s4, $0x1;
	s4 =	sadd.s32 s21, s2  }
0x9d: {  	[timem:s6], [sflag:s22] =	dma.local [hbm:s4], s20  }
0x9e: {  	_ =	swait.ge [sflag:s22], s20  }
0x9f: {  	s3 =	ssub.s32 $0x0, s20;
	[sflag:s22] =	ssyncset.done $0x0  }
0xa0: {  	[sflag:s22] =	ssyncadd.s32 s3;
	_ =	sdelay $0x1  }
0xa1: {  	s23 =	simm.s32 $0x1B8B  }
0xa2: {  	_ =	swait.ge [sflag:s23], $0x1  }
0xa3: {  	[sflag:s23] =	ssyncset.done $0x0  }
0xa4: {  	s25 =	simm.s32 $0x1B8E;
	s24 =	sld [smem:$0x3FFE];
	[sflag:s23] =	ssyncadd.s32 $0xFFFFFFFF  }
0xa5: {  	s26 =	simm.s32 $execute0_lowered;
	[smem:$0x3FD2] =	sst s25  }
0xa6: {  	s4 =	sshll.u32 s26, $0x1;
	_ =	strace $0x80000049;
	[dreg:$0x1] =	wrdreg $0xFFFFFFFF  }
0xa7: {  	s28 =	simm.s32 $_size_execute0_lowered;
	s2 =	sadd.s32 s2, s4;
	[dreg:$0x0] =	wrdreg $0x0  }
0xa8: {  	s4 =	sshll.u32 s28, $0x1;
	[dreg:$0x2] =	wrdreg s2  }
0xa9: {  	[dreg:$0x3] =	wrdreg s4  }
0xaa: {  	[dreg:$0x4] =	wrdreg $0xC0  }
0xab: {  	_ =	task [dreg:s6], $0x5FFFF  }
0xac: {  	[dreg:$0x1] =	wrdreg $0xFFFFFFFF  }
0xad: {  	[dreg:$0x0] =	wrdreg $0x60  }
0xae: {  	[dreg:$0x2] =	wrdreg s24  }
0xaf: {  	[dreg:$0x3] =	wrdreg $0x0  }
0xb0: {  	[dreg:$0x4] =	wrdreg $0x9  }
0xb1: {  	_ =	task.clear_ibuf [dreg:s6], $0x5FFFF;
	_ =	strace $0x90000049  }
0xb2: {  	s29 =	simm.s32 $0x9;
	_ =	strace $0x8000004B  }
0xb3: {  	_ =	swait.ge [sflag:s29], $0x1  }
0xb4: {  	[sflag:s29] =	ssyncadd.s32 $0xFFFFFFFF  }
0xb5: {  	_ =	strace $0x9000004B  }
0xb6: {  	_ =	sfence  }
0xb7: {  	s30 =	sld [smem:$0x0];
	_ =	sdelay $0x2  }
0xb8: {  	s31 =	sshll.u32 s1, $0xD;
	s1 =	sshrl.u32 s1, $0x2  }
0xb9: {  	s3 =	sand.u32 $0x4000, s31;
	s1 =	sadd.s32 s1, s30  }
0xba: {  	s0 =	sor.u32 s3, s0;
	s1 =	sshll.u32 s1, $0x11  }
0xbb: {  	s0 =	sor.u32 s1, s0  }
0xbc: {  	s0 =	sadd.s32 $0x8F2B, s0  }
0xbd: {  	[sflag:s0] =	ssyncadd.remote.s32 $0x1  }
0xbe: {  	_ =	sfence.sel $0xFFFF  }
0xbf: {  	[dreg:$0x0] =	wrdreg $0xFFFFFFFF;
	(pc) =	sbr.abs _section_cstart, $3  }
0xc0: {  	[dreg:$0x1] =	wrdreg $0xFFFFFFFF  }
0xc1: {  	_ =	task.clear_ibuf [dreg:s6], $0x2FFFF;
	_ =	strace $0x9FFFFFFF  }
0xc2: {  	(tm) =	ssettm $0x7FFFFFFF  }
0xc3: {  	_ =	shalt  }
tec
execute0_lowered:
.L_overlay_start_1:
0x0: {  	(tag) =	ssettag $0x1  }
0x1: {  	s0 =	rddreg [dreg:$0x0]  }
0x2: {  	s1 =	rddreg [dreg:$0x1];
	s2 =	simm.s32 $0x0  }
0x3: {  	s3 =	stileid.u32;
	s7 =	srdreg.scid;
	s18 =	simm.s32 $0x13C80  }
0x4: {  	s19 =	simm.s32 $0x13D00;
	s20 =	simm.s32 $0x13D80;
	s21 =	simm.s32 $0x50  }
0x5: {  	s22 =	simm.s32 $0x16580;
	s23 =	simm.s32 $0x18D80;
	s24 =	simm.s32 $0x1  }
0x6: {  	s25 =	simm.s32 $0x2;
	[smem:$0x7FF] =	sst s2;
	s5 =	sadd.s32 $0x9E3400, s0  }
0x7: {  	s4 =	sadd.s32 $0x31400, s0;
	s6 =	sadd.s32 $0xEC3800, s0;
	s10 =	smul.u32 $0x2780, s3  }
0x8: {  	s11 =	sand.u32 $0x1, s7;
	s7 =	sadd.s32 $0x9CDC00, s0;
	s8 =	sadd.s32 $0x80400, s0  }
0x9: {  	s9 =	sadd.s32 $0x9D7A00, s0;
	s14 =	smul.u32 $0x4F000, s3;
	s29 =	sshll.u32 s3, $0x6  }
0xa: {  	_ =	strace $0x8000004A;
	s12 =	smul.u32 $0x27800, s11;
	s13 =	ssub.s32 $0x2, s11  }
0xb: {  	s30 =	sshll.u32 s11, $0x4;
	s11 =	sor.u32 $0x1C03, s29;
	s15 =	sadd.s32 s10, s0  }
0xc: {  	s26 =	sshrl.u32 s13, $0x1;
	s28 =	sshrl.u32 s14, $0x2;
	s31 =	sor.u32 s3, s30  }
0xd: {  	s10 =	sadd.s32 s10, s12;
	s16 =	ssub.s32 s13, s26;
	s17 =	sadd.s32 s28, s1  }
0xe: {  	s12 =	smul.u32 $0x2710, s31;
	s26 =	simm.s32 $0x1B580;
	s0 =	sadd.s32 s10, s0  }
0xf: {  	s10 =	sadd.s32 $0x9C00, s15;
	s14 =	smax.u32 s16, $0x1;
	s15 =	sshrl.u32 s17, $0x3  }
0x10: {  	s16 =	simm.s32 $0x3;
	s17 =	simm.s32 $0x13C00;
	s13 =	sadd.s32 $0xA0C600, s0  }
.LBB2_1:
0x11: {  	[spmem:s15], [sflag:s11] =	dma.local [hbm:s10], $0x2780  }
0x12: {  	_ =	swait.ge [sflag:s16], $0x2780  }
0x13: {  	[sflag:s16] =	ssyncset.done $0x0  }
0x14: {  	[sflag:s16] =	ssyncadd.s32 $0xFFFFD880  }
0x15: {  	s28 =	simm.s32 $0x0;
	[bflag:$0x0] =	sbarrier.arrive $0xFFFF  }
.LBB2_2:
0x16: {  	s0 =	smul.u32 $0x50, s28;
	_ =	sdelay $0x1  }
0x17: {  	s0 =	sadd.s32 s12, s0  }
0x18: {  	s29 =	sshrl.u32 s0, $0x3  }
0x19: {  	s31 =	simm.s32 $0x0;
	s30 =	sadd.s32 s7, s29  }
0x1a: {  	[tilespmem:s17], [sflag:$0x3] =	stream.linear.gather [hbm4b:s30+s31], $0x50, $0x38;
	[tilespmem:$0x1DD80] =	vst v63  }
0x1b: {  	_ =	swait.ge [sflag:s16], $0x50  }
0x1c: {  	[sflag:s16] =	ssyncset.done $0x0  }
0x1d: {  	s30 =	sadd.s32 s8, s29;
	[sflag:s16] =	ssyncadd.s32 $0xFFFFFFB0  }
0x1e: {  	[tilespmem:s18], [sflag:$0x3] =	stream.linear.gather [hbm4b:s30+s31], $0x50, $0x38;
	[tilespmem:$0x1DD80] =	vst v63  }
0x1f: {  	_ =	swait.ge [sflag:s16], $0x50  }
0x20: {  	[sflag:s16] =	ssyncset.done $0x0  }
0x21: {  	s29 =	sadd.s32 s9, s29;
	[sflag:s16] =	ssyncadd.s32 $0xFFFFFFB0  }
0x22: {  	[tilespmem:s19], [sflag:$0x3] =	stream.linear.gather [hbm4b:s29+s31], $0x50, $0x38;
	[tilespmem:$0x1DD80] =	vst v63  }
0x23: {  	_ =	swait.ge [sflag:s16], $0x50  }
0x24: {  	s0 =	sshll.u32 s0, $0x4;
	[sflag:s16] =	ssyncset.done $0x0  }
0x25: {  	s0 =	sadd.s32 s6, s0;
	[sflag:s16] =	ssyncadd.s32 $0xFFFFFFB0  }
0x26: {  	[tilespmem:s20], [sflag:$0x3] =	stream.linear.gather [hbm4b:s0+s31], $0x2800, $0x38;
	[tilespmem:$0x1DD80] =	vst v63  }
0x27: {  	_ =	swait.ge [sflag:s16], $0x2800  }
0x28: {  	[sflag:s16] =	ssyncset.done $0x0  }
0x29: {  	[sflag:s16] =	ssyncadd.s32 $0xFFFFD800  }
0x2a: {  	[tilespmem:s22], [sflag:$0x1] =	stream.indirect.gather [hbm4b:s4+s21], $0x80, s17, s21, $0xb8;
	[tilespmem:$0x1DD80] =	vst v63  }
0x2b: {  	_ = 	snop  }
0x2c: {  	[tilespmem:s23], [sflag:$0x2] =	stream.indirect.gather [hbm4b:s5+s21], $0x80, s18, s21, $0xb8;
	[tilespmem:$0x1DD80] =	vst v63  }
0x2d: {  	_ =	swait.ge [sflag:s24], $0x2800  }
0x2e: {  	[sflag:s24] =	ssyncset.done $0x0  }
0x2f: {  	[sflag:s24] =	ssyncadd.s32 $0xFFFFD800  }
0x30: {  	_ =	swait.ge [sflag:s25], $0x2800  }
0x31: {  	[sflag:s25] =	ssyncset.done $0x0  }
0x32: {  	s30 =	simm.s32 $0x0;
	[sflag:s25] =	ssyncadd.s32 $0xFFFFD800  }
0x33: {  	v0 =	vld [tilespmem:s30+$0x165F0]  }
0x34: {  	v1 =	vld [tilespmem:s30+$0x18DE0]  }
0x35: {  	v2 =	vld [tilespmem:s30+$0x18DF0]  }
0x36: {  	v3 =	vld [tilespmem:s30+$0x18D80]  }
0x37: {  	v4 =	vld [tilespmem:s30+$0x165C0]  }
0x38: {  	v5 =	vld [tilespmem:s30+$0x18DD0]  }
0x39: {  	v6 =	vld [tilespmem:s30+$0x165E0]  }
0x3a: {  	v7 =	vld [tilespmem:s30+$0x16580]  }
0x3b: {  	v9 =	vld [tilespmem:s30+$0x165D0]  }
0x3c: {  	v8 =	vld [tilespmem:s30+$0x18DA0]  }
0x3d: {  	v12 =	vld [tilespmem:s30+$0x18DB0]  }
0x3e: {  	v0 =	vadd.f32 v2, v0;
	v2 =	vld [tilespmem:s30+$0x165A0];
	v1 =	vadd.f32 v1, v6  }
0x3f: {  	v6 =	vld [tilespmem:s30+$0x165B0];
	v3 =	vadd.f32 v3, v7  }
0x40: {  	v7 =	vld [tilespmem:s30+$0x18DC0];
	v5 =	vadd.f32 v5, v9;
	v10 =	vmul.f32 v0, v0;
	v13 =	vmul.f32 v1, v1  }
0x41: {  	v14 =	vmul.f32 v3, v3;
	v11 =	vmul.f32 $5.000000000e-01, v0  }
0x42: {  	v9 =	vmul.f32 v5, v5;
	v10 =	vmul.f32 v10, v0  }
0x43: {  	v2 =	vadd.f32 v8, v2;
	v8 =	vmul.f32 v13, v1;
	v13 =	vmul.f32 v14, v3  }
0x44: {  	v23 =	vmul.f32 $5.000000000e-01, v1;
	v6 =	vadd.f32 v12, v6;
	v10 =	vmul.f32 $4.471499850e-02, v10  }
0x45: {  	v4 =	vadd.f32 v7, v4;
	v7 =	vmul.f32 $4.471499850e-02, v8;
	v8 =	vmul.f32 $4.471499850e-02, v13  }
0x46: {  	v9 =	vmul.f32 v9, v5;
	v0 =	vadd.f32 v10, v0;
	v10 =	vmul.f32 v6, v6  }
0x47: {  	v12 =	vmul.f32 v4, v4;
	v7 =	vadd.f32 v7, v1;
	v8 =	vadd.f32 v8, v3  }
0x48: {  	v0 =	vmul.f32 $1.595769170e+00, v0;
	v10 =	vmul.f32 v10, v6  }
0x49: {  	v13 =	vmul.f32 $1.595769170e+00, v7;
	v8 =	vmul.f32 $1.595769170e+00, v8  }
0x4a: {  	v0 =	vmul.f32 $1.442695020e+00, v0;
	v10 =	vmul.f32 $4.471499850e-02, v10  }
0x4b: {  	v7 =	vmul.f32 $5.000000000e-01, v3;
	v3 =	vmul.f32 $1.442695020e+00, v8  }
0x4c: {  	v15 =	vld [tilespmem:s30+$0x18D90];
	v12 =	vmul.f32 v12, v4;
	(erf) = vpow2.f32 v0;
	v0 =	vadd.f32 v10, v6  }
0x4d: {  	v14 =	vmul.f32 v2, v2;
	v10 =	vld [tilespmem:s30+$0x16590];
	(erf) = vpow2.f32 v3  }
0x4e: {  	v12 =	vmul.f32 $4.471499850e-02, v12;
	v0 =	vmul.f32 $1.595769170e+00, v0  }
0x4f: {  	s29 =	simm.s32 $0x80;
	v13 =	vmul.f32 $1.442695020e+00, v13;
	v3 =	vmul.f32 v14, v2  }
0x50: {  	v16 =	vld [tilespmem:s29+$0x18DE0];
	v8 =	vmul.f32 $5.000000000e-01, v4;
	v0 =	vmul.f32 $1.442695020e+00, v0  }
0x51: {  	v4 =	vadd.f32 v12, v4;
	(erf) = vpow2.f32 v13;
	v13 =	vld [tilespmem:s29+$0x165F0];
	v3 =	vmul.f32 $4.471499850e-02, v3  }
0x52: {  	v10 =	vadd.f32 v15, v10;
	(erf) = vpow2.f32 v0;
	v0 =	vmul.f32 $4.471499850e-02, v9;
	v9 =	vld [tilespmem:s29+$0x18DF0]  }
0x53: {  	v20 =	vld [tilespmem:s29+$0x165E0];
	v35 =	vmul.f32 $5.000000000e-01, v2;
	v4 =	vmul.f32 $1.595769170e+00, v4;
	v3 =	vadd.f32 v3, v2  }
0x54: {  	v21 =	vld [tilespmem:s29+$0x18DD0];
	v6 =	vmul.f32 $5.000000000e-01, v6;
	v14 =	vmul.f32 v10, v10;
	v0 =	vadd.f32 v0, v5  }
0x55: {  	v22 =	vld [tilespmem:s29+$0x165A0];
	v4 =	vmul.f32 $1.442695020e+00, v4;
	v3 =	vmul.f32 $1.595769170e+00, v3;
	v17 =	vpop (erf)  }
0x56: {  	v25 =	vld [tilespmem:s29+$0x165D0];
	v12 =	vmul.f32 v14, v10;
	v18 =	vpop (erf);
	v19 =	vmul.f32 $1.595769170e+00, v0  }
0x57: {  	v14 =	vld [tilespmem:s29+$0x18D80];
	v0 =	vadd.f32 $1.000000000e+00, v18;
	v18 =	vmul.f32 $5.000000000e-01, v5;
	v5 =	vadd.f32 v9, v13  }
0x58: {  	v15 =	vmul.f32 $5.000000000e-01, v10;
	v3 =	vmul.f32 $1.442695020e+00, v3;
	v13 =	vld [tilespmem:s29+$0x18DA0]  }
0x59: {  	v12 =	vmul.f32 $4.471499850e-02, v12;
	v9 =	vadd.f32 v16, v20;
	v16 =	vld [tilespmem:s29+$0x16580];
	v1 =	vmul.f32 v5, v5  }
0x5a: {  	v20 =	vld [tilespmem:s29+$0x165C0];
	v19 =	vmul.f32 $1.442695020e+00, v19;
	(erf) = vrcp.f32 v0  }
0x5b: {  	v24 =	vpop (erf);
	v10 =	vadd.f32 v12, v10;
	v12 =	vld [tilespmem:s29+$0x18DC0];
	(erf) = vpow2.f32 v3;
	v1 =	vmul.f32 v1, v5  }
0x5c: {  	v26 =	vpop (erf);
	(erf) = vpow2.f32 v19;
	v19 =	vmul.f32 v9, v9  }
0x5d: {  	v0 =	vmul.f32 $5.000000000e-01, v5;
	v10 =	vmul.f32 $1.595769170e+00, v10;
	v3 =	vadd.f32 $1.000000000e+00, v26  }
0x5e: {  	v21 =	vadd.f32 v21, v25;
	v1 =	vmul.f32 $4.471499850e-02, v1;
	v19 =	vmul.f32 v19, v9  }
0x5f: {  	v14 =	vadd.f32 v14, v16;
	v10 =	vmul.f32 $1.442695020e+00, v10;
	(erf) = vrcp.f32 v3  }
0x60: {  	v3 =	vadd.f32 v13, v22;
	v12 =	vadd.f32 v12, v20;
	v20 =	vmul.f32 v21, v21  }
0x61: {  	v22 =	vadd.f32 $1.000000000e+00, v24;
	(erf) = vpow2.f32 v4;
	v16 =	vmul.f32 $4.471499850e-02, v19  }
0x62: {  	v17 =	vadd.f32 $1.000000000e+00, v17;
	v13 =	vld [tilespmem:s29+$0x18DB0];
	v19 =	vmul.f32 v14, v14;
	v24 =	vmul.f32 v3, v3  }
0x63: {  	v4 =	vld [tilespmem:s29+$0x165B0];
	v1 =	vadd.f32 v1, v5;
	(erf) = vrcp.f32 v22;
	v22 =	vmul.f32 v12, v12  }
0x64: {  	v20 =	vmul.f32 v20, v21;
	v19 =	vmul.f32 v19, v14  }
0x65: {  	v5 =	vadd.f32 v16, v9;
	v1 =	vmul.f32 $1.595769170e+00, v1;
	v25 =	vpop (erf);
	(erf) = vrcp.f32 v17  }
0x66: {  	v24 =	vmul.f32 v24, v3;
	v20 =	vmul.f32 $4.471499850e-02, v20  }
0x67: {  	v26 =	vmul.f32 $1.595769170e+00, v5;
	v5 =	vmul.f32 $5.000000000e-01, v14  }
0x68: {  	v16 =	vpop (erf);
	v27 =	vmul.f32 $4.471499850e-02, v19;
	v25 =	vadd.f32 v25, v25;
	v13 =	vadd.f32 v13, v4  }
0x69: {  	v1 =	vmul.f32 $1.442695020e+00, v1;
	v4 =	vpop (erf);
	v16 =	vadd.f32 $1.000000000e+00, v16;
	v20 =	vadd.f32 v20, v21  }
0x6a: {  	v24 =	vmul.f32 $4.471499850e-02, v24;
	v26 =	vmul.f32 $1.442695020e+00, v26;
	v14 =	vadd.f32 v27, v14;
	v19 =	vpop (erf)  }
0x6b: {  	v28 =	vadd.f32 $1.000000000e+00, v4;
	v4 =	vmul.f32 $5.000000000e-01, v12;
	v20 =	vmul.f32 $1.595769170e+00, v20;
	v30 =	vpop (erf)  }
0x6c: {  	v25 =	vsub.f32 $1.000000000e+00, v25;
	v14 =	vmul.f32 $1.595769170e+00, v14;
	v27 =	vadd.f32 $1.000000000e+00, v30  }
0x6d: {  	v31 =	vld [tilespmem:s29+$0x16590];
	v29 =	vadd.f32 v19, v19;
	v19 =	vmul.f32 $5.000000000e-01, v13;
	v20 =	vmul.f32 $1.442695020e+00, v20  }
0x6e: {  	v17 =	vld [tilespmem:s29+$0x18D90];
	v25 =	vadd.f32 $1.000000000e+00, v25;
	(erf) = vrcp.f32 v27;
	v27 =	vmul.f32 v13, v13  }
0x6f: {  	v30 =	vpop (erf);
	v29 =	vsub.f32 $1.000000000e+00, v29;
	(erf) = vrcp.f32 v16;
	v16 =	vadd.f32 v24, v3  }
0x70: {  	v14 =	vmul.f32 $1.442695020e+00, v14;
	v30 =	vadd.f32 v30, v30;
	v27 =	vmul.f32 v27, v13  }
0x71: {  	v41 =	vld [tilespmem:s30+$0x13DB0];
	v24 =	vadd.f32 $1.000000000e+00, v29;
	(erf) = vpow2.f32 v1;
	v16 =	vmul.f32 $1.595769170e+00, v16  }
0x72: {  	v30 =	vsub.f32 $1.000000000e+00, v30;
	(erf) = vpow2.f32 v14;
	v14 =	vmul.f32 v22, v12  }
0x73: {  	v17 =	vadd.f32 v17, v31;
	v22 =	vmul.f32 v24, v6;
	v24 =	vld [tilespmem:s30+$0x13DE0];
	v1 =	vmul.f32 $4.471499850e-02, v27  }
0x74: {  	s31 =	simm.s32 $0x100;
	v25 =	vmul.f32 v25, v7;
	v29 =	vadd.f32 $1.000000000e+00, v30;
	(erf) = vrcp.f32 v28  }
0x75: {  	v28 =	vld [tilespmem:s31+$0x18DF0];
	v16 =	vmul.f32 $1.442695020e+00, v16;
	v14 =	vmul.f32 $4.471499850e-02, v14;
	v13 =	vadd.f32 v1, v13  }
0x76: {  	v23 =	vmul.f32 v29, v23;
	v29 =	vld [tilespmem:s31+$0x165F0];
	v22 =	vmul.f32 v22, v41  }
0x77: {  	v27 =	vpop (erf);
	v1 =	vmul.f32 $5.000000000e-01, v17;
	v12 =	vadd.f32 v14, v12;
	v6 =	vmul.f32 $1.595769170e+00, v13  }
0x78: {  	v37 =	vld [tilespmem:s31+$0x18D90];
	v13 =	vadd.f32 v27, v27;
	v27 =	vmul.f32 v17, v17;
	v23 =	vmul.f32 v23, v24  }
0x79: {  	v45 =	vld [tilespmem:s31+$0x16590];
	v31 =	vpop (erf);
	(erf) = vpow2.f32 v26;
	v2 =	vmul.f32 $1.595769170e+00, v12  }
0x7a: {  	v24 =	vld [tilespmem:s31+$0x18DA0];
	v6 =	vmul.f32 $1.442695020e+00, v6;
	v32 =	vsub.f32 $1.000000000e+00, v13;
	v31 =	vadd.f32 v31, v31;
	v33 =	vpop (erf)  }
0x7b: {  	v26 =	vld [tilespmem:s31+$0x18D80];
	v27 =	vmul.f32 v27, v17;
	v28 =	vadd.f32 v28, v29;
	v34 =	vpop (erf);
	v12 =	vadd.f32 v33, v33  }
0x7c: {  	v13 =	vld [tilespmem:s31+$0x18DE0];
	v29 =	vmul.f32 $1.442695020e+00, v2;
	(erf) = vpow2.f32 v6;
	v6 =	vsub.f32 $1.000000000e+00, v31;
	v14 =	vpop (erf)  }
0x7d: {  	v27 =	vmul.f32 $4.471499850e-02, v27;
	v31 =	vld [tilespmem:s31+$0x165C0];
	v2 =	vmul.f32 $5.000000000e-01, v28;
	v14 =	vadd.f32 $1.000000000e+00, v14  }
0x7e: {  	(erf) = vpow2.f32 v10;
	v36 =	vadd.f32 $1.000000000e+00, v6;
	v6 =	vmul.f32 $5.000000000e-01, v21;
	v21 =	vld [tilespmem:s31+$0x165E0]  }
0x7f: {  	v10 =	vld [tilespmem:s31+$0x18DD0];
	v17 =	vadd.f32 v27, v17;
	[tilespmem:s30+$0x1B5E0] =	vst v23;
	(erf) = vrcp.f32 v14;
	v14 =	vmul.f32 $5.000000000e-01, v9  }
0x80: {  	v9 =	vsub.f32 $1.000000000e+00, v12;
	v12 =	vmul.f32 v28, v28;
	v27 =	vld [tilespmem:s31+$0x18DC0];
	(erf) = vpow2.f32 v16  }
0x81: {  	v30 =	vld [tilespmem:s30+$0x13DA0];
	v16 =	vpop (erf);
	v17 =	vmul.f32 $1.595769170e+00, v17;
	v8 =	vmul.f32 v36, v8  }
0x82: {  	v23 =	vld [tilespmem:s31+$0x165A0];
	v9 =	vadd.f32 $1.000000000e+00, v9;
	v12 =	vmul.f32 v12, v28;
	v16 =	vadd.f32 v16, v16  }
0x83: {  	v39 =	vld [tilespmem:s31+$0x165D0];
	v38 =	vpop (erf);
	(erf) = vpow2.f32 v20;
	v17 =	vmul.f32 $1.442695020e+00, v17;
	v7 =	vadd.f32 v13, v21  }
0x84: {  	v9 =	vmul.f32 v9, v35;
	v12 =	vmul.f32 $4.471499850e-02, v12  }
0x85: {  	v47 =	vld [tilespmem:s31+$0x165B0];
	v40 =	vsub.f32 $1.000000000e+00, v16;
	v16 =	vadd.f32 v27, v31;
	v13 =	vpop (erf);
	v20 =	vmul.f32 v7, v7  }
0x86: {  	v21 =	vld [tilespmem:s31+$0x16580];
	v30 =	vmul.f32 v9, v30;
	v12 =	vadd.f32 v12, v28;
	v46 =	vadd.f32 $1.000000000e+00, v13  }
0x87: {  	v28 =	vld [tilespmem:s30+$0x13DC0];
	v13 =	vadd.f32 v24, v23;
	v31 =	vmul.f32 v16, v16;
	v20 =	vmul.f32 v20, v7  }
0x88: {  	v9 =	vadd.f32 v10, v39;
	v23 =	vld [tilespmem:s31+$0x18DB0];
	v48 =	vmul.f32 $1.595769170e+00, v12;
	(erf) = vrcp.f32 v46  }
0x89: {  	v24 =	vadd.f32 $1.000000000e+00, v38;
	v27 =	vpop (erf);
	(erf) = vpow2.f32 v29;
	v29 =	vmul.f32 v13, v13  }
0x8a: {  	v10 =	vmul.f32 $4.471499850e-02, v20;
	v20 =	vadd.f32 $1.000000000e+00, v27;
	v35 =	vmul.f32 $1.442695020e+00, v48  }
0x8b: {  	(erf) = vrcp.f32 v24;
	v24 =	vadd.f32 v26, v21;
	v26 =	vmul.f32 v9, v9;
	v21 =	vld [tilespmem:s30+$0x13D80]  }
0x8c: {  	v28 =	vmul.f32 v8, v28;
	v10 =	vadd.f32 v10, v7;
	(erf) = vrcp.f32 v20  }
0x8d: {  	v23 =	vadd.f32 v23, v47;
	v27 =	vmul.f32 v24, v24;
	v12 =	vmul.f32 $5.000000000e-01, v24  }
0x8e: {  	v26 =	vmul.f32 v26, v9;
	v10 =	vmul.f32 $1.595769170e+00, v10  }
0x8f: {  	v8 =	vmul.f32 $5.000000000e-01, v23;
	v55 =	vmul.f32 v23, v23  }
0x90: {  	v58 =	vld [tilespmem:s30+$0x13DD0];
	[tilespmem:s30+$0x1B5A0] =	vst v30;
	v30 =	vpop (erf);
	v20 =	vmul.f32 v27, v24;
	v27 =	vadd.f32 $1.000000000e+00, v40;
	v25 =	vmul.f32 v25, v21  }
0x91: {  	v34 =	vadd.f32 $1.000000000e+00, v34;
	v49 =	vpop (erf);
	v21 =	vmul.f32 $1.442695020e+00, v10;
	v10 =	vmul.f32 $5.000000000e-01, v16  }
0x92: {  	v50 =	vpop (erf);
	v51 =	vmul.f32 $4.471499850e-02, v20;
	v27 =	vmul.f32 v27, v18;
	v18 =	vadd.f32 $1.000000000e+00, v32  }
0x93: {  	v54 =	vld [tilespmem:s30+$0x13DF0];
	v20 =	vadd.f32 $1.000000000e+00, v50;
	v52 =	vpop (erf);
	(erf) = vrcp.f32 v34;
	[tilespmem:s30+$0x1B580] =	vst v25;
	v25 =	vmul.f32 v29, v13  }
0x94: {  	v39 =	vadd.f32 v52, v52;
	v53 =	vpop (erf);
	v24 =	vadd.f32 v51, v24;
	v11 =	vmul.f32 v18, v11  }
0x95: {  	v62 =	vmul.f32 v27, v58;
	v27 =	vmul.f32 v31, v16;
	v40 =	vadd.f32 $1.000000000e+00, v53  }
0x96: {  	[tilespmem:s30+$0x1B5C0] =	vst v28;
	v29 =	vadd.f32 $1.000000000e+00, v49;
	v28 =	vpop (erf);
	v25 =	vmul.f32 $4.471499850e-02, v25;
	v24 =	vmul.f32 $1.595769170e+00, v24  }
0x97: {  	v28 =	vadd.f32 v28, v28;
	v56 =	vpop (erf);
	v57 =	vsub.f32 $1.000000000e+00, v39;
	(erf) = vrcp.f32 v40  }
0x98: {  	v11 =	vmul.f32 v11, v54;
	v18 =	vadd.f32 v56, v56;
	(erf) = vrcp.f32 v29  }
0x99: {  	[tilespmem:s30+$0x1B5B0] =	vst v22;
	v22 =	vadd.f32 v25, v13;
	v25 =	vmul.f32 $4.471499850e-02, v26;
	v59 =	vsub.f32 $1.000000000e+00, v28  }
0x9a: {  	v28 =	vmul.f32 v55, v23;
	v29 =	vsub.f32 $1.000000000e+00, v18;
	(erf) = vpow2.f32 v35  }
0x9b: {  	v61 =	vld [tilespmem:s30+$0x13D90];
	v24 =	vmul.f32 $1.442695020e+00, v24;
	v60 =	vadd.f32 $1.000000000e+00, v57;
	v18 =	vadd.f32 v37, v45  }
0x9c: {  	v63 =	vmul.f32 $1.595769170e+00, v22;
	v26 =	vmul.f32 $4.471499850e-02, v28;
	v29 =	vadd.f32 $1.000000000e+00, v29  }
0x9d: {  	v28 =	vadd.f32 v25, v9;
	(erf) = vpow2.f32 v24;
	v22 =	vadd.f32 $1.000000000e+00, v59  }
0x9e: {  	[tilespmem:s30+$0x1B5F0] =	vst v11;
	v11 =	vmul.f32 $5.000000000e-01, v18;
	v24 =	vadd.f32 v26, v23;
	v29 =	vmul.f32 v29, v15  }
0x9f: {  	[tilespmem:s30+$0x1B5D0] =	vst v62;
	v25 =	vmul.f32 $1.442695020e+00, v63;
	v31 =	vpop (erf);
	v23 =	vadd.f32 v30, v30;
	v15 =	vmul.f32 v60, v19  }
0xa0: {  	s0 =	simm.s32 $0x600;
	v19 =	vadd.f32 v31, v31;
	v30 =	vmul.f32 $1.595769170e+00, v24;
	v24 =	vld [tilespmem:s29+$0x13DA0];
	v29 =	vmul.f32 v29, v61;
	v26 =	vpop (erf)  }
.LBB2_3:
0xa1: {  	s3 =	sshra.s32 s0, $0x2;
	p0 =	sne.s32 s0, $0x9E00;
	s0 =	sadd.s32 $0x200, s0;
	v35 =	vmul.f32 v18, v18;
	v32 =	vld [tilespmem:s29+$0x13DE0];
	v14 =	vmul.f32 v22, v14;
	v33 =	vpop (erf)  }
0xa2: {  	v28 =	vmul.f32 $1.595769170e+00, v28;
	v34 =	vld [tilespmem:s3+$0x165F0];
	v30 =	vmul.f32 $1.442695020e+00, v30;
	v22 =	vsub.f32 $1.000000000e+00, v19;
	[tilespmem:s30+$0x1B590] =	vst v29;
	s30 =	smov.u32 s29;
	s29 =	smov.u32 s31;
	s31 =	smov.u32 s3  }
0xa3: {  	v26 =	vadd.f32 v26, v26;
	v29 =	vld [tilespmem:s31+$0x18DE0];
	v19 =	vmul.f32 v35, v18;
	v31 =	vpop (erf);
	(erf) = vrcp.f32 v20  }
0xa4: {  	v27 =	vmul.f32 $4.471499850e-02, v27;
	v20 =	vld [tilespmem:s31+$0x18DF0];
	(erf) = vpow2.f32 v21;
	v21 =	vsub.f32 $1.000000000e+00, v23  }
0xa5: {  	v35 =	vld [tilespmem:s31+$0x18D80];
	v36 =	vmul.f32 $4.471499850e-02, v19;
	(erf) = vpow2.f32 v30;
	v19 =	vsub.f32 $1.000000000e+00, v26  }
0xa6: {  	v16 =	vadd.f32 v27, v16;
	v26 =	vld [tilespmem:s31+$0x165C0];
	v23 =	vpop (erf);
	v21 =	vadd.f32 $1.000000000e+00, v21;
	(erf) = vpow2.f32 v17  }
0xa7: {  	v27 =	vmul.f32 $5.000000000e-01, v3;
	v3 =	vmovc v13;
	v17 =	vld [tilespmem:s31+$0x18DD0];
	v23 =	vadd.f32 $1.000000000e+00, v23;
	v30 =	vadd.f32 $1.000000000e+00, v19  }
0xa8: {  	v37 =	vmul.f32 $5.000000000e-01, v9;
	v9 =	vadd.f32 v33, v33;
	v13 =	vmul.f32 $1.595769170e+00, v16;
	v19 =	vld [tilespmem:s31+$0x18D90]  }
0xa9: {  	v32 =	vmul.f32 v14, v32;
	v16 =	vld [tilespmem:s31+$0x165E0];
	v20 =	vadd.f32 v20, v34;
	(erf) = vrcp.f32 v23  }
0xaa: {  	v39 =	vsub.f32 $1.000000000e+00, v9;
	v14 =	vmul.f32 $5.000000000e-01, v7;
	v34 =	vmul.f32 $1.442695020e+00, v13;
	v33 =	vld [tilespmem:s31+$0x18DA0]  }
0xab: {  	v40 =	vadd.f32 v36, v18;
	v23 =	vld [tilespmem:s31+$0x16590];
	v9 =	vmul.f32 v20, v20;
	v38 =	vmul.f32 $5.000000000e-01, v20;
	[tilespmem:s30+$0x1B5E0] =	vst v32  }
0xac: {  	v41 =	vmul.f32 $1.442695020e+00, v28;
	v18 =	vld [tilespmem:s31+$0x165A0];
	(erf) = vpow2.f32 v25;
	v25 =	vadd.f32 $1.000000000e+00, v39;
	v7 =	vpop (erf)  }
0xad: {  	v21 =	vmul.f32 v21, v5;
	v32 =	vld [tilespmem:s31+$0x18DC0];
	v9 =	vmul.f32 v9, v20;
	v36 =	vpop (erf);
	v42 =	vadd.f32 v7, v7  }
0xae: {  	v39 =	vld [tilespmem:s31+$0x165D0];
	v7 =	vadd.f32 v29, v16;
	v29 =	vmul.f32 $1.595769170e+00, v40;
	v13 =	vpop (erf);
	v16 =	vmul.f32 v25, v27  }
0xaf: {  	v25 =	vld [tilespmem:s31+$0x16580];
	v27 =	vmul.f32 $4.471499850e-02, v9;
	v9 =	vadd.f32 $1.000000000e+00, v13;
	(erf) = vpow2.f32 v41;
	v28 =	vpop (erf)  }
0xb0: {  	v5 =	vmovc v12;
	v41 =	vsub.f32 $1.000000000e+00, v42;
	v40 =	vmul.f32 v7, v7;
	v24 =	vmul.f32 v16, v24  }
0xb1: {  	v13 =	vadd.f32 v33, v18;
	v12 =	vld [tilespmem:s31+$0x18DB0];
	v18 =	vadd.f32 $1.000000000e+00, v36;
	(erf) = vrcp.f32 v9  }
0xb2: {  	v33 =	vld [tilespmem:s31+$0x165B0];
	v16 =	vadd.f32 v32, v26;
	v26 =	vmul.f32 v40, v7;
	v32 =	vpop (erf);
	(erf) = vpow2.f32 v34;
	[tilespmem:s30+$0x1B5A0] =	vst v24  }
0xb3: {  	v24 =	vmul.f32 v13, v13;
	v9 =	vadd.f32 v17, v39;
	(erf) = vrcp.f32 v18  }
0xb4: {  	v18 =	vadd.f32 v35, v25;
	v25 =	vmul.f32 $4.471499850e-02, v26;
	v26 =	vadd.f32 $1.000000000e+00, v28  }
0xb5: {  	v20 =	vadd.f32 v27, v20;
	v17 =	vmul.f32 $1.442695020e+00, v29;
	v28 =	vmul.f32 v9, v9;
	v27 =	vpop (erf);
	v29 =	vld [tilespmem:s30+$0x13D80]  }
0xb6: {  	v39 =	vmul.f32 v18, v18;
	v25 =	vadd.f32 v25, v7;
	v35 =	vld [tilespmem:s30+$0x13DC0];
	(erf) = vrcp.f32 v26  }
0xb7: {  	v36 =	vmul.f32 $1.595769170e+00, v20;
	v26 =	vmul.f32 v16, v16;
	v33 =	vadd.f32 v12, v33  }
0xb8: {  	v12 =	vmul.f32 $5.000000000e-01, v18;
	v20 =	vmul.f32 v39, v18;
	v34 =	vpop (erf);
	v39 =	vadd.f32 $1.000000000e+00, v41  }
0xb9: {  	v31 =	vadd.f32 $1.000000000e+00, v31;
	v30 =	vmul.f32 v30, v4;
	v4 =	vmovc v10;
	v25 =	vmul.f32 $1.595769170e+00, v25  }
0xba: {  	v40 =	vmul.f32 $4.471499850e-02, v20;
	v20 =	vadd.f32 $1.000000000e+00, v34;
	v10 =	vpop (erf);
	v29 =	vmul.f32 v21, v29  }
0xbb: {  	v21 =	vmul.f32 $1.442695020e+00, v25;
	v25 =	vadd.f32 v10, v10;
	v34 =	vpop (erf);
	v41 =	vld [tilespmem:s30+$0x13DB0];
	v30 =	vmul.f32 v30, v35  }
0xbc: {  	v35 =	vmul.f32 $5.000000000e-01, v33;
	v10 =	vmul.f32 $5.000000000e-01, v16;
	v34 =	vadd.f32 $1.000000000e+00, v34;
	v42 =	vpop (erf)  }
0xbd: {  	v28 =	vmul.f32 v28, v9;
	v18 =	vadd.f32 v40, v18;
	(erf) = vrcp.f32 v31;
	[tilespmem:s30+$0x1B580] =	vst v29  }
0xbe: {  	v22 =	vadd.f32 $1.000000000e+00, v22;
	v24 =	vmul.f32 v24, v13;
	v29 =	vmul.f32 v39, v6;
	v6 =	vmovc v37;
	[tilespmem:s30+$0x1B5C0] =	vst v30  }
0xbf: {  	v27 =	vadd.f32 $1.000000000e+00, v27;
	v18 =	vmul.f32 $1.595769170e+00, v18;
	(erf) = vrcp.f32 v34;
	v30 =	vld [tilespmem:s30+$0x13DF0];
	v31 =	vpop (erf)  }
0xc0: {  	v37 =	vadd.f32 v42, v42;
	v34 =	vmul.f32 v33, v33;
	v15 =	vmul.f32 v15, v41  }
0xc1: {  	v22 =	vmul.f32 v22, v0;
	v0 =	vmovc v2;
	v2 =	vmovc v38;
	v36 =	vmul.f32 $1.442695020e+00, v36;
	v25 =	vsub.f32 $1.000000000e+00, v25;
	v39 =	vld [tilespmem:s30+$0x13DD0]  }
0xc2: {  	v37 =	vsub.f32 $1.000000000e+00, v37;
	v38 =	vmul.f32 $1.442695020e+00, v18;
	v18 =	vadd.f32 v31, v31;
	[tilespmem:s30+$0x1B5B0] =	vst v15  }
0xc3: {  	v15 =	vmul.f32 $4.471499850e-02, v24;
	v24 =	vadd.f32 $1.000000000e+00, v25;
	(erf) = vrcp.f32 v27  }
0xc4: {  	v25 =	vmul.f32 v34, v33;
	v31 =	vsub.f32 $1.000000000e+00, v18;
	v22 =	vmul.f32 v22, v30  }
0xc5: {  	v28 =	vmul.f32 $4.471499850e-02, v28;
	v15 =	vadd.f32 v15, v13;
	(erf) = vpow2.f32 v36  }
0xc6: {  	v18 =	vadd.f32 v19, v23;
	v19 =	vmul.f32 $4.471499850e-02, v25;
	v34 =	vpop (erf);
	v36 =	vld [tilespmem:s30+$0x13D90];
	v23 =	vmul.f32 v29, v39;
	[tilespmem:s30+$0x1B5F0] =	vst v22  }
.Ltmp0:
0xc7: {  	v27 =	vmul.f32 v26, v16;
	v25 =	vadd.f32 $1.000000000e+00, v31;
	v15 =	vmul.f32 $1.595769170e+00, v15;
	(pc) =	sbr.rel @p0 .LBB2_3-.Ltmp0, $4  }
0xc8: {  	v28 =	vadd.f32 v28, v9;
	v22 =	vadd.f32 $1.000000000e+00, v37;
	(erf) = vpow2.f32 v38;
	v26 =	vpop (erf);
	[tilespmem:s30+$0x1B5D0] =	vst v23  }
0xc9: {  	v19 =	vadd.f32 v19, v33;
	v29 =	vmul.f32 v25, v1;
	v1 =	vmovc v11;
	v11 =	vmul.f32 $5.000000000e-01, v18  }
0xca: {  	v25 =	vmul.f32 $1.442695020e+00, v15;
	v23 =	vadd.f32 v32, v32;
	v15 =	vmul.f32 v24, v8;
	v8 =	vmovc v35  }
0xcb: {  	v30 =	vmul.f32 $1.595769170e+00, v19;
	v19 =	vadd.f32 v34, v34;
	v24 =	vld [tilespmem:s29+$0x13DA0];
	v29 =	vmul.f32 v29, v36  }
0xcc: {  	_ = 	snop  }
0xcd: {  	(erf) = vrcp.f32 v20;
	v30 =	vmul.f32 $1.442695020e+00, v30  }
0xce: {  	(erf) = vpow2.f32 v21  }
0xcf: {  	(erf) = vpow2.f32 v30;
	_ =	sdelay $0x3  }
0xd0: {  	v40 =	vpop (erf)  }
0xd1: {  	v41 =	vmul.f32 $4.471499850e-02, v27;
	v42 =	vpop (erf)  }
0xd2: {  	v28 =	vmul.f32 $1.595769170e+00, v28;
	v43 =	vpop (erf)  }
0xd3: {  	v16 =	vadd.f32 v41, v16;
	v21 =	vadd.f32 $1.000000000e+00, v43;
	v44 =	vpop (erf)  }
0xd4: {  	v46 =	vmul.f32 $1.442695020e+00, v28;
	(erf) = vpow2.f32 v17;
	v45 =	vpop (erf)  }
0xd5: {  	v16 =	vmul.f32 $1.595769170e+00, v16;
	(erf) = vrcp.f32 v21;
	v47 =	vpop (erf)  }
0xd6: {  	(erf) = vpow2.f32 v25;
	v48 =	vadd.f32 $1.000000000e+00, v47  }
0xd7: {  	v16 =	vmul.f32 $1.442695020e+00, v16;
	(erf) = vpow2.f32 v46  }
0xd8: {  	(erf) = vrcp.f32 v48  }
0xd9: {  	v20 =	vadd.f32 v40, v40;
	(erf) = vpow2.f32 v16;
	_ =	sdelay $0x1  }
0xda: {  	v20 =	vsub.f32 $1.000000000e+00, v20;
	_ =	sdelay $0x1  }
0xdb: {  	v3 =	vmul.f32 $5.000000000e-01, v3;
	v20 =	vadd.f32 $1.000000000e+00, v20;
	v51 =	vpop (erf)  }
0xdc: {  	v50 =	vmul.f32 v18, v18;
	v17 =	vadd.f32 $1.000000000e+00, v45;
	v53 =	vpop (erf)  }
0xdd: {  	v3 =	vmul.f32 v20, v3;
	v20 =	vadd.f32 $1.000000000e+00, v51;
	v55 =	vpop (erf)  }
0xde: {  	v16 =	vmul.f32 v50, v18;
	(erf) = vrcp.f32 v17;
	v57 =	vpop (erf)  }
0xdf: {  	v52 =	vadd.f32 v26, v26;
	v54 =	vsub.f32 $1.000000000e+00, v23;
	(erf) = vrcp.f32 v20;
	v59 =	vpop (erf)  }
0xe0: {  	v60 =	vadd.f32 $1.000000000e+00, v42;
	v3 =	vmul.f32 v3, v24;
	v16 =	vmul.f32 $4.471499850e-02, v16;
	v61 =	vpop (erf)  }
0xe1: {  	v49 =	vld [tilespmem:s29+$0x13DE0];
	[tilespmem:s30+$0x1B590] =	vst v29;
	v21 =	vsub.f32 $1.000000000e+00, v52;
	v62 =	vadd.f32 $1.000000000e+00, v61  }
0xe2: {  	v56 =	vld [tilespmem:s29+$0x13D80];
	[tilespmem:s29+$0x1B5A0] =	vst v3;
	(erf) = vrcp.f32 v60;
	v3 =	vadd.f32 $1.000000000e+00, v55;
	v23 =	vadd.f32 v16, v18  }
0xe3: {  	v14 =	vmul.f32 v22, v14;
	v22 =	vadd.f32 $1.000000000e+00, v54;
	v58 =	vld [tilespmem:s29+$0x13DC0];
	(erf) = vrcp.f32 v62  }
0xe4: {  	v21 =	vadd.f32 $1.000000000e+00, v21;
	(erf) = vrcp.f32 v3;
	v3 =	vmul.f32 $1.595769170e+00, v23  }
0xe5: {  	v5 =	vmul.f32 v22, v5;
	v31 =	vadd.f32 $1.000000000e+00, v57  }
0xe6: {  	v25 =	vadd.f32 v44, v44;
	v4 =	vmul.f32 v21, v4;
	v3 =	vmul.f32 $1.442695020e+00, v3  }
0xe7: {  	v27 =	vsub.f32 $1.000000000e+00, v19;
	v63 =	vld [tilespmem:s29+$0x13DB0];
	v5 =	vmul.f32 v5, v56;
	v32 =	vpop (erf);
	(erf) = vrcp.f32 v31  }
0xe8: {  	v29 =	vld [tilespmem:s29+$0x13DF0];
	v28 =	vsub.f32 $1.000000000e+00, v25;
	v4 =	vmul.f32 v4, v58;
	v33 =	vpop (erf);
	(erf) = vpow2.f32 v3  }
0xe9: {  	v30 =	vld [tilespmem:s29+$0x13DD0];
	[tilespmem:s29+$0x1B580] =	vst v5;
	v5 =	vadd.f32 $1.000000000e+00, v27  }
0xea: {  	[tilespmem:s29+$0x1B5C0] =	vst v4;
	v4 =	vadd.f32 $1.000000000e+00, v28  }
0xeb: {  	v14 =	vmul.f32 v14, v49;
	v0 =	vmul.f32 v5, v0;
	v34 =	vpop (erf);
	v35 =	vadd.f32 v33, v33  }
0xec: {  	v15 =	vmul.f32 v15, v63;
	v4 =	vmul.f32 v4, v6;
	v36 =	vpop (erf)  }
0xed: {  	[tilespmem:s29+$0x1B5E0] =	vst v14;
	v0 =	vmul.f32 v0, v29;
	v6 =	vsub.f32 $1.000000000e+00, v35;
	v39 =	vpop (erf)  }
0xee: {  	v38 =	vld [tilespmem:s29+$0x13D90];
	[tilespmem:s29+$0x1B5B0] =	vst v15;
	v4 =	vmul.f32 v4, v30;
	v40 =	vadd.f32 v39, v39  }
0xef: {  	[tilespmem:s29+$0x1B5F0] =	vst v0;
	v37 =	vadd.f32 v32, v32;
	v41 =	vadd.f32 $1.000000000e+00, v6  }
0xf0: {  	[tilespmem:s29+$0x1B5D0] =	vst v4;
	v45 =	vpop (erf);
	v0 =	vsub.f32 $1.000000000e+00, v40  }
0xf1: {  	v43 =	vld [tilespmem:s31+$0x13DA0];
	v3 =	vsub.f32 $1.000000000e+00, v37;
	v1 =	vmul.f32 v41, v1;
	v46 =	vpop (erf)  }
0xf2: {  	v44 =	vmul.f32 $5.000000000e-01, v13;
	v42 =	vld [tilespmem:s31+$0x13DE0];
	v0 =	vadd.f32 $1.000000000e+00, v0;
	v48 =	vadd.f32 $1.000000000e+00, v46  }
0xf3: {  	v7 =	vmul.f32 $5.000000000e-01, v7;
	v3 =	vadd.f32 $1.000000000e+00, v3;
	v1 =	vmul.f32 v1, v38  }
0xf4: {  	v49 =	vadd.f32 v36, v36;
	v0 =	vmul.f32 v0, v44;
	(erf) = vrcp.f32 v48  }
0xf5: {  	v47 =	vadd.f32 v53, v53;
	v3 =	vmul.f32 v3, v7  }
0xf6: {  	v53 =	vadd.f32 v59, v59;
	[tilespmem:s29+$0x1B590] =	vst v1;
	v51 =	vsub.f32 $1.000000000e+00, v49;
	v0 =	vmul.f32 v0, v43  }
0xf7: {  	v50 =	vsub.f32 $1.000000000e+00, v47;
	v3 =	vmul.f32 v3, v42;
	v54 =	vld [tilespmem:s31+$0x13DC0]  }
0xf8: {  	v4 =	vsub.f32 $1.000000000e+00, v53;
	v52 =	vld [tilespmem:s31+$0x13D80];
	[tilespmem:s31+$0x1B5A0] =	vst v0;
	v0 =	vadd.f32 $1.000000000e+00, v51  }
0xf9: {  	[tilespmem:s31+$0x1B5E0] =	vst v3;
	v3 =	vadd.f32 $1.000000000e+00, v50  }
0xfa: {  	v4 =	vadd.f32 $1.000000000e+00, v4;
	v0 =	vmul.f32 v0, v10  }
0xfb: {  	v57 =	vadd.f32 v34, v34;
	v3 =	vmul.f32 v3, v12  }
0xfc: {  	v56 =	vmul.f32 v4, v8;
	v0 =	vmul.f32 v0, v54  }
0xfd: {  	v4 =	vsub.f32 $1.000000000e+00, v57;
	v58 =	vadd.f32 v45, v45;
	v1 =	vmul.f32 v3, v52;
	v59 =	vpop (erf)  }
0xfe: {  	v60 =	vld [tilespmem:s31+$0x13DF0];
	[tilespmem:s31+$0x1B5C0] =	vst v0;
	v0 =	vadd.f32 v59, v59  }
0xff: {  	v4 =	vadd.f32 $1.000000000e+00, v4;
	v55 =	vld [tilespmem:s31+$0x13DB0];
	[tilespmem:s31+$0x1B580] =	vst v1;
	v1 =	vsub.f32 $1.000000000e+00, v58  }
0x100: {  	v61 =	vld [tilespmem:s31+$0x13DD0];
	v0 =	vsub.f32 $1.000000000e+00, v0  }
0x101: {  	v62 =	vmul.f32 $5.000000000e-01, v9;
	v2 =	vmul.f32 v4, v2;
	v63 =	vld [tilespmem:s31+$0x13D90];
	v1 =	vadd.f32 $1.000000000e+00, v1  }
0x102: {  	v0 =	vadd.f32 $1.000000000e+00, v0  }
0x103: {  	v2 =	vmul.f32 v2, v60;
	v1 =	vmul.f32 v1, v62  }
0x104: {  	v3 =	vmul.f32 v56, v55;
	v0 =	vmul.f32 v0, v11  }
0x105: {  	[tilespmem:s31+$0x1B5F0] =	vst v2;
	v1 =	vmul.f32 v1, v61  }
0x106: {  	s28 =	sadd.s32 $0x1, s28;
	[tilespmem:s31+$0x1B5B0] =	vst v3;
	v0 =	vmul.f32 v0, v63  }
0x107: {  	p0 =	sne.s32 s28, $0x7D;
	[tilespmem:s31+$0x1B5D0] =	vst v1  }
.Ltmp1:
0x108: {  	[tilespmem:s31+$0x1B590] =	vst v0;
	(pc) =	sbr.rel @p0 .LBB2_2-.Ltmp1, $4  }
0x109: {  	[spmem:s1] =	stream.indirect.scatter.add.f32 [tilespmem:s26], [sflag:$0x3], $0x80, s19, s21, $0xb8;
	[tilespmem:$0x1DD80] =	vst v63  }
0x10a: {  	_ =	swait.ge [sflag:s16], $0x2800  }
0x10b: {  	[sflag:s16] =	ssyncset.done $0x0  }
0x10c: {  	[sflag:s16] =	ssyncadd.s32 $0xFFFFD800  }
0x10d: {  	s2 =	sadd.s32 $0x1, s2  }
0x10e: {  	p0 =	sne.s32 s2, s14  }
.Ltmp2:
0x10f: {  	[bflag:$0x0] =	sbarrier.arrive $0xFFFF;
	(pc) =	sbr.rel @p0 .LBB2_1-.Ltmp2, $4  }
0x110: {  	[hbm:s13], [sflag:s11] =	dma.local [spmem:s15], $0x2780  }
0x111: {  	_ =	swait.ge [sflag:s16], $0x2780  }
0x112: {  	[sflag:s16] =	ssyncset.done $0x0  }
0x113: {  	[sflag:s16] =	ssyncadd.s32 $0xFFFFD880  }
0x114: {  	_ =	sfence.sel $0x180000  }
0x115: {  	[bflag:$0x0] =	sbarrier.arrive $0xFFFF  }
0x116: {  	_ =	strace $0x9000004A  }
0x117: {  	s0 =	stileid.u32;
	[bflag:$0x2] =	sbarrier.arrive $0xFFFF  }
0x118: {  	p0 =	sne.s32 s0, $0x0;
	s0 =	rddreg [dreg:$0x2]  }
0x119: {  	s0 =	sadd.s32 @!p0 $0x100000, s0  }
0x11a: {  	[sflag:s0] =	ssyncadd.tile.s32 @!p0 $0x1;
	_ =	shalt  }
.Lfunc_end2:
_tile_overlayer_lowered:
.L_overlay_start_2:
0x11b: {  	(tag) =	ssettag $0x2  }
0x11c: {  	s0 =	rddreg [dreg:$0x0];
	s2 =	stileid.u32  }
0x11d: {  	s1 =	rddreg [dreg:$0x1];
	p0 =	sne.s32 s2, $0x0  }
0x11e: {  	s3 =	rddreg [dreg:$0x2];
	[bflag:$0x3] =	sbarrier.arrive $0xFFFF;
	s2 =	simm.s32 @!p0 $0x1C03  }
0x11f: {  	[timem:s3], [sflag:s2] =	dma.local @!p0 [hbm:s0], s1  }
0x120: {  	s0 =	simm.s32 @!p0 $0x3  }
0x121: {  	_ =	swait.ge @!p0 [sflag:s0], s1  }
0x122: {  	s1 =	ssub.s32 @!p0 $0x0, s1;
	[sflag:s0] =	ssyncset.done @!p0 $0x0  }
0x123: {  	[sflag:s0] =	ssyncadd.s32 @!p0 s1  }
0x124: {  	[bflag:$0x3] =	sbarrier.arrive $0xFFFF  }
0x125: {  	_ =	shalt  }

// kernel: kernel.20.cloned.1.call-start
scs
__scs_entry_jumppad:
0x0: {  	(pc) =	sbr.rel $0x88, $3  }
0x1: {  	(tag) =	ssettag $0x0;
	lr =	simm.s32 $0x1  }
0x2: {  	[smem:$0x3F87] =	sst lr;
	_ =	strace $0xD0000000  }
0x3: {  	_ = 	snop  }
0x4: {  	_ = 	snop  }
0x5: {  	_ = 	snop  }
0x6: {  	_ = 	snop  }
0x7: {  	_ = 	snop  }
__scs_overlays_trampoline_lowered:
0x8: {  	[smem:$0x3F96] =	sst s0  }
0x9: {  	[smem:$0x3F97] =	sst s1  }
0xa: {  	[smem:$0x3F98] =	sst s2  }
0xb: {  	[smem:$0x3F99] =	sst s3  }
0xc: {  	[smem:$0x3F9A] =	sst s4  }
0xd: {  	[smem:$0x3F9B] =	sst s5  }
0xe: {  	[smem:$0x3F9C] =	sst s6  }
0xf: {  	[smem:$0x3F9D] =	sst s7  }
0x10: {  	[smem:$0x3F9E] =	sst s8  }
0x11: {  	[smem:$0x3F9F] =	sst s9;
	s0 =	simm.s32 @!p0 $0x0  }
0x12: {  	s1 =	sld [smem:$0x3F85];
	s0 =	simm.s32 @p0 $0x1  }
0x13: {  	[smem:$0x3FA0] =	sst s0;
	s0 =	simm.s32 @!p1 $0x0  }
0x14: {  	s2 =	sld [smem:$0x3F84];
	s0 =	simm.s32 @p1 $0x1  }
0x15: {  	[smem:$0x3FA1] =	sst s0;
	s0 =	simm.s32 @!p2 $0x0  }
0x16: {  	s3 =	sld [smem:$0x3FDB];
	s0 =	simm.s32 @p2 $0x1  }
0x17: {  	s4 =	simm.s32 $0x1BF5;
	[smem:$0x3FA3] =	sst s0  }
0x18: {  	s0 =	sld [smem:$0x3F86];
	_ =	swait.ge [sflag:s4], $0x0  }
0x19: {  	s7 =	sld [smem:$0x3F87]  }
0x1a: {  	s8 =	sadd.s32 $0xFFFFE003, lr  }
0x1b: {  	s9 =	sadd.s32 $0xFFFFFEF7, lr;
	s5 =	simm.s32 $0xFFFFFFFF;
	p2 =	slt.u32 s8, $0xFFFFF086  }
0x1c: {  	p1 =	slt.u32 s9, $0xF7A;
	s5 =	simm.s32 @!p2 $0x0  }
0x1d: {  	s5 =	simm.s32 @p1 $0x1;
	p0 =	seq.s32 s7, s2  }
0x1e: {  	s7 =	smul.u32 @!p0 $0xF7A, s2;
	p2 =	seq.s32 @!p0 s5, $0x0  }
0x1f: {  	s9 =	smul.u32 $0xF7A, s1;
	s8 =	simm.s32 @!p0 $0x1BF5;
	p2 =	por !p2, p0  }
0x20: {  	[sflag:s8] =	ssyncset.s32 @!p0 $0xFFFFF086;
	s6 =	sadd.s32 @!p0 s3, s7;
	s7 =	simm.s32 @!p0 $0x108  }
0x21: {  	s3 =	sadd.s32 s3, s9;
	s6 =	sadd.s32 @!p0 $0x88, s6;
	s7 =	simm.s32 @p2 $0x1082  }
0x22: {  	[simem:s7], [sflag:s8] =	dma.local @!p0 [hbm:s6], $0xF7A  }
0x23: {  	s9 =	sor.u32 $0xD0000000, s2;
	s6 =	simm.s32 $0x108;
	_ =	swait.ge @!p0 [sflag:s8], $0x0  }
0x24: {  	s3 =	sadd.s32 $0x88, s3;
	s6 =	simm.s32 @!p1 $0x1082;
	[sflag:s4] =	ssyncset.s32 $0xFFFFF086  }
0x25: {  	[simem:s6], [sflag:s4] =	dma.local [hbm:s3], $0xF7A  }
0x26: {  	[smem:$0x3F87] =	sst s1;
	(tag) =	ssettag s2;
	_ =	strace s9  }
0x27: {  	s1 =	sld [smem:$0x3F97]  }
0x28: {  	s2 =	sld [smem:$0x3F98]  }
0x29: {  	s4 =	sld [smem:$0x3F9A]  }
0x2a: {  	p0 =	seq.s32 s5, $0x0;
	s5 =	sld [smem:$0x3F9B]  }
0x2b: {  	s6 =	sld [smem:$0x3F9C]  }
0x2c: {  	s7 =	sld [smem:$0x3F9D]  }
0x2d: {  	s3 =	simm.s32 $0x108;
	s8 =	sld [smem:$0x3F9E]  }
0x2e: {  	s3 =	simm.s32 @!p0 $0x1082;
	s9 =	sld [smem:$0x3F9F]  }
0x2f: {  	lr =	sadd.s32 s0, s3;
	s0 =	sld [smem:$0x3F96]  }
0x30: {  	s3 =	sld [smem:$0x3F99]  }
0x31: {  	[smem:$0x3FA2] =	sst s10  }
0x32: {  	s10 =	sld [smem:$0x3FA0];
	_ =	sdelay $0x3  }
0x33: {  	p0 =	seq.s32 s10, $0x1;
	s10 =	sld [smem:$0x3FA2];
	_ =	sdelay $0x3  }
0x34: {  	[smem:$0x3FA2] =	sst s10  }
0x35: {  	s10 =	sld [smem:$0x3FA1];
	_ =	sdelay $0x3  }
0x36: {  	p1 =	seq.s32 s10, $0x1;
	s10 =	sld [smem:$0x3FA2];
	_ =	sdelay $0x3  }
0x37: {  	[smem:$0x3FA2] =	sst s10  }
0x38: {  	s10 =	sld [smem:$0x3FA3]  }
0x39: {  	_ = 	snop;
	(pc) =	sbr.ind lr, $3  }
0x3a: {  	_ = 	snop  }
0x3b: {  	_ = 	snop  }
0x3c: {  	p2 =	seq.s32 s10, $0x1;
	s10 =	sld [smem:$0x3FA2]  }
0x3d: {  	_ =	shalt  }
0x3e: {  	_ =	shalt  }
0x3f: {  	_ =	shalt  }
0x40: {  	_ =	shalt  }
0x41: {  	_ =	shalt  }
0x42: {  	_ =	shalt  }
0x43: {  	_ =	shalt  }
0x44: {  	_ =	shalt  }
0x45: {  	_ =	shalt  }
0x46: {  	_ =	shalt  }
0x47: {  	_ =	shalt  }
0x48: {  	_ =	shalt  }
0x49: {  	_ =	shalt  }
0x4a: {  	_ =	shalt  }
0x4b: {  	_ =	shalt  }
0x4c: {  	_ =	shalt  }
0x4d: {  	_ =	shalt  }
0x4e: {  	_ =	shalt  }
0x4f: {  	_ =	shalt  }
0x50: {  	_ =	shalt  }
0x51: {  	_ =	shalt  }
0x52: {  	_ =	shalt  }
0x53: {  	_ =	shalt  }
0x54: {  	_ =	shalt  }
0x55: {  	_ =	shalt  }
0x56: {  	_ =	shalt  }
0x57: {  	_ =	shalt  }
0x58: {  	_ =	shalt  }
0x59: {  	_ =	shalt  }
0x5a: {  	_ =	shalt  }
0x5b: {  	_ =	shalt  }
0x5c: {  	_ =	shalt  }
0x5d: {  	_ =	shalt  }
0x5e: {  	_ =	shalt  }
0x5f: {  	_ =	shalt  }
0x60: {  	_ =	shalt  }
0x61: {  	_ =	shalt  }
0x62: {  	_ =	shalt  }
0x63: {  	_ =	shalt  }
0x64: {  	_ =	shalt  }
0x65: {  	_ =	shalt  }
0x66: {  	_ =	shalt  }
0x67: {  	_ =	shalt  }
0x68: {  	_ =	shalt  }
0x69: {  	_ =	shalt  }
0x6a: {  	_ =	shalt  }
0x6b: {  	_ =	shalt  }
0x6c: {  	_ =	shalt  }
0x6d: {  	_ =	shalt  }
0x6e: {  	_ =	shalt  }
0x6f: {  	_ =	shalt  }
0x70: {  	_ =	shalt  }
0x71: {  	_ =	shalt  }
0x72: {  	_ =	shalt  }
0x73: {  	_ =	shalt  }
0x74: {  	_ =	shalt  }
0x75: {  	_ =	shalt  }
0x76: {  	_ =	shalt  }
0x77: {  	_ =	shalt  }
0x78: {  	_ =	shalt  }
0x79: {  	_ =	shalt  }
0x7a: {  	_ =	shalt  }
0x7b: {  	_ =	shalt  }
0x7c: {  	_ =	shalt  }
0x7d: {  	_ =	shalt  }
0x7e: {  	_ =	shalt  }
0x7f: {  	_ =	shalt  }
0x80: {  	_ =	shalt  }
0x81: {  	_ =	shalt  }
0x82: {  	_ =	shalt  }
0x83: {  	_ =	shalt  }
0x84: {  	_ =	shalt  }
0x85: {  	_ =	shalt  }
0x86: {  	_ =	shalt  }
0x87: {  	_ =	shalt  }
.Lfunc_end0:
.L_simem_size_0:
called_computation.2_lowered:
.L_overlay_start_0:
0x88: {  	s2 =	sld [smem:$0x3FD9]  }
0x89: {  	s3 =	sld [smem:$0x3FFE];
	_ =	sdelay $0x1  }
0x8a: {  	s1 =	srdreg.scid  }
0x8b: {  	s0 =	sand.u32 $0x1, s1  }
0x8c: {  	s16 =	sshll.u32 s0, $0xA;
	s2 =	sadd.s32 s3, s2  }
0x8d: {  	s2 =	sadd.s32 s2, s16  }
0x8e: {  	[smem:$0x3FAE] =	sst s2  }
0x8f: {  	_ = 	snop  }
0x90: {  	(tm) =	ssettm $0x1  }
0x91: {  	s17 =	sld [smem:$0x3FFB];
	_ =	sdelay $0x3  }
0x92: {  	_ =	strace s17  }
0x93: {  	s2 =	sld [smem:$0x3FFC];
	_ =	sdelay $0x3  }
0x94: {  	_ =	strace s2  }
0x95: {  	s2 =	sld [smem:$0x3FFD];
	_ =	sdelay $0x3  }
0x96: {  	_ =	strace s2  }
0x97: {  	_ =	strace $0x8FFFFFFF  }
0x98: {  	s18 =	sld [smem:$0x3FDB];
	_ =	sdelay $0x1  }
0x99: {  	s19 =	simm.s32 $_scs_section_size  }
0x9a: {  	s4 =	simm.s32 $_size__tile_overlayer_lowered;
	s5 =	simm.s32 $_tile_overlayer_lowered  }
0x9b: {  	s22 =	simm.s32 $0x1BFF;
	s21 =	sshll.u32 s5, $0x1;
	s2 =	sadd.s32 s19, s18  }
0x9c: {  	s6 =	simm.s32 $0x0;
	s20 =	sshll.u32 s4, $0x1;
	s4 =	sadd.s32 s21, s2  }
0x9d: {  	[timem:s6], [sflag:s22] =	dma.local [hbm:s4], s20  }
0x9e: {  	_ =	swait.ge [sflag:s22], s20  }
0x9f: {  	s3 =	ssub.s32 $0x0, s20;
	[sflag:s22] =	ssyncset.done $0x0  }
0xa0: {  	[sflag:s22] =	ssyncadd.s32 s3;
	_ =	sdelay $0x1  }
0xa1: {  	s23 =	simm.s32 $0x1B8B  }
0xa2: {  	_ =	swait.ge [sflag:s23], $0x1  }
0xa3: {  	[sflag:s23] =	ssyncset.done $0x0  }
0xa4: {  	s25 =	simm.s32 $0x1B8E;
	s24 =	sld [smem:$0x3FFE];
	[sflag:s23] =	ssyncadd.s32 $0xFFFFFFFF  }
0xa5: {  	s26 =	simm.s32 $execute0_lowered;
	[smem:$0x3FD2] =	sst s25  }
0xa6: {  	s4 =	sshll.u32 s26, $0x1;
	_ =	strace $0x8000004C;
	[dreg:$0x1] =	wrdreg $0xFFFFFFFF  }
0xa7: {  	s28 =	simm.s32 $_size_execute0_lowered;
	s2 =	sadd.s32 s2, s4;
	[dreg:$0x0] =	wrdreg $0x0  }
0xa8: {  	s4 =	sshll.u32 s28, $0x1;
	[dreg:$0x2] =	wrdreg s2  }
0xa9: {  	[dreg:$0x3] =	wrdreg s4  }
0xaa: {  	[dreg:$0x4] =	wrdreg $0xC0  }
0xab: {  	_ =	task [dreg:s6], $0x5FFFF  }
0xac: {  	[dreg:$0x1] =	wrdreg $0xFFFFFFFF  }
0xad: {  	[dreg:$0x0] =	wrdreg $0x60  }
0xae: {  	[dreg:$0x2] =	wrdreg s24  }
0xaf: {  	[dreg:$0x3] =	wrdreg $0x0  }
0xb0: {  	[dreg:$0x4] =	wrdreg $0x9  }
0xb1: {  	_ =	task.clear_ibuf [dreg:s6], $0x5FFFF;
	_ =	strace $0x9000004C  }
0xb2: {  	s29 =	simm.s32 $0x9;
	_ =	strace $0x8000004E  }
0xb3: {  	_ =	swait.ge [sflag:s29], $0x1  }
0xb4: {  	[sflag:s29] =	ssyncadd.s32 $0xFFFFFFFF  }
0xb5: {  	_ =	strace $0x9000004E  }
0xb6: {  	_ =	sfence  }
0xb7: {  	s30 =	sld [smem:$0x0];
	_ =	sdelay $0x2  }
0xb8: {  	s31 =	sshll.u32 s1, $0xD;
	s1 =	sshrl.u32 s1, $0x2  }
0xb9: {  	s3 =	sand.u32 $0x4000, s31;
	s1 =	sadd.s32 s1, s30  }
0xba: {  	s0 =	sor.u32 s3, s0;
	s1 =	sshll.u32 s1, $0x11  }
0xbb: {  	s0 =	sor.u32 s1, s0  }
0xbc: {  	s0 =	sadd.s32 $0x8F2B, s0  }
0xbd: {  	[sflag:s0] =	ssyncadd.remote.s32 $0x1  }
0xbe: {  	_ =	sfence.sel $0xFFFF  }
0xbf: {  	[dreg:$0x0] =	wrdreg $0xFFFFFFFF;
	(pc) =	sbr.abs _section_cstart, $3  }
0xc0: {  	[dreg:$0x1] =	wrdreg $0xFFFFFFFF  }
0xc1: {  	_ =	task.clear_ibuf [dreg:s6], $0x2FFFF;
	_ =	strace $0x9FFFFFFF  }
0xc2: {  	(tm) =	ssettm $0x7FFFFFFF  }
0xc3: {  	_ =	shalt  }
tec
execute0_lowered:
.L_overlay_start_1:
0x0: {  	(tag) =	ssettag $0x1  }
0x1: {  	s0 =	rddreg [dreg:$0x0]  }
0x2: {  	s1 =	rddreg [dreg:$0x1];
	s2 =	simm.s32 $0x0  }
0x3: {  	s3 =	stileid.u32;
	s7 =	srdreg.scid;
	s18 =	simm.s32 $0x13C80  }
0x4: {  	s19 =	simm.s32 $0x13D00;
	s20 =	simm.s32 $0x13D80;
	s21 =	simm.s32 $0x50  }
0x5: {  	s22 =	simm.s32 $0x16580;
	s23 =	simm.s32 $0x18D80;
	s24 =	simm.s32 $0x1  }
0x6: {  	s25 =	simm.s32 $0x2;
	[smem:$0x7FF] =	sst s2;
	s5 =	sadd.s32 $0x9E3C00, s0  }
0x7: {  	s4 =	sadd.s32 $0x31400, s0;
	s6 =	sadd.s32 $0xEC3800, s0;
	s10 =	smul.u32 $0x2780, s3  }
0x8: {  	s11 =	sand.u32 $0x1, s7;
	s7 =	sadd.s32 $0x9CDC00, s0;
	s8 =	sadd.s32 $0x80400, s0  }
0x9: {  	s9 =	sadd.s32 $0x9D7A00, s0;
	s14 =	smul.u32 $0x4F000, s3;
	s29 =	sshll.u32 s3, $0x6  }
0xa: {  	_ =	strace $0x8000004D;
	s12 =	smul.u32 $0x27800, s11;
	s13 =	ssub.s32 $0x2, s11  }
0xb: {  	s30 =	sshll.u32 s11, $0x4;
	s11 =	sor.u32 $0x1C03, s29;
	s15 =	sadd.s32 s10, s0  }
0xc: {  	s26 =	sshrl.u32 s13, $0x1;
	s28 =	sshrl.u32 s14, $0x2;
	s31 =	sor.u32 s3, s30  }
0xd: {  	s10 =	sadd.s32 s10, s12;
	s16 =	ssub.s32 s13, s26;
	s17 =	sadd.s32 s28, s1  }
0xe: {  	s12 =	smul.u32 $0x2710, s31;
	s26 =	simm.s32 $0x1B580;
	s0 =	sadd.s32 s10, s0  }
0xf: {  	s10 =	sadd.s32 $0x9C00, s15;
	s14 =	smax.u32 s16, $0x1;
	s15 =	sshrl.u32 s17, $0x3  }
0x10: {  	s16 =	simm.s32 $0x3;
	s17 =	simm.s32 $0x13C00;
	s13 =	sadd.s32 $0xA0C600, s0  }
.LBB2_1:
0x11: {  	[spmem:s15], [sflag:s11] =	dma.local [hbm:s10], $0x2780  }
0x12: {  	_ =	swait.ge [sflag:s16], $0x2780  }
0x13: {  	[sflag:s16] =	ssyncset.done $0x0  }
0x14: {  	[sflag:s16] =	ssyncadd.s32 $0xFFFFD880  }
0x15: {  	s28 =	simm.s32 $0x0;
	[bflag:$0x0] =	sbarrier.arrive $0xFFFF  }
.LBB2_2:
0x16: {  	s0 =	smul.u32 $0x50, s28;
	_ =	sdelay $0x1  }
0x17: {  	s0 =	sadd.s32 s12, s0  }
0x18: {  	s29 =	sshrl.u32 s0, $0x3  }
0x19: {  	s31 =	simm.s32 $0x0;
	s30 =	sadd.s32 s7, s29  }
0x1a: {  	[tilespmem:s17], [sflag:$0x3] =	stream.linear.gather [hbm4b:s30+s31], $0x50, $0x38;
	[tilespmem:$0x1DD80] =	vst v63  }
0x1b: {  	_ =	swait.ge [sflag:s16], $0x50  }
0x1c: {  	[sflag:s16] =	ssyncset.done $0x0  }
0x1d: {  	s30 =	sadd.s32 s8, s29;
	[sflag:s16] =	ssyncadd.s32 $0xFFFFFFB0  }
0x1e: {  	[tilespmem:s18], [sflag:$0x3] =	stream.linear.gather [hbm4b:s30+s31], $0x50, $0x38;
	[tilespmem:$0x1DD80] =	vst v63  }
0x1f: {  	_ =	swait.ge [sflag:s16], $0x50  }
0x20: {  	[sflag:s16] =	ssyncset.done $0x0  }
0x21: {  	s29 =	sadd.s32 s9, s29;
	[sflag:s16] =	ssyncadd.s32 $0xFFFFFFB0  }
0x22: {  	[tilespmem:s19], [sflag:$0x3] =	stream.linear.gather [hbm4b:s29+s31], $0x50, $0x38;
	[tilespmem:$0x1DD80] =	vst v63  }
0x23: {  	_ =	swait.ge [sflag:s16], $0x50  }
0x24: {  	s0 =	sshll.u32 s0, $0x4;
	[sflag:s16] =	ssyncset.done $0x0  }
0x25: {  	s0 =	sadd.s32 s6, s0;
	[sflag:s16] =	ssyncadd.s32 $0xFFFFFFB0  }
0x26: {  	[tilespmem:s20], [sflag:$0x3] =	stream.linear.gather [hbm4b:s0+s31], $0x2800, $0x38;
	[tilespmem:$0x1DD80] =	vst v63  }
0x27: {  	_ =	swait.ge [sflag:s16], $0x2800  }
0x28: {  	[sflag:s16] =	ssyncset.done $0x0  }
0x29: {  	[sflag:s16] =	ssyncadd.s32 $0xFFFFD800  }
0x2a: {  	[tilespmem:s22], [sflag:$0x1] =	stream.indirect.gather [hbm4b:s4+s21], $0x80, s17, s21, $0xb8;
	[tilespmem:$0x1DD80] =	vst v63  }
0x2b: {  	_ = 	snop  }
0x2c: {  	[tilespmem:s23], [sflag:$0x2] =	stream.indirect.gather [hbm4b:s5+s21], $0x80, s18, s21, $0xb8;
	[tilespmem:$0x1DD80] =	vst v63  }
0x2d: {  	_ =	swait.ge [sflag:s24], $0x2800  }
0x2e: {  	[sflag:s24] =	ssyncset.done $0x0  }
0x2f: {  	[sflag:s24] =	ssyncadd.s32 $0xFFFFD800  }
0x30: {  	_ =	swait.ge [sflag:s25], $0x2800  }
0x31: {  	[sflag:s25] =	ssyncset.done $0x0  }
0x32: {  	s30 =	simm.s32 $0x0;
	[sflag:s25] =	ssyncadd.s32 $0xFFFFD800  }
0x33: {  	v0 =	vld [tilespmem:s30+$0x165F0]  }
0x34: {  	v1 =	vld [tilespmem:s30+$0x18DE0]  }
0x35: {  	v2 =	vld [tilespmem:s30+$0x18DF0]  }
0x36: {  	v3 =	vld [tilespmem:s30+$0x18D80]  }
0x37: {  	v4 =	vld [tilespmem:s30+$0x165C0]  }
0x38: {  	v5 =	vld [tilespmem:s30+$0x18DD0]  }
0x39: {  	v6 =	vld [tilespmem:s30+$0x165E0]  }
0x3a: {  	v7 =	vld [tilespmem:s30+$0x16580]  }
0x3b: {  	v9 =	vld [tilespmem:s30+$0x165D0]  }
0x3c: {  	v8 =	vld [tilespmem:s30+$0x18DA0]  }
0x3d: {  	v12 =	vld [tilespmem:s30+$0x18DB0]  }
0x3e: {  	v0 =	vadd.f32 v2, v0;
	v2 =	vld [tilespmem:s30+$0x165A0];
	v1 =	vadd.f32 v1, v6  }
0x3f: {  	v6 =	vld [tilespmem:s30+$0x165B0];
	v3 =	vadd.f32 v3, v7  }
0x40: {  	v7 =	vld [tilespmem:s30+$0x18DC0];
	v5 =	vadd.f32 v5, v9;
	v10 =	vmul.f32 v0, v0;
	v13 =	vmul.f32 v1, v1  }
0x41: {  	v14 =	vmul.f32 v3, v3;
	v11 =	vmul.f32 $5.000000000e-01, v0  }
0x42: {  	v9 =	vmul.f32 v5, v5;
	v10 =	vmul.f32 v10, v0  }
0x43: {  	v2 =	vadd.f32 v8, v2;
	v8 =	vmul.f32 v13, v1;
	v13 =	vmul.f32 v14, v3  }
0x44: {  	v23 =	vmul.f32 $5.000000000e-01, v1;
	v6 =	vadd.f32 v12, v6;
	v10 =	vmul.f32 $4.471499850e-02, v10  }
0x45: {  	v4 =	vadd.f32 v7, v4;
	v7 =	vmul.f32 $4.471499850e-02, v8;
	v8 =	vmul.f32 $4.471499850e-02, v13  }
0x46: {  	v9 =	vmul.f32 v9, v5;
	v0 =	vadd.f32 v10, v0;
	v10 =	vmul.f32 v6, v6  }
0x47: {  	v12 =	vmul.f32 v4, v4;
	v7 =	vadd.f32 v7, v1;
	v8 =	vadd.f32 v8, v3  }
0x48: {  	v0 =	vmul.f32 $1.595769170e+00, v0;
	v10 =	vmul.f32 v10, v6  }
0x49: {  	v13 =	vmul.f32 $1.595769170e+00, v7;
	v8 =	vmul.f32 $1.595769170e+00, v8  }
0x4a: {  	v0 =	vmul.f32 $1.442695020e+00, v0;
	v10 =	vmul.f32 $4.471499850e-02, v10  }
0x4b: {  	v7 =	vmul.f32 $5.000000000e-01, v3;
	v3 =	vmul.f32 $1.442695020e+00, v8  }
0x4c: {  	v15 =	vld [tilespmem:s30+$0x18D90];
	v12 =	vmul.f32 v12, v4;
	(erf) = vpow2.f32 v0;
	v0 =	vadd.f32 v10, v6  }
0x4d: {  	v14 =	vmul.f32 v2, v2;
	v10 =	vld [tilespmem:s30+$0x16590];
	(erf) = vpow2.f32 v3  }
0x4e: {  	v12 =	vmul.f32 $4.471499850e-02, v12;
	v0 =	vmul.f32 $1.595769170e+00, v0  }
0x4f: {  	s29 =	simm.s32 $0x80;
	v13 =	vmul.f32 $1.442695020e+00, v13;
	v3 =	vmul.f32 v14, v2  }
0x50: {  	v16 =	vld [tilespmem:s29+$0x18DE0];
	v8 =	vmul.f32 $5.000000000e-01, v4;
	v0 =	vmul.f32 $1.442695020e+00, v0  }
0x51: {  	v4 =	vadd.f32 v12, v4;
	(erf) = vpow2.f32 v13;
	v13 =	vld [tilespmem:s29+$0x165F0];
	v3 =	vmul.f32 $4.471499850e-02, v3  }
0x52: {  	v10 =	vadd.f32 v15, v10;
	(erf) = vpow2.f32 v0;
	v0 =	vmul.f32 $4.471499850e-02, v9;
	v9 =	vld [tilespmem:s29+$0x18DF0]  }
0x53: {  	v20 =	vld [tilespmem:s29+$0x165E0];
	v35 =	vmul.f32 $5.000000000e-01, v2;
	v4 =	vmul.f32 $1.595769170e+00, v4;
	v3 =	vadd.f32 v3, v2  }
0x54: {  	v21 =	vld [tilespmem:s29+$0x18DD0];
	v6 =	vmul.f32 $5.000000000e-01, v6;
	v14 =	vmul.f32 v10, v10;
	v0 =	vadd.f32 v0, v5  }
0x55: {  	v22 =	vld [tilespmem:s29+$0x165A0];
	v4 =	vmul.f32 $1.442695020e+00, v4;
	v3 =	vmul.f32 $1.595769170e+00, v3;
	v17 =	vpop (erf)  }
0x56: {  	v25 =	vld [tilespmem:s29+$0x165D0];
	v12 =	vmul.f32 v14, v10;
	v18 =	vpop (erf);
	v19 =	vmul.f32 $1.595769170e+00, v0  }
0x57: {  	v14 =	vld [tilespmem:s29+$0x18D80];
	v0 =	vadd.f32 $1.000000000e+00, v18;
	v18 =	vmul.f32 $5.000000000e-01, v5;
	v5 =	vadd.f32 v9, v13  }
0x58: {  	v15 =	vmul.f32 $5.000000000e-01, v10;
	v3 =	vmul.f32 $1.442695020e+00, v3;
	v13 =	vld [tilespmem:s29+$0x18DA0]  }
0x59: {  	v12 =	vmul.f32 $4.471499850e-02, v12;
	v9 =	vadd.f32 v16, v20;
	v16 =	vld [tilespmem:s29+$0x16580];
	v1 =	vmul.f32 v5, v5  }
0x5a: {  	v20 =	vld [tilespmem:s29+$0x165C0];
	v19 =	vmul.f32 $1.442695020e+00, v19;
	(erf) = vrcp.f32 v0  }
0x5b: {  	v24 =	vpop (erf);
	v10 =	vadd.f32 v12, v10;
	v12 =	vld [tilespmem:s29+$0x18DC0];
	(erf) = vpow2.f32 v3;
	v1 =	vmul.f32 v1, v5  }
0x5c: {  	v26 =	vpop (erf);
	(erf) = vpow2.f32 v19;
	v19 =	vmul.f32 v9, v9  }
0x5d: {  	v0 =	vmul.f32 $5.000000000e-01, v5;
	v10 =	vmul.f32 $1.595769170e+00, v10;
	v3 =	vadd.f32 $1.000000000e+00, v26  }
0x5e: {  	v21 =	vadd.f32 v21, v25;
	v1 =	vmul.f32 $4.471499850e-02, v1;
	v19 =	vmul.f32 v19, v9  }
0x5f: {  	v14 =	vadd.f32 v14, v16;
	v10 =	vmul.f32 $1.442695020e+00, v10;
	(erf) = vrcp.f32 v3  }
0x60: {  	v3 =	vadd.f32 v13, v22;
	v12 =	vadd.f32 v12, v20;
	v20 =	vmul.f32 v21, v21  }
0x61: {  	v22 =	vadd.f32 $1.000000000e+00, v24;
	(erf) = vpow2.f32 v4;
	v16 =	vmul.f32 $4.471499850e-02, v19  }
0x62: {  	v17 =	vadd.f32 $1.000000000e+00, v17;
	v13 =	vld [tilespmem:s29+$0x18DB0];
	v19 =	vmul.f32 v14, v14;
	v24 =	vmul.f32 v3, v3  }
0x63: {  	v4 =	vld [tilespmem:s29+$0x165B0];
	v1 =	vadd.f32 v1, v5;
	(erf) = vrcp.f32 v22;
	v22 =	vmul.f32 v12, v12  }
0x64: {  	v20 =	vmul.f32 v20, v21;
	v19 =	vmul.f32 v19, v14  }
0x65: {  	v5 =	vadd.f32 v16, v9;
	v1 =	vmul.f32 $1.595769170e+00, v1;
	v25 =	vpop (erf);
	(erf) = vrcp.f32 v17  }
0x66: {  	v24 =	vmul.f32 v24, v3;
	v20 =	vmul.f32 $4.471499850e-02, v20  }
0x67: {  	v26 =	vmul.f32 $1.595769170e+00, v5;
	v5 =	vmul.f32 $5.000000000e-01, v14  }
0x68: {  	v16 =	vpop (erf);
	v27 =	vmul.f32 $4.471499850e-02, v19;
	v25 =	vadd.f32 v25, v25;
	v13 =	vadd.f32 v13, v4  }
0x69: {  	v1 =	vmul.f32 $1.442695020e+00, v1;
	v4 =	vpop (erf);
	v16 =	vadd.f32 $1.000000000e+00, v16;
	v20 =	vadd.f32 v20, v21  }
0x6a: {  	v24 =	vmul.f32 $4.471499850e-02, v24;
	v26 =	vmul.f32 $1.442695020e+00, v26;
	v14 =	vadd.f32 v27, v14;
	v19 =	vpop (erf)  }
0x6b: {  	v28 =	vadd.f32 $1.000000000e+00, v4;
	v4 =	vmul.f32 $5.000000000e-01, v12;
	v20 =	vmul.f32 $1.595769170e+00, v20;
	v30 =	vpop (erf)  }
0x6c: {  	v25 =	vsub.f32 $1.000000000e+00, v25;
	v14 =	vmul.f32 $1.595769170e+00, v14;
	v27 =	vadd.f32 $1.000000000e+00, v30  }
0x6d: {  	v31 =	vld [tilespmem:s29+$0x16590];
	v29 =	vadd.f32 v19, v19;
	v19 =	vmul.f32 $5.000000000e-01, v13;
	v20 =	vmul.f32 $1.442695020e+00, v20  }
0x6e: {  	v17 =	vld [tilespmem:s29+$0x18D90];
	v25 =	vadd.f32 $1.000000000e+00, v25;
	(erf) = vrcp.f32 v27;
	v27 =	vmul.f32 v13, v13  }
0x6f: {  	v30 =	vpop (erf);
	v29 =	vsub.f32 $1.000000000e+00, v29;
	(erf) = vrcp.f32 v16;
	v16 =	vadd.f32 v24, v3  }
0x70: {  	v14 =	vmul.f32 $1.442695020e+00, v14;
	v30 =	vadd.f32 v30, v30;
	v27 =	vmul.f32 v27, v13  }
0x71: {  	v41 =	vld [tilespmem:s30+$0x13DB0];
	v24 =	vadd.f32 $1.000000000e+00, v29;
	(erf) = vpow2.f32 v1;
	v16 =	vmul.f32 $1.595769170e+00, v16  }
0x72: {  	v30 =	vsub.f32 $1.000000000e+00, v30;
	(erf) = vpow2.f32 v14;
	v14 =	vmul.f32 v22, v12  }
0x73: {  	v17 =	vadd.f32 v17, v31;
	v22 =	vmul.f32 v24, v6;
	v24 =	vld [tilespmem:s30+$0x13DE0];
	v1 =	vmul.f32 $4.471499850e-02, v27  }
0x74: {  	s31 =	simm.s32 $0x100;
	v25 =	vmul.f32 v25, v7;
	v29 =	vadd.f32 $1.000000000e+00, v30;
	(erf) = vrcp.f32 v28  }
0x75: {  	v28 =	vld [tilespmem:s31+$0x18DF0];
	v16 =	vmul.f32 $1.442695020e+00, v16;
	v14 =	vmul.f32 $4.471499850e-02, v14;
	v13 =	vadd.f32 v1, v13  }
0x76: {  	v23 =	vmul.f32 v29, v23;
	v29 =	vld [tilespmem:s31+$0x165F0];
	v22 =	vmul.f32 v22, v41  }
0x77: {  	v27 =	vpop (erf);
	v1 =	vmul.f32 $5.000000000e-01, v17;
	v12 =	vadd.f32 v14, v12;
	v6 =	vmul.f32 $1.595769170e+00, v13  }
0x78: {  	v37 =	vld [tilespmem:s31+$0x18D90];
	v13 =	vadd.f32 v27, v27;
	v27 =	vmul.f32 v17, v17;
	v23 =	vmul.f32 v23, v24  }
0x79: {  	v45 =	vld [tilespmem:s31+$0x16590];
	v31 =	vpop (erf);
	(erf) = vpow2.f32 v26;
	v2 =	vmul.f32 $1.595769170e+00, v12  }
0x7a: {  	v24 =	vld [tilespmem:s31+$0x18DA0];
	v6 =	vmul.f32 $1.442695020e+00, v6;
	v32 =	vsub.f32 $1.000000000e+00, v13;
	v31 =	vadd.f32 v31, v31;
	v33 =	vpop (erf)  }
0x7b: {  	v26 =	vld [tilespmem:s31+$0x18D80];
	v27 =	vmul.f32 v27, v17;
	v28 =	vadd.f32 v28, v29;
	v34 =	vpop (erf);
	v12 =	vadd.f32 v33, v33  }
0x7c: {  	v13 =	vld [tilespmem:s31+$0x18DE0];
	v29 =	vmul.f32 $1.442695020e+00, v2;
	(erf) = vpow2.f32 v6;
	v6 =	vsub.f32 $1.000000000e+00, v31;
	v14 =	vpop (erf)  }
0x7d: {  	v27 =	vmul.f32 $4.471499850e-02, v27;
	v31 =	vld [tilespmem:s31+$0x165C0];
	v2 =	vmul.f32 $5.000000000e-01, v28;
	v14 =	vadd.f32 $1.000000000e+00, v14  }
0x7e: {  	(erf) = vpow2.f32 v10;
	v36 =	vadd.f32 $1.000000000e+00, v6;
	v6 =	vmul.f32 $5.000000000e-01, v21;
	v21 =	vld [tilespmem:s31+$0x165E0]  }
0x7f: {  	v10 =	vld [tilespmem:s31+$0x18DD0];
	v17 =	vadd.f32 v27, v17;
	[tilespmem:s30+$0x1B5E0] =	vst v23;
	(erf) = vrcp.f32 v14;
	v14 =	vmul.f32 $5.000000000e-01, v9  }
0x80: {  	v9 =	vsub.f32 $1.000000000e+00, v12;
	v12 =	vmul.f32 v28, v28;
	v27 =	vld [tilespmem:s31+$0x18DC0];
	(erf) = vpow2.f32 v16  }
0x81: {  	v30 =	vld [tilespmem:s30+$0x13DA0];
	v16 =	vpop (erf);
	v17 =	vmul.f32 $1.595769170e+00, v17;
	v8 =	vmul.f32 v36, v8  }
0x82: {  	v23 =	vld [tilespmem:s31+$0x165A0];
	v9 =	vadd.f32 $1.000000000e+00, v9;
	v12 =	vmul.f32 v12, v28;
	v16 =	vadd.f32 v16, v16  }
0x83: {  	v39 =	vld [tilespmem:s31+$0x165D0];
	v38 =	vpop (erf);
	(erf) = vpow2.f32 v20;
	v17 =	vmul.f32 $1.442695020e+00, v17;
	v7 =	vadd.f32 v13, v21  }
0x84: {  	v9 =	vmul.f32 v9, v35;
	v12 =	vmul.f32 $4.471499850e-02, v12  }
0x85: {  	v47 =	vld [tilespmem:s31+$0x165B0];
	v40 =	vsub.f32 $1.000000000e+00, v16;
	v16 =	vadd.f32 v27, v31;
	v13 =	vpop (erf);
	v20 =	vmul.f32 v7, v7  }
0x86: {  	v21 =	vld [tilespmem:s31+$0x16580];
	v30 =	vmul.f32 v9, v30;
	v12 =	vadd.f32 v12, v28;
	v46 =	vadd.f32 $1.000000000e+00, v13  }
0x87: {  	v28 =	vld [tilespmem:s30+$0x13DC0];
	v13 =	vadd.f32 v24, v23;
	v31 =	vmul.f32 v16, v16;
	v20 =	vmul.f32 v20, v7  }
0x88: {  	v9 =	vadd.f32 v10, v39;
	v23 =	vld [tilespmem:s31+$0x18DB0];
	v48 =	vmul.f32 $1.595769170e+00, v12;
	(erf) = vrcp.f32 v46  }
0x89: {  	v24 =	vadd.f32 $1.000000000e+00, v38;
	v27 =	vpop (erf);
	(erf) = vpow2.f32 v29;
	v29 =	vmul.f32 v13, v13  }
0x8a: {  	v10 =	vmul.f32 $4.471499850e-02, v20;
	v20 =	vadd.f32 $1.000000000e+00, v27;
	v35 =	vmul.f32 $1.442695020e+00, v48  }
0x8b: {  	(erf) = vrcp.f32 v24;
	v24 =	vadd.f32 v26, v21;
	v26 =	vmul.f32 v9, v9;
	v21 =	vld [tilespmem:s30+$0x13D80]  }
0x8c: {  	v28 =	vmul.f32 v8, v28;
	v10 =	vadd.f32 v10, v7;
	(erf) = vrcp.f32 v20  }
0x8d: {  	v23 =	vadd.f32 v23, v47;
	v27 =	vmul.f32 v24, v24;
	v12 =	vmul.f32 $5.000000000e-01, v24  }
0x8e: {  	v26 =	vmul.f32 v26, v9;
	v10 =	vmul.f32 $1.595769170e+00, v10  }
0x8f: {  	v8 =	vmul.f32 $5.000000000e-01, v23;
	v55 =	vmul.f32 v23, v23  }
0x90: {  	v58 =	vld [tilespmem:s30+$0x13DD0];
	[tilespmem:s30+$0x1B5A0] =	vst v30;
	v30 =	vpop (erf);
	v20 =	vmul.f32 v27, v24;
	v27 =	vadd.f32 $1.000000000e+00, v40;
	v25 =	vmul.f32 v25, v21  }
0x91: {  	v34 =	vadd.f32 $1.000000000e+00, v34;
	v49 =	vpop (erf);
	v21 =	vmul.f32 $1.442695020e+00, v10;
	v10 =	vmul.f32 $5.000000000e-01, v16  }
0x92: {  	v50 =	vpop (erf);
	v51 =	vmul.f32 $4.471499850e-02, v20;
	v27 =	vmul.f32 v27, v18;
	v18 =	vadd.f32 $1.000000000e+00, v32  }
0x93: {  	v54 =	vld [tilespmem:s30+$0x13DF0];
	v20 =	vadd.f32 $1.000000000e+00, v50;
	v52 =	vpop (erf);
	(erf) = vrcp.f32 v34;
	[tilespmem:s30+$0x1B580] =	vst v25;
	v25 =	vmul.f32 v29, v13  }
0x94: {  	v39 =	vadd.f32 v52, v52;
	v53 =	vpop (erf);
	v24 =	vadd.f32 v51, v24;
	v11 =	vmul.f32 v18, v11  }
0x95: {  	v62 =	vmul.f32 v27, v58;
	v27 =	vmul.f32 v31, v16;
	v40 =	vadd.f32 $1.000000000e+00, v53  }
0x96: {  	[tilespmem:s30+$0x1B5C0] =	vst v28;
	v29 =	vadd.f32 $1.000000000e+00, v49;
	v28 =	vpop (erf);
	v25 =	vmul.f32 $4.471499850e-02, v25;
	v24 =	vmul.f32 $1.595769170e+00, v24  }
0x97: {  	v28 =	vadd.f32 v28, v28;
	v56 =	vpop (erf);
	v57 =	vsub.f32 $1.000000000e+00, v39;
	(erf) = vrcp.f32 v40  }
0x98: {  	v11 =	vmul.f32 v11, v54;
	v18 =	vadd.f32 v56, v56;
	(erf) = vrcp.f32 v29  }
0x99: {  	[tilespmem:s30+$0x1B5B0] =	vst v22;
	v22 =	vadd.f32 v25, v13;
	v25 =	vmul.f32 $4.471499850e-02, v26;
	v59 =	vsub.f32 $1.000000000e+00, v28  }
0x9a: {  	v28 =	vmul.f32 v55, v23;
	v29 =	vsub.f32 $1.000000000e+00, v18;
	(erf) = vpow2.f32 v35  }
0x9b: {  	v61 =	vld [tilespmem:s30+$0x13D90];
	v24 =	vmul.f32 $1.442695020e+00, v24;
	v60 =	vadd.f32 $1.000000000e+00, v57;
	v18 =	vadd.f32 v37, v45  }
0x9c: {  	v63 =	vmul.f32 $1.595769170e+00, v22;
	v26 =	vmul.f32 $4.471499850e-02, v28;
	v29 =	vadd.f32 $1.000000000e+00, v29  }
0x9d: {  	v28 =	vadd.f32 v25, v9;
	(erf) = vpow2.f32 v24;
	v22 =	vadd.f32 $1.000000000e+00, v59  }
0x9e: {  	[tilespmem:s30+$0x1B5F0] =	vst v11;
	v11 =	vmul.f32 $5.000000000e-01, v18;
	v24 =	vadd.f32 v26, v23;
	v29 =	vmul.f32 v29, v15  }
0x9f: {  	[tilespmem:s30+$0x1B5D0] =	vst v62;
	v25 =	vmul.f32 $1.442695020e+00, v63;
	v31 =	vpop (erf);
	v23 =	vadd.f32 v30, v30;
	v15 =	vmul.f32 v60, v19  }
0xa0: {  	s0 =	simm.s32 $0x600;
	v19 =	vadd.f32 v31, v31;
	v30 =	vmul.f32 $1.595769170e+00, v24;
	v24 =	vld [tilespmem:s29+$0x13DA0];
	v29 =	vmul.f32 v29, v61;
	v26 =	vpop (erf)  }
.LBB2_3:
0xa1: {  	s3 =	sshra.s32 s0, $0x2;
	p0 =	sne.s32 s0, $0x9E00;
	s0 =	sadd.s32 $0x200, s0;
	v35 =	vmul.f32 v18, v18;
	v32 =	vld [tilespmem:s29+$0x13DE0];
	v14 =	vmul.f32 v22, v14;
	v33 =	vpop (erf)  }
0xa2: {  	v28 =	vmul.f32 $1.595769170e+00, v28;
	v34 =	vld [tilespmem:s3+$0x165F0];
	v30 =	vmul.f32 $1.442695020e+00, v30;
	v22 =	vsub.f32 $1.000000000e+00, v19;
	[tilespmem:s30+$0x1B590] =	vst v29;
	s30 =	smov.u32 s29;
	s29 =	smov.u32 s31;
	s31 =	smov.u32 s3  }
0xa3: {  	v26 =	vadd.f32 v26, v26;
	v29 =	vld [tilespmem:s31+$0x18DE0];
	v19 =	vmul.f32 v35, v18;
	v31 =	vpop (erf);
	(erf) = vrcp.f32 v20  }
0xa4: {  	v27 =	vmul.f32 $4.471499850e-02, v27;
	v20 =	vld [tilespmem:s31+$0x18DF0];
	(erf) = vpow2.f32 v21;
	v21 =	vsub.f32 $1.000000000e+00, v23  }
0xa5: {  	v35 =	vld [tilespmem:s31+$0x18D80];
	v36 =	vmul.f32 $4.471499850e-02, v19;
	(erf) = vpow2.f32 v30;
	v19 =	vsub.f32 $1.000000000e+00, v26  }
0xa6: {  	v16 =	vadd.f32 v27, v16;
	v26 =	vld [tilespmem:s31+$0x165C0];
	v23 =	vpop (erf);
	v21 =	vadd.f32 $1.000000000e+00, v21;
	(erf) = vpow2.f32 v17  }
0xa7: {  	v27 =	vmul.f32 $5.000000000e-01, v3;
	v3 =	vmovc v13;
	v17 =	vld [tilespmem:s31+$0x18DD0];
	v23 =	vadd.f32 $1.000000000e+00, v23;
	v30 =	vadd.f32 $1.000000000e+00, v19  }
0xa8: {  	v37 =	vmul.f32 $5.000000000e-01, v9;
	v9 =	vadd.f32 v33, v33;
	v13 =	vmul.f32 $1.595769170e+00, v16;
	v19 =	vld [tilespmem:s31+$0x18D90]  }
0xa9: {  	v32 =	vmul.f32 v14, v32;
	v16 =	vld [tilespmem:s31+$0x165E0];
	v20 =	vadd.f32 v20, v34;
	(erf) = vrcp.f32 v23  }
0xaa: {  	v39 =	vsub.f32 $1.000000000e+00, v9;
	v14 =	vmul.f32 $5.000000000e-01, v7;
	v34 =	vmul.f32 $1.442695020e+00, v13;
	v33 =	vld [tilespmem:s31+$0x18DA0]  }
0xab: {  	v40 =	vadd.f32 v36, v18;
	v23 =	vld [tilespmem:s31+$0x16590];
	v9 =	vmul.f32 v20, v20;
	v38 =	vmul.f32 $5.000000000e-01, v20;
	[tilespmem:s30+$0x1B5E0] =	vst v32  }
0xac: {  	v41 =	vmul.f32 $1.442695020e+00, v28;
	v18 =	vld [tilespmem:s31+$0x165A0];
	(erf) = vpow2.f32 v25;
	v25 =	vadd.f32 $1.000000000e+00, v39;
	v7 =	vpop (erf)  }
0xad: {  	v21 =	vmul.f32 v21, v5;
	v32 =	vld [tilespmem:s31+$0x18DC0];
	v9 =	vmul.f32 v9, v20;
	v36 =	vpop (erf);
	v42 =	vadd.f32 v7, v7  }
0xae: {  	v39 =	vld [tilespmem:s31+$0x165D0];
	v7 =	vadd.f32 v29, v16;
	v29 =	vmul.f32 $1.595769170e+00, v40;
	v13 =	vpop (erf);
	v16 =	vmul.f32 v25, v27  }
0xaf: {  	v25 =	vld [tilespmem:s31+$0x16580];
	v27 =	vmul.f32 $4.471499850e-02, v9;
	v9 =	vadd.f32 $1.000000000e+00, v13;
	(erf) = vpow2.f32 v41;
	v28 =	vpop (erf)  }
0xb0: {  	v5 =	vmovc v12;
	v41 =	vsub.f32 $1.000000000e+00, v42;
	v40 =	vmul.f32 v7, v7;
	v24 =	vmul.f32 v16, v24  }
0xb1: {  	v13 =	vadd.f32 v33, v18;
	v12 =	vld [tilespmem:s31+$0x18DB0];
	v18 =	vadd.f32 $1.000000000e+00, v36;
	(erf) = vrcp.f32 v9  }
0xb2: {  	v33 =	vld [tilespmem:s31+$0x165B0];
	v16 =	vadd.f32 v32, v26;
	v26 =	vmul.f32 v40, v7;
	v32 =	vpop (erf);
	(erf) = vpow2.f32 v34;
	[tilespmem:s30+$0x1B5A0] =	vst v24  }
0xb3: {  	v24 =	vmul.f32 v13, v13;
	v9 =	vadd.f32 v17, v39;
	(erf) = vrcp.f32 v18  }
0xb4: {  	v18 =	vadd.f32 v35, v25;
	v25 =	vmul.f32 $4.471499850e-02, v26;
	v26 =	vadd.f32 $1.000000000e+00, v28  }
0xb5: {  	v20 =	vadd.f32 v27, v20;
	v17 =	vmul.f32 $1.442695020e+00, v29;
	v28 =	vmul.f32 v9, v9;
	v27 =	vpop (erf);
	v29 =	vld [tilespmem:s30+$0x13D80]  }
0xb6: {  	v39 =	vmul.f32 v18, v18;
	v25 =	vadd.f32 v25, v7;
	v35 =	vld [tilespmem:s30+$0x13DC0];
	(erf) = vrcp.f32 v26  }
0xb7: {  	v36 =	vmul.f32 $1.595769170e+00, v20;
	v26 =	vmul.f32 v16, v16;
	v33 =	vadd.f32 v12, v33  }
0xb8: {  	v12 =	vmul.f32 $5.000000000e-01, v18;
	v20 =	vmul.f32 v39, v18;
	v34 =	vpop (erf);
	v39 =	vadd.f32 $1.000000000e+00, v41  }
0xb9: {  	v31 =	vadd.f32 $1.000000000e+00, v31;
	v30 =	vmul.f32 v30, v4;
	v4 =	vmovc v10;
	v25 =	vmul.f32 $1.595769170e+00, v25  }
0xba: {  	v40 =	vmul.f32 $4.471499850e-02, v20;
	v20 =	vadd.f32 $1.000000000e+00, v34;
	v10 =	vpop (erf);
	v29 =	vmul.f32 v21, v29  }
0xbb: {  	v21 =	vmul.f32 $1.442695020e+00, v25;
	v25 =	vadd.f32 v10, v10;
	v34 =	vpop (erf);
	v41 =	vld [tilespmem:s30+$0x13DB0];
	v30 =	vmul.f32 v30, v35  }
0xbc: {  	v35 =	vmul.f32 $5.000000000e-01, v33;
	v10 =	vmul.f32 $5.000000000e-01, v16;
	v34 =	vadd.f32 $1.000000000e+00, v34;
	v42 =	vpop (erf)  }
0xbd: {  	v28 =	vmul.f32 v28, v9;
	v18 =	vadd.f32 v40, v18;
	(erf) = vrcp.f32 v31;
	[tilespmem:s30+$0x1B580] =	vst v29  }
0xbe: {  	v22 =	vadd.f32 $1.000000000e+00, v22;
	v24 =	vmul.f32 v24, v13;
	v29 =	vmul.f32 v39, v6;
	v6 =	vmovc v37;
	[tilespmem:s30+$0x1B5C0] =	vst v30  }
0xbf: {  	v27 =	vadd.f32 $1.000000000e+00, v27;
	v18 =	vmul.f32 $1.595769170e+00, v18;
	(erf) = vrcp.f32 v34;
	v30 =	vld [tilespmem:s30+$0x13DF0];
	v31 =	vpop (erf)  }
0xc0: {  	v37 =	vadd.f32 v42, v42;
	v34 =	vmul.f32 v33, v33;
	v15 =	vmul.f32 v15, v41  }
0xc1: {  	v22 =	vmul.f32 v22, v0;
	v0 =	vmovc v2;
	v2 =	vmovc v38;
	v36 =	vmul.f32 $1.442695020e+00, v36;
	v25 =	vsub.f32 $1.000000000e+00, v25;
	v39 =	vld [tilespmem:s30+$0x13DD0]  }
0xc2: {  	v37 =	vsub.f32 $1.000000000e+00, v37;
	v38 =	vmul.f32 $1.442695020e+00, v18;
	v18 =	vadd.f32 v31, v31;
	[tilespmem:s30+$0x1B5B0] =	vst v15  }
0xc3: {  	v15 =	vmul.f32 $4.471499850e-02, v24;
	v24 =	vadd.f32 $1.000000000e+00, v25;
	(erf) = vrcp.f32 v27  }
0xc4: {  	v25 =	vmul.f32 v34, v33;
	v31 =	vsub.f32 $1.000000000e+00, v18;
	v22 =	vmul.f32 v22, v30  }
0xc5: {  	v28 =	vmul.f32 $4.471499850e-02, v28;
	v15 =	vadd.f32 v15, v13;
	(erf) = vpow2.f32 v36  }
0xc6: {  	v18 =	vadd.f32 v19, v23;
	v19 =	vmul.f32 $4.471499850e-02, v25;
	v34 =	vpop (erf);
	v36 =	vld [tilespmem:s30+$0x13D90];
	v23 =	vmul.f32 v29, v39;
	[tilespmem:s30+$0x1B5F0] =	vst v22  }
.Ltmp0:
0xc7: {  	v27 =	vmul.f32 v26, v16;
	v25 =	vadd.f32 $1.000000000e+00, v31;
	v15 =	vmul.f32 $1.595769170e+00, v15;
	(pc) =	sbr.rel @p0 .LBB2_3-.Ltmp0, $4  }
0xc8: {  	v28 =	vadd.f32 v28, v9;
	v22 =	vadd.f32 $1.000000000e+00, v37;
	(erf) = vpow2.f32 v38;
	v26 =	vpop (erf);
	[tilespmem:s30+$0x1B5D0] =	vst v23  }
0xc9: {  	v19 =	vadd.f32 v19, v33;
	v29 =	vmul.f32 v25, v1;
	v1 =	vmovc v11;
	v11 =	vmul.f32 $5.000000000e-01, v18  }
0xca: {  	v25 =	vmul.f32 $1.442695020e+00, v15;
	v23 =	vadd.f32 v32, v32;
	v15 =	vmul.f32 v24, v8;
	v8 =	vmovc v35  }
0xcb: {  	v30 =	vmul.f32 $1.595769170e+00, v19;
	v19 =	vadd.f32 v34, v34;
	v24 =	vld [tilespmem:s29+$0x13DA0];
	v29 =	vmul.f32 v29, v36  }
0xcc: {  	_ = 	snop  }
0xcd: {  	(erf) = vrcp.f32 v20;
	v30 =	vmul.f32 $1.442695020e+00, v30  }
0xce: {  	(erf) = vpow2.f32 v21  }
0xcf: {  	(erf) = vpow2.f32 v30;
	_ =	sdelay $0x3  }
0xd0: {  	v40 =	vpop (erf)  }
0xd1: {  	v41 =	vmul.f32 $4.471499850e-02, v27;
	v42 =	vpop (erf)  }
0xd2: {  	v28 =	vmul.f32 $1.595769170e+00, v28;
	v43 =	vpop (erf)  }
0xd3: {  	v16 =	vadd.f32 v41, v16;
	v21 =	vadd.f32 $1.000000000e+00, v43;
	v44 =	vpop (erf)  }
0xd4: {  	v46 =	vmul.f32 $1.442695020e+00, v28;
	(erf) = vpow2.f32 v17;
	v45 =	vpop (erf)  }
0xd5: {  	v16 =	vmul.f32 $1.595769170e+00, v16;
	(erf) = vrcp.f32 v21;
	v47 =	vpop (erf)  }
0xd6: {  	(erf) = vpow2.f32 v25;
	v48 =	vadd.f32 $1.000000000e+00, v47  }
0xd7: {  	v16 =	vmul.f32 $1.442695020e+00, v16;
	(erf) = vpow2.f32 v46  }
0xd8: {  	(erf) = vrcp.f32 v48  }
0xd9: {  	v20 =	vadd.f32 v40, v40;
	(erf) = vpow2.f32 v16;
	_ =	sdelay $0x1  }
0xda: {  	v20 =	vsub.f32 $1.000000000e+00, v20;
	_ =	sdelay $0x1  }
0xdb: {  	v3 =	vmul.f32 $5.000000000e-01, v3;
	v20 =	vadd.f32 $1.000000000e+00, v20;
	v51 =	vpop (erf)  }
0xdc: {  	v50 =	vmul.f32 v18, v18;
	v17 =	vadd.f32 $1.000000000e+00, v45;
	v53 =	vpop (erf)  }
0xdd: {  	v3 =	vmul.f32 v20, v3;
	v20 =	vadd.f32 $1.000000000e+00, v51;
	v55 =	vpop (erf)  }
0xde: {  	v16 =	vmul.f32 v50, v18;
	(erf) = vrcp.f32 v17;
	v57 =	vpop (erf)  }
0xdf: {  	v52 =	vadd.f32 v26, v26;
	v54 =	vsub.f32 $1.000000000e+00, v23;
	(erf) = vrcp.f32 v20;
	v59 =	vpop (erf)  }
0xe0: {  	v60 =	vadd.f32 $1.000000000e+00, v42;
	v3 =	vmul.f32 v3, v24;
	v16 =	vmul.f32 $4.471499850e-02, v16;
	v61 =	vpop (erf)  }
0xe1: {  	v49 =	vld [tilespmem:s29+$0x13DE0];
	[tilespmem:s30+$0x1B590] =	vst v29;
	v21 =	vsub.f32 $1.000000000e+00, v52;
	v62 =	vadd.f32 $1.000000000e+00, v61  }
0xe2: {  	v56 =	vld [tilespmem:s29+$0x13D80];
	[tilespmem:s29+$0x1B5A0] =	vst v3;
	(erf) = vrcp.f32 v60;
	v3 =	vadd.f32 $1.000000000e+00, v55;
	v23 =	vadd.f32 v16, v18  }
0xe3: {  	v14 =	vmul.f32 v22, v14;
	v22 =	vadd.f32 $1.000000000e+00, v54;
	v58 =	vld [tilespmem:s29+$0x13DC0];
	(erf) = vrcp.f32 v62  }
0xe4: {  	v21 =	vadd.f32 $1.000000000e+00, v21;
	(erf) = vrcp.f32 v3;
	v3 =	vmul.f32 $1.595769170e+00, v23  }
0xe5: {  	v5 =	vmul.f32 v22, v5;
	v31 =	vadd.f32 $1.000000000e+00, v57  }
0xe6: {  	v25 =	vadd.f32 v44, v44;
	v4 =	vmul.f32 v21, v4;
	v3 =	vmul.f32 $1.442695020e+00, v3  }
0xe7: {  	v27 =	vsub.f32 $1.000000000e+00, v19;
	v63 =	vld [tilespmem:s29+$0x13DB0];
	v5 =	vmul.f32 v5, v56;
	v32 =	vpop (erf);
	(erf) = vrcp.f32 v31  }
0xe8: {  	v29 =	vld [tilespmem:s29+$0x13DF0];
	v28 =	vsub.f32 $1.000000000e+00, v25;
	v4 =	vmul.f32 v4, v58;
	v33 =	vpop (erf);
	(erf) = vpow2.f32 v3  }
0xe9: {  	v30 =	vld [tilespmem:s29+$0x13DD0];
	[tilespmem:s29+$0x1B580] =	vst v5;
	v5 =	vadd.f32 $1.000000000e+00, v27  }
0xea: {  	[tilespmem:s29+$0x1B5C0] =	vst v4;
	v4 =	vadd.f32 $1.000000000e+00, v28  }
0xeb: {  	v14 =	vmul.f32 v14, v49;
	v0 =	vmul.f32 v5, v0;
	v34 =	vpop (erf);
	v35 =	vadd.f32 v33, v33  }
0xec: {  	v15 =	vmul.f32 v15, v63;
	v4 =	vmul.f32 v4, v6;
	v36 =	vpop (erf)  }
0xed: {  	[tilespmem:s29+$0x1B5E0] =	vst v14;
	v0 =	vmul.f32 v0, v29;
	v6 =	vsub.f32 $1.000000000e+00, v35;
	v39 =	vpop (erf)  }
0xee: {  	v38 =	vld [tilespmem:s29+$0x13D90];
	[tilespmem:s29+$0x1B5B0] =	vst v15;
	v4 =	vmul.f32 v4, v30;
	v40 =	vadd.f32 v39, v39  }
0xef: {  	[tilespmem:s29+$0x1B5F0] =	vst v0;
	v37 =	vadd.f32 v32, v32;
	v41 =	vadd.f32 $1.000000000e+00, v6  }
0xf0: {  	[tilespmem:s29+$0x1B5D0] =	vst v4;
	v45 =	vpop (erf);
	v0 =	vsub.f32 $1.000000000e+00, v40  }
0xf1: {  	v43 =	vld [tilespmem:s31+$0x13DA0];
	v3 =	vsub.f32 $1.000000000e+00, v37;
	v1 =	vmul.f32 v41, v1;
	v46 =	vpop (erf)  }
0xf2: {  	v44 =	vmul.f32 $5.000000000e-01, v13;
	v42 =	vld [tilespmem:s31+$0x13DE0];
	v0 =	vadd.f32 $1.000000000e+00, v0;
	v48 =	vadd.f32 $1.000000000e+00, v46  }
0xf3: {  	v7 =	vmul.f32 $5.000000000e-01, v7;
	v3 =	vadd.f32 $1.000000000e+00, v3;
	v1 =	vmul.f32 v1, v38  }
0xf4: {  	v49 =	vadd.f32 v36, v36;
	v0 =	vmul.f32 v0, v44;
	(erf) = vrcp.f32 v48  }
0xf5: {  	v47 =	vadd.f32 v53, v53;
	v3 =	vmul.f32 v3, v7  }
0xf6: {  	v53 =	vadd.f32 v59, v59;
	[tilespmem:s29+$0x1B590] =	vst v1;
	v51 =	vsub.f32 $1.000000000e+00, v49;
	v0 =	vmul.f32 v0, v43  }
0xf7: {  	v50 =	vsub.f32 $1.000000000e+00, v47;
	v3 =	vmul.f32 v3, v42;
	v54 =	vld [tilespmem:s31+$0x13DC0]  }
0xf8: {  	v4 =	vsub.f32 $1.000000000e+00, v53;
	v52 =	vld [tilespmem:s31+$0x13D80];
	[tilespmem:s31+$0x1B5A0] =	vst v0;
	v0 =	vadd.f32 $1.000000000e+00, v51  }
0xf9: {  	[tilespmem:s31+$0x1B5E0] =	vst v3;
	v3 =	vadd.f32 $1.000000000e+00, v50  }
0xfa: {  	v4 =	vadd.f32 $1.000000000e+00, v4;
	v0 =	vmul.f32 v0, v10  }
0xfb: {  	v57 =	vadd.f32 v34, v34;
	v3 =	vmul.f32 v3, v12  }
0xfc: {  	v56 =	vmul.f32 v4, v8;
	v0 =	vmul.f32 v0, v54  }
0xfd: {  	v4 =	vsub.f32 $1.000000000e+00, v57;
	v58 =	vadd.f32 v45, v45;
	v1 =	vmul.f32 v3, v52;
	v59 =	vpop (erf)  }
0xfe: {  	v60 =	vld [tilespmem:s31+$0x13DF0];
	[tilespmem:s31+$0x1B5C0] =	vst v0;
	v0 =	vadd.f32 v59, v59  }
0xff: {  	v4 =	vadd.f32 $1.000000000e+00, v4;
	v55 =	vld [tilespmem:s31+$0x13DB0];
	[tilespmem:s31+$0x1B580] =	vst v1;
	v1 =	vsub.f32 $1.000000000e+00, v58  }
0x100: {  	v61 =	vld [tilespmem:s31+$0x13DD0];
	v0 =	vsub.f32 $1.000000000e+00, v0  }
0x101: {  	v62 =	vmul.f32 $5.000000000e-01, v9;
	v2 =	vmul.f32 v4, v2;
	v63 =	vld [tilespmem:s31+$0x13D90];
	v1 =	vadd.f32 $1.000000000e+00, v1  }
0x102: {  	v0 =	vadd.f32 $1.000000000e+00, v0  }
0x103: {  	v2 =	vmul.f32 v2, v60;
	v1 =	vmul.f32 v1, v62  }
0x104: {  	v3 =	vmul.f32 v56, v55;
	v0 =	vmul.f32 v0, v11  }
0x105: {  	[tilespmem:s31+$0x1B5F0] =	vst v2;
	v1 =	vmul.f32 v1, v61  }
0x106: {  	s28 =	sadd.s32 $0x1, s28;
	[tilespmem:s31+$0x1B5B0] =	vst v3;
	v0 =	vmul.f32 v0, v63  }
0x107: {  	p0 =	sne.s32 s28, $0x7D;
	[tilespmem:s31+$0x1B5D0] =	vst v1  }
.Ltmp1:
0x108: {  	[tilespmem:s31+$0x1B590] =	vst v0;
	(pc) =	sbr.rel @p0 .LBB2_2-.Ltmp1, $4  }
0x109: {  	[spmem:s1] =	stream.indirect.scatter.add.f32 [tilespmem:s26], [sflag:$0x3], $0x80, s19, s21, $0xb8;
	[tilespmem:$0x1DD80] =	vst v63  }
0x10a: {  	_ =	swait.ge [sflag:s16], $0x2800  }
0x10b: {  	[sflag:s16] =	ssyncset.done $0x0  }
0x10c: {  	[sflag:s16] =	ssyncadd.s32 $0xFFFFD800  }
0x10d: {  	s2 =	sadd.s32 $0x1, s2  }
0x10e: {  	p0 =	sne.s32 s2, s14  }
.Ltmp2:
0x10f: {  	[bflag:$0x0] =	sbarrier.arrive $0xFFFF;
	(pc) =	sbr.rel @p0 .LBB2_1-.Ltmp2, $4  }
0x110: {  	[hbm:s13], [sflag:s11] =	dma.local [spmem:s15], $0x2780  }
0x111: {  	_ =	swait.ge [sflag:s16], $0x2780  }
0x112: {  	[sflag:s16] =	ssyncset.done $0x0  }
0x113: {  	[sflag:s16] =	ssyncadd.s32 $0xFFFFD880  }
0x114: {  	_ =	sfence.sel $0x180000  }
0x115: {  	[bflag:$0x0] =	sbarrier.arrive $0xFFFF  }
0x116: {  	_ =	strace $0x9000004D  }
0x117: {  	s0 =	stileid.u32;
	[bflag:$0x2] =	sbarrier.arrive $0xFFFF  }
0x118: {  	p0 =	sne.s32 s0, $0x0;
	s0 =	rddreg [dreg:$0x2]  }
0x119: {  	s0 =	sadd.s32 @!p0 $0x100000, s0  }
0x11a: {  	[sflag:s0] =	ssyncadd.tile.s32 @!p0 $0x1;
	_ =	shalt  }
.Lfunc_end2:
_tile_overlayer_lowered:
.L_overlay_start_2:
0x11b: {  	(tag) =	ssettag $0x2  }
0x11c: {  	s0 =	rddreg [dreg:$0x0];
	s2 =	stileid.u32  }
0x11d: {  	s1 =	rddreg [dreg:$0x1];
	p0 =	sne.s32 s2, $0x0  }
0x11e: {  	s3 =	rddreg [dreg:$0x2];
	[bflag:$0x3] =	sbarrier.arrive $0xFFFF;
	s2 =	simm.s32 @!p0 $0x1C03  }
0x11f: {  	[timem:s3], [sflag:s2] =	dma.local @!p0 [hbm:s0], s1  }
0x120: {  	s0 =	simm.s32 @!p0 $0x3  }
0x121: {  	_ =	swait.ge @!p0 [sflag:s0], s1  }
0x122: {  	s1 =	ssub.s32 @!p0 $0x0, s1;
	[sflag:s0] =	ssyncset.done @!p0 $0x0  }
0x123: {  	[sflag:s0] =	ssyncadd.s32 @!p0 s1  }
0x124: {  	[bflag:$0x3] =	sbarrier.arrive $0xFFFF  }
0x125: {  	_ =	shalt  }

// kernel: kernel.23.cloned.1.call-start
scs
__scs_entry_jumppad:
0x0: {  	(pc) =	sbr.rel $0x88, $3  }
0x1: {  	(tag) =	ssettag $0x0;
	lr =	simm.s32 $0x1  }
0x2: {  	[smem:$0x3F87] =	sst lr;
	_ =	strace $0xD0000000  }
0x3: {  	_ = 	snop  }
0x4: {  	_ = 	snop  }
0x5: {  	_ = 	snop  }
0x6: {  	_ = 	snop  }
0x7: {  	_ = 	snop  }
__scs_overlays_trampoline_lowered:
0x8: {  	[smem:$0x3F96] =	sst s0  }
0x9: {  	[smem:$0x3F97] =	sst s1  }
0xa: {  	[smem:$0x3F98] =	sst s2  }
0xb: {  	[smem:$0x3F99] =	sst s3  }
0xc: {  	[smem:$0x3F9A] =	sst s4  }
0xd: {  	[smem:$0x3F9B] =	sst s5  }
0xe: {  	[smem:$0x3F9C] =	sst s6  }
0xf: {  	[smem:$0x3F9D] =	sst s7  }
0x10: {  	[smem:$0x3F9E] =	sst s8  }
0x11: {  	[smem:$0x3F9F] =	sst s9;
	s0 =	simm.s32 @!p0 $0x0  }
0x12: {  	s1 =	sld [smem:$0x3F85];
	s0 =	simm.s32 @p0 $0x1  }
0x13: {  	[smem:$0x3FA0] =	sst s0;
	s0 =	simm.s32 @!p1 $0x0  }
0x14: {  	s2 =	sld [smem:$0x3F84];
	s0 =	simm.s32 @p1 $0x1  }
0x15: {  	[smem:$0x3FA1] =	sst s0;
	s0 =	simm.s32 @!p2 $0x0  }
0x16: {  	s3 =	sld [smem:$0x3FDB];
	s0 =	simm.s32 @p2 $0x1  }
0x17: {  	s4 =	simm.s32 $0x1BF5;
	[smem:$0x3FA3] =	sst s0  }
0x18: {  	s0 =	sld [smem:$0x3F86];
	_ =	swait.ge [sflag:s4], $0x0  }
0x19: {  	s7 =	sld [smem:$0x3F87]  }
0x1a: {  	s8 =	sadd.s32 $0xFFFFE003, lr  }
0x1b: {  	s9 =	sadd.s32 $0xFFFFFEF7, lr;
	s5 =	simm.s32 $0xFFFFFFFF;
	p2 =	slt.u32 s8, $0xFFFFF086  }
0x1c: {  	p1 =	slt.u32 s9, $0xF7A;
	s5 =	simm.s32 @!p2 $0x0  }
0x1d: {  	s5 =	simm.s32 @p1 $0x1;
	p0 =	seq.s32 s7, s2  }
0x1e: {  	s7 =	smul.u32 @!p0 $0xF7A, s2;
	p2 =	seq.s32 @!p0 s5, $0x0  }
0x1f: {  	s9 =	smul.u32 $0xF7A, s1;
	s8 =	simm.s32 @!p0 $0x1BF5;
	p2 =	por !p2, p0  }
0x20: {  	[sflag:s8] =	ssyncset.s32 @!p0 $0xFFFFF086;
	s6 =	sadd.s32 @!p0 s3, s7;
	s7 =	simm.s32 @!p0 $0x108  }
0x21: {  	s3 =	sadd.s32 s3, s9;
	s6 =	sadd.s32 @!p0 $0x88, s6;
	s7 =	simm.s32 @p2 $0x1082  }
0x22: {  	[simem:s7], [sflag:s8] =	dma.local @!p0 [hbm:s6], $0xF7A  }
0x23: {  	s9 =	sor.u32 $0xD0000000, s2;
	s6 =	simm.s32 $0x108;
	_ =	swait.ge @!p0 [sflag:s8], $0x0  }
0x24: {  	s3 =	sadd.s32 $0x88, s3;
	s6 =	simm.s32 @!p1 $0x1082;
	[sflag:s4] =	ssyncset.s32 $0xFFFFF086  }
0x25: {  	[simem:s6], [sflag:s4] =	dma.local [hbm:s3], $0xF7A  }
0x26: {  	[smem:$0x3F87] =	sst s1;
	(tag) =	ssettag s2;
	_ =	strace s9  }
0x27: {  	s1 =	sld [smem:$0x3F97]  }
0x28: {  	s2 =	sld [smem:$0x3F98]  }
0x29: {  	s4 =	sld [smem:$0x3F9A]  }
0x2a: {  	p0 =	seq.s32 s5, $0x0;
	s5 =	sld [smem:$0x3F9B]  }
0x2b: {  	s6 =	sld [smem:$0x3F9C]  }
0x2c: {  	s7 =	sld [smem:$0x3F9D]  }
0x2d: {  	s3 =	simm.s32 $0x108;
	s8 =	sld [smem:$0x3F9E]  }
0x2e: {  	s3 =	simm.s32 @!p0 $0x1082;
	s9 =	sld [smem:$0x3F9F]  }
0x2f: {  	lr =	sadd.s32 s0, s3;
	s0 =	sld [smem:$0x3F96]  }
0x30: {  	s3 =	sld [smem:$0x3F99]  }
0x31: {  	[smem:$0x3FA2] =	sst s10  }
0x32: {  	s10 =	sld [smem:$0x3FA0];
	_ =	sdelay $0x3  }
0x33: {  	p0 =	seq.s32 s10, $0x1;
	s10 =	sld [smem:$0x3FA2];
	_ =	sdelay $0x3  }
0x34: {  	[smem:$0x3FA2] =	sst s10  }
0x35: {  	s10 =	sld [smem:$0x3FA1];
	_ =	sdelay $0x3  }
0x36: {  	p1 =	seq.s32 s10, $0x1;
	s10 =	sld [smem:$0x3FA2];
	_ =	sdelay $0x3  }
0x37: {  	[smem:$0x3FA2] =	sst s10  }
0x38: {  	s10 =	sld [smem:$0x3FA3]  }
0x39: {  	_ = 	snop;
	(pc) =	sbr.ind lr, $3  }
0x3a: {  	_ = 	snop  }
0x3b: {  	_ = 	snop  }
0x3c: {  	p2 =	seq.s32 s10, $0x1;
	s10 =	sld [smem:$0x3FA2]  }
0x3d: {  	_ =	shalt  }
0x3e: {  	_ =	shalt  }
0x3f: {  	_ =	shalt  }
0x40: {  	_ =	shalt  }
0x41: {  	_ =	shalt  }
0x42: {  	_ =	shalt  }
0x43: {  	_ =	shalt  }
0x44: {  	_ =	shalt  }
0x45: {  	_ =	shalt  }
0x46: {  	_ =	shalt  }
0x47: {  	_ =	shalt  }
0x48: {  	_ =	shalt  }
0x49: {  	_ =	shalt  }
0x4a: {  	_ =	shalt  }
0x4b: {  	_ =	shalt  }
0x4c: {  	_ =	shalt  }
0x4d: {  	_ =	shalt  }
0x4e: {  	_ =	shalt  }
0x4f: {  	_ =	shalt  }
0x50: {  	_ =	shalt  }
0x51: {  	_ =	shalt  }
0x52: {  	_ =	shalt  }
0x53: {  	_ =	shalt  }
0x54: {  	_ =	shalt  }
0x55: {  	_ =	shalt  }
0x56: {  	_ =	shalt  }
0x57: {  	_ =	shalt  }
0x58: {  	_ =	shalt  }
0x59: {  	_ =	shalt  }
0x5a: {  	_ =	shalt  }
0x5b: {  	_ =	shalt  }
0x5c: {  	_ =	shalt  }
0x5d: {  	_ =	shalt  }
0x5e: {  	_ =	shalt  }
0x5f: {  	_ =	shalt  }
0x60: {  	_ =	shalt  }
0x61: {  	_ =	shalt  }
0x62: {  	_ =	shalt  }
0x63: {  	_ =	shalt  }
0x64: {  	_ =	shalt  }
0x65: {  	_ =	shalt  }
0x66: {  	_ =	shalt  }
0x67: {  	_ =	shalt  }
0x68: {  	_ =	shalt  }
0x69: {  	_ =	shalt  }
0x6a: {  	_ =	shalt  }
0x6b: {  	_ =	shalt  }
0x6c: {  	_ =	shalt  }
0x6d: {  	_ =	shalt  }
0x6e: {  	_ =	shalt  }
0x6f: {  	_ =	shalt  }
0x70: {  	_ =	shalt  }
0x71: {  	_ =	shalt  }
0x72: {  	_ =	shalt  }
0x73: {  	_ =	shalt  }
0x74: {  	_ =	shalt  }
0x75: {  	_ =	shalt  }
0x76: {  	_ =	shalt  }
0x77: {  	_ =	shalt  }
0x78: {  	_ =	shalt  }
0x79: {  	_ =	shalt  }
0x7a: {  	_ =	shalt  }
0x7b: {  	_ =	shalt  }
0x7c: {  	_ =	shalt  }
0x7d: {  	_ =	shalt  }
0x7e: {  	_ =	shalt  }
0x7f: {  	_ =	shalt  }
0x80: {  	_ =	shalt  }
0x81: {  	_ =	shalt  }
0x82: {  	_ =	shalt  }
0x83: {  	_ =	shalt  }
0x84: {  	_ =	shalt  }
0x85: {  	_ =	shalt  }
0x86: {  	_ =	shalt  }
0x87: {  	_ =	shalt  }
.Lfunc_end0:
.L_simem_size_0:
called_computation.3_lowered:
.L_overlay_start_0:
0x88: {  	s2 =	sld [smem:$0x3FD9]  }
0x89: {  	s3 =	sld [smem:$0x3FFE];
	_ =	sdelay $0x1  }
0x8a: {  	s1 =	srdreg.scid  }
0x8b: {  	s0 =	sand.u32 $0x1, s1  }
0x8c: {  	s16 =	sshll.u32 s0, $0xA;
	s2 =	sadd.s32 s3, s2  }
0x8d: {  	s2 =	sadd.s32 s2, s16  }
0x8e: {  	[smem:$0x3FAE] =	sst s2  }
0x8f: {  	_ = 	snop  }
0x90: {  	(tm) =	ssettm $0x1  }
0x91: {  	s17 =	sld [smem:$0x3FFB];
	_ =	sdelay $0x3  }
0x92: {  	_ =	strace s17  }
0x93: {  	s2 =	sld [smem:$0x3FFC];
	_ =	sdelay $0x3  }
0x94: {  	_ =	strace s2  }
0x95: {  	s2 =	sld [smem:$0x3FFD];
	_ =	sdelay $0x3  }
0x96: {  	_ =	strace s2  }
0x97: {  	_ =	strace $0x8FFFFFFF  }
0x98: {  	s18 =	sld [smem:$0x3FDB];
	_ =	sdelay $0x1  }
0x99: {  	s19 =	simm.s32 $_scs_section_size  }
0x9a: {  	s4 =	simm.s32 $_size__tile_overlayer_lowered;
	s5 =	simm.s32 $_tile_overlayer_lowered  }
0x9b: {  	s22 =	simm.s32 $0x1BFF;
	s21 =	sshll.u32 s5, $0x1;
	s2 =	sadd.s32 s19, s18  }
0x9c: {  	s6 =	simm.s32 $0x0;
	s20 =	sshll.u32 s4, $0x1;
	s4 =	sadd.s32 s21, s2  }
0x9d: {  	[timem:s6], [sflag:s22] =	dma.local [hbm:s4], s20  }
0x9e: {  	_ =	swait.ge [sflag:s22], s20  }
0x9f: {  	s3 =	ssub.s32 $0x0, s20;
	[sflag:s22] =	ssyncset.done $0x0  }
0xa0: {  	[sflag:s22] =	ssyncadd.s32 s3;
	_ =	sdelay $0x1  }
0xa1: {  	s23 =	simm.s32 $0x1B8B  }
0xa2: {  	_ =	swait.ge [sflag:s23], $0x1  }
0xa3: {  	[sflag:s23] =	ssyncset.done $0x0  }
0xa4: {  	s25 =	simm.s32 $0x1B8E;
	s24 =	sld [smem:$0x3FFE];
	[sflag:s23] =	ssyncadd.s32 $0xFFFFFFFF  }
0xa5: {  	s26 =	simm.s32 $execute0_lowered;
	[smem:$0x3FD2] =	sst s25  }
0xa6: {  	s4 =	sshll.u32 s26, $0x1;
	_ =	strace $0x8000004F;
	[dreg:$0x1] =	wrdreg $0xFFFFFFFF  }
0xa7: {  	s28 =	simm.s32 $_size_execute0_lowered;
	s2 =	sadd.s32 s2, s4;
	[dreg:$0x0] =	wrdreg $0x0  }
0xa8: {  	s4 =	sshll.u32 s28, $0x1;
	[dreg:$0x2] =	wrdreg s2  }
0xa9: {  	[dreg:$0x3] =	wrdreg s4  }
0xaa: {  	[dreg:$0x4] =	wrdreg $0xC0  }
0xab: {  	_ =	task [dreg:s6], $0x5FFFF  }
0xac: {  	[dreg:$0x1] =	wrdreg $0xFFFFFFFF  }
0xad: {  	[dreg:$0x0] =	wrdreg $0x60  }
0xae: {  	[dreg:$0x2] =	wrdreg s24  }
0xaf: {  	[dreg:$0x3] =	wrdreg $0x0  }
0xb0: {  	[dreg:$0x4] =	wrdreg $0x9  }
0xb1: {  	_ =	task.clear_ibuf [dreg:s6], $0x5FFFF;
	_ =	strace $0x9000004F  }
0xb2: {  	s29 =	simm.s32 $0x9;
	_ =	strace $0x80000051  }
0xb3: {  	_ =	swait.ge [sflag:s29], $0x1  }
0xb4: {  	[sflag:s29] =	ssyncadd.s32 $0xFFFFFFFF  }
0xb5: {  	_ =	strace $0x90000051  }
0xb6: {  	_ =	sfence  }
0xb7: {  	s30 =	sld [smem:$0x0];
	_ =	sdelay $0x2  }
0xb8: {  	s31 =	sshll.u32 s1, $0xD;
	s1 =	sshrl.u32 s1, $0x2  }
0xb9: {  	s3 =	sand.u32 $0x4000, s31;
	s1 =	sadd.s32 s1, s30  }
0xba: {  	s0 =	sor.u32 s3, s0;
	s1 =	sshll.u32 s1, $0x11  }
0xbb: {  	s0 =	sor.u32 s1, s0  }
0xbc: {  	s0 =	sadd.s32 $0x8F2B, s0  }
0xbd: {  	[sflag:s0] =	ssyncadd.remote.s32 $0x1  }
0xbe: {  	_ =	sfence.sel $0xFFFF  }
0xbf: {  	[dreg:$0x0] =	wrdreg $0xFFFFFFFF;
	(pc) =	sbr.abs _section_cstart, $3  }
0xc0: {  	[dreg:$0x1] =	wrdreg $0xFFFFFFFF  }
0xc1: {  	_ =	task.clear_ibuf [dreg:s6], $0x2FFFF;
	_ =	strace $0x9FFFFFFF  }
0xc2: {  	(tm) =	ssettm $0x7FFFFFFF  }
0xc3: {  	_ =	shalt  }
tec
execute0_lowered:
.L_overlay_start_1:
0x0: {  	(tag) =	ssettag $0x1  }
0x1: {  	s0 =	rddreg [dreg:$0x0]  }
0x2: {  	s1 =	rddreg [dreg:$0x1];
	s2 =	simm.s32 $0x0  }
0x3: {  	s3 =	stileid.u32;
	s7 =	srdreg.scid;
	s18 =	simm.s32 $0x13C80  }
0x4: {  	s19 =	simm.s32 $0x13D00;
	s20 =	simm.s32 $0x13D80;
	s21 =	simm.s32 $0x50  }
0x5: {  	s22 =	simm.s32 $0x16580;
	s23 =	simm.s32 $0x18D80;
	s24 =	simm.s32 $0x1  }
0x6: {  	s25 =	simm.s32 $0x2;
	[smem:$0x7FF] =	sst s2;
	s5 =	sadd.s32 $0x9E4400, s0  }
0x7: {  	s4 =	sadd.s32 $0x31400, s0;
	s6 =	sadd.s32 $0xEC3800, s0;
	s10 =	smul.u32 $0x2780, s3  }
0x8: {  	s11 =	sand.u32 $0x1, s7;
	s7 =	sadd.s32 $0x9CDC00, s0;
	s8 =	sadd.s32 $0x80400, s0  }
0x9: {  	s9 =	sadd.s32 $0x9D7A00, s0;
	s14 =	smul.u32 $0x4F000, s3;
	s29 =	sshll.u32 s3, $0x6  }
0xa: {  	_ =	strace $0x80000050;
	s12 =	smul.u32 $0x27800, s11;
	s13 =	ssub.s32 $0x2, s11  }
0xb: {  	s30 =	sshll.u32 s11, $0x4;
	s11 =	sor.u32 $0x1C03, s29;
	s15 =	sadd.s32 s10, s0  }
0xc: {  	s26 =	sshrl.u32 s13, $0x1;
	s28 =	sshrl.u32 s14, $0x2;
	s31 =	sor.u32 s3, s30  }
0xd: {  	s10 =	sadd.s32 s10, s12;
	s16 =	ssub.s32 s13, s26;
	s17 =	sadd.s32 s28, s1  }
0xe: {  	s12 =	smul.u32 $0x2710, s31;
	s26 =	simm.s32 $0x1B580;
	s0 =	sadd.s32 s10, s0  }
0xf: {  	s10 =	sadd.s32 $0x9C00, s15;
	s14 =	smax.u32 s16, $0x1;
	s15 =	sshrl.u32 s17, $0x3  }
0x10: {  	s16 =	simm.s32 $0x3;
	s17 =	simm.s32 $0x13C00;
	s13 =	sadd.s32 $0xA0C600, s0  }
.LBB2_1:
0x11: {  	[spmem:s15], [sflag:s11] =	dma.local [hbm:s10], $0x2780  }
0x12: {  	_ =	swait.ge [sflag:s16], $0x2780  }
0x13: {  	[sflag:s16] =	ssyncset.done $0x0  }
0x14: {  	[sflag:s16] =	ssyncadd.s32 $0xFFFFD880  }
0x15: {  	s28 =	simm.s32 $0x0;
	[bflag:$0x0] =	sbarrier.arrive $0xFFFF  }
.LBB2_2:
0x16: {  	s0 =	smul.u32 $0x50, s28;
	_ =	sdelay $0x1  }
0x17: {  	s0 =	sadd.s32 s12, s0  }
0x18: {  	s29 =	sshrl.u32 s0, $0x3  }
0x19: {  	s31 =	simm.s32 $0x0;
	s30 =	sadd.s32 s7, s29  }
0x1a: {  	[tilespmem:s17], [sflag:$0x3] =	stream.linear.gather [hbm4b:s30+s31], $0x50, $0x38;
	[tilespmem:$0x1DD80] =	vst v63  }
0x1b: {  	_ =	swait.ge [sflag:s16], $0x50  }
0x1c: {  	[sflag:s16] =	ssyncset.done $0x0  }
0x1d: {  	s30 =	sadd.s32 s8, s29;
	[sflag:s16] =	ssyncadd.s32 $0xFFFFFFB0  }
0x1e: {  	[tilespmem:s18], [sflag:$0x3] =	stream.linear.gather [hbm4b:s30+s31], $0x50, $0x38;
	[tilespmem:$0x1DD80] =	vst v63  }
0x1f: {  	_ =	swait.ge [sflag:s16], $0x50  }
0x20: {  	[sflag:s16] =	ssyncset.done $0x0  }
0x21: {  	s29 =	sadd.s32 s9, s29;
	[sflag:s16] =	ssyncadd.s32 $0xFFFFFFB0  }
0x22: {  	[tilespmem:s19], [sflag:$0x3] =	stream.linear.gather [hbm4b:s29+s31], $0x50, $0x38;
	[tilespmem:$0x1DD80] =	vst v63  }
0x23: {  	_ =	swait.ge [sflag:s16], $0x50  }
0x24: {  	s0 =	sshll.u32 s0, $0x4;
	[sflag:s16] =	ssyncset.done $0x0  }
0x25: {  	s0 =	sadd.s32 s6, s0;
	[sflag:s16] =	ssyncadd.s32 $0xFFFFFFB0  }
0x26: {  	[tilespmem:s20], [sflag:$0x3] =	stream.linear.gather [hbm4b:s0+s31], $0x2800, $0x38;
	[tilespmem:$0x1DD80] =	vst v63  }
0x27: {  	_ =	swait.ge [sflag:s16], $0x2800  }
0x28: {  	[sflag:s16] =	ssyncset.done $0x0  }
0x29: {  	[sflag:s16] =	ssyncadd.s32 $0xFFFFD800  }
0x2a: {  	[tilespmem:s22], [sflag:$0x1] =	stream.indirect.gather [hbm4b:s4+s21], $0x80, s17, s21, $0xb8;
	[tilespmem:$0x1DD80] =	vst v63  }
0x2b: {  	_ = 	snop  }
0x2c: {  	[tilespmem:s23], [sflag:$0x2] =	stream.indirect.gather [hbm4b:s5+s21], $0x80, s18, s21, $0xb8;
	[tilespmem:$0x1DD80] =	vst v63  }
0x2d: {  	_ =	swait.ge [sflag:s24], $0x2800  }
0x2e: {  	[sflag:s24] =	ssyncset.done $0x0  }
0x2f: {  	[sflag:s24] =	ssyncadd.s32 $0xFFFFD800  }
0x30: {  	_ =	swait.ge [sflag:s25], $0x2800  }
0x31: {  	[sflag:s25] =	ssyncset.done $0x0  }
0x32: {  	s30 =	simm.s32 $0x0;
	[sflag:s25] =	ssyncadd.s32 $0xFFFFD800  }
0x33: {  	v0 =	vld [tilespmem:s30+$0x165F0]  }
0x34: {  	v1 =	vld [tilespmem:s30+$0x18DE0]  }
0x35: {  	v2 =	vld [tilespmem:s30+$0x18DF0]  }
0x36: {  	v3 =	vld [tilespmem:s30+$0x18D80]  }
0x37: {  	v4 =	vld [tilespmem:s30+$0x165C0]  }
0x38: {  	v5 =	vld [tilespmem:s30+$0x18DD0]  }
0x39: {  	v6 =	vld [tilespmem:s30+$0x165E0]  }
0x3a: {  	v7 =	vld [tilespmem:s30+$0x16580]  }
0x3b: {  	v9 =	vld [tilespmem:s30+$0x165D0]  }
0x3c: {  	v8 =	vld [tilespmem:s30+$0x18DA0]  }
0x3d: {  	v12 =	vld [tilespmem:s30+$0x18DB0]  }
0x3e: {  	v0 =	vadd.f32 v2, v0;
	v2 =	vld [tilespmem:s30+$0x165A0];
	v1 =	vadd.f32 v1, v6  }
0x3f: {  	v6 =	vld [tilespmem:s30+$0x165B0];
	v3 =	vadd.f32 v3, v7  }
0x40: {  	v7 =	vld [tilespmem:s30+$0x18DC0];
	v5 =	vadd.f32 v5, v9;
	v10 =	vmul.f32 v0, v0;
	v13 =	vmul.f32 v1, v1  }
0x41: {  	v14 =	vmul.f32 v3, v3;
	v11 =	vmul.f32 $5.000000000e-01, v0  }
0x42: {  	v9 =	vmul.f32 v5, v5;
	v10 =	vmul.f32 v10, v0  }
0x43: {  	v2 =	vadd.f32 v8, v2;
	v8 =	vmul.f32 v13, v1;
	v13 =	vmul.f32 v14, v3  }
0x44: {  	v23 =	vmul.f32 $5.000000000e-01, v1;
	v6 =	vadd.f32 v12, v6;
	v10 =	vmul.f32 $4.471499850e-02, v10  }
0x45: {  	v4 =	vadd.f32 v7, v4;
	v7 =	vmul.f32 $4.471499850e-02, v8;
	v8 =	vmul.f32 $4.471499850e-02, v13  }
0x46: {  	v9 =	vmul.f32 v9, v5;
	v0 =	vadd.f32 v10, v0;
	v10 =	vmul.f32 v6, v6  }
0x47: {  	v12 =	vmul.f32 v4, v4;
	v7 =	vadd.f32 v7, v1;
	v8 =	vadd.f32 v8, v3  }
0x48: {  	v0 =	vmul.f32 $1.595769170e+00, v0;
	v10 =	vmul.f32 v10, v6  }
0x49: {  	v13 =	vmul.f32 $1.595769170e+00, v7;
	v8 =	vmul.f32 $1.595769170e+00, v8  }
0x4a: {  	v0 =	vmul.f32 $1.442695020e+00, v0;
	v10 =	vmul.f32 $4.471499850e-02, v10  }
0x4b: {  	v7 =	vmul.f32 $5.000000000e-01, v3;
	v3 =	vmul.f32 $1.442695020e+00, v8  }
0x4c: {  	v15 =	vld [tilespmem:s30+$0x18D90];
	v12 =	vmul.f32 v12, v4;
	(erf) = vpow2.f32 v0;
	v0 =	vadd.f32 v10, v6  }
0x4d: {  	v14 =	vmul.f32 v2, v2;
	v10 =	vld [tilespmem:s30+$0x16590];
	(erf) = vpow2.f32 v3  }
0x4e: {  	v12 =	vmul.f32 $4.471499850e-02, v12;
	v0 =	vmul.f32 $1.595769170e+00, v0  }
0x4f: {  	s29 =	simm.s32 $0x80;
	v13 =	vmul.f32 $1.442695020e+00, v13;
	v3 =	vmul.f32 v14, v2  }
0x50: {  	v16 =	vld [tilespmem:s29+$0x18DE0];
	v8 =	vmul.f32 $5.000000000e-01, v4;
	v0 =	vmul.f32 $1.442695020e+00, v0  }
0x51: {  	v4 =	vadd.f32 v12, v4;
	(erf) = vpow2.f32 v13;
	v13 =	vld [tilespmem:s29+$0x165F0];
	v3 =	vmul.f32 $4.471499850e-02, v3  }
0x52: {  	v10 =	vadd.f32 v15, v10;
	(erf) = vpow2.f32 v0;
	v0 =	vmul.f32 $4.471499850e-02, v9;
	v9 =	vld [tilespmem:s29+$0x18DF0]  }
0x53: {  	v20 =	vld [tilespmem:s29+$0x165E0];
	v35 =	vmul.f32 $5.000000000e-01, v2;
	v4 =	vmul.f32 $1.595769170e+00, v4;
	v3 =	vadd.f32 v3, v2  }
0x54: {  	v21 =	vld [tilespmem:s29+$0x18DD0];
	v6 =	vmul.f32 $5.000000000e-01, v6;
	v14 =	vmul.f32 v10, v10;
	v0 =	vadd.f32 v0, v5  }
0x55: {  	v22 =	vld [tilespmem:s29+$0x165A0];
	v4 =	vmul.f32 $1.442695020e+00, v4;
	v3 =	vmul.f32 $1.595769170e+00, v3;
	v17 =	vpop (erf)  }
0x56: {  	v25 =	vld [tilespmem:s29+$0x165D0];
	v12 =	vmul.f32 v14, v10;
	v18 =	vpop (erf);
	v19 =	vmul.f32 $1.595769170e+00, v0  }
0x57: {  	v14 =	vld [tilespmem:s29+$0x18D80];
	v0 =	vadd.f32 $1.000000000e+00, v18;
	v18 =	vmul.f32 $5.000000000e-01, v5;
	v5 =	vadd.f32 v9, v13  }
0x58: {  	v15 =	vmul.f32 $5.000000000e-01, v10;
	v3 =	vmul.f32 $1.442695020e+00, v3;
	v13 =	vld [tilespmem:s29+$0x18DA0]  }
0x59: {  	v12 =	vmul.f32 $4.471499850e-02, v12;
	v9 =	vadd.f32 v16, v20;
	v16 =	vld [tilespmem:s29+$0x16580];
	v1 =	vmul.f32 v5, v5  }
0x5a: {  	v20 =	vld [tilespmem:s29+$0x165C0];
	v19 =	vmul.f32 $1.442695020e+00, v19;
	(erf) = vrcp.f32 v0  }
0x5b: {  	v24 =	vpop (erf);
	v10 =	vadd.f32 v12, v10;
	v12 =	vld [tilespmem:s29+$0x18DC0];
	(erf) = vpow2.f32 v3;
	v1 =	vmul.f32 v1, v5  }
0x5c: {  	v26 =	vpop (erf);
	(erf) = vpow2.f32 v19;
	v19 =	vmul.f32 v9, v9  }
0x5d: {  	v0 =	vmul.f32 $5.000000000e-01, v5;
	v10 =	vmul.f32 $1.595769170e+00, v10;
	v3 =	vadd.f32 $1.000000000e+00, v26  }
0x5e: {  	v21 =	vadd.f32 v21, v25;
	v1 =	vmul.f32 $4.471499850e-02, v1;
	v19 =	vmul.f32 v19, v9  }
0x5f: {  	v14 =	vadd.f32 v14, v16;
	v10 =	vmul.f32 $1.442695020e+00, v10;
	(erf) = vrcp.f32 v3  }
0x60: {  	v3 =	vadd.f32 v13, v22;
	v12 =	vadd.f32 v12, v20;
	v20 =	vmul.f32 v21, v21  }
0x61: {  	v22 =	vadd.f32 $1.000000000e+00, v24;
	(erf) = vpow2.f32 v4;
	v16 =	vmul.f32 $4.471499850e-02, v19  }
0x62: {  	v17 =	vadd.f32 $1.000000000e+00, v17;
	v13 =	vld [tilespmem:s29+$0x18DB0];
	v19 =	vmul.f32 v14, v14;
	v24 =	vmul.f32 v3, v3  }
0x63: {  	v4 =	vld [tilespmem:s29+$0x165B0];
	v1 =	vadd.f32 v1, v5;
	(erf) = vrcp.f32 v22;
	v22 =	vmul.f32 v12, v12  }
0x64: {  	v20 =	vmul.f32 v20, v21;
	v19 =	vmul.f32 v19, v14  }
0x65: {  	v5 =	vadd.f32 v16, v9;
	v1 =	vmul.f32 $1.595769170e+00, v1;
	v25 =	vpop (erf);
	(erf) = vrcp.f32 v17  }
0x66: {  	v24 =	vmul.f32 v24, v3;
	v20 =	vmul.f32 $4.471499850e-02, v20  }
0x67: {  	v26 =	vmul.f32 $1.595769170e+00, v5;
	v5 =	vmul.f32 $5.000000000e-01, v14  }
0x68: {  	v16 =	vpop (erf);
	v27 =	vmul.f32 $4.471499850e-02, v19;
	v25 =	vadd.f32 v25, v25;
	v13 =	vadd.f32 v13, v4  }
0x69: {  	v1 =	vmul.f32 $1.442695020e+00, v1;
	v4 =	vpop (erf);
	v16 =	vadd.f32 $1.000000000e+00, v16;
	v20 =	vadd.f32 v20, v21  }
0x6a: {  	v24 =	vmul.f32 $4.471499850e-02, v24;
	v26 =	vmul.f32 $1.442695020e+00, v26;
	v14 =	vadd.f32 v27, v14;
	v19 =	vpop (erf)  }
0x6b: {  	v28 =	vadd.f32 $1.000000000e+00, v4;
	v4 =	vmul.f32 $5.000000000e-01, v12;
	v20 =	vmul.f32 $1.595769170e+00, v20;
	v30 =	vpop (erf)  }
0x6c: {  	v25 =	vsub.f32 $1.000000000e+00, v25;
	v14 =	vmul.f32 $1.595769170e+00, v14;
	v27 =	vadd.f32 $1.000000000e+00, v30  }
0x6d: {  	v31 =	vld [tilespmem:s29+$0x16590];
	v29 =	vadd.f32 v19, v19;
	v19 =	vmul.f32 $5.000000000e-01, v13;
	v20 =	vmul.f32 $1.442695020e+00, v20  }
0x6e: {  	v17 =	vld [tilespmem:s29+$0x18D90];
	v25 =	vadd.f32 $1.000000000e+00, v25;
	(erf) = vrcp.f32 v27;
	v27 =	vmul.f32 v13, v13  }
0x6f: {  	v30 =	vpop (erf);
	v29 =	vsub.f32 $1.000000000e+00, v29;
	(erf) = vrcp.f32 v16;
	v16 =	vadd.f32 v24, v3  }
0x70: {  	v14 =	vmul.f32 $1.442695020e+00, v14;
	v30 =	vadd.f32 v30, v30;
	v27 =	vmul.f32 v27, v13  }
0x71: {  	v41 =	vld [tilespmem:s30+$0x13DB0];
	v24 =	vadd.f32 $1.000000000e+00, v29;
	(erf) = vpow2.f32 v1;
	v16 =	vmul.f32 $1.595769170e+00, v16  }
0x72: {  	v30 =	vsub.f32 $1.000000000e+00, v30;
	(erf) = vpow2.f32 v14;
	v14 =	vmul.f32 v22, v12  }
0x73: {  	v17 =	vadd.f32 v17, v31;
	v22 =	vmul.f32 v24, v6;
	v24 =	vld [tilespmem:s30+$0x13DE0];
	v1 =	vmul.f32 $4.471499850e-02, v27  }
0x74: {  	s31 =	simm.s32 $0x100;
	v25 =	vmul.f32 v25, v7;
	v29 =	vadd.f32 $1.000000000e+00, v30;
	(erf) = vrcp.f32 v28  }
0x75: {  	v28 =	vld [tilespmem:s31+$0x18DF0];
	v16 =	vmul.f32 $1.442695020e+00, v16;
	v14 =	vmul.f32 $4.471499850e-02, v14;
	v13 =	vadd.f32 v1, v13  }
0x76: {  	v23 =	vmul.f32 v29, v23;
	v29 =	vld [tilespmem:s31+$0x165F0];
	v22 =	vmul.f32 v22, v41  }
0x77: {  	v27 =	vpop (erf);
	v1 =	vmul.f32 $5.000000000e-01, v17;
	v12 =	vadd.f32 v14, v12;
	v6 =	vmul.f32 $1.595769170e+00, v13  }
0x78: {  	v37 =	vld [tilespmem:s31+$0x18D90];
	v13 =	vadd.f32 v27, v27;
	v27 =	vmul.f32 v17, v17;
	v23 =	vmul.f32 v23, v24  }
0x79: {  	v45 =	vld [tilespmem:s31+$0x16590];
	v31 =	vpop (erf);
	(erf) = vpow2.f32 v26;
	v2 =	vmul.f32 $1.595769170e+00, v12  }
0x7a: {  	v24 =	vld [tilespmem:s31+$0x18DA0];
	v6 =	vmul.f32 $1.442695020e+00, v6;
	v32 =	vsub.f32 $1.000000000e+00, v13;
	v31 =	vadd.f32 v31, v31;
	v33 =	vpop (erf)  }
0x7b: {  	v26 =	vld [tilespmem:s31+$0x18D80];
	v27 =	vmul.f32 v27, v17;
	v28 =	vadd.f32 v28, v29;
	v34 =	vpop (erf);
	v12 =	vadd.f32 v33, v33  }
0x7c: {  	v13 =	vld [tilespmem:s31+$0x18DE0];
	v29 =	vmul.f32 $1.442695020e+00, v2;
	(erf) = vpow2.f32 v6;
	v6 =	vsub.f32 $1.000000000e+00, v31;
	v14 =	vpop (erf)  }
0x7d: {  	v27 =	vmul.f32 $4.471499850e-02, v27;
	v31 =	vld [tilespmem:s31+$0x165C0];
	v2 =	vmul.f32 $5.000000000e-01, v28;
	v14 =	vadd.f32 $1.000000000e+00, v14  }
0x7e: {  	(erf) = vpow2.f32 v10;
	v36 =	vadd.f32 $1.000000000e+00, v6;
	v6 =	vmul.f32 $5.000000000e-01, v21;
	v21 =	vld [tilespmem:s31+$0x165E0]  }
0x7f: {  	v10 =	vld [tilespmem:s31+$0x18DD0];
	v17 =	vadd.f32 v27, v17;
	[tilespmem:s30+$0x1B5E0] =	vst v23;
	(erf) = vrcp.f32 v14;
	v14 =	vmul.f32 $5.000000000e-01, v9  }
0x80: {  	v9 =	vsub.f32 $1.000000000e+00, v12;
	v12 =	vmul.f32 v28, v28;
	v27 =	vld [tilespmem:s31+$0x18DC0];
	(erf) = vpow2.f32 v16  }
0x81: {  	v30 =	vld [tilespmem:s30+$0x13DA0];
	v16 =	vpop (erf);
	v17 =	vmul.f32 $1.595769170e+00, v17;
	v8 =	vmul.f32 v36, v8  }
0x82: {  	v23 =	vld [tilespmem:s31+$0x165A0];
	v9 =	vadd.f32 $1.000000000e+00, v9;
	v12 =	vmul.f32 v12, v28;
	v16 =	vadd.f32 v16, v16  }
0x83: {  	v39 =	vld [tilespmem:s31+$0x165D0];
	v38 =	vpop (erf);
	(erf) = vpow2.f32 v20;
	v17 =	vmul.f32 $1.442695020e+00, v17;
	v7 =	vadd.f32 v13, v21  }
0x84: {  	v9 =	vmul.f32 v9, v35;
	v12 =	vmul.f32 $4.471499850e-02, v12  }
0x85: {  	v47 =	vld [tilespmem:s31+$0x165B0];
	v40 =	vsub.f32 $1.000000000e+00, v16;
	v16 =	vadd.f32 v27, v31;
	v13 =	vpop (erf);
	v20 =	vmul.f32 v7, v7  }
0x86: {  	v21 =	vld [tilespmem:s31+$0x16580];
	v30 =	vmul.f32 v9, v30;
	v12 =	vadd.f32 v12, v28;
	v46 =	vadd.f32 $1.000000000e+00, v13  }
0x87: {  	v28 =	vld [tilespmem:s30+$0x13DC0];
	v13 =	vadd.f32 v24, v23;
	v31 =	vmul.f32 v16, v16;
	v20 =	vmul.f32 v20, v7  }
0x88: {  	v9 =	vadd.f32 v10, v39;
	v23 =	vld [tilespmem:s31+$0x18DB0];
	v48 =	vmul.f32 $1.595769170e+00, v12;
	(erf) = vrcp.f32 v46  }
0x89: {  	v24 =	vadd.f32 $1.000000000e+00, v38;
	v27 =	vpop (erf);
	(erf) = vpow2.f32 v29;
	v29 =	vmul.f32 v13, v13  }
0x8a: {  	v10 =	vmul.f32 $4.471499850e-02, v20;
	v20 =	vadd.f32 $1.000000000e+00, v27;
	v35 =	vmul.f32 $1.442695020e+00, v48  }
0x8b: {  	(erf) = vrcp.f32 v24;
	v24 =	vadd.f32 v26, v21;
	v26 =	vmul.f32 v9, v9;
	v21 =	vld [tilespmem:s30+$0x13D80]  }
0x8c: {  	v28 =	vmul.f32 v8, v28;
	v10 =	vadd.f32 v10, v7;
	(erf) = vrcp.f32 v20  }
0x8d: {  	v23 =	vadd.f32 v23, v47;
	v27 =	vmul.f32 v24, v24;
	v12 =	vmul.f32 $5.000000000e-01, v24  }
0x8e: {  	v26 =	vmul.f32 v26, v9;
	v10 =	vmul.f32 $1.595769170e+00, v10  }
0x8f: {  	v8 =	vmul.f32 $5.000000000e-01, v23;
	v55 =	vmul.f32 v23, v23  }
0x90: {  	v58 =	vld [tilespmem:s30+$0x13DD0];
	[tilespmem:s30+$0x1B5A0] =	vst v30;
	v30 =	vpop (erf);
	v20 =	vmul.f32 v27, v24;
	v27 =	vadd.f32 $1.000000000e+00, v40;
	v25 =	vmul.f32 v25, v21  }
0x91: {  	v34 =	vadd.f32 $1.000000000e+00, v34;
	v49 =	vpop (erf);
	v21 =	vmul.f32 $1.442695020e+00, v10;
	v10 =	vmul.f32 $5.000000000e-01, v16  }
0x92: {  	v50 =	vpop (erf);
	v51 =	vmul.f32 $4.471499850e-02, v20;
	v27 =	vmul.f32 v27, v18;
	v18 =	vadd.f32 $1.000000000e+00, v32  }
0x93: {  	v54 =	vld [tilespmem:s30+$0x13DF0];
	v20 =	vadd.f32 $1.000000000e+00, v50;
	v52 =	vpop (erf);
	(erf) = vrcp.f32 v34;
	[tilespmem:s30+$0x1B580] =	vst v25;
	v25 =	vmul.f32 v29, v13  }
0x94: {  	v39 =	vadd.f32 v52, v52;
	v53 =	vpop (erf);
	v24 =	vadd.f32 v51, v24;
	v11 =	vmul.f32 v18, v11  }
0x95: {  	v62 =	vmul.f32 v27, v58;
	v27 =	vmul.f32 v31, v16;
	v40 =	vadd.f32 $1.000000000e+00, v53  }
0x96: {  	[tilespmem:s30+$0x1B5C0] =	vst v28;
	v29 =	vadd.f32 $1.000000000e+00, v49;
	v28 =	vpop (erf);
	v25 =	vmul.f32 $4.471499850e-02, v25;
	v24 =	vmul.f32 $1.595769170e+00, v24  }
0x97: {  	v28 =	vadd.f32 v28, v28;
	v56 =	vpop (erf);
	v57 =	vsub.f32 $1.000000000e+00, v39;
	(erf) = vrcp.f32 v40  }
0x98: {  	v11 =	vmul.f32 v11, v54;
	v18 =	vadd.f32 v56, v56;
	(erf) = vrcp.f32 v29  }
0x99: {  	[tilespmem:s30+$0x1B5B0] =	vst v22;
	v22 =	vadd.f32 v25, v13;
	v25 =	vmul.f32 $4.471499850e-02, v26;
	v59 =	vsub.f32 $1.000000000e+00, v28  }
0x9a: {  	v28 =	vmul.f32 v55, v23;
	v29 =	vsub.f32 $1.000000000e+00, v18;
	(erf) = vpow2.f32 v35  }
0x9b: {  	v61 =	vld [tilespmem:s30+$0x13D90];
	v24 =	vmul.f32 $1.442695020e+00, v24;
	v60 =	vadd.f32 $1.000000000e+00, v57;
	v18 =	vadd.f32 v37, v45  }
0x9c: {  	v63 =	vmul.f32 $1.595769170e+00, v22;
	v26 =	vmul.f32 $4.471499850e-02, v28;
	v29 =	vadd.f32 $1.000000000e+00, v29  }
0x9d: {  	v28 =	vadd.f32 v25, v9;
	(erf) = vpow2.f32 v24;
	v22 =	vadd.f32 $1.000000000e+00, v59  }
0x9e: {  	[tilespmem:s30+$0x1B5F0] =	vst v11;
	v11 =	vmul.f32 $5.000000000e-01, v18;
	v24 =	vadd.f32 v26, v23;
	v29 =	vmul.f32 v29, v15  }
0x9f: {  	[tilespmem:s30+$0x1B5D0] =	vst v62;
	v25 =	vmul.f32 $1.442695020e+00, v63;
	v31 =	vpop (erf);
	v23 =	vadd.f32 v30, v30;
	v15 =	vmul.f32 v60, v19  }
0xa0: {  	s0 =	simm.s32 $0x600;
	v19 =	vadd.f32 v31, v31;
	v30 =	vmul.f32 $1.595769170e+00, v24;
	v24 =	vld [tilespmem:s29+$0x13DA0];
	v29 =	vmul.f32 v29, v61;
	v26 =	vpop (erf)  }
.LBB2_3:
0xa1: {  	s3 =	sshra.s32 s0, $0x2;
	p0 =	sne.s32 s0, $0x9E00;
	s0 =	sadd.s32 $0x200, s0;
	v35 =	vmul.f32 v18, v18;
	v32 =	vld [tilespmem:s29+$0x13DE0];
	v14 =	vmul.f32 v22, v14;
	v33 =	vpop (erf)  }
0xa2: {  	v28 =	vmul.f32 $1.595769170e+00, v28;
	v34 =	vld [tilespmem:s3+$0x165F0];
	v30 =	vmul.f32 $1.442695020e+00, v30;
	v22 =	vsub.f32 $1.000000000e+00, v19;
	[tilespmem:s30+$0x1B590] =	vst v29;
	s30 =	smov.u32 s29;
	s29 =	smov.u32 s31;
	s31 =	smov.u32 s3  }
0xa3: {  	v26 =	vadd.f32 v26, v26;
	v29 =	vld [tilespmem:s31+$0x18DE0];
	v19 =	vmul.f32 v35, v18;
	v31 =	vpop (erf);
	(erf) = vrcp.f32 v20  }
0xa4: {  	v27 =	vmul.f32 $4.471499850e-02, v27;
	v20 =	vld [tilespmem:s31+$0x18DF0];
	(erf) = vpow2.f32 v21;
	v21 =	vsub.f32 $1.000000000e+00, v23  }
0xa5: {  	v35 =	vld [tilespmem:s31+$0x18D80];
	v36 =	vmul.f32 $4.471499850e-02, v19;
	(erf) = vpow2.f32 v30;
	v19 =	vsub.f32 $1.000000000e+00, v26  }
0xa6: {  	v16 =	vadd.f32 v27, v16;
	v26 =	vld [tilespmem:s31+$0x165C0];
	v23 =	vpop (erf);
	v21 =	vadd.f32 $1.000000000e+00, v21;
	(erf) = vpow2.f32 v17  }
0xa7: {  	v27 =	vmul.f32 $5.000000000e-01, v3;
	v3 =	vmovc v13;
	v17 =	vld [tilespmem:s31+$0x18DD0];
	v23 =	vadd.f32 $1.000000000e+00, v23;
	v30 =	vadd.f32 $1.000000000e+00, v19  }
0xa8: {  	v37 =	vmul.f32 $5.000000000e-01, v9;
	v9 =	vadd.f32 v33, v33;
	v13 =	vmul.f32 $1.595769170e+00, v16;
	v19 =	vld [tilespmem:s31+$0x18D90]  }
0xa9: {  	v32 =	vmul.f32 v14, v32;
	v16 =	vld [tilespmem:s31+$0x165E0];
	v20 =	vadd.f32 v20, v34;
	(erf) = vrcp.f32 v23  }
0xaa: {  	v39 =	vsub.f32 $1.000000000e+00, v9;
	v14 =	vmul.f32 $5.000000000e-01, v7;
	v34 =	vmul.f32 $1.442695020e+00, v13;
	v33 =	vld [tilespmem:s31+$0x18DA0]  }
0xab: {  	v40 =	vadd.f32 v36, v18;
	v23 =	vld [tilespmem:s31+$0x16590];
	v9 =	vmul.f32 v20, v20;
	v38 =	vmul.f32 $5.000000000e-01, v20;
	[tilespmem:s30+$0x1B5E0] =	vst v32  }
0xac: {  	v41 =	vmul.f32 $1.442695020e+00, v28;
	v18 =	vld [tilespmem:s31+$0x165A0];
	(erf) = vpow2.f32 v25;
	v25 =	vadd.f32 $1.000000000e+00, v39;
	v7 =	vpop (erf)  }
0xad: {  	v21 =	vmul.f32 v21, v5;
	v32 =	vld [tilespmem:s31+$0x18DC0];
	v9 =	vmul.f32 v9, v20;
	v36 =	vpop (erf);
	v42 =	vadd.f32 v7, v7  }
0xae: {  	v39 =	vld [tilespmem:s31+$0x165D0];
	v7 =	vadd.f32 v29, v16;
	v29 =	vmul.f32 $1.595769170e+00, v40;
	v13 =	vpop (erf);
	v16 =	vmul.f32 v25, v27  }
0xaf: {  	v25 =	vld [tilespmem:s31+$0x16580];
	v27 =	vmul.f32 $4.471499850e-02, v9;
	v9 =	vadd.f32 $1.000000000e+00, v13;
	(erf) = vpow2.f32 v41;
	v28 =	vpop (erf)  }
0xb0: {  	v5 =	vmovc v12;
	v41 =	vsub.f32 $1.000000000e+00, v42;
	v40 =	vmul.f32 v7, v7;
	v24 =	vmul.f32 v16, v24  }
0xb1: {  	v13 =	vadd.f32 v33, v18;
	v12 =	vld [tilespmem:s31+$0x18DB0];
	v18 =	vadd.f32 $1.000000000e+00, v36;
	(erf) = vrcp.f32 v9  }
0xb2: {  	v33 =	vld [tilespmem:s31+$0x165B0];
	v16 =	vadd.f32 v32, v26;
	v26 =	vmul.f32 v40, v7;
	v32 =	vpop (erf);
	(erf) = vpow2.f32 v34;
	[tilespmem:s30+$0x1B5A0] =	vst v24  }
0xb3: {  	v24 =	vmul.f32 v13, v13;
	v9 =	vadd.f32 v17, v39;
	(erf) = vrcp.f32 v18  }
0xb4: {  	v18 =	vadd.f32 v35, v25;
	v25 =	vmul.f32 $4.471499850e-02, v26;
	v26 =	vadd.f32 $1.000000000e+00, v28  }
0xb5: {  	v20 =	vadd.f32 v27, v20;
	v17 =	vmul.f32 $1.442695020e+00, v29;
	v28 =	vmul.f32 v9, v9;
	v27 =	vpop (erf);
	v29 =	vld [tilespmem:s30+$0x13D80]  }
0xb6: {  	v39 =	vmul.f32 v18, v18;
	v25 =	vadd.f32 v25, v7;
	v35 =	vld [tilespmem:s30+$0x13DC0];
	(erf) = vrcp.f32 v26  }
0xb7: {  	v36 =	vmul.f32 $1.595769170e+00, v20;
	v26 =	vmul.f32 v16, v16;
	v33 =	vadd.f32 v12, v33  }
0xb8: {  	v12 =	vmul.f32 $5.000000000e-01, v18;
	v20 =	vmul.f32 v39, v18;
	v34 =	vpop (erf);
	v39 =	vadd.f32 $1.000000000e+00, v41  }
0xb9: {  	v31 =	vadd.f32 $1.000000000e+00, v31;
	v30 =	vmul.f32 v30, v4;
	v4 =	vmovc v10;
	v25 =	vmul.f32 $1.595769170e+00, v25  }
0xba: {  	v40 =	vmul.f32 $4.471499850e-02, v20;
	v20 =	vadd.f32 $1.000000000e+00, v34;
	v10 =	vpop (erf);
	v29 =	vmul.f32 v21, v29  }
0xbb: {  	v21 =	vmul.f32 $1.442695020e+00, v25;
	v25 =	vadd.f32 v10, v10;
	v34 =	vpop (erf);
	v41 =	vld [tilespmem:s30+$0x13DB0];
	v30 =	vmul.f32 v30, v35  }
0xbc: {  	v35 =	vmul.f32 $5.000000000e-01, v33;
	v10 =	vmul.f32 $5.000000000e-01, v16;
	v34 =	vadd.f32 $1.000000000e+00, v34;
	v42 =	vpop (erf)  }
0xbd: {  	v28 =	vmul.f32 v28, v9;
	v18 =	vadd.f32 v40, v18;
	(erf) = vrcp.f32 v31;
	[tilespmem:s30+$0x1B580] =	vst v29  }
0xbe: {  	v22 =	vadd.f32 $1.000000000e+00, v22;
	v24 =	vmul.f32 v24, v13;
	v29 =	vmul.f32 v39, v6;
	v6 =	vmovc v37;
	[tilespmem:s30+$0x1B5C0] =	vst v30  }
0xbf: {  	v27 =	vadd.f32 $1.000000000e+00, v27;
	v18 =	vmul.f32 $1.595769170e+00, v18;
	(erf) = vrcp.f32 v34;
	v30 =	vld [tilespmem:s30+$0x13DF0];
	v31 =	vpop (erf)  }
0xc0: {  	v37 =	vadd.f32 v42, v42;
	v34 =	vmul.f32 v33, v33;
	v15 =	vmul.f32 v15, v41  }
0xc1: {  	v22 =	vmul.f32 v22, v0;
	v0 =	vmovc v2;
	v2 =	vmovc v38;
	v36 =	vmul.f32 $1.442695020e+00, v36;
	v25 =	vsub.f32 $1.000000000e+00, v25;
	v39 =	vld [tilespmem:s30+$0x13DD0]  }
0xc2: {  	v37 =	vsub.f32 $1.000000000e+00, v37;
	v38 =	vmul.f32 $1.442695020e+00, v18;
	v18 =	vadd.f32 v31, v31;
	[tilespmem:s30+$0x1B5B0] =	vst v15  }
0xc3: {  	v15 =	vmul.f32 $4.471499850e-02, v24;
	v24 =	vadd.f32 $1.000000000e+00, v25;
	(erf) = vrcp.f32 v27  }
0xc4: {  	v25 =	vmul.f32 v34, v33;
	v31 =	vsub.f32 $1.000000000e+00, v18;
	v22 =	vmul.f32 v22, v30  }
0xc5: {  	v28 =	vmul.f32 $4.471499850e-02, v28;
	v15 =	vadd.f32 v15, v13;
	(erf) = vpow2.f32 v36  }
0xc6: {  	v18 =	vadd.f32 v19, v23;
	v19 =	vmul.f32 $4.471499850e-02, v25;
	v34 =	vpop (erf);
	v36 =	vld [tilespmem:s30+$0x13D90];
	v23 =	vmul.f32 v29, v39;
	[tilespmem:s30+$0x1B5F0] =	vst v22  }
.Ltmp0:
0xc7: {  	v27 =	vmul.f32 v26, v16;
	v25 =	vadd.f32 $1.000000000e+00, v31;
	v15 =	vmul.f32 $1.595769170e+00, v15;
	(pc) =	sbr.rel @p0 .LBB2_3-.Ltmp0, $4  }
0xc8: {  	v28 =	vadd.f32 v28, v9;
	v22 =	vadd.f32 $1.000000000e+00, v37;
	(erf) = vpow2.f32 v38;
	v26 =	vpop (erf);
	[tilespmem:s30+$0x1B5D0] =	vst v23  }
0xc9: {  	v19 =	vadd.f32 v19, v33;
	v29 =	vmul.f32 v25, v1;
	v1 =	vmovc v11;
	v11 =	vmul.f32 $5.000000000e-01, v18  }
0xca: {  	v25 =	vmul.f32 $1.442695020e+00, v15;
	v23 =	vadd.f32 v32, v32;
	v15 =	vmul.f32 v24, v8;
	v8 =	vmovc v35  }
0xcb: {  	v30 =	vmul.f32 $1.595769170e+00, v19;
	v19 =	vadd.f32 v34, v34;
	v24 =	vld [tilespmem:s29+$0x13DA0];
	v29 =	vmul.f32 v29, v36  }
0xcc: {  	_ = 	snop  }
0xcd: {  	(erf) = vrcp.f32 v20;
	v30 =	vmul.f32 $1.442695020e+00, v30  }
0xce: {  	(erf) = vpow2.f32 v21  }
0xcf: {  	(erf) = vpow2.f32 v30;
	_ =	sdelay $0x3  }
0xd0: {  	v40 =	vpop (erf)  }
0xd1: {  	v41 =	vmul.f32 $4.471499850e-02, v27;
	v42 =	vpop (erf)  }
0xd2: {  	v28 =	vmul.f32 $1.595769170e+00, v28;
	v43 =	vpop (erf)  }
0xd3: {  	v16 =	vadd.f32 v41, v16;
	v21 =	vadd.f32 $1.000000000e+00, v43;
	v44 =	vpop (erf)  }
0xd4: {  	v46 =	vmul.f32 $1.442695020e+00, v28;
	(erf) = vpow2.f32 v17;
	v45 =	vpop (erf)  }
0xd5: {  	v16 =	vmul.f32 $1.595769170e+00, v16;
	(erf) = vrcp.f32 v21;
	v47 =	vpop (erf)  }
0xd6: {  	(erf) = vpow2.f32 v25;
	v48 =	vadd.f32 $1.000000000e+00, v47  }
0xd7: {  	v16 =	vmul.f32 $1.442695020e+00, v16;
	(erf) = vpow2.f32 v46  }
0xd8: {  	(erf) = vrcp.f32 v48  }
0xd9: {  	v20 =	vadd.f32 v40, v40;
	(erf) = vpow2.f32 v16;
	_ =	sdelay $0x1  }
0xda: {  	v20 =	vsub.f32 $1.000000000e+00, v20;
	_ =	sdelay $0x1  }
0xdb: {  	v3 =	vmul.f32 $5.000000000e-01, v3;
	v20 =	vadd.f32 $1.000000000e+00, v20;
	v51 =	vpop (erf)  }
0xdc: {  	v50 =	vmul.f32 v18, v18;
	v17 =	vadd.f32 $1.000000000e+00, v45;
	v53 =	vpop (erf)  }
0xdd: {  	v3 =	vmul.f32 v20, v3;
	v20 =	vadd.f32 $1.000000000e+00, v51;
	v55 =	vpop (erf)  }
0xde: {  	v16 =	vmul.f32 v50, v18;
	(erf) = vrcp.f32 v17;
	v57 =	vpop (erf)  }
0xdf: {  	v52 =	vadd.f32 v26, v26;
	v54 =	vsub.f32 $1.000000000e+00, v23;
	(erf) = vrcp.f32 v20;
	v59 =	vpop (erf)  }
0xe0: {  	v60 =	vadd.f32 $1.000000000e+00, v42;
	v3 =	vmul.f32 v3, v24;
	v16 =	vmul.f32 $4.471499850e-02, v16;
	v61 =	vpop (erf)  }
0xe1: {  	v49 =	vld [tilespmem:s29+$0x13DE0];
	[tilespmem:s30+$0x1B590] =	vst v29;
	v21 =	vsub.f32 $1.000000000e+00, v52;
	v62 =	vadd.f32 $1.000000000e+00, v61  }
0xe2: {  	v56 =	vld [tilespmem:s29+$0x13D80];
	[tilespmem:s29+$0x1B5A0] =	vst v3;
	(erf) = vrcp.f32 v60;
	v3 =	vadd.f32 $1.000000000e+00, v55;
	v23 =	vadd.f32 v16, v18  }
0xe3: {  	v14 =	vmul.f32 v22, v14;
	v22 =	vadd.f32 $1.000000000e+00, v54;
	v58 =	vld [tilespmem:s29+$0x13DC0];
	(erf) = vrcp.f32 v62  }
0xe4: {  	v21 =	vadd.f32 $1.000000000e+00, v21;
	(erf) = vrcp.f32 v3;
	v3 =	vmul.f32 $1.595769170e+00, v23  }
0xe5: {  	v5 =	vmul.f32 v22, v5;
	v31 =	vadd.f32 $1.000000000e+00, v57  }
0xe6: {  	v25 =	vadd.f32 v44, v44;
	v4 =	vmul.f32 v21, v4;
	v3 =	vmul.f32 $1.442695020e+00, v3  }
0xe7: {  	v27 =	vsub.f32 $1.000000000e+00, v19;
	v63 =	vld [tilespmem:s29+$0x13DB0];
	v5 =	vmul.f32 v5, v56;
	v32 =	vpop (erf);
	(erf) = vrcp.f32 v31  }
0xe8: {  	v29 =	vld [tilespmem:s29+$0x13DF0];
	v28 =	vsub.f32 $1.000000000e+00, v25;
	v4 =	vmul.f32 v4, v58;
	v33 =	vpop (erf);
	(erf) = vpow2.f32 v3  }
0xe9: {  	v30 =	vld [tilespmem:s29+$0x13DD0];
	[tilespmem:s29+$0x1B580] =	vst v5;
	v5 =	vadd.f32 $1.000000000e+00, v27  }
0xea: {  	[tilespmem:s29+$0x1B5C0] =	vst v4;
	v4 =	vadd.f32 $1.000000000e+00, v28  }
0xeb: {  	v14 =	vmul.f32 v14, v49;
	v0 =	vmul.f32 v5, v0;
	v34 =	vpop (erf);
	v35 =	vadd.f32 v33, v33  }
0xec: {  	v15 =	vmul.f32 v15, v63;
	v4 =	vmul.f32 v4, v6;
	v36 =	vpop (erf)  }
0xed: {  	[tilespmem:s29+$0x1B5E0] =	vst v14;
	v0 =	vmul.f32 v0, v29;
	v6 =	vsub.f32 $1.000000000e+00, v35;
	v39 =	vpop (erf)  }
0xee: {  	v38 =	vld [tilespmem:s29+$0x13D90];
	[tilespmem:s29+$0x1B5B0] =	vst v15;
	v4 =	vmul.f32 v4, v30;
	v40 =	vadd.f32 v39, v39  }
0xef: {  	[tilespmem:s29+$0x1B5F0] =	vst v0;
	v37 =	vadd.f32 v32, v32;
	v41 =	vadd.f32 $1.000000000e+00, v6  }
0xf0: {  	[tilespmem:s29+$0x1B5D0] =	vst v4;
	v45 =	vpop (erf);
	v0 =	vsub.f32 $1.000000000e+00, v40  }
0xf1: {  	v43 =	vld [tilespmem:s31+$0x13DA0];
	v3 =	vsub.f32 $1.000000000e+00, v37;
	v1 =	vmul.f32 v41, v1;
	v46 =	vpop (erf)  }
0xf2: {  	v44 =	vmul.f32 $5.000000000e-01, v13;
	v42 =	vld [tilespmem:s31+$0x13DE0];
	v0 =	vadd.f32 $1.000000000e+00, v0;
	v48 =	vadd.f32 $1.000000000e+00, v46  }
0xf3: {  	v7 =	vmul.f32 $5.000000000e-01, v7;
	v3 =	vadd.f32 $1.000000000e+00, v3;
	v1 =	vmul.f32 v1, v38  }
0xf4: {  	v49 =	vadd.f32 v36, v36;
	v0 =	vmul.f32 v0, v44;
	(erf) = vrcp.f32 v48  }
0xf5: {  	v47 =	vadd.f32 v53, v53;
	v3 =	vmul.f32 v3, v7  }
0xf6: {  	v53 =	vadd.f32 v59, v59;
	[tilespmem:s29+$0x1B590] =	vst v1;
	v51 =	vsub.f32 $1.000000000e+00, v49;
	v0 =	vmul.f32 v0, v43  }
0xf7: {  	v50 =	vsub.f32 $1.000000000e+00, v47;
	v3 =	vmul.f32 v3, v42;
	v54 =	vld [tilespmem:s31+$0x13DC0]  }
0xf8: {  	v4 =	vsub.f32 $1.000000000e+00, v53;
	v52 =	vld [tilespmem:s31+$0x13D80];
	[tilespmem:s31+$0x1B5A0] =	vst v0;
	v0 =	vadd.f32 $1.000000000e+00, v51  }
0xf9: {  	[tilespmem:s31+$0x1B5E0] =	vst v3;
	v3 =	vadd.f32 $1.000000000e+00, v50  }
0xfa: {  	v4 =	vadd.f32 $1.000000000e+00, v4;
	v0 =	vmul.f32 v0, v10  }
0xfb: {  	v57 =	vadd.f32 v34, v34;
	v3 =	vmul.f32 v3, v12  }
0xfc: {  	v56 =	vmul.f32 v4, v8;
	v0 =	vmul.f32 v0, v54  }
0xfd: {  	v4 =	vsub.f32 $1.000000000e+00, v57;
	v58 =	vadd.f32 v45, v45;
	v1 =	vmul.f32 v3, v52;
	v59 =	vpop (erf)  }
0xfe: {  	v60 =	vld [tilespmem:s31+$0x13DF0];
	[tilespmem:s31+$0x1B5C0] =	vst v0;
	v0 =	vadd.f32 v59, v59  }
0xff: {  	v4 =	vadd.f32 $1.000000000e+00, v4;
	v55 =	vld [tilespmem:s31+$0x13DB0];
	[tilespmem:s31+$0x1B580] =	vst v1;
	v1 =	vsub.f32 $1.000000000e+00, v58  }
0x100: {  	v61 =	vld [tilespmem:s31+$0x13DD0];
	v0 =	vsub.f32 $1.000000000e+00, v0  }
0x101: {  	v62 =	vmul.f32 $5.000000000e-01, v9;
	v2 =	vmul.f32 v4, v2;
	v63 =	vld [tilespmem:s31+$0x13D90];
	v1 =	vadd.f32 $1.000000000e+00, v1  }
0x102: {  	v0 =	vadd.f32 $1.000000000e+00, v0  }
0x103: {  	v2 =	vmul.f32 v2, v60;
	v1 =	vmul.f32 v1, v62  }
0x104: {  	v3 =	vmul.f32 v56, v55;
	v0 =	vmul.f32 v0, v11  }
0x105: {  	[tilespmem:s31+$0x1B5F0] =	vst v2;
	v1 =	vmul.f32 v1, v61  }
0x106: {  	s28 =	sadd.s32 $0x1, s28;
	[tilespmem:s31+$0x1B5B0] =	vst v3;
	v0 =	vmul.f32 v0, v63  }
0x107: {  	p0 =	sne.s32 s28, $0x7D;
	[tilespmem:s31+$0x1B5D0] =	vst v1  }
.Ltmp1:
0x108: {  	[tilespmem:s31+$0x1B590] =	vst v0;
	(pc) =	sbr.rel @p0 .LBB2_2-.Ltmp1, $4  }
0x109: {  	[spmem:s1] =	stream.indirect.scatter.add.f32 [tilespmem:s26], [sflag:$0x3], $0x80, s19, s21, $0xb8;
	[tilespmem:$0x1DD80] =	vst v63  }
0x10a: {  	_ =	swait.ge [sflag:s16], $0x2800  }
0x10b: {  	[sflag:s16] =	ssyncset.done $0x0  }
0x10c: {  	[sflag:s16] =	ssyncadd.s32 $0xFFFFD800  }
0x10d: {  	s2 =	sadd.s32 $0x1, s2  }
0x10e: {  	p0 =	sne.s32 s2, s14  }
.Ltmp2:
0x10f: {  	[bflag:$0x0] =	sbarrier.arrive $0xFFFF;
	(pc) =	sbr.rel @p0 .LBB2_1-.Ltmp2, $4  }
0x110: {  	[hbm:s13], [sflag:s11] =	dma.local [spmem:s15], $0x2780  }
0x111: {  	_ =	swait.ge [sflag:s16], $0x2780  }
0x112: {  	[sflag:s16] =	ssyncset.done $0x0  }
0x113: {  	[sflag:s16] =	ssyncadd.s32 $0xFFFFD880  }
0x114: {  	_ =	sfence.sel $0x180000  }
0x115: {  	[bflag:$0x0] =	sbarrier.arrive $0xFFFF  }
0x116: {  	_ =	strace $0x90000050  }
0x117: {  	s0 =	stileid.u32;
	[bflag:$0x2] =	sbarrier.arrive $0xFFFF  }
0x118: {  	p0 =	sne.s32 s0, $0x0;
	s0 =	rddreg [dreg:$0x2]  }
0x119: {  	s0 =	sadd.s32 @!p0 $0x100000, s0  }
0x11a: {  	[sflag:s0] =	ssyncadd.tile.s32 @!p0 $0x1;
	_ =	shalt  }
.Lfunc_end2:
_tile_overlayer_lowered:
.L_overlay_start_2:
0x11b: {  	(tag) =	ssettag $0x2  }
0x11c: {  	s0 =	rddreg [dreg:$0x0];
	s2 =	stileid.u32  }
0x11d: {  	s1 =	rddreg [dreg:$0x1];
	p0 =	sne.s32 s2, $0x0  }
0x11e: {  	s3 =	rddreg [dreg:$0x2];
	[bflag:$0x3] =	sbarrier.arrive $0xFFFF;
	s2 =	simm.s32 @!p0 $0x1C03  }
0x11f: {  	[timem:s3], [sflag:s2] =	dma.local @!p0 [hbm:s0], s1  }
0x120: {  	s0 =	simm.s32 @!p0 $0x3  }
0x121: {  	_ =	swait.ge @!p0 [sflag:s0], s1  }
0x122: {  	s1 =	ssub.s32 @!p0 $0x0, s1;
	[sflag:s0] =	ssyncset.done @!p0 $0x0  }
0x123: {  	[sflag:s0] =	ssyncadd.s32 @!p0 s1  }
0x124: {  	[bflag:$0x3] =	sbarrier.arrive $0xFFFF  }
0x125: {  	_ =	shalt  }

// kernel: kernel.26.cloned.1.call-start
scs
__scs_entry_jumppad:
0x0: {  	(pc) =	sbr.rel $0x88, $3  }
0x1: {  	(tag) =	ssettag $0x0;
	lr =	simm.s32 $0x1  }
0x2: {  	[smem:$0x3F87] =	sst lr;
	_ =	strace $0xD0000000  }
0x3: {  	_ = 	snop  }
0x4: {  	_ = 	snop  }
0x5: {  	_ = 	snop  }
0x6: {  	_ = 	snop  }
0x7: {  	_ = 	snop  }
__scs_overlays_trampoline_lowered:
0x8: {  	[smem:$0x3F96] =	sst s0  }
0x9: {  	[smem:$0x3F97] =	sst s1  }
0xa: {  	[smem:$0x3F98] =	sst s2  }
0xb: {  	[smem:$0x3F99] =	sst s3  }
0xc: {  	[smem:$0x3F9A] =	sst s4  }
0xd: {  	[smem:$0x3F9B] =	sst s5  }
0xe: {  	[smem:$0x3F9C] =	sst s6  }
0xf: {  	[smem:$0x3F9D] =	sst s7  }
0x10: {  	[smem:$0x3F9E] =	sst s8  }
0x11: {  	[smem:$0x3F9F] =	sst s9;
	s0 =	simm.s32 @!p0 $0x0  }
0x12: {  	s1 =	sld [smem:$0x3F85];
	s0 =	simm.s32 @p0 $0x1  }
0x13: {  	[smem:$0x3FA0] =	sst s0;
	s0 =	simm.s32 @!p1 $0x0  }
0x14: {  	s2 =	sld [smem:$0x3F84];
	s0 =	simm.s32 @p1 $0x1  }
0x15: {  	[smem:$0x3FA1] =	sst s0;
	s0 =	simm.s32 @!p2 $0x0  }
0x16: {  	s3 =	sld [smem:$0x3FDB];
	s0 =	simm.s32 @p2 $0x1  }
0x17: {  	s4 =	simm.s32 $0x1BF5;
	[smem:$0x3FA3] =	sst s0  }
0x18: {  	s0 =	sld [smem:$0x3F86];
	_ =	swait.ge [sflag:s4], $0x0  }
0x19: {  	s7 =	sld [smem:$0x3F87]  }
0x1a: {  	s8 =	sadd.s32 $0xFFFFE003, lr  }
0x1b: {  	s9 =	sadd.s32 $0xFFFFFEF7, lr;
	s5 =	simm.s32 $0xFFFFFFFF;
	p2 =	slt.u32 s8, $0xFFFFF086  }
0x1c: {  	p1 =	slt.u32 s9, $0xF7A;
	s5 =	simm.s32 @!p2 $0x0  }
0x1d: {  	s5 =	simm.s32 @p1 $0x1;
	p0 =	seq.s32 s7, s2  }
0x1e: {  	s7 =	smul.u32 @!p0 $0xF7A, s2;
	p2 =	seq.s32 @!p0 s5, $0x0  }
0x1f: {  	s9 =	smul.u32 $0xF7A, s1;
	s8 =	simm.s32 @!p0 $0x1BF5;
	p2 =	por !p2, p0  }
0x20: {  	[sflag:s8] =	ssyncset.s32 @!p0 $0xFFFFF086;
	s6 =	sadd.s32 @!p0 s3, s7;
	s7 =	simm.s32 @!p0 $0x108  }
0x21: {  	s3 =	sadd.s32 s3, s9;
	s6 =	sadd.s32 @!p0 $0x88, s6;
	s7 =	simm.s32 @p2 $0x1082  }
0x22: {  	[simem:s7], [sflag:s8] =	dma.local @!p0 [hbm:s6], $0xF7A  }
0x23: {  	s9 =	sor.u32 $0xD0000000, s2;
	s6 =	simm.s32 $0x108;
	_ =	swait.ge @!p0 [sflag:s8], $0x0  }
0x24: {  	s3 =	sadd.s32 $0x88, s3;
	s6 =	simm.s32 @!p1 $0x1082;
	[sflag:s4] =	ssyncset.s32 $0xFFFFF086  }
0x25: {  	[simem:s6], [sflag:s4] =	dma.local [hbm:s3], $0xF7A  }
0x26: {  	[smem:$0x3F87] =	sst s1;
	(tag) =	ssettag s2;
	_ =	strace s9  }
0x27: {  	s1 =	sld [smem:$0x3F97]  }
0x28: {  	s2 =	sld [smem:$0x3F98]  }
0x29: {  	s4 =	sld [smem:$0x3F9A]  }
0x2a: {  	p0 =	seq.s32 s5, $0x0;
	s5 =	sld [smem:$0x3F9B]  }
0x2b: {  	s6 =	sld [smem:$0x3F9C]  }
0x2c: {  	s7 =	sld [smem:$0x3F9D]  }
0x2d: {  	s3 =	simm.s32 $0x108;
	s8 =	sld [smem:$0x3F9E]  }
0x2e: {  	s3 =	simm.s32 @!p0 $0x1082;
	s9 =	sld [smem:$0x3F9F]  }
0x2f: {  	lr =	sadd.s32 s0, s3;
	s0 =	sld [smem:$0x3F96]  }
0x30: {  	s3 =	sld [smem:$0x3F99]  }
0x31: {  	[smem:$0x3FA2] =	sst s10  }
0x32: {  	s10 =	sld [smem:$0x3FA0];
	_ =	sdelay $0x3  }
0x33: {  	p0 =	seq.s32 s10, $0x1;
	s10 =	sld [smem:$0x3FA2];
	_ =	sdelay $0x3  }
0x34: {  	[smem:$0x3FA2] =	sst s10  }
0x35: {  	s10 =	sld [smem:$0x3FA1];
	_ =	sdelay $0x3  }
0x36: {  	p1 =	seq.s32 s10, $0x1;
	s10 =	sld [smem:$0x3FA2];
	_ =	sdelay $0x3  }
0x37: {  	[smem:$0x3FA2] =	sst s10  }
0x38: {  	s10 =	sld [smem:$0x3FA3]  }
0x39: {  	_ = 	snop;
	(pc) =	sbr.ind lr, $3  }
0x3a: {  	_ = 	snop  }
0x3b: {  	_ = 	snop  }
0x3c: {  	p2 =	seq.s32 s10, $0x1;
	s10 =	sld [smem:$0x3FA2]  }
0x3d: {  	_ =	shalt  }
0x3e: {  	_ =	shalt  }
0x3f: {  	_ =	shalt  }
0x40: {  	_ =	shalt  }
0x41: {  	_ =	shalt  }
0x42: {  	_ =	shalt  }
0x43: {  	_ =	shalt  }
0x44: {  	_ =	shalt  }
0x45: {  	_ =	shalt  }
0x46: {  	_ =	shalt  }
0x47: {  	_ =	shalt  }
0x48: {  	_ =	shalt  }
0x49: {  	_ =	shalt  }
0x4a: {  	_ =	shalt  }
0x4b: {  	_ =	shalt  }
0x4c: {  	_ =	shalt  }
0x4d: {  	_ =	shalt  }
0x4e: {  	_ =	shalt  }
0x4f: {  	_ =	shalt  }
0x50: {  	_ =	shalt  }
0x51: {  	_ =	shalt  }
0x52: {  	_ =	shalt  }
0x53: {  	_ =	shalt  }
0x54: {  	_ =	shalt  }
0x55: {  	_ =	shalt  }
0x56: {  	_ =	shalt  }
0x57: {  	_ =	shalt  }
0x58: {  	_ =	shalt  }
0x59: {  	_ =	shalt  }
0x5a: {  	_ =	shalt  }
0x5b: {  	_ =	shalt  }
0x5c: {  	_ =	shalt  }
0x5d: {  	_ =	shalt  }
0x5e: {  	_ =	shalt  }
0x5f: {  	_ =	shalt  }
0x60: {  	_ =	shalt  }
0x61: {  	_ =	shalt  }
0x62: {  	_ =	shalt  }
0x63: {  	_ =	shalt  }
0x64: {  	_ =	shalt  }
0x65: {  	_ =	shalt  }
0x66: {  	_ =	shalt  }
0x67: {  	_ =	shalt  }
0x68: {  	_ =	shalt  }
0x69: {  	_ =	shalt  }
0x6a: {  	_ =	shalt  }
0x6b: {  	_ =	shalt  }
0x6c: {  	_ =	shalt  }
0x6d: {  	_ =	shalt  }
0x6e: {  	_ =	shalt  }
0x6f: {  	_ =	shalt  }
0x70: {  	_ =	shalt  }
0x71: {  	_ =	shalt  }
0x72: {  	_ =	shalt  }
0x73: {  	_ =	shalt  }
0x74: {  	_ =	shalt  }
0x75: {  	_ =	shalt  }
0x76: {  	_ =	shalt  }
0x77: {  	_ =	shalt  }
0x78: {  	_ =	shalt  }
0x79: {  	_ =	shalt  }
0x7a: {  	_ =	shalt  }
0x7b: {  	_ =	shalt  }
0x7c: {  	_ =	shalt  }
0x7d: {  	_ =	shalt  }
0x7e: {  	_ =	shalt  }
0x7f: {  	_ =	shalt  }
0x80: {  	_ =	shalt  }
0x81: {  	_ =	shalt  }
0x82: {  	_ =	shalt  }
0x83: {  	_ =	shalt  }
0x84: {  	_ =	shalt  }
0x85: {  	_ =	shalt  }
0x86: {  	_ =	shalt  }
0x87: {  	_ =	shalt  }
.Lfunc_end0:
.L_simem_size_0:
called_computation.4_lowered:
.L_overlay_start_0:
0x88: {  	s2 =	sld [smem:$0x3FD9]  }
0x89: {  	s3 =	sld [smem:$0x3FFE];
	_ =	sdelay $0x1  }
0x8a: {  	s1 =	srdreg.scid  }
0x8b: {  	s0 =	sand.u32 $0x1, s1  }
0x8c: {  	s16 =	sshll.u32 s0, $0xA;
	s2 =	sadd.s32 s3, s2  }
0x8d: {  	s2 =	sadd.s32 s2, s16  }
0x8e: {  	[smem:$0x3FAE] =	sst s2  }
0x8f: {  	_ = 	snop  }
0x90: {  	(tm) =	ssettm $0x1  }
0x91: {  	s17 =	sld [smem:$0x3FFB];
	_ =	sdelay $0x3  }
0x92: {  	_ =	strace s17  }
0x93: {  	s2 =	sld [smem:$0x3FFC];
	_ =	sdelay $0x3  }
0x94: {  	_ =	strace s2  }
0x95: {  	s2 =	sld [smem:$0x3FFD];
	_ =	sdelay $0x3  }
0x96: {  	_ =	strace s2  }
0x97: {  	_ =	strace $0x8FFFFFFF  }
0x98: {  	s18 =	sld [smem:$0x3FDB];
	_ =	sdelay $0x1  }
0x99: {  	s19 =	simm.s32 $_scs_section_size  }
0x9a: {  	s4 =	simm.s32 $_size__tile_overlayer_lowered;
	s5 =	simm.s32 $_tile_overlayer_lowered  }
0x9b: {  	s22 =	simm.s32 $0x1BFF;
	s21 =	sshll.u32 s5, $0x1;
	s2 =	sadd.s32 s19, s18  }
0x9c: {  	s6 =	simm.s32 $0x0;
	s20 =	sshll.u32 s4, $0x1;
	s4 =	sadd.s32 s21, s2  }
0x9d: {  	[timem:s6], [sflag:s22] =	dma.local [hbm:s4], s20  }
0x9e: {  	_ =	swait.ge [sflag:s22], s20  }
0x9f: {  	s3 =	ssub.s32 $0x0, s20;
	[sflag:s22] =	ssyncset.done $0x0  }
0xa0: {  	[sflag:s22] =	ssyncadd.s32 s3;
	_ =	sdelay $0x1  }
0xa1: {  	s23 =	simm.s32 $0x1B8B  }
0xa2: {  	_ =	swait.ge [sflag:s23], $0x1  }
0xa3: {  	[sflag:s23] =	ssyncset.done $0x0  }
0xa4: {  	s25 =	simm.s32 $0x1B8E;
	s24 =	sld [smem:$0x3FFE];
	[sflag:s23] =	ssyncadd.s32 $0xFFFFFFFF  }
0xa5: {  	s26 =	simm.s32 $execute0_lowered;
	[smem:$0x3FD2] =	sst s25  }
0xa6: {  	s4 =	sshll.u32 s26, $0x1;
	_ =	strace $0x80000052;
	[dreg:$0x1] =	wrdreg $0xFFFFFFFF  }
0xa7: {  	s28 =	simm.s32 $_size_execute0_lowered;
	s2 =	sadd.s32 s2, s4;
	[dreg:$0x0] =	wrdreg $0x0  }
0xa8: {  	s4 =	sshll.u32 s28, $0x1;
	[dreg:$0x2] =	wrdreg s2  }
0xa9: {  	[dreg:$0x3] =	wrdreg s4  }
0xaa: {  	[dreg:$0x4] =	wrdreg $0xC0  }
0xab: {  	_ =	task [dreg:s6], $0x5FFFF  }
0xac: {  	[dreg:$0x1] =	wrdreg $0xFFFFFFFF  }
0xad: {  	[dreg:$0x0] =	wrdreg $0x60  }
0xae: {  	[dreg:$0x2] =	wrdreg s24  }
0xaf: {  	[dreg:$0x3] =	wrdreg $0x0  }
0xb0: {  	[dreg:$0x4] =	wrdreg $0x9  }
0xb1: {  	_ =	task.clear_ibuf [dreg:s6], $0x5FFFF;
	_ =	strace $0x90000052  }
0xb2: {  	s29 =	simm.s32 $0x9;
	_ =	strace $0x80000054  }
0xb3: {  	_ =	swait.ge [sflag:s29], $0x1  }
0xb4: {  	[sflag:s29] =	ssyncadd.s32 $0xFFFFFFFF  }
0xb5: {  	_ =	strace $0x90000054  }
0xb6: {  	_ =	sfence  }
0xb7: {  	s30 =	sld [smem:$0x0];
	_ =	sdelay $0x2  }
0xb8: {  	s31 =	sshll.u32 s1, $0xD;
	s1 =	sshrl.u32 s1, $0x2  }
0xb9: {  	s3 =	sand.u32 $0x4000, s31;
	s1 =	sadd.s32 s1, s30  }
0xba: {  	s0 =	sor.u32 s3, s0;
	s1 =	sshll.u32 s1, $0x11  }
0xbb: {  	s0 =	sor.u32 s1, s0  }
0xbc: {  	s0 =	sadd.s32 $0x8F2B, s0  }
0xbd: {  	[sflag:s0] =	ssyncadd.remote.s32 $0x1  }
0xbe: {  	_ =	sfence.sel $0xFFFF  }
0xbf: {  	[dreg:$0x0] =	wrdreg $0xFFFFFFFF;
	(pc) =	sbr.abs _section_cstart, $3  }
0xc0: {  	[dreg:$0x1] =	wrdreg $0xFFFFFFFF  }
0xc1: {  	_ =	task.clear_ibuf [dreg:s6], $0x2FFFF;
	_ =	strace $0x9FFFFFFF  }
0xc2: {  	(tm) =	ssettm $0x7FFFFFFF  }
0xc3: {  	_ =	shalt  }
tec
execute0_lowered:
.L_overlay_start_1:
0x0: {  	(tag) =	ssettag $0x1  }
0x1: {  	s0 =	rddreg [dreg:$0x0]  }
0x2: {  	s1 =	rddreg [dreg:$0x1];
	s2 =	simm.s32 $0x0  }
0x3: {  	s3 =	stileid.u32;
	s7 =	srdreg.scid;
	s18 =	simm.s32 $0x13C80  }
0x4: {  	s19 =	simm.s32 $0x13D00;
	s20 =	simm.s32 $0x13D80;
	s21 =	simm.s32 $0x50  }
0x5: {  	s22 =	simm.s32 $0x16580;
	s23 =	simm.s32 $0x18D80;
	s24 =	simm.s32 $0x1  }
0x6: {  	s25 =	simm.s32 $0x2;
	[smem:$0x7FF] =	sst s2;
	s5 =	sadd.s32 $0x9E4C00, s0  }
0x7: {  	s4 =	sadd.s32 $0x31400, s0;
	s6 =	sadd.s32 $0xEC3800, s0;
	s10 =	smul.u32 $0x2780, s3  }
0x8: {  	s11 =	sand.u32 $0x1, s7;
	s7 =	sadd.s32 $0x9CDC00, s0;
	s8 =	sadd.s32 $0x80400, s0  }
0x9: {  	s9 =	sadd.s32 $0x9D7A00, s0;
	s14 =	smul.u32 $0x4F000, s3;
	s29 =	sshll.u32 s3, $0x6  }
0xa: {  	_ =	strace $0x80000053;
	s12 =	smul.u32 $0x27800, s11;
	s13 =	ssub.s32 $0x2, s11  }
0xb: {  	s30 =	sshll.u32 s11, $0x4;
	s11 =	sor.u32 $0x1C03, s29;
	s15 =	sadd.s32 s10, s0  }
0xc: {  	s26 =	sshrl.u32 s13, $0x1;
	s28 =	sshrl.u32 s14, $0x2;
	s31 =	sor.u32 s3, s30  }
0xd: {  	s10 =	sadd.s32 s10, s12;
	s16 =	ssub.s32 s13, s26;
	s17 =	sadd.s32 s28, s1  }
0xe: {  	s12 =	smul.u32 $0x2710, s31;
	s26 =	simm.s32 $0x1B580;
	s0 =	sadd.s32 s10, s0  }
0xf: {  	s10 =	sadd.s32 $0x9C00, s15;
	s14 =	smax.u32 s16, $0x1;
	s15 =	sshrl.u32 s17, $0x3  }
0x10: {  	s16 =	simm.s32 $0x3;
	s17 =	simm.s32 $0x13C00;
	s13 =	sadd.s32 $0xA0C600, s0  }
.LBB2_1:
0x11: {  	[spmem:s15], [sflag:s11] =	dma.local [hbm:s10], $0x2780  }
0x12: {  	_ =	swait.ge [sflag:s16], $0x2780  }
0x13: {  	[sflag:s16] =	ssyncset.done $0x0  }
0x14: {  	[sflag:s16] =	ssyncadd.s32 $0xFFFFD880  }
0x15: {  	s28 =	simm.s32 $0x0;
	[bflag:$0x0] =	sbarrier.arrive $0xFFFF  }
.LBB2_2:
0x16: {  	s0 =	smul.u32 $0x50, s28;
	_ =	sdelay $0x1  }
0x17: {  	s0 =	sadd.s32 s12, s0  }
0x18: {  	s29 =	sshrl.u32 s0, $0x3  }
0x19: {  	s31 =	simm.s32 $0x0;
	s30 =	sadd.s32 s7, s29  }
0x1a: {  	[tilespmem:s17], [sflag:$0x3] =	stream.linear.gather [hbm4b:s30+s31], $0x50, $0x38;
	[tilespmem:$0x1DD80] =	vst v63  }
0x1b: {  	_ =	swait.ge [sflag:s16], $0x50  }
0x1c: {  	[sflag:s16] =	ssyncset.done $0x0  }
0x1d: {  	s30 =	sadd.s32 s8, s29;
	[sflag:s16] =	ssyncadd.s32 $0xFFFFFFB0  }
0x1e: {  	[tilespmem:s18], [sflag:$0x3] =	stream.linear.gather [hbm4b:s30+s31], $0x50, $0x38;
	[tilespmem:$0x1DD80] =	vst v63  }
0x1f: {  	_ =	swait.ge [sflag:s16], $0x50  }
0x20: {  	[sflag:s16] =	ssyncset.done $0x0  }
0x21: {  	s29 =	sadd.s32 s9, s29;
	[sflag:s16] =	ssyncadd.s32 $0xFFFFFFB0  }
0x22: {  	[tilespmem:s19], [sflag:$0x3] =	stream.linear.gather [hbm4b:s29+s31], $0x50, $0x38;
	[tilespmem:$0x1DD80] =	vst v63  }
0x23: {  	_ =	swait.ge [sflag:s16], $0x50  }
0x24: {  	s0 =	sshll.u32 s0, $0x4;
	[sflag:s16] =	ssyncset.done $0x0  }
0x25: {  	s0 =	sadd.s32 s6, s0;
	[sflag:s16] =	ssyncadd.s32 $0xFFFFFFB0  }
0x26: {  	[tilespmem:s20], [sflag:$0x3] =	stream.linear.gather [hbm4b:s0+s31], $0x2800, $0x38;
	[tilespmem:$0x1DD80] =	vst v63  }
0x27: {  	_ =	swait.ge [sflag:s16], $0x2800  }
0x28: {  	[sflag:s16] =	ssyncset.done $0x0  }
0x29: {  	[sflag:s16] =	ssyncadd.s32 $0xFFFFD800  }
0x2a: {  	[tilespmem:s22], [sflag:$0x1] =	stream.indirect.gather [hbm4b:s4+s21], $0x80, s17, s21, $0xb8;
	[tilespmem:$0x1DD80] =	vst v63  }
0x2b: {  	_ = 	snop  }
0x2c: {  	[tilespmem:s23], [sflag:$0x2] =	stream.indirect.gather [hbm4b:s5+s21], $0x80, s18, s21, $0xb8;
	[tilespmem:$0x1DD80] =	vst v63  }
0x2d: {  	_ =	swait.ge [sflag:s24], $0x2800  }
0x2e: {  	[sflag:s24] =	ssyncset.done $0x0  }
0x2f: {  	[sflag:s24] =	ssyncadd.s32 $0xFFFFD800  }
0x30: {  	_ =	swait.ge [sflag:s25], $0x2800  }
0x31: {  	[sflag:s25] =	ssyncset.done $0x0  }
0x32: {  	s30 =	simm.s32 $0x0;
	[sflag:s25] =	ssyncadd.s32 $0xFFFFD800  }
0x33: {  	v0 =	vld [tilespmem:s30+$0x165F0]  }
0x34: {  	v1 =	vld [tilespmem:s30+$0x18DE0]  }
0x35: {  	v2 =	vld [tilespmem:s30+$0x18DF0]  }
0x36: {  	v3 =	vld [tilespmem:s30+$0x18D80]  }
0x37: {  	v4 =	vld [tilespmem:s30+$0x165C0]  }
0x38: {  	v5 =	vld [tilespmem:s30+$0x18DD0]  }
0x39: {  	v6 =	vld [tilespmem:s30+$0x165E0]  }
0x3a: {  	v7 =	vld [tilespmem:s30+$0x16580]  }
0x3b: {  	v9 =	vld [tilespmem:s30+$0x165D0]  }
0x3c: {  	v8 =	vld [tilespmem:s30+$0x18DA0]  }
0x3d: {  	v12 =	vld [tilespmem:s30+$0x18DB0]  }
0x3e: {  	v0 =	vadd.f32 v2, v0;
	v2 =	vld [tilespmem:s30+$0x165A0];
	v1 =	vadd.f32 v1, v6  }
0x3f: {  	v6 =	vld [tilespmem:s30+$0x165B0];
	v3 =	vadd.f32 v3, v7  }
0x40: {  	v7 =	vld [tilespmem:s30+$0x18DC0];
	v5 =	vadd.f32 v5, v9;
	v10 =	vmul.f32 v0, v0;
	v13 =	vmul.f32 v1, v1  }
0x41: {  	v14 =	vmul.f32 v3, v3;
	v11 =	vmul.f32 $5.000000000e-01, v0  }
0x42: {  	v9 =	vmul.f32 v5, v5;
	v10 =	vmul.f32 v10, v0  }
0x43: {  	v2 =	vadd.f32 v8, v2;
	v8 =	vmul.f32 v13, v1;
	v13 =	vmul.f32 v14, v3  }
0x44: {  	v23 =	vmul.f32 $5.000000000e-01, v1;
	v6 =	vadd.f32 v12, v6;
	v10 =	vmul.f32 $4.471499850e-02, v10  }
0x45: {  	v4 =	vadd.f32 v7, v4;
	v7 =	vmul.f32 $4.471499850e-02, v8;
	v8 =	vmul.f32 $4.471499850e-02, v13  }
0x46: {  	v9 =	vmul.f32 v9, v5;
	v0 =	vadd.f32 v10, v0;
	v10 =	vmul.f32 v6, v6  }
0x47: {  	v12 =	vmul.f32 v4, v4;
	v7 =	vadd.f32 v7, v1;
	v8 =	vadd.f32 v8, v3  }
0x48: {  	v0 =	vmul.f32 $1.595769170e+00, v0;
	v10 =	vmul.f32 v10, v6  }
0x49: {  	v13 =	vmul.f32 $1.595769170e+00, v7;
	v8 =	vmul.f32 $1.595769170e+00, v8  }
0x4a: {  	v0 =	vmul.f32 $1.442695020e+00, v0;
	v10 =	vmul.f32 $4.471499850e-02, v10  }
0x4b: {  	v7 =	vmul.f32 $5.000000000e-01, v3;
	v3 =	vmul.f32 $1.442695020e+00, v8  }
0x4c: {  	v15 =	vld [tilespmem:s30+$0x18D90];
	v12 =	vmul.f32 v12, v4;
	(erf) = vpow2.f32 v0;
	v0 =	vadd.f32 v10, v6  }
0x4d: {  	v14 =	vmul.f32 v2, v2;
	v10 =	vld [tilespmem:s30+$0x16590];
	(erf) = vpow2.f32 v3  }
0x4e: {  	v12 =	vmul.f32 $4.471499850e-02, v12;
	v0 =	vmul.f32 $1.595769170e+00, v0  }
0x4f: {  	s29 =	simm.s32 $0x80;
	v13 =	vmul.f32 $1.442695020e+00, v13;
	v3 =	vmul.f32 v14, v2  }
0x50: {  	v16 =	vld [tilespmem:s29+$0x18DE0];
	v8 =	vmul.f32 $5.000000000e-01, v4;
	v0 =	vmul.f32 $1.442695020e+00, v0  }
0x51: {  	v4 =	vadd.f32 v12, v4;
	(erf) = vpow2.f32 v13;
	v13 =	vld [tilespmem:s29+$0x165F0];
	v3 =	vmul.f32 $4.471499850e-02, v3  }
0x52: {  	v10 =	vadd.f32 v15, v10;
	(erf) = vpow2.f32 v0;
	v0 =	vmul.f32 $4.471499850e-02, v9;
	v9 =	vld [tilespmem:s29+$0x18DF0]  }
0x53: {  	v20 =	vld [tilespmem:s29+$0x165E0];
	v35 =	vmul.f32 $5.000000000e-01, v2;
	v4 =	vmul.f32 $1.595769170e+00, v4;
	v3 =	vadd.f32 v3, v2  }
0x54: {  	v21 =	vld [tilespmem:s29+$0x18DD0];
	v6 =	vmul.f32 $5.000000000e-01, v6;
	v14 =	vmul.f32 v10, v10;
	v0 =	vadd.f32 v0, v5  }
0x55: {  	v22 =	vld [tilespmem:s29+$0x165A0];
	v4 =	vmul.f32 $1.442695020e+00, v4;
	v3 =	vmul.f32 $1.595769170e+00, v3;
	v17 =	vpop (erf)  }
0x56: {  	v25 =	vld [tilespmem:s29+$0x165D0];
	v12 =	vmul.f32 v14, v10;
	v18 =	vpop (erf);
	v19 =	vmul.f32 $1.595769170e+00, v0  }
0x57: {  	v14 =	vld [tilespmem:s29+$0x18D80];
	v0 =	vadd.f32 $1.000000000e+00, v18;
	v18 =	vmul.f32 $5.000000000e-01, v5;
	v5 =	vadd.f32 v9, v13  }
0x58: {  	v15 =	vmul.f32 $5.000000000e-01, v10;
	v3 =	vmul.f32 $1.442695020e+00, v3;
	v13 =	vld [tilespmem:s29+$0x18DA0]  }
0x59: {  	v12 =	vmul.f32 $4.471499850e-02, v12;
	v9 =	vadd.f32 v16, v20;
	v16 =	vld [tilespmem:s29+$0x16580];
	v1 =	vmul.f32 v5, v5  }
0x5a: {  	v20 =	vld [tilespmem:s29+$0x165C0];
	v19 =	vmul.f32 $1.442695020e+00, v19;
	(erf) = vrcp.f32 v0  }
0x5b: {  	v24 =	vpop (erf);
	v10 =	vadd.f32 v12, v10;
	v12 =	vld [tilespmem:s29+$0x18DC0];
	(erf) = vpow2.f32 v3;
	v1 =	vmul.f32 v1, v5  }
0x5c: {  	v26 =	vpop (erf);
	(erf) = vpow2.f32 v19;
	v19 =	vmul.f32 v9, v9  }
0x5d: {  	v0 =	vmul.f32 $5.000000000e-01, v5;
	v10 =	vmul.f32 $1.595769170e+00, v10;
	v3 =	vadd.f32 $1.000000000e+00, v26  }
0x5e: {  	v21 =	vadd.f32 v21, v25;
	v1 =	vmul.f32 $4.471499850e-02, v1;
	v19 =	vmul.f32 v19, v9  }
0x5f: {  	v14 =	vadd.f32 v14, v16;
	v10 =	vmul.f32 $1.442695020e+00, v10;
	(erf) = vrcp.f32 v3  }
0x60: {  	v3 =	vadd.f32 v13, v22;
	v12 =	vadd.f32 v12, v20;
	v20 =	vmul.f32 v21, v21  }
0x61: {  	v22 =	vadd.f32 $1.000000000e+00, v24;
	(erf) = vpow2.f32 v4;
	v16 =	vmul.f32 $4.471499850e-02, v19  }
0x62: {  	v17 =	vadd.f32 $1.000000000e+00, v17;
	v13 =	vld [tilespmem:s29+$0x18DB0];
	v19 =	vmul.f32 v14, v14;
	v24 =	vmul.f32 v3, v3  }
0x63: {  	v4 =	vld [tilespmem:s29+$0x165B0];
	v1 =	vadd.f32 v1, v5;
	(erf) = vrcp.f32 v22;
	v22 =	vmul.f32 v12, v12  }
0x64: {  	v20 =	vmul.f32 v20, v21;
	v19 =	vmul.f32 v19, v14  }
0x65: {  	v5 =	vadd.f32 v16, v9;
	v1 =	vmul.f32 $1.595769170e+00, v1;
	v25 =	vpop (erf);
	(erf) = vrcp.f32 v17  }
0x66: {  	v24 =	vmul.f32 v24, v3;
	v20 =	vmul.f32 $4.471499850e-02, v20  }
0x67: {  	v26 =	vmul.f32 $1.595769170e+00, v5;
	v5 =	vmul.f32 $5.000000000e-01, v14  }
0x68: {  	v16 =	vpop (erf);
	v27 =	vmul.f32 $4.471499850e-02, v19;
	v25 =	vadd.f32 v25, v25;
	v13 =	vadd.f32 v13, v4  }
0x69: {  	v1 =	vmul.f32 $1.442695020e+00, v1;
	v4 =	vpop (erf);
	v16 =	vadd.f32 $1.000000000e+00, v16;
	v20 =	vadd.f32 v20, v21  }
0x6a: {  	v24 =	vmul.f32 $4.471499850e-02, v24;
	v26 =	vmul.f32 $1.442695020e+00, v26;
	v14 =	vadd.f32 v27, v14;
	v19 =	vpop (erf)  }
0x6b: {  	v28 =	vadd.f32 $1.000000000e+00, v4;
	v4 =	vmul.f32 $5.000000000e-01, v12;
	v20 =	vmul.f32 $1.595769170e+00, v20;
	v30 =	vpop (erf)  }
0x6c: {  	v25 =	vsub.f32 $1.000000000e+00, v25;
	v14 =	vmul.f32 $1.595769170e+00, v14;
	v27 =	vadd.f32 $1.000000000e+00, v30  }
0x6d: {  	v31 =	vld [tilespmem:s29+$0x16590];
	v29 =	vadd.f32 v19, v19;
	v19 =	vmul.f32 $5.000000000e-01, v13;
	v20 =	vmul.f32 $1.442695020e+00, v20  }
0x6e: {  	v17 =	vld [tilespmem:s29+$0x18D90];
	v25 =	vadd.f32 $1.000000000e+00, v25;
	(erf) = vrcp.f32 v27;
	v27 =	vmul.f32 v13, v13  }
0x6f: {  	v30 =	vpop (erf);
	v29 =	vsub.f32 $1.000000000e+00, v29;
	(erf) = vrcp.f32 v16;
	v16 =	vadd.f32 v24, v3  }
0x70: {  	v14 =	vmul.f32 $1.442695020e+00, v14;
	v30 =	vadd.f32 v30, v30;
	v27 =	vmul.f32 v27, v13  }
0x71: {  	v41 =	vld [tilespmem:s30+$0x13DB0];
	v24 =	vadd.f32 $1.000000000e+00, v29;
	(erf) = vpow2.f32 v1;
	v16 =	vmul.f32 $1.595769170e+00, v16  }
0x72: {  	v30 =	vsub.f32 $1.000000000e+00, v30;
	(erf) = vpow2.f32 v14;
	v14 =	vmul.f32 v22, v12  }
0x73: {  	v17 =	vadd.f32 v17, v31;
	v22 =	vmul.f32 v24, v6;
	v24 =	vld [tilespmem:s30+$0x13DE0];
	v1 =	vmul.f32 $4.471499850e-02, v27  }
0x74: {  	s31 =	simm.s32 $0x100;
	v25 =	vmul.f32 v25, v7;
	v29 =	vadd.f32 $1.000000000e+00, v30;
	(erf) = vrcp.f32 v28  }
0x75: {  	v28 =	vld [tilespmem:s31+$0x18DF0];
	v16 =	vmul.f32 $1.442695020e+00, v16;
	v14 =	vmul.f32 $4.471499850e-02, v14;
	v13 =	vadd.f32 v1, v13  }
0x76: {  	v23 =	vmul.f32 v29, v23;
	v29 =	vld [tilespmem:s31+$0x165F0];
	v22 =	vmul.f32 v22, v41  }
0x77: {  	v27 =	vpop (erf);
	v1 =	vmul.f32 $5.000000000e-01, v17;
	v12 =	vadd.f32 v14, v12;
	v6 =	vmul.f32 $1.595769170e+00, v13  }
0x78: {  	v37 =	vld [tilespmem:s31+$0x18D90];
	v13 =	vadd.f32 v27, v27;
	v27 =	vmul.f32 v17, v17;
	v23 =	vmul.f32 v23, v24  }
0x79: {  	v45 =	vld [tilespmem:s31+$0x16590];
	v31 =	vpop (erf);
	(erf) = vpow2.f32 v26;
	v2 =	vmul.f32 $1.595769170e+00, v12  }
0x7a: {  	v24 =	vld [tilespmem:s31+$0x18DA0];
	v6 =	vmul.f32 $1.442695020e+00, v6;
	v32 =	vsub.f32 $1.000000000e+00, v13;
	v31 =	vadd.f32 v31, v31;
	v33 =	vpop (erf)  }
0x7b: {  	v26 =	vld [tilespmem:s31+$0x18D80];
	v27 =	vmul.f32 v27, v17;
	v28 =	vadd.f32 v28, v29;
	v34 =	vpop (erf);
	v12 =	vadd.f32 v33, v33  }
0x7c: {  	v13 =	vld [tilespmem:s31+$0x18DE0];
	v29 =	vmul.f32 $1.442695020e+00, v2;
	(erf) = vpow2.f32 v6;
	v6 =	vsub.f32 $1.000000000e+00, v31;
	v14 =	vpop (erf)  }
0x7d: {  	v27 =	vmul.f32 $4.471499850e-02, v27;
	v31 =	vld [tilespmem:s31+$0x165C0];
	v2 =	vmul.f32 $5.000000000e-01, v28;
	v14 =	vadd.f32 $1.000000000e+00, v14  }
0x7e: {  	(erf) = vpow2.f32 v10;
	v36 =	vadd.f32 $1.000000000e+00, v6;
	v6 =	vmul.f32 $5.000000000e-01, v21;
	v21 =	vld [tilespmem:s31+$0x165E0]  }
0x7f: {  	v10 =	vld [tilespmem:s31+$0x18DD0];
	v17 =	vadd.f32 v27, v17;
	[tilespmem:s30+$0x1B5E0] =	vst v23;
	(erf) = vrcp.f32 v14;
	v14 =	vmul.f32 $5.000000000e-01, v9  }
0x80: {  	v9 =	vsub.f32 $1.000000000e+00, v12;
	v12 =	vmul.f32 v28, v28;
	v27 =	vld [tilespmem:s31+$0x18DC0];
	(erf) = vpow2.f32 v16  }
0x81: {  	v30 =	vld [tilespmem:s30+$0x13DA0];
	v16 =	vpop (erf);
	v17 =	vmul.f32 $1.595769170e+00, v17;
	v8 =	vmul.f32 v36, v8  }
0x82: {  	v23 =	vld [tilespmem:s31+$0x165A0];
	v9 =	vadd.f32 $1.000000000e+00, v9;
	v12 =	vmul.f32 v12, v28;
	v16 =	vadd.f32 v16, v16  }
0x83: {  	v39 =	vld [tilespmem:s31+$0x165D0];
	v38 =	vpop (erf);
	(erf) = vpow2.f32 v20;
	v17 =	vmul.f32 $1.442695020e+00, v17;
	v7 =	vadd.f32 v13, v21  }
0x84: {  	v9 =	vmul.f32 v9, v35;
	v12 =	vmul.f32 $4.471499850e-02, v12  }
0x85: {  	v47 =	vld [tilespmem:s31+$0x165B0];
	v40 =	vsub.f32 $1.000000000e+00, v16;
	v16 =	vadd.f32 v27, v31;
	v13 =	vpop (erf);
	v20 =	vmul.f32 v7, v7  }
0x86: {  	v21 =	vld [tilespmem:s31+$0x16580];
	v30 =	vmul.f32 v9, v30;
	v12 =	vadd.f32 v12, v28;
	v46 =	vadd.f32 $1.000000000e+00, v13  }
0x87: {  	v28 =	vld [tilespmem:s30+$0x13DC0];
	v13 =	vadd.f32 v24, v23;
	v31 =	vmul.f32 v16, v16;
	v20 =	vmul.f32 v20, v7  }
0x88: {  	v9 =	vadd.f32 v10, v39;
	v23 =	vld [tilespmem:s31+$0x18DB0];
	v48 =	vmul.f32 $1.595769170e+00, v12;
	(erf) = vrcp.f32 v46  }
0x89: {  	v24 =	vadd.f32 $1.000000000e+00, v38;
	v27 =	vpop (erf);
	(erf) = vpow2.f32 v29;
	v29 =	vmul.f32 v13, v13  }
0x8a: {  	v10 =	vmul.f32 $4.471499850e-02, v20;
	v20 =	vadd.f32 $1.000000000e+00, v27;
	v35 =	vmul.f32 $1.442695020e+00, v48  }
0x8b: {  	(erf) = vrcp.f32 v24;
	v24 =	vadd.f32 v26, v21;
	v26 =	vmul.f32 v9, v9;
	v21 =	vld [tilespmem:s30+$0x13D80]  }
0x8c: {  	v28 =	vmul.f32 v8, v28;
	v10 =	vadd.f32 v10, v7;
	(erf) = vrcp.f32 v20  }
0x8d: {  	v23 =	vadd.f32 v23, v47;
	v27 =	vmul.f32 v24, v24;
	v12 =	vmul.f32 $5.000000000e-01, v24  }
0x8e: {  	v26 =	vmul.f32 v26, v9;
	v10 =	vmul.f32 $1.595769170e+00, v10  }
0x8f: {  	v8 =	vmul.f32 $5.000000000e-01, v23;
	v55 =	vmul.f32 v23, v23  }
0x90: {  	v58 =	vld [tilespmem:s30+$0x13DD0];
	[tilespmem:s30+$0x1B5A0] =	vst v30;
	v30 =	vpop (erf);
	v20 =	vmul.f32 v27, v24;
	v27 =	vadd.f32 $1.000000000e+00, v40;
	v25 =	vmul.f32 v25, v21  }
0x91: {  	v34 =	vadd.f32 $1.000000000e+00, v34;
	v49 =	vpop (erf);
	v21 =	vmul.f32 $1.442695020e+00, v10;
	v10 =	vmul.f32 $5.000000000e-01, v16  }
0x92: {  	v50 =	vpop (erf);
	v51 =	vmul.f32 $4.471499850e-02, v20;
	v27 =	vmul.f32 v27, v18;
	v18 =	vadd.f32 $1.000000000e+00, v32  }
0x93: {  	v54 =	vld [tilespmem:s30+$0x13DF0];
	v20 =	vadd.f32 $1.000000000e+00, v50;
	v52 =	vpop (erf);
	(erf) = vrcp.f32 v34;
	[tilespmem:s30+$0x1B580] =	vst v25;
	v25 =	vmul.f32 v29, v13  }
0x94: {  	v39 =	vadd.f32 v52, v52;
	v53 =	vpop (erf);
	v24 =	vadd.f32 v51, v24;
	v11 =	vmul.f32 v18, v11  }
0x95: {  	v62 =	vmul.f32 v27, v58;
	v27 =	vmul.f32 v31, v16;
	v40 =	vadd.f32 $1.000000000e+00, v53  }
0x96: {  	[tilespmem:s30+$0x1B5C0] =	vst v28;
	v29 =	vadd.f32 $1.000000000e+00, v49;
	v28 =	vpop (erf);
	v25 =	vmul.f32 $4.471499850e-02, v25;
	v24 =	vmul.f32 $1.595769170e+00, v24  }
0x97: {  	v28 =	vadd.f32 v28, v28;
	v56 =	vpop (erf);
	v57 =	vsub.f32 $1.000000000e+00, v39;
	(erf) = vrcp.f32 v40  }
0x98: {  	v11 =	vmul.f32 v11, v54;
	v18 =	vadd.f32 v56, v56;
	(erf) = vrcp.f32 v29  }
0x99: {  	[tilespmem:s30+$0x1B5B0] =	vst v22;
	v22 =	vadd.f32 v25, v13;
	v25 =	vmul.f32 $4.471499850e-02, v26;
	v59 =	vsub.f32 $1.000000000e+00, v28  }
0x9a: {  	v28 =	vmul.f32 v55, v23;
	v29 =	vsub.f32 $1.000000000e+00, v18;
	(erf) = vpow2.f32 v35  }
0x9b: {  	v61 =	vld [tilespmem:s30+$0x13D90];
	v24 =	vmul.f32 $1.442695020e+00, v24;
	v60 =	vadd.f32 $1.000000000e+00, v57;
	v18 =	vadd.f32 v37, v45  }
0x9c: {  	v63 =	vmul.f32 $1.595769170e+00, v22;
	v26 =	vmul.f32 $4.471499850e-02, v28;
	v29 =	vadd.f32 $1.000000000e+00, v29  }
0x9d: {  	v28 =	vadd.f32 v25, v9;
	(erf) = vpow2.f32 v24;
	v22 =	vadd.f32 $1.000000000e+00, v59  }
0x9e: {  	[tilespmem:s30+$0x1B5F0] =	vst v11;
	v11 =	vmul.f32 $5.000000000e-01, v18;
	v24 =	vadd.f32 v26, v23;
	v29 =	vmul.f32 v29, v15  }
0x9f: {  	[tilespmem:s30+$0x1B5D0] =	vst v62;
	v25 =	vmul.f32 $1.442695020e+00, v63;
	v31 =	vpop (erf);
	v23 =	vadd.f32 v30, v30;
	v15 =	vmul.f32 v60, v19  }
0xa0: {  	s0 =	simm.s32 $0x600;
	v19 =	vadd.f32 v31, v31;
	v30 =	vmul.f32 $1.595769170e+00, v24;
	v24 =	vld [tilespmem:s29+$0x13DA0];
	v29 =	vmul.f32 v29, v61;
	v26 =	vpop (erf)  }
.LBB2_3:
0xa1: {  	s3 =	sshra.s32 s0, $0x2;
	p0 =	sne.s32 s0, $0x9E00;
	s0 =	sadd.s32 $0x200, s0;
	v35 =	vmul.f32 v18, v18;
	v32 =	vld [tilespmem:s29+$0x13DE0];
	v14 =	vmul.f32 v22, v14;
	v33 =	vpop (erf)  }
0xa2: {  	v28 =	vmul.f32 $1.595769170e+00, v28;
	v34 =	vld [tilespmem:s3+$0x165F0];
	v30 =	vmul.f32 $1.442695020e+00, v30;
	v22 =	vsub.f32 $1.000000000e+00, v19;
	[tilespmem:s30+$0x1B590] =	vst v29;
	s30 =	smov.u32 s29;
	s29 =	smov.u32 s31;
	s31 =	smov.u32 s3  }
0xa3: {  	v26 =	vadd.f32 v26, v26;
	v29 =	vld [tilespmem:s31+$0x18DE0];
	v19 =	vmul.f32 v35, v18;
	v31 =	vpop (erf);
	(erf) = vrcp.f32 v20  }
0xa4: {  	v27 =	vmul.f32 $4.471499850e-02, v27;
	v20 =	vld [tilespmem:s31+$0x18DF0];
	(erf) = vpow2.f32 v21;
	v21 =	vsub.f32 $1.000000000e+00, v23  }
0xa5: {  	v35 =	vld [tilespmem:s31+$0x18D80];
	v36 =	vmul.f32 $4.471499850e-02, v19;
	(erf) = vpow2.f32 v30;
	v19 =	vsub.f32 $1.000000000e+00, v26  }
0xa6: {  	v16 =	vadd.f32 v27, v16;
	v26 =	vld [tilespmem:s31+$0x165C0];
	v23 =	vpop (erf);
	v21 =	vadd.f32 $1.000000000e+00, v21;
	(erf) = vpow2.f32 v17  }
0xa7: {  	v27 =	vmul.f32 $5.000000000e-01, v3;
	v3 =	vmovc v13;
	v17 =	vld [tilespmem:s31+$0x18DD0];
	v23 =	vadd.f32 $1.000000000e+00, v23;
	v30 =	vadd.f32 $1.000000000e+00, v19  }
0xa8: {  	v37 =	vmul.f32 $5.000000000e-01, v9;
	v9 =	vadd.f32 v33, v33;
	v13 =	vmul.f32 $1.595769170e+00, v16;
	v19 =	vld [tilespmem:s31+$0x18D90]  }
0xa9: {  	v32 =	vmul.f32 v14, v32;
	v16 =	vld [tilespmem:s31+$0x165E0];
	v20 =	vadd.f32 v20, v34;
	(erf) = vrcp.f32 v23  }
0xaa: {  	v39 =	vsub.f32 $1.000000000e+00, v9;
	v14 =	vmul.f32 $5.000000000e-01, v7;
	v34 =	vmul.f32 $1.442695020e+00, v13;
	v33 =	vld [tilespmem:s31+$0x18DA0]  }
0xab: {  	v40 =	vadd.f32 v36, v18;
	v23 =	vld [tilespmem:s31+$0x16590];
	v9 =	vmul.f32 v20, v20;
	v38 =	vmul.f32 $5.000000000e-01, v20;
	[tilespmem:s30+$0x1B5E0] =	vst v32  }
0xac: {  	v41 =	vmul.f32 $1.442695020e+00, v28;
	v18 =	vld [tilespmem:s31+$0x165A0];
	(erf) = vpow2.f32 v25;
	v25 =	vadd.f32 $1.000000000e+00, v39;
	v7 =	vpop (erf)  }
0xad: {  	v21 =	vmul.f32 v21, v5;
	v32 =	vld [tilespmem:s31+$0x18DC0];
	v9 =	vmul.f32 v9, v20;
	v36 =	vpop (erf);
	v42 =	vadd.f32 v7, v7  }
0xae: {  	v39 =	vld [tilespmem:s31+$0x165D0];
	v7 =	vadd.f32 v29, v16;
	v29 =	vmul.f32 $1.595769170e+00, v40;
	v13 =	vpop (erf);
	v16 =	vmul.f32 v25, v27  }
0xaf: {  	v25 =	vld [tilespmem:s31+$0x16580];
	v27 =	vmul.f32 $4.471499850e-02, v9;
	v9 =	vadd.f32 $1.000000000e+00, v13;
	(erf) = vpow2.f32 v41;
	v28 =	vpop (erf)  }
0xb0: {  	v5 =	vmovc v12;
	v41 =	vsub.f32 $1.000000000e+00, v42;
	v40 =	vmul.f32 v7, v7;
	v24 =	vmul.f32 v16, v24  }
0xb1: {  	v13 =	vadd.f32 v33, v18;
	v12 =	vld [tilespmem:s31+$0x18DB0];
	v18 =	vadd.f32 $1.000000000e+00, v36;
	(erf) = vrcp.f32 v9  }
0xb2: {  	v33 =	vld [tilespmem:s31+$0x165B0];
	v16 =	vadd.f32 v32, v26;
	v26 =	vmul.f32 v40, v7;
	v32 =	vpop (erf);
	(erf) = vpow2.f32 v34;
	[tilespmem:s30+$0x1B5A0] =	vst v24  }
0xb3: {  	v24 =	vmul.f32 v13, v13;
	v9 =	vadd.f32 v17, v39;
	(erf) = vrcp.f32 v18  }
0xb4: {  	v18 =	vadd.f32 v35, v25;
	v25 =	vmul.f32 $4.471499850e-02, v26;
	v26 =	vadd.f32 $1.000000000e+00, v28  }
0xb5: {  	v20 =	vadd.f32 v27, v20;
	v17 =	vmul.f32 $1.442695020e+00, v29;
	v28 =	vmul.f32 v9, v9;
	v27 =	vpop (erf);
	v29 =	vld [tilespmem:s30+$0x13D80]  }
0xb6: {  	v39 =	vmul.f32 v18, v18;
	v25 =	vadd.f32 v25, v7;
	v35 =	vld [tilespmem:s30+$0x13DC0];
	(erf) = vrcp.f32 v26  }
0xb7: {  	v36 =	vmul.f32 $1.595769170e+00, v20;
	v26 =	vmul.f32 v16, v16;
	v33 =	vadd.f32 v12, v33  }
0xb8: {  	v12 =	vmul.f32 $5.000000000e-01, v18;
	v20 =	vmul.f32 v39, v18;
	v34 =	vpop (erf);
	v39 =	vadd.f32 $1.000000000e+00, v41  }
0xb9: {  	v31 =	vadd.f32 $1.000000000e+00, v31;
	v30 =	vmul.f32 v30, v4;
	v4 =	vmovc v10;
	v25 =	vmul.f32 $1.595769170e+00, v25  }
0xba: {  	v40 =	vmul.f32 $4.471499850e-02, v20;
	v20 =	vadd.f32 $1.000000000e+00, v34;
	v10 =	vpop (erf);
	v29 =	vmul.f32 v21, v29  }
0xbb: {  	v21 =	vmul.f32 $1.442695020e+00, v25;
	v25 =	vadd.f32 v10, v10;
	v34 =	vpop (erf);
	v41 =	vld [tilespmem:s30+$0x13DB0];
	v30 =	vmul.f32 v30, v35  }
0xbc: {  	v35 =	vmul.f32 $5.000000000e-01, v33;
	v10 =	vmul.f32 $5.000000000e-01, v16;
	v34 =	vadd.f32 $1.000000000e+00, v34;
	v42 =	vpop (erf)  }
0xbd: {  	v28 =	vmul.f32 v28, v9;
	v18 =	vadd.f32 v40, v18;
	(erf) = vrcp.f32 v31;
	[tilespmem:s30+$0x1B580] =	vst v29  }
0xbe: {  	v22 =	vadd.f32 $1.000000000e+00, v22;
	v24 =	vmul.f32 v24, v13;
	v29 =	vmul.f32 v39, v6;
	v6 =	vmovc v37;
	[tilespmem:s30+$0x1B5C0] =	vst v30  }
0xbf: {  	v27 =	vadd.f32 $1.000000000e+00, v27;
	v18 =	vmul.f32 $1.595769170e+00, v18;
	(erf) = vrcp.f32 v34;
	v30 =	vld [tilespmem:s30+$0x13DF0];
	v31 =	vpop (erf)  }
0xc0: {  	v37 =	vadd.f32 v42, v42;
	v34 =	vmul.f32 v33, v33;
	v15 =	vmul.f32 v15, v41  }
0xc1: {  	v22 =	vmul.f32 v22, v0;
	v0 =	vmovc v2;
	v2 =	vmovc v38;
	v36 =	vmul.f32 $1.442695020e+00, v36;
	v25 =	vsub.f32 $1.000000000e+00, v25;
	v39 =	vld [tilespmem:s30+$0x13DD0]  }
0xc2: {  	v37 =	vsub.f32 $1.000000000e+00, v37;
	v38 =	vmul.f32 $1.442695020e+00, v18;
	v18 =	vadd.f32 v31, v31;
	[tilespmem:s30+$0x1B5B0] =	vst v15  }
0xc3: {  	v15 =	vmul.f32 $4.471499850e-02, v24;
	v24 =	vadd.f32 $1.000000000e+00, v25;
	(erf) = vrcp.f32 v27  }
0xc4: {  	v25 =	vmul.f32 v34, v33;
	v31 =	vsub.f32 $1.000000000e+00, v18;
	v22 =	vmul.f32 v22, v30  }
0xc5: {  	v28 =	vmul.f32 $4.471499850e-02, v28;
	v15 =	vadd.f32 v15, v13;
	(erf) = vpow2.f32 v36  }
0xc6: {  	v18 =	vadd.f32 v19, v23;
	v19 =	vmul.f32 $4.471499850e-02, v25;
	v34 =	vpop (erf);
	v36 =	vld [tilespmem:s30+$0x13D90];
	v23 =	vmul.f32 v29, v39;
	[tilespmem:s30+$0x1B5F0] =	vst v22  }
.Ltmp0:
0xc7: {  	v27 =	vmul.f32 v26, v16;
	v25 =	vadd.f32 $1.000000000e+00, v31;
	v15 =	vmul.f32 $1.595769170e+00, v15;
	(pc) =	sbr.rel @p0 .LBB2_3-.Ltmp0, $4  }
0xc8: {  	v28 =	vadd.f32 v28, v9;
	v22 =	vadd.f32 $1.000000000e+00, v37;
	(erf) = vpow2.f32 v38;
	v26 =	vpop (erf);
	[tilespmem:s30+$0x1B5D0] =	vst v23  }
0xc9: {  	v19 =	vadd.f32 v19, v33;
	v29 =	vmul.f32 v25, v1;
	v1 =	vmovc v11;
	v11 =	vmul.f32 $5.000000000e-01, v18  }
0xca: {  	v25 =	vmul.f32 $1.442695020e+00, v15;
	v23 =	vadd.f32 v32, v32;
	v15 =	vmul.f32 v24, v8;
	v8 =	vmovc v35  }
0xcb: {  	v30 =	vmul.f32 $1.595769170e+00, v19;
	v19 =	vadd.f32 v34, v34;
	v24 =	vld [tilespmem:s29+$0x13DA0];
	v29 =	vmul.f32 v29, v36  }
0xcc: {  	_ = 	snop  }
0xcd: {  	(erf) = vrcp.f32 v20;
	v30 =	vmul.f32 $1.442695020e+00, v30  }
0xce: {  	(erf) = vpow2.f32 v21  }
0xcf: {  	(erf) = vpow2.f32 v30;
	_ =	sdelay $0x3  }
0xd0: {  	v40 =	vpop (erf)  }
0xd1: {  	v41 =	vmul.f32 $4.471499850e-02, v27;
	v42 =	vpop (erf)  }
0xd2: {  	v28 =	vmul.f32 $1.595769170e+00, v28;
	v43 =	vpop (erf)  }
0xd3: {  	v16 =	vadd.f32 v41, v16;
	v21 =	vadd.f32 $1.000000000e+00, v43;
	v44 =	vpop (erf)  }
0xd4: {  	v46 =	vmul.f32 $1.442695020e+00, v28;
	(erf) = vpow2.f32 v17;
	v45 =	vpop (erf)  }
0xd5: {  	v16 =	vmul.f32 $1.595769170e+00, v16;
	(erf) = vrcp.f32 v21;
	v47 =	vpop (erf)  }
0xd6: {  	(erf) = vpow2.f32 v25;
	v48 =	vadd.f32 $1.000000000e+00, v47  }
0xd7: {  	v16 =	vmul.f32 $1.442695020e+00, v16;
	(erf) = vpow2.f32 v46  }
0xd8: {  	(erf) = vrcp.f32 v48  }
0xd9: {  	v20 =	vadd.f32 v40, v40;
	(erf) = vpow2.f32 v16;
	_ =	sdelay $0x1  }
0xda: {  	v20 =	vsub.f32 $1.000000000e+00, v20;
	_ =	sdelay $0x1  }
0xdb: {  	v3 =	vmul.f32 $5.000000000e-01, v3;
	v20 =	vadd.f32 $1.000000000e+00, v20;
	v51 =	vpop (erf)  }
0xdc: {  	v50 =	vmul.f32 v18, v18;
	v17 =	vadd.f32 $1.000000000e+00, v45;
	v53 =	vpop (erf)  }
0xdd: {  	v3 =	vmul.f32 v20, v3;
	v20 =	vadd.f32 $1.000000000e+00, v51;
	v55 =	vpop (erf)  }
0xde: {  	v16 =	vmul.f32 v50, v18;
	(erf) = vrcp.f32 v17;
	v57 =	vpop (erf)  }
0xdf: {  	v52 =	vadd.f32 v26, v26;
	v54 =	vsub.f32 $1.000000000e+00, v23;
	(erf) = vrcp.f32 v20;
	v59 =	vpop (erf)  }
0xe0: {  	v60 =	vadd.f32 $1.000000000e+00, v42;
	v3 =	vmul.f32 v3, v24;
	v16 =	vmul.f32 $4.471499850e-02, v16;
	v61 =	vpop (erf)  }
0xe1: {  	v49 =	vld [tilespmem:s29+$0x13DE0];
	[tilespmem:s30+$0x1B590] =	vst v29;
	v21 =	vsub.f32 $1.000000000e+00, v52;
	v62 =	vadd.f32 $1.000000000e+00, v61  }
0xe2: {  	v56 =	vld [tilespmem:s29+$0x13D80];
	[tilespmem:s29+$0x1B5A0] =	vst v3;
	(erf) = vrcp.f32 v60;
	v3 =	vadd.f32 $1.000000000e+00, v55;
	v23 =	vadd.f32 v16, v18  }
0xe3: {  	v14 =	vmul.f32 v22, v14;
	v22 =	vadd.f32 $1.000000000e+00, v54;
	v58 =	vld [tilespmem:s29+$0x13DC0];
	(erf) = vrcp.f32 v62  }
0xe4: {  	v21 =	vadd.f32 $1.000000000e+00, v21;
	(erf) = vrcp.f32 v3;
	v3 =	vmul.f32 $1.595769170e+00, v23  }
0xe5: {  	v5 =	vmul.f32 v22, v5;
	v31 =	vadd.f32 $1.000000000e+00, v57  }
0xe6: {  	v25 =	vadd.f32 v44, v44;
	v4 =	vmul.f32 v21, v4;
	v3 =	vmul.f32 $1.442695020e+00, v3  }
0xe7: {  	v27 =	vsub.f32 $1.000000000e+00, v19;
	v63 =	vld [tilespmem:s29+$0x13DB0];
	v5 =	vmul.f32 v5, v56;
	v32 =	vpop (erf);
	(erf) = vrcp.f32 v31  }
0xe8: {  	v29 =	vld [tilespmem:s29+$0x13DF0];
	v28 =	vsub.f32 $1.000000000e+00, v25;
	v4 =	vmul.f32 v4, v58;
	v33 =	vpop (erf);
	(erf) = vpow2.f32 v3  }
0xe9: {  	v30 =	vld [tilespmem:s29+$0x13DD0];
	[tilespmem:s29+$0x1B580] =	vst v5;
	v5 =	vadd.f32 $1.000000000e+00, v27  }
0xea: {  	[tilespmem:s29+$0x1B5C0] =	vst v4;
	v4 =	vadd.f32 $1.000000000e+00, v28  }
0xeb: {  	v14 =	vmul.f32 v14, v49;
	v0 =	vmul.f32 v5, v0;
	v34 =	vpop (erf);
	v35 =	vadd.f32 v33, v33  }
0xec: {  	v15 =	vmul.f32 v15, v63;
	v4 =	vmul.f32 v4, v6;
	v36 =	vpop (erf)  }
0xed: {  	[tilespmem:s29+$0x1B5E0] =	vst v14;
	v0 =	vmul.f32 v0, v29;
	v6 =	vsub.f32 $1.000000000e+00, v35;
	v39 =	vpop (erf)  }
0xee: {  	v38 =	vld [tilespmem:s29+$0x13D90];
	[tilespmem:s29+$0x1B5B0] =	vst v15;
	v4 =	vmul.f32 v4, v30;
	v40 =	vadd.f32 v39, v39  }
0xef: {  	[tilespmem:s29+$0x1B5F0] =	vst v0;
	v37 =	vadd.f32 v32, v32;
	v41 =	vadd.f32 $1.000000000e+00, v6  }
0xf0: {  	[tilespmem:s29+$0x1B5D0] =	vst v4;
	v45 =	vpop (erf);
	v0 =	vsub.f32 $1.000000000e+00, v40  }
0xf1: {  	v43 =	vld [tilespmem:s31+$0x13DA0];
	v3 =	vsub.f32 $1.000000000e+00, v37;
	v1 =	vmul.f32 v41, v1;
	v46 =	vpop (erf)  }
0xf2: {  	v44 =	vmul.f32 $5.000000000e-01, v13;
	v42 =	vld [tilespmem:s31+$0x13DE0];
	v0 =	vadd.f32 $1.000000000e+00, v0;
	v48 =	vadd.f32 $1.000000000e+00, v46  }
0xf3: {  	v7 =	vmul.f32 $5.000000000e-01, v7;
	v3 =	vadd.f32 $1.000000000e+00, v3;
	v1 =	vmul.f32 v1, v38  }
0xf4: {  	v49 =	vadd.f32 v36, v36;
	v0 =	vmul.f32 v0, v44;
	(erf) = vrcp.f32 v48  }
0xf5: {  	v47 =	vadd.f32 v53, v53;
	v3 =	vmul.f32 v3, v7  }
0xf6: {  	v53 =	vadd.f32 v59, v59;
	[tilespmem:s29+$0x1B590] =	vst v1;
	v51 =	vsub.f32 $1.000000000e+00, v49;
	v0 =	vmul.f32 v0, v43  }
0xf7: {  	v50 =	vsub.f32 $1.000000000e+00, v47;
	v3 =	vmul.f32 v3, v42;
	v54 =	vld [tilespmem:s31+$0x13DC0]  }
0xf8: {  	v4 =	vsub.f32 $1.000000000e+00, v53;
	v52 =	vld [tilespmem:s31+$0x13D80];
	[tilespmem:s31+$0x1B5A0] =	vst v0;
	v0 =	vadd.f32 $1.000000000e+00, v51  }
0xf9: {  	[tilespmem:s31+$0x1B5E0] =	vst v3;
	v3 =	vadd.f32 $1.000000000e+00, v50  }
0xfa: {  	v4 =	vadd.f32 $1.000000000e+00, v4;
	v0 =	vmul.f32 v0, v10  }
0xfb: {  	v57 =	vadd.f32 v34, v34;
	v3 =	vmul.f32 v3, v12  }
0xfc: {  	v56 =	vmul.f32 v4, v8;
	v0 =	vmul.f32 v0, v54  }
0xfd: {  	v4 =	vsub.f32 $1.000000000e+00, v57;
	v58 =	vadd.f32 v45, v45;
	v1 =	vmul.f32 v3, v52;
	v59 =	vpop (erf)  }
0xfe: {  	v60 =	vld [tilespmem:s31+$0x13DF0];
	[tilespmem:s31+$0x1B5C0] =	vst v0;
	v0 =	vadd.f32 v59, v59  }
0xff: {  	v4 =	vadd.f32 $1.000000000e+00, v4;
	v55 =	vld [tilespmem:s31+$0x13DB0];
	[tilespmem:s31+$0x1B580] =	vst v1;
	v1 =	vsub.f32 $1.000000000e+00, v58  }
0x100: {  	v61 =	vld [tilespmem:s31+$0x13DD0];
	v0 =	vsub.f32 $1.000000000e+00, v0  }
0x101: {  	v62 =	vmul.f32 $5.000000000e-01, v9;
	v2 =	vmul.f32 v4, v2;
	v63 =	vld [tilespmem:s31+$0x13D90];
	v1 =	vadd.f32 $1.000000000e+00, v1  }
0x102: {  	v0 =	vadd.f32 $1.000000000e+00, v0  }
0x103: {  	v2 =	vmul.f32 v2, v60;
	v1 =	vmul.f32 v1, v62  }
0x104: {  	v3 =	vmul.f32 v56, v55;
	v0 =	vmul.f32 v0, v11  }
0x105: {  	[tilespmem:s31+$0x1B5F0] =	vst v2;
	v1 =	vmul.f32 v1, v61  }
0x106: {  	s28 =	sadd.s32 $0x1, s28;
	[tilespmem:s31+$0x1B5B0] =	vst v3;
	v0 =	vmul.f32 v0, v63  }
0x107: {  	p0 =	sne.s32 s28, $0x7D;
	[tilespmem:s31+$0x1B5D0] =	vst v1  }
.Ltmp1:
0x108: {  	[tilespmem:s31+$0x1B590] =	vst v0;
	(pc) =	sbr.rel @p0 .LBB2_2-.Ltmp1, $4  }
0x109: {  	[spmem:s1] =	stream.indirect.scatter.add.f32 [tilespmem:s26], [sflag:$0x3], $0x80, s19, s21, $0xb8;
	[tilespmem:$0x1DD80] =	vst v63  }
0x10a: {  	_ =	swait.ge [sflag:s16], $0x2800  }
0x10b: {  	[sflag:s16] =	ssyncset.done $0x0  }
0x10c: {  	[sflag:s16] =	ssyncadd.s32 $0xFFFFD800  }
0x10d: {  	s2 =	sadd.s32 $0x1, s2  }
0x10e: {  	p0 =	sne.s32 s2, s14  }
.Ltmp2:
0x10f: {  	[bflag:$0x0] =	sbarrier.arrive $0xFFFF;
	(pc) =	sbr.rel @p0 .LBB2_1-.Ltmp2, $4  }
0x110: {  	[hbm:s13], [sflag:s11] =	dma.local [spmem:s15], $0x2780  }
0x111: {  	_ =	swait.ge [sflag:s16], $0x2780  }
0x112: {  	[sflag:s16] =	ssyncset.done $0x0  }
0x113: {  	[sflag:s16] =	ssyncadd.s32 $0xFFFFD880  }
0x114: {  	_ =	sfence.sel $0x180000  }
0x115: {  	[bflag:$0x0] =	sbarrier.arrive $0xFFFF  }
0x116: {  	_ =	strace $0x90000053  }
0x117: {  	s0 =	stileid.u32;
	[bflag:$0x2] =	sbarrier.arrive $0xFFFF  }
0x118: {  	p0 =	sne.s32 s0, $0x0;
	s0 =	rddreg [dreg:$0x2]  }
0x119: {  	s0 =	sadd.s32 @!p0 $0x100000, s0  }
0x11a: {  	[sflag:s0] =	ssyncadd.tile.s32 @!p0 $0x1;
	_ =	shalt  }
.Lfunc_end2:
_tile_overlayer_lowered:
.L_overlay_start_2:
0x11b: {  	(tag) =	ssettag $0x2  }
0x11c: {  	s0 =	rddreg [dreg:$0x0];
	s2 =	stileid.u32  }
0x11d: {  	s1 =	rddreg [dreg:$0x1];
	p0 =	sne.s32 s2, $0x0  }
0x11e: {  	s3 =	rddreg [dreg:$0x2];
	[bflag:$0x3] =	sbarrier.arrive $0xFFFF;
	s2 =	simm.s32 @!p0 $0x1C03  }
0x11f: {  	[timem:s3], [sflag:s2] =	dma.local @!p0 [hbm:s0], s1  }
0x120: {  	s0 =	simm.s32 @!p0 $0x3  }
0x121: {  	_ =	swait.ge @!p0 [sflag:s0], s1  }
0x122: {  	s1 =	ssub.s32 @!p0 $0x0, s1;
	[sflag:s0] =	ssyncset.done @!p0 $0x0  }
0x123: {  	[sflag:s0] =	ssyncadd.s32 @!p0 s1  }
0x124: {  	[bflag:$0x3] =	sbarrier.arrive $0xFFFF  }
0x125: {  	_ =	shalt  }

</sc_bundles>
